<compile_context>
chip_gen: v7x
topology: tpu7x:2x2x1
jax: 0.10.2.dev20260603
libtpu: 0.0.44.dev20260713+nightly
codegen_flags: <defaults>
</compile_context>

<pallas_src>
import functools

import jax
import jax.numpy as jnp
from jax import lax
from jax.experimental import pallas as pl
from jax.experimental.pallas import tpu as pltpu
from jax.experimental.pallas import tpu_sc as plsc

NEG_SLOPE = 0.2
LANES = 16
K = 112
NBUF = 3


def _proj_body(x_ref, w_ref, att_ref, h_ref, sd_ref, ss_ref, c_ref):
    f_out = w_ref.shape[1]
    h = jnp.dot(x_ref[...], w_ref[...], preferred_element_type=jnp.float32)
    h_ref[...] = h
    att_d = att_ref[0:1, :f_out]
    att_s = att_ref[0:1, f_out:]
    sd = jnp.sum(h * att_d, axis=1, keepdims=True)
    ss = jnp.sum(h * att_s, axis=1, keepdims=True)
    sd_ref[...] = sd
    ss_ref[...] = ss
    t = jnp.max(sd) + jnp.max(ss)
    c = jnp.where(t >= 0, t, NEG_SLOPE * t)
    c_ref[...] = jnp.full((1, 128), c, dtype=jnp.float32)


def _project(x, weight, att2):
    n, f_in = x.shape
    f_out = weight.shape[1]
    return pl.pallas_call(
        _proj_body,
        out_shape=(
            jax.ShapeDtypeStruct((n, f_out), jnp.float32),
            jax.ShapeDtypeStruct((n, 1), jnp.float32),
            jax.ShapeDtypeStruct((n, 1), jnp.float32),
            jax.ShapeDtypeStruct((1, 128), jnp.float32),
        ),
    )(x, weight, att2)


def _make_edge_kernel(n, e_act, e_pad, f_out, n_pad):
    info = plsc.get_sparse_core_info()
    nc, ns = info.num_cores, info.num_subcores
    nw = nc * ns
    b_w = e_pad // nw
    nb = b_w // K
    rows_pt = ((n + ns - 1) // ns + 7) // 8 * 8
    den_pt = n_pad // ns

    mesh = plsc.VectorSubcoreMesh(core_axis_name="c", subcore_axis_name="s")

    @functools.partial(
        pl.kernel,
        mesh=mesh,
        compiler_params=pltpu.CompilerParams(needs_layout_passes=False),
        out_type=(
            jax.ShapeDtypeStruct((nc, n, f_out), jnp.float32),
            jax.ShapeDtypeStruct((nc, n_pad), jnp.float32),
        ),
        scratch_types=[
            pltpu.VMEM((8, LANES), jnp.float32),
            pltpu.VMEM((NBUF, K), jnp.int32),
            pltpu.VMEM((NBUF, K), jnp.int32),
            pltpu.VMEM((NBUF, K), jnp.int32),
            pltpu.VMEM((NBUF, K), jnp.float32),
            pltpu.VMEM((NBUF, K), jnp.float32),
            pltpu.VMEM((NBUF, K), jnp.float32),
            pltpu.VMEM((NBUF, K, 128), jnp.float32),
            pltpu.VMEM((den_pt,), jnp.float32),
            pltpu.VMEM_SHARED((n, 128), jnp.float32),
            pltpu.VMEM_SHARED((n_pad,), jnp.float32),
            pltpu.SemaphoreType.DMA((NBUF,)),
            pltpu.SemaphoreType.DMA((NBUF,)),
            pltpu.SemaphoreType.DMA((NBUF,)),
            pltpu.SemaphoreType.DMA((NBUF,)),
            pltpu.SemaphoreType.DMA((NBUF,)),
        ],
    )
    def edge_kernel(ii_hbm, jj_hbm, sd_hbm, ss_hbm, c_hbm, h_hbm,
                    num_hbm, den_hbm,
                    c_v, ii_v, jj_v, iis_v, sdg_v, ssg_v, ex_v, rows_v,
                    zden_v, num_sp, den_sp, gsem, rsem, dsem, isem, asem):
        cid = lax.axis_index("c")
        sid = lax.axis_index("s")
        wid = cid * ns + sid
        base_e = wid * b_w

        pltpu.sync_copy(c_hbm, c_v)
        cvec = c_v[0, :]

        def _zrow(r, _):
            for g in range(8):
                rows_v[0, r, pl.ds(g * LANES, LANES)] = jnp.zeros(
                    (LANES,), jnp.float32)
            return 0
        lax.fori_loop(0, K, _zrow, 0)
        for q in range(den_pt // LANES):
            zden_v[pl.ds(q * LANES, LANES)] = jnp.zeros((LANES,), jnp.float32)

        r0 = sid * rows_pt
        n_copies = (rows_pt + K - 1) // K
        for q in range(n_copies):
            base = jnp.minimum(r0 + q * K, n - K)
            pltpu.sync_copy(rows_v.at[0], num_sp.at[pl.ds(base, K)])
        pltpu.sync_copy(zden_v, den_sp.at[pl.ds(sid * den_pt, den_pt)])
        plsc.subcore_barrier()

        def _start_idx(b, p):
            off = base_e + jnp.minimum(b, nb - 1) * K
            pltpu.async_copy(ii_hbm.at[pl.ds(off, K)], ii_v.at[p],
                             isem.at[p])
            pltpu.async_copy(jj_hbm.at[pl.ds(off, K)], jj_v.at[p],
                             isem.at[p])

        def _wait_idx(p):
            pltpu.make_async_copy(ii_hbm.at[pl.ds(0, K)], ii_v.at[p],
                                  isem.at[p]).wait()
            pltpu.make_async_copy(jj_hbm.at[pl.ds(0, K)], jj_v.at[p],
                                  isem.at[p]).wait()

        def _start_scal(p):
            pltpu.async_copy(sd_hbm.at[ii_v.at[p]], sdg_v.at[p], asem.at[p])
            pltpu.async_copy(ss_hbm.at[jj_v.at[p]], ssg_v.at[p], asem.at[p])

        def _wait_scal(p):
            pltpu.make_async_copy(sd_hbm.at[ii_v.at[p]], sdg_v.at[p],
                                  asem.at[p]).wait()
            pltpu.make_async_copy(ss_hbm.at[jj_v.at[p]], ssg_v.at[p],
                                  asem.at[p]).wait()

        def _start_gather(p):
            pltpu.async_copy(h_hbm.at[jj_v.at[p]], rows_v.at[p], gsem.at[p])

        def _wait_gather(p):
            pltpu.make_async_copy(h_hbm.at[jj_v.at[p]], rows_v.at[p],
                                  gsem.at[p]).wait()

        def _start_scatter(p):
            pltpu.async_copy(rows_v.at[p], num_sp.at[iis_v.at[p]],
                             rsem.at[p], add=True)

        def _wait_scatter(p):
            pltpu.make_async_copy(rows_v.at[p], num_sp.at[iis_v.at[p]],
                                  rsem.at[p]).wait()

        for p in range(NBUF):
            _start_idx(p, p)
        for p in range(NBUF):
            _wait_idx(p)
            _start_scal(p)
        _start_gather(0)
        _start_gather(1)

        def _body(b, p):
            off = base_e + b * K
            _wait_scal(p)
            for g in range(K // LANES):
                sl = pl.ds(g * LANES, LANES)
                t = sdg_v[p, sl] + ssg_v[p, sl]
                a = jnp.where(t >= 0, t, NEG_SLOPE * t)
                e = jnp.exp(a - cvec)
                gid = lax.broadcast(off + g * LANES, (LANES,)) + \
                    lax.iota(jnp.int32, LANES)
                ex_v[p, sl] = jnp.where(gid < e_act, e, 0.0)
                iis_v[p, sl] = ii_v[p, sl]

            q = (p + 2) % NBUF
            @pl.when(b >= 1)
            def _():
                _wait_scatter(q)
            _start_gather(q)

            _wait_gather(p)

            def _scale(r, _):
                wv = plsc.load_gather(ex_v.at[p], [lax.broadcast(r, (LANES,))])
                for g in range(8):
                    sl = pl.ds(g * LANES, LANES)
                    rows_v[p, r, sl] = rows_v[p, r, sl] * wv
                return 0
            lax.fori_loop(0, K, _scale, 0, unroll=4)

            _start_scatter(p)
            _start_idx(b + NBUF, p)
            _wait_idx(p)
            _start_scal(p)
            return 0

        def _trip(i, _):
            _body(NBUF * i, 0)
            _body(NBUF * i + 1, 1)
            _body(NBUF * i + 2, 2)
            return 0
        lax.fori_loop(0, nb // NBUF, _trip, 0)

        for p in range(NBUF):
            _wait_scal(p)
        _wait_gather(0)
        _wait_gather(1)
        _wait_scatter(2)
        plsc.subcore_barrier()

        out_r0 = jnp.minimum(r0, n - rows_pt)
        pltpu.sync_copy(num_sp.at[pl.ds(out_r0, rows_pt)],
                        num_hbm.at[cid].at[pl.ds(out_r0, rows_pt)])
        pltpu.sync_copy(den_sp.at[pl.ds(sid * den_pt, den_pt)],
                        den_hbm.at[cid].at[pl.ds(sid * den_pt, den_pt)])

    return edge_kernel


def _combine_body(num_ref, den_ref, bias_ref, out_ref):
    num = num_ref[0] + num_ref[1]
    den = den_ref[0] + den_ref[1] + 1e-16
    out_ref[...] = num / den + bias_ref[0:1, :]


def _combine(num, den3, bias2):
    nc, n, f_out = num.shape
    return pl.pallas_call(
        _combine_body,
        out_shape=jax.ShapeDtypeStruct((n, f_out), jnp.float32),
    )(num, den3, bias2)


def kernel(x, edge_index, weight, att, bias):
    n, f_in = x.shape
    e = edge_index.shape[1]
    f_out = weight.shape[1]
    e_act = e + n
    nw = 32
    b_w = ((e_act + nw - 1) // nw + NBUF * K - 1) // (NBUF * K) * (NBUF * K)
    e_pad = nw * b_w
    n_pad = ((n + 16 * LANES - 1) // (16 * LANES)) * (16 * LANES)

    loops = jnp.arange(n, dtype=edge_index.dtype)
    padz = jnp.zeros((e_pad - e_act,), dtype=edge_index.dtype)
    ii = jnp.concatenate([edge_index[0], loops, padz])
    jj = jnp.concatenate([edge_index[1], loops, padz])

    att2 = att.reshape(1, 2 * f_out)
    h, sd, ss, c = _project(x, weight, att2)
    sd = sd.reshape(n)
    ss = ss.reshape(n)
    c = c.reshape(128)[:8 * LANES].reshape(8, LANES)

    edge_k = _make_edge_kernel(n, e_act, e_pad, f_out, n_pad)
    num, den = edge_k(ii, jj, sd, ss, c, h)

    den3 = den[:, :n].reshape(2, n, 1)
    bias2 = bias.reshape(1, f_out)
    return _combine(num, den3, bias2)

# --- scband reference (transcript-rebuilt; emitter-appended) ---
"""Pipeline reference for scband-gatconv-32925219291964 (READ-ONLY COPY).

The authoritative reference and input builder live on the scoring server;
editing this copy changes nothing except your own understanding.
"""

import jax, jax.numpy as jnp
import numpy as np

N = 10000
E = 320000
F_IN = 128
F_OUT = 128
HEADS = 1
NEG_SLOPE = 0.2


def setup_inputs(seed: int = 0) -> dict:
    key = jax.random.key(seed)
    k1, k2, k3, k4 = jax.random.split(key, 4)
    x = jax.random.normal(k1, (N, F_IN), dtype=jnp.float32)
    edge_index = jax.random.randint(k2, (2, E), 0, N, dtype=jnp.int32)
    std_w = float(np.sqrt(6.0 / (F_IN + HEADS * F_OUT)))
    weight = jax.random.uniform(k3, (F_IN, HEADS * F_OUT), minval=-std_w, maxval=std_w, dtype=jnp.float32)
    std_a = float(np.sqrt(6.0 / (1 + 2 * F_OUT)))
    att = jax.random.uniform(k4, (1, HEADS, 2 * F_OUT), minval=-std_a, maxval=std_a, dtype=jnp.float32)
    bias = jnp.zeros((HEADS * F_OUT,), dtype=jnp.float32)
    return {"x": x, "edge_index": edge_index, "weight": weight, "att": att, "bias": bias}


def reference(x, edge_index, weight, att, bias):
    n = x.shape[0]
    loops = jnp.arange(n, dtype=edge_index.dtype)
    ei = jnp.concatenate([edge_index, jnp.stack([loops, loops], axis=0)], axis=1)
    h = jnp.dot(x, weight).reshape(-1, HEADS, F_OUT)
    idx_i = ei[0]
    idx_j = ei[1]
    x_i = h[idx_i]
    x_j = h[idx_j]
    alpha = jnp.sum(jnp.concatenate([x_i, x_j], axis=-1) * att, axis=-1)
    alpha = jnp.where(alpha >= 0, alpha, NEG_SLOPE * alpha)
    amax = jax.ops.segment_max(alpha, idx_i, num_segments=n)
    amax = jnp.where(jnp.isfinite(amax), amax, 0.0)
    ex = jnp.exp(alpha - amax[idx_i])
    denom = jax.ops.segment_sum(ex, idx_i, num_segments=n)
    alpha_n = ex / (denom[idx_i] + 1e-16)
    msg = x_j * alpha_n[:, :, None]
    out = jax.ops.segment_sum(msg, idx_i, num_segments=n)
    out = out.reshape(n, HEADS * F_OUT) + bias
    return out

if __name__ == "__main__":
    import jax
    _d = setup_inputs()
    print(jax.jit(kernel)(*tuple(_d.values())))

</pallas_src>

<mosaic_0001>
#map = affine_map<(d0, d1) -> (0)>
#map1 = affine_map<(d0, d1) -> (0, 0)>
#map2 = affine_map<(d0, d1) -> (0, 0, 0)>
module attributes {stable_mosaic.version = 14 : i64} {
  func.func @edge_kernel(%arg0: i32, %arg1: i32, %arg2: memref<333312xi32, #tpu.memory_space<hbm>>, %arg3: memref<333312xi32, #tpu.memory_space<hbm>>, %arg4: memref<10000xf32, #tpu.memory_space<hbm>>, %arg5: memref<10000xf32, #tpu.memory_space<hbm>>, %arg6: memref<8x16xf32, #tpu.memory_space<hbm>>, %arg7: memref<10000x128xf32, #tpu.memory_space<hbm>>, %arg8: memref<2x10000x128xf32, #tpu.memory_space<hbm>>, %arg9: memref<2x10240xf32, #tpu.memory_space<hbm>>, %arg10: memref<8x16xf32, #tpu.memory_space<vmem>>, %arg11: memref<3x112xi32, #tpu.memory_space<vmem>>, %arg12: memref<3x112xi32, #tpu.memory_space<vmem>>, %arg13: memref<3x112xi32, #tpu.memory_space<vmem>>, %arg14: memref<3x112xf32, #tpu.memory_space<vmem>>, %arg15: memref<3x112xf32, #tpu.memory_space<vmem>>, %arg16: memref<3x112xf32, #tpu.memory_space<vmem>>, %arg17: memref<3x112x128xf32, #tpu.memory_space<vmem>>, %arg18: memref<640xf32, #tpu.memory_space<vmem>>, %arg19: memref<10000x128xf32, #tpu.memory_space<vmem_shared>>, %arg20: memref<10240xf32, #tpu.memory_space<vmem_shared>>, %arg21: memref<3x!tpu.dma_semaphore, #tpu.memory_space<semaphore_mem>>, %arg22: memref<3x!tpu.dma_semaphore, #tpu.memory_space<semaphore_mem>>, %arg23: memref<3x!tpu.dma_semaphore, #tpu.memory_space<semaphore_mem>>, %arg24: memref<3x!tpu.dma_semaphore, #tpu.memory_space<semaphore_mem>>, %arg25: memref<3x!tpu.dma_semaphore, #tpu.memory_space<semaphore_mem>>) attributes {dimension_semantics = [#tpu.dimension_semantics<core_parallel>, #tpu.dimension_semantics<subcore_parallel>], iteration_bounds = array<i64: 2, 16>, scalar_prefetch = 0 : i64, scratch_operands = 16 : i64, tpu.core_type = #tpu.core_type<sc_vector_subcore>, window_params = [{transform_indices = #map}, {transform_indices = #map}, {transform_indices = #map}, {transform_indices = #map}, {transform_indices = #map1}, {transform_indices = #map1}, {transform_indices = #map2}, {transform_indices = #map1}]} {
    %mul3A = arith.constant 16 : i32
    %mul3A_0 = arith.muli %arg0, %mul3A : i32
    %add3A = arith.addi %mul3A_0, %arg1 : i32
    %mul3A_1 = arith.constant 10416 : i32
    %mul3A_2 = arith.muli %add3A, %mul3A_1 : i32
    "tpu.region"() ({
      %run_scoped3A_619 = tpu.sem_alloc : memref<!tpu.dma_semaphore, #tpu.memory_space<semaphore_mem>>
      tpu.enqueue_dma source(%arg6 : memref<8x16xf32, #tpu.memory_space<hbm>>) target(%arg10 : memref<8x16xf32, #tpu.memory_space<vmem>>) target_semaphore(%run_scoped3A_619 : memref<!tpu.dma_semaphore, #tpu.memory_space<semaphore_mem>>)
      tpu.wait_dma2 semaphore(%run_scoped3A_619 : memref<!tpu.dma_semaphore, #tpu.memory_space<semaphore_mem>>) src(%arg6 : memref<8x16xf32, #tpu.memory_space<hbm>>) dst(%arg10 : memref<8x16xf32, #tpu.memory_space<vmem>>)
      tpu.yield
    }) : () -> ()
    %get3A = arith.constant 0 : i32
    %get3A_3 = arith.index_cast %get3A : i32 to index
    %get3A_4 = arith.constant 0 : index
    %get3A_5 = tpu.vector_load %arg10[%get3A_3, %get3A_4] {strides = array<i32>} : memref<8x16xf32, #tpu.memory_space<vmem>>, vector<16xf32>,
    %scan3A = arith.constant 0 : i32
    %scan3A_6 = arith.constant 0 : i32
    %scan3A_7 = arith.constant 112 : i32
    %scan3A_8 = arith.addi %scan3A_6, %scan3A_7 : i32
    %scan3A_9 = arith.constant 1 : i32
    %scan3A_10 = scf.for %scan3A_619 = %scan3A_6 to %scan3A_8 step %scan3A_9 iter_args(%scan3A_620 = %scan3A) -> (i32)  : i32 {
      %broadcast_in_dim3A_621 = arith.constant 0.000000e+00 : f32
      %broadcast_in_dim3A_622 = vector.broadcast %broadcast_in_dim3A_621 : f32 to vector<16xf32>
      %swap3A_623 = arith.constant 0 : i32
      %swap3A_624 = arith.index_cast %swap3A_623 : i32 to index
      %swap3A_625 = arith.index_cast %scan3A_619 : i32 to index
      %swap3A_626 = arith.constant 0 : index
      %swap3A_627 = tpu.vector_load %arg17[%swap3A_624, %swap3A_625, %swap3A_626] {strides = array<i32>} : memref<3x112x128xf32, #tpu.memory_space<vmem>>, vector<16xf32>,
      tpu.vector_store %arg17[%swap3A_624, %swap3A_625, %swap3A_626], %broadcast_in_dim3A_622 {strides = array<i32>} : memref<3x112x128xf32, #tpu.memory_space<vmem>>, vector<16xf32>,
      %broadcast_in_dim3A_628 = arith.constant 0.000000e+00 : f32
      %broadcast_in_dim3A_629 = vector.broadcast %broadcast_in_dim3A_628 : f32 to vector<16xf32>
      %swap3A_630 = arith.constant 0 : i32
      %swap3A_631 = arith.index_cast %swap3A_630 : i32 to index
      %swap3A_632 = arith.index_cast %scan3A_619 : i32 to index
      %swap3A_633 = arith.constant 16 : index
      %swap3A_634 = tpu.vector_load %arg17[%swap3A_631, %swap3A_632, %swap3A_633] {strides = array<i32>} : memref<3x112x128xf32, #tpu.memory_space<vmem>>, vector<16xf32>,
      tpu.vector_store %arg17[%swap3A_631, %swap3A_632, %swap3A_633], %broadcast_in_dim3A_629 {strides = array<i32>} : memref<3x112x128xf32, #tpu.memory_space<vmem>>, vector<16xf32>,
      %broadcast_in_dim3A_635 = arith.constant 0.000000e+00 : f32
      %broadcast_in_dim3A_636 = vector.broadcast %broadcast_in_dim3A_635 : f32 to vector<16xf32>
      %swap3A_637 = arith.constant 0 : i32
      %swap3A_638 = arith.index_cast %swap3A_637 : i32 to index
      %swap3A_639 = arith.index_cast %scan3A_619 : i32 to index
      %swap3A_640 = arith.constant 32 : index
      %swap3A_641 = tpu.vector_load %arg17[%swap3A_638, %swap3A_639, %swap3A_640] {strides = array<i32>} : memref<3x112x128xf32, #tpu.memory_space<vmem>>, vector<16xf32>,
      tpu.vector_store %arg17[%swap3A_638, %swap3A_639, %swap3A_640], %broadcast_in_dim3A_636 {strides = array<i32>} : memref<3x112x128xf32, #tpu.memory_space<vmem>>, vector<16xf32>,
      %broadcast_in_dim3A_642 = arith.constant 0.000000e+00 : f32
      %broadcast_in_dim3A_643 = vector.broadcast %broadcast_in_dim3A_642 : f32 to vector<16xf32>
      %swap3A_644 = arith.constant 0 : i32
      %swap3A_645 = arith.index_cast %swap3A_644 : i32 to index
      %swap3A_646 = arith.index_cast %scan3A_619 : i32 to index
      %swap3A_647 = arith.constant 48 : index
      %swap3A_648 = tpu.vector_load %arg17[%swap3A_645, %swap3A_646, %swap3A_647] {strides = array<i32>} : memref<3x112x128xf32, #tpu.memory_space<vmem>>, vector<16xf32>,
      tpu.vector_store %arg17[%swap3A_645, %swap3A_646, %swap3A_647], %broadcast_in_dim3A_643 {strides = array<i32>} : memref<3x112x128xf32, #tpu.memory_space<vmem>>, vector<16xf32>,
      %broadcast_in_dim3A_649 = arith.constant 0.000000e+00 : f32
      %broadcast_in_dim3A_650 = vector.broadcast %broadcast_in_dim3A_649 : f32 to vector<16xf32>
      %swap3A_651 = arith.constant 0 : i32
      %swap3A_652 = arith.index_cast %swap3A_651 : i32 to index
      %swap3A_653 = arith.index_cast %scan3A_619 : i32 to index
      %swap3A_654 = arith.constant 64 : index
      %swap3A_655 = tpu.vector_load %arg17[%swap3A_652, %swap3A_653, %swap3A_654] {strides = array<i32>} : memref<3x112x128xf32, #tpu.memory_space<vmem>>, vector<16xf32>,
      tpu.vector_store %arg17[%swap3A_652, %swap3A_653, %swap3A_654], %broadcast_in_dim3A_650 {strides = array<i32>} : memref<3x112x128xf32, #tpu.memory_space<vmem>>, vector<16xf32>,
      %broadcast_in_dim3A_656 = arith.constant 0.000000e+00 : f32
      %broadcast_in_dim3A_657 = vector.broadcast %broadcast_in_dim3A_656 : f32 to vector<16xf32>
      %swap3A_658 = arith.constant 0 : i32
      %swap3A_659 = arith.index_cast %swap3A_658 : i32 to index
      %swap3A_660 = arith.index_cast %scan3A_619 : i32 to index
      %swap3A_661 = arith.constant 80 : index
      %swap3A_662 = tpu.vector_load %arg17[%swap3A_659, %swap3A_660, %swap3A_661] {strides = array<i32>} : memref<3x112x128xf32, #tpu.memory_space<vmem>>, vector<16xf32>,
      tpu.vector_store %arg17[%swap3A_659, %swap3A_660, %swap3A_661], %broadcast_in_dim3A_657 {strides = array<i32>} : memref<3x112x128xf32, #tpu.memory_space<vmem>>, vector<16xf32>,
      %broadcast_in_dim3A_663 = arith.constant 0.000000e+00 : f32
      %broadcast_in_dim3A_664 = vector.broadcast %broadcast_in_dim3A_663 : f32 to vector<16xf32>
      %swap3A_665 = arith.constant 0 : i32
      %swap3A_666 = arith.index_cast %swap3A_665 : i32 to index
      %swap3A_667 = arith.index_cast %scan3A_619 : i32 to index
      %swap3A_668 = arith.constant 96 : index
      %swap3A_669 = tpu.vector_load %arg17[%swap3A_666, %swap3A_667, %swap3A_668] {strides = array<i32>} : memref<3x112x128xf32, #tpu.memory_space<vmem>>, vector<16xf32>,
      tpu.vector_store %arg17[%swap3A_666, %swap3A_667, %swap3A_668], %broadcast_in_dim3A_664 {strides = array<i32>} : memref<3x112x128xf32, #tpu.memory_space<vmem>>, vector<16xf32>,
      %broadcast_in_dim3A_670 = arith.constant 0.000000e+00 : f32
      %broadcast_in_dim3A_671 = vector.broadcast %broadcast_in_dim3A_670 : f32 to vector<16xf32>
      %swap3A_672 = arith.constant 0 : i32
      %swap3A_673 = arith.index_cast %swap3A_672 : i32 to index
      %swap3A_674 = arith.index_cast %scan3A_619 : i32 to index
      %swap3A_675 = arith.constant 112 : index
      %swap3A_676 = tpu.vector_load %arg17[%swap3A_673, %swap3A_674, %swap3A_675] {strides = array<i32>} : memref<3x112x128xf32, #tpu.memory_space<vmem>>, vector<16xf32>,
      tpu.vector_store %arg17[%swap3A_673, %swap3A_674, %swap3A_675], %broadcast_in_dim3A_671 {strides = array<i32>} : memref<3x112x128xf32, #tpu.memory_space<vmem>>, vector<16xf32>,
      %scan3A_677 = arith.constant 0 : i32
      scf.yield %scan3A_677 : i32
    }
    %scan3A_11 = arith.constant 112 : i32
    %broadcast_in_dim3A = arith.constant 0.000000e+00 : f32
    %broadcast_in_dim3A_12 = vector.broadcast %broadcast_in_dim3A : f32 to vector<16xf32>
    %swap3A = arith.constant 0 : index
    %swap3A_13 = tpu.vector_load %arg18[%swap3A] {strides = array<i32>} : memref<640xf32, #tpu.memory_space<vmem>>, vector<16xf32>,
    tpu.vector_store %arg18[%swap3A], %broadcast_in_dim3A_12 {strides = array<i32>} : memref<640xf32, #tpu.memory_space<vmem>>, vector<16xf32>,
    %broadcast_in_dim3A_14 = arith.constant 0.000000e+00 : f32
    %broadcast_in_dim3A_15 = vector.broadcast %broadcast_in_dim3A_14 : f32 to vector<16xf32>
    %swap3A_16 = arith.constant 16 : index
    %swap3A_17 = tpu.vector_load %arg18[%swap3A_16] {strides = array<i32>} : memref<640xf32, #tpu.memory_space<vmem>>, vector<16xf32>,
    tpu.vector_store %arg18[%swap3A_16], %broadcast_in_dim3A_15 {strides = array<i32>} : memref<640xf32, #tpu.memory_space<vmem>>, vector<16xf32>,
    %broadcast_in_dim3A_18 = arith.constant 0.000000e+00 : f32
    %broadcast_in_dim3A_19 = vector.broadcast %broadcast_in_dim3A_18 : f32 to vector<16xf32>
    %swap3A_20 = arith.constant 32 : index
    %swap3A_21 = tpu.vector_load %arg18[%swap3A_20] {strides = array<i32>} : memref<640xf32, #tpu.memory_space<vmem>>, vector<16xf32>,
    tpu.vector_store %arg18[%swap3A_20], %broadcast_in_dim3A_19 {strides = array<i32>} : memref<640xf32, #tpu.memory_space<vmem>>, vector<16xf32>,
    %broadcast_in_dim3A_22 = arith.constant 0.000000e+00 : f32
    %broadcast_in_dim3A_23 = vector.broadcast %broadcast_in_dim3A_22 : f32 to vector<16xf32>
    %swap3A_24 = arith.constant 48 : index
    %swap3A_25 = tpu.vector_load %arg18[%swap3A_24] {strides = array<i32>} : memref<640xf32, #tpu.memory_space<vmem>>, vector<16xf32>,
    tpu.vector_store %arg18[%swap3A_24], %broadcast_in_dim3A_23 {strides = array<i32>} : memref<640xf32, #tpu.memory_space<vmem>>, vector<16xf32>,
    %broadcast_in_dim3A_26 = arith.constant 0.000000e+00 : f32
    %broadcast_in_dim3A_27 = vector.broadcast %broadcast_in_dim3A_26 : f32 to vector<16xf32>
    %swap3A_28 = arith.constant 64 : index
    %swap3A_29 = tpu.vector_load %arg18[%swap3A_28] {strides = array<i32>} : memref<640xf32, #tpu.memory_space<vmem>>, vector<16xf32>,
    tpu.vector_store %arg18[%swap3A_28], %broadcast_in_dim3A_27 {strides = array<i32>} : memref<640xf32, #tpu.memory_space<vmem>>, vector<16xf32>,
    %broadcast_in_dim3A_30 = arith.constant 0.000000e+00 : f32
    %broadcast_in_dim3A_31 = vector.broadcast %broadcast_in_dim3A_30 : f32 to vector<16xf32>
    %swap3A_32 = arith.constant 80 : index
    %swap3A_33 = tpu.vector_load %arg18[%swap3A_32] {strides = array<i32>} : memref<640xf32, #tpu.memory_space<vmem>>, vector<16xf32>,
    tpu.vector_store %arg18[%swap3A_32], %broadcast_in_dim3A_31 {strides = array<i32>} : memref<640xf32, #tpu.memory_space<vmem>>, vector<16xf32>,
    %broadcast_in_dim3A_34 = arith.constant 0.000000e+00 : f32
    %broadcast_in_dim3A_35 = vector.broadcast %broadcast_in_dim3A_34 : f32 to vector<16xf32>
    %swap3A_36 = arith.constant 96 : index
    %swap3A_37 = tpu.vector_load %arg18[%swap3A_36] {strides = array<i32>} : memref<640xf32, #tpu.memory_space<vmem>>, vector<16xf32>,
    tpu.vector_store %arg18[%swap3A_36], %broadcast_in_dim3A_35 {strides = array<i32>} : memref<640xf32, #tpu.memory_space<vmem>>, vector<16xf32>,
    %broadcast_in_dim3A_38 = arith.constant 0.000000e+00 : f32
    %broadcast_in_dim3A_39 = vector.broadcast %broadcast_in_dim3A_38 : f32 to vector<16xf32>
    %swap3A_40 = arith.constant 112 : index
    %swap3A_41 = tpu.vector_load %arg18[%swap3A_40] {strides = array<i32>} : memref<640xf32, #tpu.memory_space<vmem>>, vector<16xf32>,
    tpu.vector_store %arg18[%swap3A_40], %broadcast_in_dim3A_39 {strides = array<i32>} : memref<640xf32, #tpu.memory_space<vmem>>, vector<16xf32>,
    %broadcast_in_dim3A_42 = arith.constant 0.000000e+00 : f32
    %broadcast_in_dim3A_43 = vector.broadcast %broadcast_in_dim3A_42 : f32 to vector<16xf32>
    %swap3A_44 = arith.constant 128 : index
    %swap3A_45 = tpu.vector_load %arg18[%swap3A_44] {strides = array<i32>} : memref<640xf32, #tpu.memory_space<vmem>>, vector<16xf32>,
    tpu.vector_store %arg18[%swap3A_44], %broadcast_in_dim3A_43 {strides = array<i32>} : memref<640xf32, #tpu.memory_space<vmem>>, vector<16xf32>,
    %broadcast_in_dim3A_46 = arith.constant 0.000000e+00 : f32
    %broadcast_in_dim3A_47 = vector.broadcast %broadcast_in_dim3A_46 : f32 to vector<16xf32>
    %swap3A_48 = arith.constant 144 : index
    %swap3A_49 = tpu.vector_load %arg18[%swap3A_48] {strides = array<i32>} : memref<640xf32, #tpu.memory_space<vmem>>, vector<16xf32>,
    tpu.vector_store %arg18[%swap3A_48], %broadcast_in_dim3A_47 {strides = array<i32>} : memref<640xf32, #tpu.memory_space<vmem>>, vector<16xf32>,
    %broadcast_in_dim3A_50 = arith.constant 0.000000e+00 : f32
    %broadcast_in_dim3A_51 = vector.broadcast %broadcast_in_dim3A_50 : f32 to vector<16xf32>
    %swap3A_52 = arith.constant 160 : index
    %swap3A_53 = tpu.vector_load %arg18[%swap3A_52] {strides = array<i32>} : memref<640xf32, #tpu.memory_space<vmem>>, vector<16xf32>,
    tpu.vector_store %arg18[%swap3A_52], %broadcast_in_dim3A_51 {strides = array<i32>} : memref<640xf32, #tpu.memory_space<vmem>>, vector<16xf32>,
    %broadcast_in_dim3A_54 = arith.constant 0.000000e+00 : f32
    %broadcast_in_dim3A_55 = vector.broadcast %broadcast_in_dim3A_54 : f32 to vector<16xf32>
    %swap3A_56 = arith.constant 176 : index
    %swap3A_57 = tpu.vector_load %arg18[%swap3A_56] {strides = array<i32>} : memref<640xf32, #tpu.memory_space<vmem>>, vector<16xf32>,
    tpu.vector_store %arg18[%swap3A_56], %broadcast_in_dim3A_55 {strides = array<i32>} : memref<640xf32, #tpu.memory_space<vmem>>, vector<16xf32>,
    %broadcast_in_dim3A_58 = arith.constant 0.000000e+00 : f32
    %broadcast_in_dim3A_59 = vector.broadcast %broadcast_in_dim3A_58 : f32 to vector<16xf32>
    %swap3A_60 = arith.constant 192 : index
    %swap3A_61 = tpu.vector_load %arg18[%swap3A_60] {strides = array<i32>} : memref<640xf32, #tpu.memory_space<vmem>>, vector<16xf32>,
    tpu.vector_store %arg18[%swap3A_60], %broadcast_in_dim3A_59 {strides = array<i32>} : memref<640xf32, #tpu.memory_space<vmem>>, vector<16xf32>,
    %broadcast_in_dim3A_62 = arith.constant 0.000000e+00 : f32
    %broadcast_in_dim3A_63 = vector.broadcast %broadcast_in_dim3A_62 : f32 to vector<16xf32>
    %swap3A_64 = arith.constant 208 : index
    %swap3A_65 = tpu.vector_load %arg18[%swap3A_64] {strides = array<i32>} : memref<640xf32, #tpu.memory_space<vmem>>, vector<16xf32>,
    tpu.vector_store %arg18[%swap3A_64], %broadcast_in_dim3A_63 {strides = array<i32>} : memref<640xf32, #tpu.memory_space<vmem>>, vector<16xf32>,
    %broadcast_in_dim3A_66 = arith.constant 0.000000e+00 : f32
    %broadcast_in_dim3A_67 = vector.broadcast %broadcast_in_dim3A_66 : f32 to vector<16xf32>
    %swap3A_68 = arith.constant 224 : index
    %swap3A_69 = tpu.vector_load %arg18[%swap3A_68] {strides = array<i32>} : memref<640xf32, #tpu.memory_space<vmem>>, vector<16xf32>,
    tpu.vector_store %arg18[%swap3A_68], %broadcast_in_dim3A_67 {strides = array<i32>} : memref<640xf32, #tpu.memory_space<vmem>>, vector<16xf32>,
    %broadcast_in_dim3A_70 = arith.constant 0.000000e+00 : f32
    %broadcast_in_dim3A_71 = vector.broadcast %broadcast_in_dim3A_70 : f32 to vector<16xf32>
    %swap3A_72 = arith.constant 240 : index
    %swap3A_73 = tpu.vector_load %arg18[%swap3A_72] {strides = array<i32>} : memref<640xf32, #tpu.memory_space<vmem>>, vector<16xf32>,
    tpu.vector_store %arg18[%swap3A_72], %broadcast_in_dim3A_71 {strides = array<i32>} : memref<640xf32, #tpu.memory_space<vmem>>, vector<16xf32>,
    %broadcast_in_dim3A_74 = arith.constant 0.000000e+00 : f32
    %broadcast_in_dim3A_75 = vector.broadcast %broadcast_in_dim3A_74 : f32 to vector<16xf32>
    %swap3A_76 = arith.constant 256 : index
    %swap3A_77 = tpu.vector_load %arg18[%swap3A_76] {strides = array<i32>} : memref<640xf32, #tpu.memory_space<vmem>>, vector<16xf32>,
    tpu.vector_store %arg18[%swap3A_76], %broadcast_in_dim3A_75 {strides = array<i32>} : memref<640xf32, #tpu.memory_space<vmem>>, vector<16xf32>,
    %broadcast_in_dim3A_78 = arith.constant 0.000000e+00 : f32
    %broadcast_in_dim3A_79 = vector.broadcast %broadcast_in_dim3A_78 : f32 to vector<16xf32>
    %swap3A_80 = arith.constant 272 : index
    %swap3A_81 = tpu.vector_load %arg18[%swap3A_80] {strides = array<i32>} : memref<640xf32, #tpu.memory_space<vmem>>, vector<16xf32>,
    tpu.vector_store %arg18[%swap3A_80], %broadcast_in_dim3A_79 {strides = array<i32>} : memref<640xf32, #tpu.memory_space<vmem>>, vector<16xf32>,
    %broadcast_in_dim3A_82 = arith.constant 0.000000e+00 : f32
    %broadcast_in_dim3A_83 = vector.broadcast %broadcast_in_dim3A_82 : f32 to vector<16xf32>
    %swap3A_84 = arith.constant 288 : index
    %swap3A_85 = tpu.vector_load %arg18[%swap3A_84] {strides = array<i32>} : memref<640xf32, #tpu.memory_space<vmem>>, vector<16xf32>,
    tpu.vector_store %arg18[%swap3A_84], %broadcast_in_dim3A_83 {strides = array<i32>} : memref<640xf32, #tpu.memory_space<vmem>>, vector<16xf32>,
    %broadcast_in_dim3A_86 = arith.constant 0.000000e+00 : f32
    %broadcast_in_dim3A_87 = vector.broadcast %broadcast_in_dim3A_86 : f32 to vector<16xf32>
    %swap3A_88 = arith.constant 304 : index
    %swap3A_89 = tpu.vector_load %arg18[%swap3A_88] {strides = array<i32>} : memref<640xf32, #tpu.memory_space<vmem>>, vector<16xf32>,
    tpu.vector_store %arg18[%swap3A_88], %broadcast_in_dim3A_87 {strides = array<i32>} : memref<640xf32, #tpu.memory_space<vmem>>, vector<16xf32>,
    %broadcast_in_dim3A_90 = arith.constant 0.000000e+00 : f32
    %broadcast_in_dim3A_91 = vector.broadcast %broadcast_in_dim3A_90 : f32 to vector<16xf32>
    %swap3A_92 = arith.constant 320 : index
    %swap3A_93 = tpu.vector_load %arg18[%swap3A_92] {strides = array<i32>} : memref<640xf32, #tpu.memory_space<vmem>>, vector<16xf32>,
    tpu.vector_store %arg18[%swap3A_92], %broadcast_in_dim3A_91 {strides = array<i32>} : memref<640xf32, #tpu.memory_space<vmem>>, vector<16xf32>,
    %broadcast_in_dim3A_94 = arith.constant 0.000000e+00 : f32
    %broadcast_in_dim3A_95 = vector.broadcast %broadcast_in_dim3A_94 : f32 to vector<16xf32>
    %swap3A_96 = arith.constant 336 : index
    %swap3A_97 = tpu.vector_load %arg18[%swap3A_96] {strides = array<i32>} : memref<640xf32, #tpu.memory_space<vmem>>, vector<16xf32>,
    tpu.vector_store %arg18[%swap3A_96], %broadcast_in_dim3A_95 {strides = array<i32>} : memref<640xf32, #tpu.memory_space<vmem>>, vector<16xf32>,
    %broadcast_in_dim3A_98 = arith.constant 0.000000e+00 : f32
    %broadcast_in_dim3A_99 = vector.broadcast %broadcast_in_dim3A_98 : f32 to vector<16xf32>
    %swap3A_100 = arith.constant 352 : index
    %swap3A_101 = tpu.vector_load %arg18[%swap3A_100] {strides = array<i32>} : memref<640xf32, #tpu.memory_space<vmem>>, vector<16xf32>,
    tpu.vector_store %arg18[%swap3A_100], %broadcast_in_dim3A_99 {strides = array<i32>} : memref<640xf32, #tpu.memory_space<vmem>>, vector<16xf32>,
    %broadcast_in_dim3A_102 = arith.constant 0.000000e+00 : f32
    %broadcast_in_dim3A_103 = vector.broadcast %broadcast_in_dim3A_102 : f32 to vector<16xf32>
    %swap3A_104 = arith.constant 368 : index
    %swap3A_105 = tpu.vector_load %arg18[%swap3A_104] {strides = array<i32>} : memref<640xf32, #tpu.memory_space<vmem>>, vector<16xf32>,
    tpu.vector_store %arg18[%swap3A_104], %broadcast_in_dim3A_103 {strides = array<i32>} : memref<640xf32, #tpu.memory_space<vmem>>, vector<16xf32>,
    %broadcast_in_dim3A_106 = arith.constant 0.000000e+00 : f32
    %broadcast_in_dim3A_107 = vector.broadcast %broadcast_in_dim3A_106 : f32 to vector<16xf32>
    %swap3A_108 = arith.constant 384 : index
    %swap3A_109 = tpu.vector_load %arg18[%swap3A_108] {strides = array<i32>} : memref<640xf32, #tpu.memory_space<vmem>>, vector<16xf32>,
    tpu.vector_store %arg18[%swap3A_108], %broadcast_in_dim3A_107 {strides = array<i32>} : memref<640xf32, #tpu.memory_space<vmem>>, vector<16xf32>,
    %broadcast_in_dim3A_110 = arith.constant 0.000000e+00 : f32
    %broadcast_in_dim3A_111 = vector.broadcast %broadcast_in_dim3A_110 : f32 to vector<16xf32>
    %swap3A_112 = arith.constant 400 : index
    %swap3A_113 = tpu.vector_load %arg18[%swap3A_112] {strides = array<i32>} : memref<640xf32, #tpu.memory_space<vmem>>, vector<16xf32>,
    tpu.vector_store %arg18[%swap3A_112], %broadcast_in_dim3A_111 {strides = array<i32>} : memref<640xf32, #tpu.memory_space<vmem>>, vector<16xf32>,
    %broadcast_in_dim3A_114 = arith.constant 0.000000e+00 : f32
    %broadcast_in_dim3A_115 = vector.broadcast %broadcast_in_dim3A_114 : f32 to vector<16xf32>
    %swap3A_116 = arith.constant 416 : index
    %swap3A_117 = tpu.vector_load %arg18[%swap3A_116] {strides = array<i32>} : memref<640xf32, #tpu.memory_space<vmem>>, vector<16xf32>,
    tpu.vector_store %arg18[%swap3A_116], %broadcast_in_dim3A_115 {strides = array<i32>} : memref<640xf32, #tpu.memory_space<vmem>>, vector<16xf32>,
    %broadcast_in_dim3A_118 = arith.constant 0.000000e+00 : f32
    %broadcast_in_dim3A_119 = vector.broadcast %broadcast_in_dim3A_118 : f32 to vector<16xf32>
    %swap3A_120 = arith.constant 432 : index
    %swap3A_121 = tpu.vector_load %arg18[%swap3A_120] {strides = array<i32>} : memref<640xf32, #tpu.memory_space<vmem>>, vector<16xf32>,
    tpu.vector_store %arg18[%swap3A_120], %broadcast_in_dim3A_119 {strides = array<i32>} : memref<640xf32, #tpu.memory_space<vmem>>, vector<16xf32>,
    %broadcast_in_dim3A_122 = arith.constant 0.000000e+00 : f32
    %broadcast_in_dim3A_123 = vector.broadcast %broadcast_in_dim3A_122 : f32 to vector<16xf32>
    %swap3A_124 = arith.constant 448 : index
    %swap3A_125 = tpu.vector_load %arg18[%swap3A_124] {strides = array<i32>} : memref<640xf32, #tpu.memory_space<vmem>>, vector<16xf32>,
    tpu.vector_store %arg18[%swap3A_124], %broadcast_in_dim3A_123 {strides = array<i32>} : memref<640xf32, #tpu.memory_space<vmem>>, vector<16xf32>,
    %broadcast_in_dim3A_126 = arith.constant 0.000000e+00 : f32
    %broadcast_in_dim3A_127 = vector.broadcast %broadcast_in_dim3A_126 : f32 to vector<16xf32>
    %swap3A_128 = arith.constant 464 : index
    %swap3A_129 = tpu.vector_load %arg18[%swap3A_128] {strides = array<i32>} : memref<640xf32, #tpu.memory_space<vmem>>, vector<16xf32>,
    tpu.vector_store %arg18[%swap3A_128], %broadcast_in_dim3A_127 {strides = array<i32>} : memref<640xf32, #tpu.memory_space<vmem>>, vector<16xf32>,
    %broadcast_in_dim3A_130 = arith.constant 0.000000e+00 : f32
    %broadcast_in_dim3A_131 = vector.broadcast %broadcast_in_dim3A_130 : f32 to vector<16xf32>
    %swap3A_132 = arith.constant 480 : index
    %swap3A_133 = tpu.vector_load %arg18[%swap3A_132] {strides = array<i32>} : memref<640xf32, #tpu.memory_space<vmem>>, vector<16xf32>,
    tpu.vector_store %arg18[%swap3A_132], %broadcast_in_dim3A_131 {strides = array<i32>} : memref<640xf32, #tpu.memory_space<vmem>>, vector<16xf32>,
    %broadcast_in_dim3A_134 = arith.constant 0.000000e+00 : f32
    %broadcast_in_dim3A_135 = vector.broadcast %broadcast_in_dim3A_134 : f32 to vector<16xf32>
    %swap3A_136 = arith.constant 496 : index
    %swap3A_137 = tpu.vector_load %arg18[%swap3A_136] {strides = array<i32>} : memref<640xf32, #tpu.memory_space<vmem>>, vector<16xf32>,
    tpu.vector_store %arg18[%swap3A_136], %broadcast_in_dim3A_135 {strides = array<i32>} : memref<640xf32, #tpu.memory_space<vmem>>, vector<16xf32>,
    %broadcast_in_dim3A_138 = arith.constant 0.000000e+00 : f32
    %broadcast_in_dim3A_139 = vector.broadcast %broadcast_in_dim3A_138 : f32 to vector<16xf32>
    %swap3A_140 = arith.constant 512 : index
    %swap3A_141 = tpu.vector_load %arg18[%swap3A_140] {strides = array<i32>} : memref<640xf32, #tpu.memory_space<vmem>>, vector<16xf32>,
    tpu.vector_store %arg18[%swap3A_140], %broadcast_in_dim3A_139 {strides = array<i32>} : memref<640xf32, #tpu.memory_space<vmem>>, vector<16xf32>,
    %broadcast_in_dim3A_142 = arith.constant 0.000000e+00 : f32
    %broadcast_in_dim3A_143 = vector.broadcast %broadcast_in_dim3A_142 : f32 to vector<16xf32>
    %swap3A_144 = arith.constant 528 : index
    %swap3A_145 = tpu.vector_load %arg18[%swap3A_144] {strides = array<i32>} : memref<640xf32, #tpu.memory_space<vmem>>, vector<16xf32>,
    tpu.vector_store %arg18[%swap3A_144], %broadcast_in_dim3A_143 {strides = array<i32>} : memref<640xf32, #tpu.memory_space<vmem>>, vector<16xf32>,
    %broadcast_in_dim3A_146 = arith.constant 0.000000e+00 : f32
    %broadcast_in_dim3A_147 = vector.broadcast %broadcast_in_dim3A_146 : f32 to vector<16xf32>
    %swap3A_148 = arith.constant 544 : index
    %swap3A_149 = tpu.vector_load %arg18[%swap3A_148] {strides = array<i32>} : memref<640xf32, #tpu.memory_space<vmem>>, vector<16xf32>,
    tpu.vector_store %arg18[%swap3A_148], %broadcast_in_dim3A_147 {strides = array<i32>} : memref<640xf32, #tpu.memory_space<vmem>>, vector<16xf32>,
    %broadcast_in_dim3A_150 = arith.constant 0.000000e+00 : f32
    %broadcast_in_dim3A_151 = vector.broadcast %broadcast_in_dim3A_150 : f32 to vector<16xf32>
    %swap3A_152 = arith.constant 560 : index
    %swap3A_153 = tpu.vector_load %arg18[%swap3A_152] {strides = array<i32>} : memref<640xf32, #tpu.memory_space<vmem>>, vector<16xf32>,
    tpu.vector_store %arg18[%swap3A_152], %broadcast_in_dim3A_151 {strides = array<i32>} : memref<640xf32, #tpu.memory_space<vmem>>, vector<16xf32>,
    %broadcast_in_dim3A_154 = arith.constant 0.000000e+00 : f32
    %broadcast_in_dim3A_155 = vector.broadcast %broadcast_in_dim3A_154 : f32 to vector<16xf32>
    %swap3A_156 = arith.constant 576 : index
    %swap3A_157 = tpu.vector_load %arg18[%swap3A_156] {strides = array<i32>} : memref<640xf32, #tpu.memory_space<vmem>>, vector<16xf32>,
    tpu.vector_store %arg18[%swap3A_156], %broadcast_in_dim3A_155 {strides = array<i32>} : memref<640xf32, #tpu.memory_space<vmem>>, vector<16xf32>,
    %broadcast_in_dim3A_158 = arith.constant 0.000000e+00 : f32
    %broadcast_in_dim3A_159 = vector.broadcast %broadcast_in_dim3A_158 : f32 to vector<16xf32>
    %swap3A_160 = arith.constant 592 : index
    %swap3A_161 = tpu.vector_load %arg18[%swap3A_160] {strides = array<i32>} : memref<640xf32, #tpu.memory_space<vmem>>, vector<16xf32>,
    tpu.vector_store %arg18[%swap3A_160], %broadcast_in_dim3A_159 {strides = array<i32>} : memref<640xf32, #tpu.memory_space<vmem>>, vector<16xf32>,
    %broadcast_in_dim3A_162 = arith.constant 0.000000e+00 : f32
    %broadcast_in_dim3A_163 = vector.broadcast %broadcast_in_dim3A_162 : f32 to vector<16xf32>
    %swap3A_164 = arith.constant 608 : index
    %swap3A_165 = tpu.vector_load %arg18[%swap3A_164] {strides = array<i32>} : memref<640xf32, #tpu.memory_space<vmem>>, vector<16xf32>,
    tpu.vector_store %arg18[%swap3A_164], %broadcast_in_dim3A_163 {strides = array<i32>} : memref<640xf32, #tpu.memory_space<vmem>>, vector<16xf32>,
    %broadcast_in_dim3A_166 = arith.constant 0.000000e+00 : f32
    %broadcast_in_dim3A_167 = vector.broadcast %broadcast_in_dim3A_166 : f32 to vector<16xf32>
    %swap3A_168 = arith.constant 624 : index
    %swap3A_169 = tpu.vector_load %arg18[%swap3A_168] {strides = array<i32>} : memref<640xf32, #tpu.memory_space<vmem>>, vector<16xf32>,
    tpu.vector_store %arg18[%swap3A_168], %broadcast_in_dim3A_167 {strides = array<i32>} : memref<640xf32, #tpu.memory_space<vmem>>, vector<16xf32>,
    %mul3A_170 = arith.constant 632 : i32
    %mul3A_171 = arith.muli %arg1, %mul3A_170 : i32
    %add3A_172 = arith.constant 0 : i32
    %add3A_173 = arith.addi %mul3A_171, %add3A_172 : i32
    %min3A = arith.constant 9888 : i32
    %min3A_174 = arith.minsi %add3A_173, %min3A : i32
    %run_scoped3A = arith.constant 0 : i32
    "tpu.region"() ({
      %run_scoped3A_619 = tpu.sem_alloc : memref<!tpu.dma_semaphore, #tpu.memory_space<semaphore_mem>>
      %dma_start3A_620 = arith.constant 0 : i32
      %dma_start3A_621 = arith.constant 0 : i32
      %dma_start3A_622 = tpu.memref_slice %arg17[%run_scoped3A, %dma_start3A_620, %dma_start3A_621] : memref<3x112x128xf32, #tpu.memory_space<vmem>> -> memref<1x112x128xf32, #tpu.memory_space<vmem>>
      %dma_start3A_623 = tpu.memref_squeeze %dma_start3A_622 : memref<1x112x128xf32, #tpu.memory_space<vmem>> -> memref<112x128xf32, #tpu.memory_space<vmem>>
      %dma_start3A_624 = arith.constant 0 : i32
      %dma_start3A_625 = tpu.memref_slice %arg19[%min3A_174, %dma_start3A_624] : memref<10000x128xf32, #tpu.memory_space<vmem_shared>> -> memref<112x128xf32, #tpu.memory_space<vmem_shared>>
      %dma_start3A_626 = arith.constant 0 : i32
      %dma_start3A_627 = tpu.memref_slice %arg19[%min3A_174, %dma_start3A_626] : memref<10000x128xf32, #tpu.memory_space<vmem_shared>> -> memref<112x128xf32, #tpu.memory_space<vmem_shared>>
      %dma_start3A_628 = arith.constant 0 : i32
      %dma_start3A_629 = arith.constant 0 : i32
      %dma_start3A_630 = tpu.memref_slice %arg17[%run_scoped3A, %dma_start3A_628, %dma_start3A_629] : memref<3x112x128xf32, #tpu.memory_space<vmem>> -> memref<1x112x128xf32, #tpu.memory_space<vmem>>
      %dma_start3A_631 = tpu.memref_squeeze %dma_start3A_630 : memref<1x112x128xf32, #tpu.memory_space<vmem>> -> memref<112x128xf32, #tpu.memory_space<vmem>>
      tpu.enqueue_dma source(%dma_start3A_631 : memref<112x128xf32, #tpu.memory_space<vmem>>) target(%dma_start3A_627 : memref<112x128xf32, #tpu.memory_space<vmem_shared>>) target_semaphore(%run_scoped3A_619 : memref<!tpu.dma_semaphore, #tpu.memory_space<semaphore_mem>>)
      %dma_wait3A_632 = arith.constant 0 : i32
      %dma_wait3A_633 = arith.constant 0 : i32
      %dma_wait3A_634 = tpu.memref_slice %arg17[%run_scoped3A, %dma_wait3A_632, %dma_wait3A_633] : memref<3x112x128xf32, #tpu.memory_space<vmem>> -> memref<1x112x128xf32, #tpu.memory_space<vmem>>
      %dma_wait3A_635 = tpu.memref_squeeze %dma_wait3A_634 : memref<1x112x128xf32, #tpu.memory_space<vmem>> -> memref<112x128xf32, #tpu.memory_space<vmem>>
      %dma_wait3A_636 = arith.constant 0 : i32
      %dma_wait3A_637 = tpu.memref_slice %arg19[%min3A_174, %dma_wait3A_636] : memref<10000x128xf32, #tpu.memory_space<vmem_shared>> -> memref<112x128xf32, #tpu.memory_space<vmem_shared>>
      %dma_wait3A_638 = arith.constant 0 : i32
      %dma_wait3A_639 = tpu.memref_slice %arg19[%min3A_174, %dma_wait3A_638] : memref<10000x128xf32, #tpu.memory_space<vmem_shared>> -> memref<112x128xf32, #tpu.memory_space<vmem_shared>>
      %dma_wait3A_640 = arith.constant 0 : i32
      %dma_wait3A_641 = arith.constant 0 : i32
      %dma_wait3A_642 = tpu.memref_slice %arg17[%run_scoped3A, %dma_wait3A_640, %dma_wait3A_641] : memref<3x112x128xf32, #tpu.memory_space<vmem>> -> memref<1x112x128xf32, #tpu.memory_space<vmem>>
      %dma_wait3A_643 = tpu.memref_squeeze %dma_wait3A_642 : memref<1x112x128xf32, #tpu.memory_space<vmem>> -> memref<112x128xf32, #tpu.memory_space<vmem>>
      tpu.wait_dma2 semaphore(%run_scoped3A_619 : memref<!tpu.dma_semaphore, #tpu.memory_space<semaphore_mem>>) src(%dma_wait3A_643 : memref<112x128xf32, #tpu.memory_space<vmem>>) dst(%dma_wait3A_639 : memref<112x128xf32, #tpu.memory_space<vmem_shared>>)
      tpu.yield
    }) : () -> ()
    %add3A_175 = arith.constant 112 : i32
    %add3A_176 = arith.addi %mul3A_171, %add3A_175 : i32
    %min3A_177 = arith.constant 9888 : i32
    %min3A_178 = arith.minsi %add3A_176, %min3A_177 : i32
    %run_scoped3A_179 = arith.constant 0 : i32
    "tpu.region"() ({
      %run_scoped3A_619 = tpu.sem_alloc : memref<!tpu.dma_semaphore, #tpu.memory_space<semaphore_mem>>
      %dma_start3A_620 = arith.constant 0 : i32
      %dma_start3A_621 = arith.constant 0 : i32
      %dma_start3A_622 = tpu.memref_slice %arg17[%run_scoped3A_179, %dma_start3A_620, %dma_start3A_621] : memref<3x112x128xf32, #tpu.memory_space<vmem>> -> memref<1x112x128xf32, #tpu.memory_space<vmem>>
      %dma_start3A_623 = tpu.memref_squeeze %dma_start3A_622 : memref<1x112x128xf32, #tpu.memory_space<vmem>> -> memref<112x128xf32, #tpu.memory_space<vmem>>
      %dma_start3A_624 = arith.constant 0 : i32
      %dma_start3A_625 = tpu.memref_slice %arg19[%min3A_178, %dma_start3A_624] : memref<10000x128xf32, #tpu.memory_space<vmem_shared>> -> memref<112x128xf32, #tpu.memory_space<vmem_shared>>
      %dma_start3A_626 = arith.constant 0 : i32
      %dma_start3A_627 = tpu.memref_slice %arg19[%min3A_178, %dma_start3A_626] : memref<10000x128xf32, #tpu.memory_space<vmem_shared>> -> memref<112x128xf32, #tpu.memory_space<vmem_shared>>
      %dma_start3A_628 = arith.constant 0 : i32
      %dma_start3A_629 = arith.constant 0 : i32
      %dma_start3A_630 = tpu.memref_slice %arg17[%run_scoped3A_179, %dma_start3A_628, %dma_start3A_629] : memref<3x112x128xf32, #tpu.memory_space<vmem>> -> memref<1x112x128xf32, #tpu.memory_space<vmem>>
      %dma_start3A_631 = tpu.memref_squeeze %dma_start3A_630 : memref<1x112x128xf32, #tpu.memory_space<vmem>> -> memref<112x128xf32, #tpu.memory_space<vmem>>
      tpu.enqueue_dma source(%dma_start3A_631 : memref<112x128xf32, #tpu.memory_space<vmem>>) target(%dma_start3A_627 : memref<112x128xf32, #tpu.memory_space<vmem_shared>>) target_semaphore(%run_scoped3A_619 : memref<!tpu.dma_semaphore, #tpu.memory_space<semaphore_mem>>)
      %dma_wait3A_632 = arith.constant 0 : i32
      %dma_wait3A_633 = arith.constant 0 : i32
      %dma_wait3A_634 = tpu.memref_slice %arg17[%run_scoped3A_179, %dma_wait3A_632, %dma_wait3A_633] : memref<3x112x128xf32, #tpu.memory_space<vmem>> -> memref<1x112x128xf32, #tpu.memory_space<vmem>>
      %dma_wait3A_635 = tpu.memref_squeeze %dma_wait3A_634 : memref<1x112x128xf32, #tpu.memory_space<vmem>> -> memref<112x128xf32, #tpu.memory_space<vmem>>
      %dma_wait3A_636 = arith.constant 0 : i32
      %dma_wait3A_637 = tpu.memref_slice %arg19[%min3A_178, %dma_wait3A_636] : memref<10000x128xf32, #tpu.memory_space<vmem_shared>> -> memref<112x128xf32, #tpu.memory_space<vmem_shared>>
      %dma_wait3A_638 = arith.constant 0 : i32
      %dma_wait3A_639 = tpu.memref_slice %arg19[%min3A_178, %dma_wait3A_638] : memref<10000x128xf32, #tpu.memory_space<vmem_shared>> -> memref<112x128xf32, #tpu.memory_space<vmem_shared>>
      %dma_wait3A_640 = arith.constant 0 : i32
      %dma_wait3A_641 = arith.constant 0 : i32
      %dma_wait3A_642 = tpu.memref_slice %arg17[%run_scoped3A_179, %dma_wait3A_640, %dma_wait3A_641] : memref<3x112x128xf32, #tpu.memory_space<vmem>> -> memref<1x112x128xf32, #tpu.memory_space<vmem>>
      %dma_wait3A_643 = tpu.memref_squeeze %dma_wait3A_642 : memref<1x112x128xf32, #tpu.memory_space<vmem>> -> memref<112x128xf32, #tpu.memory_space<vmem>>
      tpu.wait_dma2 semaphore(%run_scoped3A_619 : memref<!tpu.dma_semaphore, #tpu.memory_space<semaphore_mem>>) src(%dma_wait3A_643 : memref<112x128xf32, #tpu.memory_space<vmem>>) dst(%dma_wait3A_639 : memref<112x128xf32, #tpu.memory_space<vmem_shared>>)
      tpu.yield
    }) : () -> ()
    %add3A_180 = arith.constant 224 : i32
    %add3A_181 = arith.addi %mul3A_171, %add3A_180 : i32
    %min3A_182 = arith.constant 9888 : i32
    %min3A_183 = arith.minsi %add3A_181, %min3A_182 : i32
    %run_scoped3A_184 = arith.constant 0 : i32
    "tpu.region"() ({
      %run_scoped3A_619 = tpu.sem_alloc : memref<!tpu.dma_semaphore, #tpu.memory_space<semaphore_mem>>
      %dma_start3A_620 = arith.constant 0 : i32
      %dma_start3A_621 = arith.constant 0 : i32
      %dma_start3A_622 = tpu.memref_slice %arg17[%run_scoped3A_184, %dma_start3A_620, %dma_start3A_621] : memref<3x112x128xf32, #tpu.memory_space<vmem>> -> memref<1x112x128xf32, #tpu.memory_space<vmem>>
      %dma_start3A_623 = tpu.memref_squeeze %dma_start3A_622 : memref<1x112x128xf32, #tpu.memory_space<vmem>> -> memref<112x128xf32, #tpu.memory_space<vmem>>
      %dma_start3A_624 = arith.constant 0 : i32
      %dma_start3A_625 = tpu.memref_slice %arg19[%min3A_183, %dma_start3A_624] : memref<10000x128xf32, #tpu.memory_space<vmem_shared>> -> memref<112x128xf32, #tpu.memory_space<vmem_shared>>
      %dma_start3A_626 = arith.constant 0 : i32
      %dma_start3A_627 = tpu.memref_slice %arg19[%min3A_183, %dma_start3A_626] : memref<10000x128xf32, #tpu.memory_space<vmem_shared>> -> memref<112x128xf32, #tpu.memory_space<vmem_shared>>
      %dma_start3A_628 = arith.constant 0 : i32
      %dma_start3A_629 = arith.constant 0 : i32
      %dma_start3A_630 = tpu.memref_slice %arg17[%run_scoped3A_184, %dma_start3A_628, %dma_start3A_629] : memref<3x112x128xf32, #tpu.memory_space<vmem>> -> memref<1x112x128xf32, #tpu.memory_space<vmem>>
      %dma_start3A_631 = tpu.memref_squeeze %dma_start3A_630 : memref<1x112x128xf32, #tpu.memory_space<vmem>> -> memref<112x128xf32, #tpu.memory_space<vmem>>
      tpu.enqueue_dma source(%dma_start3A_631 : memref<112x128xf32, #tpu.memory_space<vmem>>) target(%dma_start3A_627 : memref<112x128xf32, #tpu.memory_space<vmem_shared>>) target_semaphore(%run_scoped3A_619 : memref<!tpu.dma_semaphore, #tpu.memory_space<semaphore_mem>>)
      %dma_wait3A_632 = arith.constant 0 : i32
      %dma_wait3A_633 = arith.constant 0 : i32
      %dma_wait3A_634 = tpu.memref_slice %arg17[%run_scoped3A_184, %dma_wait3A_632, %dma_wait3A_633] : memref<3x112x128xf32, #tpu.memory_space<vmem>> -> memref<1x112x128xf32, #tpu.memory_space<vmem>>
      %dma_wait3A_635 = tpu.memref_squeeze %dma_wait3A_634 : memref<1x112x128xf32, #tpu.memory_space<vmem>> -> memref<112x128xf32, #tpu.memory_space<vmem>>
      %dma_wait3A_636 = arith.constant 0 : i32
      %dma_wait3A_637 = tpu.memref_slice %arg19[%min3A_183, %dma_wait3A_636] : memref<10000x128xf32, #tpu.memory_space<vmem_shared>> -> memref<112x128xf32, #tpu.memory_space<vmem_shared>>
      %dma_wait3A_638 = arith.constant 0 : i32
      %dma_wait3A_639 = tpu.memref_slice %arg19[%min3A_183, %dma_wait3A_638] : memref<10000x128xf32, #tpu.memory_space<vmem_shared>> -> memref<112x128xf32, #tpu.memory_space<vmem_shared>>
      %dma_wait3A_640 = arith.constant 0 : i32
      %dma_wait3A_641 = arith.constant 0 : i32
      %dma_wait3A_642 = tpu.memref_slice %arg17[%run_scoped3A_184, %dma_wait3A_640, %dma_wait3A_641] : memref<3x112x128xf32, #tpu.memory_space<vmem>> -> memref<1x112x128xf32, #tpu.memory_space<vmem>>
      %dma_wait3A_643 = tpu.memref_squeeze %dma_wait3A_642 : memref<1x112x128xf32, #tpu.memory_space<vmem>> -> memref<112x128xf32, #tpu.memory_space<vmem>>
      tpu.wait_dma2 semaphore(%run_scoped3A_619 : memref<!tpu.dma_semaphore, #tpu.memory_space<semaphore_mem>>) src(%dma_wait3A_643 : memref<112x128xf32, #tpu.memory_space<vmem>>) dst(%dma_wait3A_639 : memref<112x128xf32, #tpu.memory_space<vmem_shared>>)
      tpu.yield
    }) : () -> ()
    %add3A_185 = arith.constant 336 : i32
    %add3A_186 = arith.addi %mul3A_171, %add3A_185 : i32
    %min3A_187 = arith.constant 9888 : i32
    %min3A_188 = arith.minsi %add3A_186, %min3A_187 : i32
    %run_scoped3A_189 = arith.constant 0 : i32
    "tpu.region"() ({
      %run_scoped3A_619 = tpu.sem_alloc : memref<!tpu.dma_semaphore, #tpu.memory_space<semaphore_mem>>
      %dma_start3A_620 = arith.constant 0 : i32
      %dma_start3A_621 = arith.constant 0 : i32
      %dma_start3A_622 = tpu.memref_slice %arg17[%run_scoped3A_189, %dma_start3A_620, %dma_start3A_621] : memref<3x112x128xf32, #tpu.memory_space<vmem>> -> memref<1x112x128xf32, #tpu.memory_space<vmem>>
      %dma_start3A_623 = tpu.memref_squeeze %dma_start3A_622 : memref<1x112x128xf32, #tpu.memory_space<vmem>> -> memref<112x128xf32, #tpu.memory_space<vmem>>
      %dma_start3A_624 = arith.constant 0 : i32
      %dma_start3A_625 = tpu.memref_slice %arg19[%min3A_188, %dma_start3A_624] : memref<10000x128xf32, #tpu.memory_space<vmem_shared>> -> memref<112x128xf32, #tpu.memory_space<vmem_shared>>
      %dma_start3A_626 = arith.constant 0 : i32
      %dma_start3A_627 = tpu.memref_slice %arg19[%min3A_188, %dma_start3A_626] : memref<10000x128xf32, #tpu.memory_space<vmem_shared>> -> memref<112x128xf32, #tpu.memory_space<vmem_shared>>
      %dma_start3A_628 = arith.constant 0 : i32
      %dma_start3A_629 = arith.constant 0 : i32
      %dma_start3A_630 = tpu.memref_slice %arg17[%run_scoped3A_189, %dma_start3A_628, %dma_start3A_629] : memref<3x112x128xf32, #tpu.memory_space<vmem>> -> memref<1x112x128xf32, #tpu.memory_space<vmem>>
      %dma_start3A_631 = tpu.memref_squeeze %dma_start3A_630 : memref<1x112x128xf32, #tpu.memory_space<vmem>> -> memref<112x128xf32, #tpu.memory_space<vmem>>
      tpu.enqueue_dma source(%dma_start3A_631 : memref<112x128xf32, #tpu.memory_space<vmem>>) target(%dma_start3A_627 : memref<112x128xf32, #tpu.memory_space<vmem_shared>>) target_semaphore(%run_scoped3A_619 : memref<!tpu.dma_semaphore, #tpu.memory_space<semaphore_mem>>)
      %dma_wait3A_632 = arith.constant 0 : i32
      %dma_wait3A_633 = arith.constant 0 : i32
      %dma_wait3A_634 = tpu.memref_slice %arg17[%run_scoped3A_189, %dma_wait3A_632, %dma_wait3A_633] : memref<3x112x128xf32, #tpu.memory_space<vmem>> -> memref<1x112x128xf32, #tpu.memory_space<vmem>>
      %dma_wait3A_635 = tpu.memref_squeeze %dma_wait3A_634 : memref<1x112x128xf32, #tpu.memory_space<vmem>> -> memref<112x128xf32, #tpu.memory_space<vmem>>
      %dma_wait3A_636 = arith.constant 0 : i32
      %dma_wait3A_637 = tpu.memref_slice %arg19[%min3A_188, %dma_wait3A_636] : memref<10000x128xf32, #tpu.memory_space<vmem_shared>> -> memref<112x128xf32, #tpu.memory_space<vmem_shared>>
      %dma_wait3A_638 = arith.constant 0 : i32
      %dma_wait3A_639 = tpu.memref_slice %arg19[%min3A_188, %dma_wait3A_638] : memref<10000x128xf32, #tpu.memory_space<vmem_shared>> -> memref<112x128xf32, #tpu.memory_space<vmem_shared>>
      %dma_wait3A_640 = arith.constant 0 : i32
      %dma_wait3A_641 = arith.constant 0 : i32
      %dma_wait3A_642 = tpu.memref_slice %arg17[%run_scoped3A_189, %dma_wait3A_640, %dma_wait3A_641] : memref<3x112x128xf32, #tpu.memory_space<vmem>> -> memref<1x112x128xf32, #tpu.memory_space<vmem>>
      %dma_wait3A_643 = tpu.memref_squeeze %dma_wait3A_642 : memref<1x112x128xf32, #tpu.memory_space<vmem>> -> memref<112x128xf32, #tpu.memory_space<vmem>>
      tpu.wait_dma2 semaphore(%run_scoped3A_619 : memref<!tpu.dma_semaphore, #tpu.memory_space<semaphore_mem>>) src(%dma_wait3A_643 : memref<112x128xf32, #tpu.memory_space<vmem>>) dst(%dma_wait3A_639 : memref<112x128xf32, #tpu.memory_space<vmem_shared>>)
      tpu.yield
    }) : () -> ()
    %add3A_190 = arith.constant 448 : i32
    %add3A_191 = arith.addi %mul3A_171, %add3A_190 : i32
    %min3A_192 = arith.constant 9888 : i32
    %min3A_193 = arith.minsi %add3A_191, %min3A_192 : i32
    %run_scoped3A_194 = arith.constant 0 : i32
    "tpu.region"() ({
      %run_scoped3A_619 = tpu.sem_alloc : memref<!tpu.dma_semaphore, #tpu.memory_space<semaphore_mem>>
      %dma_start3A_620 = arith.constant 0 : i32
      %dma_start3A_621 = arith.constant 0 : i32
      %dma_start3A_622 = tpu.memref_slice %arg17[%run_scoped3A_194, %dma_start3A_620, %dma_start3A_621] : memref<3x112x128xf32, #tpu.memory_space<vmem>> -> memref<1x112x128xf32, #tpu.memory_space<vmem>>
      %dma_start3A_623 = tpu.memref_squeeze %dma_start3A_622 : memref<1x112x128xf32, #tpu.memory_space<vmem>> -> memref<112x128xf32, #tpu.memory_space<vmem>>
      %dma_start3A_624 = arith.constant 0 : i32
      %dma_start3A_625 = tpu.memref_slice %arg19[%min3A_193, %dma_start3A_624] : memref<10000x128xf32, #tpu.memory_space<vmem_shared>> -> memref<112x128xf32, #tpu.memory_space<vmem_shared>>
      %dma_start3A_626 = arith.constant 0 : i32
      %dma_start3A_627 = tpu.memref_slice %arg19[%min3A_193, %dma_start3A_626] : memref<10000x128xf32, #tpu.memory_space<vmem_shared>> -> memref<112x128xf32, #tpu.memory_space<vmem_shared>>
      %dma_start3A_628 = arith.constant 0 : i32
      %dma_start3A_629 = arith.constant 0 : i32
      %dma_start3A_630 = tpu.memref_slice %arg17[%run_scoped3A_194, %dma_start3A_628, %dma_start3A_629] : memref<3x112x128xf32, #tpu.memory_space<vmem>> -> memref<1x112x128xf32, #tpu.memory_space<vmem>>
      %dma_start3A_631 = tpu.memref_squeeze %dma_start3A_630 : memref<1x112x128xf32, #tpu.memory_space<vmem>> -> memref<112x128xf32, #tpu.memory_space<vmem>>
      tpu.enqueue_dma source(%dma_start3A_631 : memref<112x128xf32, #tpu.memory_space<vmem>>) target(%dma_start3A_627 : memref<112x128xf32, #tpu.memory_space<vmem_shared>>) target_semaphore(%run_scoped3A_619 : memref<!tpu.dma_semaphore, #tpu.memory_space<semaphore_mem>>)
      %dma_wait3A_632 = arith.constant 0 : i32
      %dma_wait3A_633 = arith.constant 0 : i32
      %dma_wait3A_634 = tpu.memref_slice %arg17[%run_scoped3A_194, %dma_wait3A_632, %dma_wait3A_633] : memref<3x112x128xf32, #tpu.memory_space<vmem>> -> memref<1x112x128xf32, #tpu.memory_space<vmem>>
      %dma_wait3A_635 = tpu.memref_squeeze %dma_wait3A_634 : memref<1x112x128xf32, #tpu.memory_space<vmem>> -> memref<112x128xf32, #tpu.memory_space<vmem>>
      %dma_wait3A_636 = arith.constant 0 : i32
      %dma_wait3A_637 = tpu.memref_slice %arg19[%min3A_193, %dma_wait3A_636] : memref<10000x128xf32, #tpu.memory_space<vmem_shared>> -> memref<112x128xf32, #tpu.memory_space<vmem_shared>>
      %dma_wait3A_638 = arith.constant 0 : i32
      %dma_wait3A_639 = tpu.memref_slice %arg19[%min3A_193, %dma_wait3A_638] : memref<10000x128xf32, #tpu.memory_space<vmem_shared>> -> memref<112x128xf32, #tpu.memory_space<vmem_shared>>
      %dma_wait3A_640 = arith.constant 0 : i32
      %dma_wait3A_641 = arith.constant 0 : i32
      %dma_wait3A_642 = tpu.memref_slice %arg17[%run_scoped3A_194, %dma_wait3A_640, %dma_wait3A_641] : memref<3x112x128xf32, #tpu.memory_space<vmem>> -> memref<1x112x128xf32, #tpu.memory_space<vmem>>
      %dma_wait3A_643 = tpu.memref_squeeze %dma_wait3A_642 : memref<1x112x128xf32, #tpu.memory_space<vmem>> -> memref<112x128xf32, #tpu.memory_space<vmem>>
      tpu.wait_dma2 semaphore(%run_scoped3A_619 : memref<!tpu.dma_semaphore, #tpu.memory_space<semaphore_mem>>) src(%dma_wait3A_643 : memref<112x128xf32, #tpu.memory_space<vmem>>) dst(%dma_wait3A_639 : memref<112x128xf32, #tpu.memory_space<vmem_shared>>)
      tpu.yield
    }) : () -> ()
    %add3A_195 = arith.constant 560 : i32
    %add3A_196 = arith.addi %mul3A_171, %add3A_195 : i32
    %min3A_197 = arith.constant 9888 : i32
    %min3A_198 = arith.minsi %add3A_196, %min3A_197 : i32
    %run_scoped3A_199 = arith.constant 0 : i32
    "tpu.region"() ({
      %run_scoped3A_619 = tpu.sem_alloc : memref<!tpu.dma_semaphore, #tpu.memory_space<semaphore_mem>>
      %dma_start3A_620 = arith.constant 0 : i32
      %dma_start3A_621 = arith.constant 0 : i32
      %dma_start3A_622 = tpu.memref_slice %arg17[%run_scoped3A_199, %dma_start3A_620, %dma_start3A_621] : memref<3x112x128xf32, #tpu.memory_space<vmem>> -> memref<1x112x128xf32, #tpu.memory_space<vmem>>
      %dma_start3A_623 = tpu.memref_squeeze %dma_start3A_622 : memref<1x112x128xf32, #tpu.memory_space<vmem>> -> memref<112x128xf32, #tpu.memory_space<vmem>>
      %dma_start3A_624 = arith.constant 0 : i32
      %dma_start3A_625 = tpu.memref_slice %arg19[%min3A_198, %dma_start3A_624] : memref<10000x128xf32, #tpu.memory_space<vmem_shared>> -> memref<112x128xf32, #tpu.memory_space<vmem_shared>>
      %dma_start3A_626 = arith.constant 0 : i32
      %dma_start3A_627 = tpu.memref_slice %arg19[%min3A_198, %dma_start3A_626] : memref<10000x128xf32, #tpu.memory_space<vmem_shared>> -> memref<112x128xf32, #tpu.memory_space<vmem_shared>>
      %dma_start3A_628 = arith.constant 0 : i32
      %dma_start3A_629 = arith.constant 0 : i32
      %dma_start3A_630 = tpu.memref_slice %arg17[%run_scoped3A_199, %dma_start3A_628, %dma_start3A_629] : memref<3x112x128xf32, #tpu.memory_space<vmem>> -> memref<1x112x128xf32, #tpu.memory_space<vmem>>
      %dma_start3A_631 = tpu.memref_squeeze %dma_start3A_630 : memref<1x112x128xf32, #tpu.memory_space<vmem>> -> memref<112x128xf32, #tpu.memory_space<vmem>>
      tpu.enqueue_dma source(%dma_start3A_631 : memref<112x128xf32, #tpu.memory_space<vmem>>) target(%dma_start3A_627 : memref<112x128xf32, #tpu.memory_space<vmem_shared>>) target_semaphore(%run_scoped3A_619 : memref<!tpu.dma_semaphore, #tpu.memory_space<semaphore_mem>>)
      %dma_wait3A_632 = arith.constant 0 : i32
      %dma_wait3A_633 = arith.constant 0 : i32
      %dma_wait3A_634 = tpu.memref_slice %arg17[%run_scoped3A_199, %dma_wait3A_632, %dma_wait3A_633] : memref<3x112x128xf32, #tpu.memory_space<vmem>> -> memref<1x112x128xf32, #tpu.memory_space<vmem>>
      %dma_wait3A_635 = tpu.memref_squeeze %dma_wait3A_634 : memref<1x112x128xf32, #tpu.memory_space<vmem>> -> memref<112x128xf32, #tpu.memory_space<vmem>>
      %dma_wait3A_636 = arith.constant 0 : i32
      %dma_wait3A_637 = tpu.memref_slice %arg19[%min3A_198, %dma_wait3A_636] : memref<10000x128xf32, #tpu.memory_space<vmem_shared>> -> memref<112x128xf32, #tpu.memory_space<vmem_shared>>
      %dma_wait3A_638 = arith.constant 0 : i32
      %dma_wait3A_639 = tpu.memref_slice %arg19[%min3A_198, %dma_wait3A_638] : memref<10000x128xf32, #tpu.memory_space<vmem_shared>> -> memref<112x128xf32, #tpu.memory_space<vmem_shared>>
      %dma_wait3A_640 = arith.constant 0 : i32
      %dma_wait3A_641 = arith.constant 0 : i32
      %dma_wait3A_642 = tpu.memref_slice %arg17[%run_scoped3A_199, %dma_wait3A_640, %dma_wait3A_641] : memref<3x112x128xf32, #tpu.memory_space<vmem>> -> memref<1x112x128xf32, #tpu.memory_space<vmem>>
      %dma_wait3A_643 = tpu.memref_squeeze %dma_wait3A_642 : memref<1x112x128xf32, #tpu.memory_space<vmem>> -> memref<112x128xf32, #tpu.memory_space<vmem>>
      tpu.wait_dma2 semaphore(%run_scoped3A_619 : memref<!tpu.dma_semaphore, #tpu.memory_space<semaphore_mem>>) src(%dma_wait3A_643 : memref<112x128xf32, #tpu.memory_space<vmem>>) dst(%dma_wait3A_639 : memref<112x128xf32, #tpu.memory_space<vmem_shared>>)
      tpu.yield
    }) : () -> ()
    %mul3A_200 = arith.constant 640 : i32
    %mul3A_201 = arith.muli %arg1, %mul3A_200 : i32
    "tpu.region"() ({
      %run_scoped3A_619 = tpu.sem_alloc : memref<!tpu.dma_semaphore, #tpu.memory_space<semaphore_mem>>
      %dma_start3A_620 = tpu.memref_slice %arg20[%mul3A_201] : memref<10240xf32, #tpu.memory_space<vmem_shared>> -> memref<640xf32, #tpu.memory_space<vmem_shared>>
      %dma_start3A_621 = tpu.memref_slice %arg20[%mul3A_201] : memref<10240xf32, #tpu.memory_space<vmem_shared>> -> memref<640xf32, #tpu.memory_space<vmem_shared>>
      tpu.enqueue_dma source(%arg18 : memref<640xf32, #tpu.memory_space<vmem>>) target(%dma_start3A_621 : memref<640xf32, #tpu.memory_space<vmem_shared>>) target_semaphore(%run_scoped3A_619 : memref<!tpu.dma_semaphore, #tpu.memory_space<semaphore_mem>>)
      %dma_wait3A_622 = tpu.memref_slice %arg20[%mul3A_201] : memref<10240xf32, #tpu.memory_space<vmem_shared>> -> memref<640xf32, #tpu.memory_space<vmem_shared>>
      %dma_wait3A_623 = tpu.memref_slice %arg20[%mul3A_201] : memref<10240xf32, #tpu.memory_space<vmem_shared>> -> memref<640xf32, #tpu.memory_space<vmem_shared>>
      tpu.wait_dma2 semaphore(%run_scoped3A_619 : memref<!tpu.dma_semaphore, #tpu.memory_space<semaphore_mem>>) src(%arg18 : memref<640xf32, #tpu.memory_space<vmem>>) dst(%dma_wait3A_623 : memref<640xf32, #tpu.memory_space<vmem_shared>>)
      tpu.yield
    }) : () -> ()
    %barrier3A = arith.constant 0 : index
    tpu.barrier barrier_id(%barrier3A)
    %min3A_202 = arith.constant 0 : i32
    %min3A_203 = arith.constant 92 : i32
    %min3A_204 = arith.minsi %min3A_202, %min3A_203 : i32
    %mul3A_205 = arith.constant 112 : i32
    %mul3A_206 = arith.muli %min3A_204, %mul3A_205 : i32
    %add3A_207 = arith.addi %mul3A_2, %mul3A_206 : i32
    %dma_start3A = arith.constant 0 : i32
    %dma_start3A_208 = arith.constant 0 : i32
    %dma_start3A_209 = arith.constant 0 : i32
    %dma_start3A_210 = tpu.memref_slice %arg11[%dma_start3A, %dma_start3A_209] : memref<3x112xi32, #tpu.memory_space<vmem>> -> memref<1x112xi32, #tpu.memory_space<vmem>>
    %dma_start3A_211 = tpu.memref_squeeze %dma_start3A_210 : memref<1x112xi32, #tpu.memory_space<vmem>> -> memref<112xi32, #tpu.memory_space<vmem>>
    %dma_start3A_212 = tpu.memref_slice %arg2[%add3A_207] : memref<333312xi32, #tpu.memory_space<hbm>> -> memref<112xi32, #tpu.memory_space<hbm>>
    %dma_start3A_213 = tpu.memref_slice %arg24[%dma_start3A_208] : memref<3x!tpu.dma_semaphore, #tpu.memory_space<semaphore_mem>> -> memref<1x!tpu.dma_semaphore, #tpu.memory_space<semaphore_mem>>
    %dma_start3A_214 = tpu.memref_squeeze %dma_start3A_213 : memref<1x!tpu.dma_semaphore, #tpu.memory_space<semaphore_mem>> -> memref<!tpu.dma_semaphore, #tpu.memory_space<semaphore_mem>>
    %dma_start3A_215 = arith.constant 0 : i32
    %dma_start3A_216 = tpu.memref_slice %arg11[%dma_start3A, %dma_start3A_215] : memref<3x112xi32, #tpu.memory_space<vmem>> -> memref<1x112xi32, #tpu.memory_space<vmem>>
    %dma_start3A_217 = tpu.memref_squeeze %dma_start3A_216 : memref<1x112xi32, #tpu.memory_space<vmem>> -> memref<112xi32, #tpu.memory_space<vmem>>
    %dma_start3A_218 = tpu.memref_slice %arg2[%add3A_207] : memref<333312xi32, #tpu.memory_space<hbm>> -> memref<112xi32, #tpu.memory_space<hbm>>
    tpu.enqueue_dma source(%dma_start3A_218 : memref<112xi32, #tpu.memory_space<hbm>>) target(%dma_start3A_217 : memref<112xi32, #tpu.memory_space<vmem>>) target_semaphore(%dma_start3A_214 : memref<!tpu.dma_semaphore, #tpu.memory_space<semaphore_mem>>)
    %dma_start3A_219 = arith.constant 0 : i32
    %dma_start3A_220 = arith.constant 0 : i32
    %dma_start3A_221 = arith.constant 0 : i32
    %dma_start3A_222 = tpu.memref_slice %arg12[%dma_start3A_219, %dma_start3A_221] : memref<3x112xi32, #tpu.memory_space<vmem>> -> memref<1x112xi32, #tpu.memory_space<vmem>>
    %dma_start3A_223 = tpu.memref_squeeze %dma_start3A_222 : memref<1x112xi32, #tpu.memory_space<vmem>> -> memref<112xi32, #tpu.memory_space<vmem>>
    %dma_start3A_224 = tpu.memref_slice %arg3[%add3A_207] : memref<333312xi32, #tpu.memory_space<hbm>> -> memref<112xi32, #tpu.memory_space<hbm>>
    %dma_start3A_225 = tpu.memref_slice %arg24[%dma_start3A_220] : memref<3x!tpu.dma_semaphore, #tpu.memory_space<semaphore_mem>> -> memref<1x!tpu.dma_semaphore, #tpu.memory_space<semaphore_mem>>
    %dma_start3A_226 = tpu.memref_squeeze %dma_start3A_225 : memref<1x!tpu.dma_semaphore, #tpu.memory_space<semaphore_mem>> -> memref<!tpu.dma_semaphore, #tpu.memory_space<semaphore_mem>>
    %dma_start3A_227 = arith.constant 0 : i32
    %dma_start3A_228 = tpu.memref_slice %arg12[%dma_start3A_219, %dma_start3A_227] : memref<3x112xi32, #tpu.memory_space<vmem>> -> memref<1x112xi32, #tpu.memory_space<vmem>>
    %dma_start3A_229 = tpu.memref_squeeze %dma_start3A_228 : memref<1x112xi32, #tpu.memory_space<vmem>> -> memref<112xi32, #tpu.memory_space<vmem>>
    %dma_start3A_230 = tpu.memref_slice %arg3[%add3A_207] : memref<333312xi32, #tpu.memory_space<hbm>> -> memref<112xi32, #tpu.memory_space<hbm>>
    tpu.enqueue_dma source(%dma_start3A_230 : memref<112xi32, #tpu.memory_space<hbm>>) target(%dma_start3A_229 : memref<112xi32, #tpu.memory_space<vmem>>) target_semaphore(%dma_start3A_226 : memref<!tpu.dma_semaphore, #tpu.memory_space<semaphore_mem>>)
    %min3A_231 = arith.constant 1 : i32
    %min3A_232 = arith.constant 92 : i32
    %min3A_233 = arith.minsi %min3A_231, %min3A_232 : i32
    %mul3A_234 = arith.constant 112 : i32
    %mul3A_235 = arith.muli %min3A_233, %mul3A_234 : i32
    %add3A_236 = arith.addi %mul3A_2, %mul3A_235 : i32
    %dma_start3A_237 = arith.constant 1 : i32
    %dma_start3A_238 = arith.constant 1 : i32
    %dma_start3A_239 = arith.constant 0 : i32
    %dma_start3A_240 = tpu.memref_slice %arg11[%dma_start3A_237, %dma_start3A_239] : memref<3x112xi32, #tpu.memory_space<vmem>> -> memref<1x112xi32, #tpu.memory_space<vmem>>
    %dma_start3A_241 = tpu.memref_squeeze %dma_start3A_240 : memref<1x112xi32, #tpu.memory_space<vmem>> -> memref<112xi32, #tpu.memory_space<vmem>>
    %dma_start3A_242 = tpu.memref_slice %arg2[%add3A_236] : memref<333312xi32, #tpu.memory_space<hbm>> -> memref<112xi32, #tpu.memory_space<hbm>>
    %dma_start3A_243 = tpu.memref_slice %arg24[%dma_start3A_238] : memref<3x!tpu.dma_semaphore, #tpu.memory_space<semaphore_mem>> -> memref<1x!tpu.dma_semaphore, #tpu.memory_space<semaphore_mem>>
    %dma_start3A_244 = tpu.memref_squeeze %dma_start3A_243 : memref<1x!tpu.dma_semaphore, #tpu.memory_space<semaphore_mem>> -> memref<!tpu.dma_semaphore, #tpu.memory_space<semaphore_mem>>
    %dma_start3A_245 = arith.constant 0 : i32
    %dma_start3A_246 = tpu.memref_slice %arg11[%dma_start3A_237, %dma_start3A_245] : memref<3x112xi32, #tpu.memory_space<vmem>> -> memref<1x112xi32, #tpu.memory_space<vmem>>
    %dma_start3A_247 = tpu.memref_squeeze %dma_start3A_246 : memref<1x112xi32, #tpu.memory_space<vmem>> -> memref<112xi32, #tpu.memory_space<vmem>>
    %dma_start3A_248 = tpu.memref_slice %arg2[%add3A_236] : memref<333312xi32, #tpu.memory_space<hbm>> -> memref<112xi32, #tpu.memory_space<hbm>>
    tpu.enqueue_dma source(%dma_start3A_248 : memref<112xi32, #tpu.memory_space<hbm>>) target(%dma_start3A_247 : memref<112xi32, #tpu.memory_space<vmem>>) target_semaphore(%dma_start3A_244 : memref<!tpu.dma_semaphore, #tpu.memory_space<semaphore_mem>>)
    %dma_start3A_249 = arith.constant 1 : i32
    %dma_start3A_250 = arith.constant 1 : i32
    %dma_start3A_251 = arith.constant 0 : i32
    %dma_start3A_252 = tpu.memref_slice %arg12[%dma_start3A_249, %dma_start3A_251] : memref<3x112xi32, #tpu.memory_space<vmem>> -> memref<1x112xi32, #tpu.memory_space<vmem>>
    %dma_start3A_253 = tpu.memref_squeeze %dma_start3A_252 : memref<1x112xi32, #tpu.memory_space<vmem>> -> memref<112xi32, #tpu.memory_space<vmem>>
    %dma_start3A_254 = tpu.memref_slice %arg3[%add3A_236] : memref<333312xi32, #tpu.memory_space<hbm>> -> memref<112xi32, #tpu.memory_space<hbm>>
    %dma_start3A_255 = tpu.memref_slice %arg24[%dma_start3A_250] : memref<3x!tpu.dma_semaphore, #tpu.memory_space<semaphore_mem>> -> memref<1x!tpu.dma_semaphore, #tpu.memory_space<semaphore_mem>>
    %dma_start3A_256 = tpu.memref_squeeze %dma_start3A_255 : memref<1x!tpu.dma_semaphore, #tpu.memory_space<semaphore_mem>> -> memref<!tpu.dma_semaphore, #tpu.memory_space<semaphore_mem>>
    %dma_start3A_257 = arith.constant 0 : i32
    %dma_start3A_258 = tpu.memref_slice %arg12[%dma_start3A_249, %dma_start3A_257] : memref<3x112xi32, #tpu.memory_space<vmem>> -> memref<1x112xi32, #tpu.memory_space<vmem>>
    %dma_start3A_259 = tpu.memref_squeeze %dma_start3A_258 : memref<1x112xi32, #tpu.memory_space<vmem>> -> memref<112xi32, #tpu.memory_space<vmem>>
    %dma_start3A_260 = tpu.memref_slice %arg3[%add3A_236] : memref<333312xi32, #tpu.memory_space<hbm>> -> memref<112xi32, #tpu.memory_space<hbm>>
    tpu.enqueue_dma source(%dma_start3A_260 : memref<112xi32, #tpu.memory_space<hbm>>) target(%dma_start3A_259 : memref<112xi32, #tpu.memory_space<vmem>>) target_semaphore(%dma_start3A_256 : memref<!tpu.dma_semaphore, #tpu.memory_space<semaphore_mem>>)
    %min3A_261 = arith.constant 2 : i32
    %min3A_262 = arith.constant 92 : i32
    %min3A_263 = arith.minsi %min3A_261, %min3A_262 : i32
    %mul3A_264 = arith.constant 112 : i32
    %mul3A_265 = arith.muli %min3A_263, %mul3A_264 : i32
    %add3A_266 = arith.addi %mul3A_2, %mul3A_265 : i32
    %dma_start3A_267 = arith.constant 2 : i32
    %dma_start3A_268 = arith.constant 2 : i32
    %dma_start3A_269 = arith.constant 0 : i32
    %dma_start3A_270 = tpu.memref_slice %arg11[%dma_start3A_267, %dma_start3A_269] : memref<3x112xi32, #tpu.memory_space<vmem>> -> memref<1x112xi32, #tpu.memory_space<vmem>>
    %dma_start3A_271 = tpu.memref_squeeze %dma_start3A_270 : memref<1x112xi32, #tpu.memory_space<vmem>> -> memref<112xi32, #tpu.memory_space<vmem>>
    %dma_start3A_272 = tpu.memref_slice %arg2[%add3A_266] : memref<333312xi32, #tpu.memory_space<hbm>> -> memref<112xi32, #tpu.memory_space<hbm>>
    %dma_start3A_273 = tpu.memref_slice %arg24[%dma_start3A_268] : memref<3x!tpu.dma_semaphore, #tpu.memory_space<semaphore_mem>> -> memref<1x!tpu.dma_semaphore, #tpu.memory_space<semaphore_mem>>
    %dma_start3A_274 = tpu.memref_squeeze %dma_start3A_273 : memref<1x!tpu.dma_semaphore, #tpu.memory_space<semaphore_mem>> -> memref<!tpu.dma_semaphore, #tpu.memory_space<semaphore_mem>>
    %dma_start3A_275 = arith.constant 0 : i32
    %dma_start3A_276 = tpu.memref_slice %arg11[%dma_start3A_267, %dma_start3A_275] : memref<3x112xi32, #tpu.memory_space<vmem>> -> memref<1x112xi32, #tpu.memory_space<vmem>>
    %dma_start3A_277 = tpu.memref_squeeze %dma_start3A_276 : memref<1x112xi32, #tpu.memory_space<vmem>> -> memref<112xi32, #tpu.memory_space<vmem>>
    %dma_start3A_278 = tpu.memref_slice %arg2[%add3A_266] : memref<333312xi32, #tpu.memory_space<hbm>> -> memref<112xi32, #tpu.memory_space<hbm>>
    tpu.enqueue_dma source(%dma_start3A_278 : memref<112xi32, #tpu.memory_space<hbm>>) target(%dma_start3A_277 : memref<112xi32, #tpu.memory_space<vmem>>) target_semaphore(%dma_start3A_274 : memref<!tpu.dma_semaphore, #tpu.memory_space<semaphore_mem>>)
    %dma_start3A_279 = arith.constant 2 : i32
    %dma_start3A_280 = arith.constant 2 : i32
    %dma_start3A_281 = arith.constant 0 : i32
    %dma_start3A_282 = tpu.memref_slice %arg12[%dma_start3A_279, %dma_start3A_281] : memref<3x112xi32, #tpu.memory_space<vmem>> -> memref<1x112xi32, #tpu.memory_space<vmem>>
    %dma_start3A_283 = tpu.memref_squeeze %dma_start3A_282 : memref<1x112xi32, #tpu.memory_space<vmem>> -> memref<112xi32, #tpu.memory_space<vmem>>
    %dma_start3A_284 = tpu.memref_slice %arg3[%add3A_266] : memref<333312xi32, #tpu.memory_space<hbm>> -> memref<112xi32, #tpu.memory_space<hbm>>
    %dma_start3A_285 = tpu.memref_slice %arg24[%dma_start3A_280] : memref<3x!tpu.dma_semaphore, #tpu.memory_space<semaphore_mem>> -> memref<1x!tpu.dma_semaphore, #tpu.memory_space<semaphore_mem>>
    %dma_start3A_286 = tpu.memref_squeeze %dma_start3A_285 : memref<1x!tpu.dma_semaphore, #tpu.memory_space<semaphore_mem>> -> memref<!tpu.dma_semaphore, #tpu.memory_space<semaphore_mem>>
    %dma_start3A_287 = arith.constant 0 : i32
    %dma_start3A_288 = tpu.memref_slice %arg12[%dma_start3A_279, %dma_start3A_287] : memref<3x112xi32, #tpu.memory_space<vmem>> -> memref<1x112xi32, #tpu.memory_space<vmem>>
    %dma_start3A_289 = tpu.memref_squeeze %dma_start3A_288 : memref<1x112xi32, #tpu.memory_space<vmem>> -> memref<112xi32, #tpu.memory_space<vmem>>
    %dma_start3A_290 = tpu.memref_slice %arg3[%add3A_266] : memref<333312xi32, #tpu.memory_space<hbm>> -> memref<112xi32, #tpu.memory_space<hbm>>
    tpu.enqueue_dma source(%dma_start3A_290 : memref<112xi32, #tpu.memory_space<hbm>>) target(%dma_start3A_289 : memref<112xi32, #tpu.memory_space<vmem>>) target_semaphore(%dma_start3A_286 : memref<!tpu.dma_semaphore, #tpu.memory_space<semaphore_mem>>)
    %dma_wait3A = arith.constant 0 : i32
    %dma_wait3A_291 = arith.constant 0 : i32
    %dma_wait3A_292 = arith.constant 0 : i32
    %dma_wait3A_293 = tpu.memref_slice %arg11[%dma_wait3A, %dma_wait3A_292] : memref<3x112xi32, #tpu.memory_space<vmem>> -> memref<1x112xi32, #tpu.memory_space<vmem>>
    %dma_wait3A_294 = tpu.memref_squeeze %dma_wait3A_293 : memref<1x112xi32, #tpu.memory_space<vmem>> -> memref<112xi32, #tpu.memory_space<vmem>>
    %dma_wait3A_295 = arith.constant 0 : i32
    %dma_wait3A_296 = tpu.memref_slice %arg2[%dma_wait3A_295] : memref<333312xi32, #tpu.memory_space<hbm>> -> memref<112xi32, #tpu.memory_space<hbm>>
    %dma_wait3A_297 = tpu.memref_slice %arg24[%dma_wait3A_291] : memref<3x!tpu.dma_semaphore, #tpu.memory_space<semaphore_mem>> -> memref<1x!tpu.dma_semaphore, #tpu.memory_space<semaphore_mem>>
    %dma_wait3A_298 = tpu.memref_squeeze %dma_wait3A_297 : memref<1x!tpu.dma_semaphore, #tpu.memory_space<semaphore_mem>> -> memref<!tpu.dma_semaphore, #tpu.memory_space<semaphore_mem>>
    %dma_wait3A_299 = arith.constant 0 : i32
    %dma_wait3A_300 = tpu.memref_slice %arg11[%dma_wait3A, %dma_wait3A_299] : memref<3x112xi32, #tpu.memory_space<vmem>> -> memref<1x112xi32, #tpu.memory_space<vmem>>
    %dma_wait3A_301 = tpu.memref_squeeze %dma_wait3A_300 : memref<1x112xi32, #tpu.memory_space<vmem>> -> memref<112xi32, #tpu.memory_space<vmem>>
    %dma_wait3A_302 = arith.constant 0 : i32
    %dma_wait3A_303 = tpu.memref_slice %arg2[%dma_wait3A_302] : memref<333312xi32, #tpu.memory_space<hbm>> -> memref<112xi32, #tpu.memory_space<hbm>>
    tpu.wait_dma2 semaphore(%dma_wait3A_298 : memref<!tpu.dma_semaphore, #tpu.memory_space<semaphore_mem>>) src(%dma_wait3A_303 : memref<112xi32, #tpu.memory_space<hbm>>) dst(%dma_wait3A_301 : memref<112xi32, #tpu.memory_space<vmem>>)
    %dma_wait3A_304 = arith.constant 0 : i32
    %dma_wait3A_305 = arith.constant 0 : i32
    %dma_wait3A_306 = arith.constant 0 : i32
    %dma_wait3A_307 = tpu.memref_slice %arg12[%dma_wait3A_304, %dma_wait3A_306] : memref<3x112xi32, #tpu.memory_space<vmem>> -> memref<1x112xi32, #tpu.memory_space<vmem>>
    %dma_wait3A_308 = tpu.memref_squeeze %dma_wait3A_307 : memref<1x112xi32, #tpu.memory_space<vmem>> -> memref<112xi32, #tpu.memory_space<vmem>>
    %dma_wait3A_309 = arith.constant 0 : i32
    %dma_wait3A_310 = tpu.memref_slice %arg3[%dma_wait3A_309] : memref<333312xi32, #tpu.memory_space<hbm>> -> memref<112xi32, #tpu.memory_space<hbm>>
    %dma_wait3A_311 = tpu.memref_slice %arg24[%dma_wait3A_305] : memref<3x!tpu.dma_semaphore, #tpu.memory_space<semaphore_mem>> -> memref<1x!tpu.dma_semaphore, #tpu.memory_space<semaphore_mem>>
    %dma_wait3A_312 = tpu.memref_squeeze %dma_wait3A_311 : memref<1x!tpu.dma_semaphore, #tpu.memory_space<semaphore_mem>> -> memref<!tpu.dma_semaphore, #tpu.memory_space<semaphore_mem>>
    %dma_wait3A_313 = arith.constant 0 : i32
    %dma_wait3A_314 = tpu.memref_slice %arg12[%dma_wait3A_304, %dma_wait3A_313] : memref<3x112xi32, #tpu.memory_space<vmem>> -> memref<1x112xi32, #tpu.memory_space<vmem>>
    %dma_wait3A_315 = tpu.memref_squeeze %dma_wait3A_314 : memref<1x112xi32, #tpu.memory_space<vmem>> -> memref<112xi32, #tpu.memory_space<vmem>>
    %dma_wait3A_316 = arith.constant 0 : i32
    %dma_wait3A_317 = tpu.memref_slice %arg3[%dma_wait3A_316] : memref<333312xi32, #tpu.memory_space<hbm>> -> memref<112xi32, #tpu.memory_space<hbm>>
    tpu.wait_dma2 semaphore(%dma_wait3A_312 : memref<!tpu.dma_semaphore, #tpu.memory_space<semaphore_mem>>) src(%dma_wait3A_317 : memref<112xi32, #tpu.memory_space<hbm>>) dst(%dma_wait3A_315 : memref<112xi32, #tpu.memory_space<vmem>>)
    %dma_start3A_318 = arith.constant 0 : i32
    %dma_start3A_319 = arith.constant 0 : i32
    %dma_start3A_320 = arith.constant 0 : i32
    %dma_start3A_321 = arith.constant 0 : i32
    %dma_start3A_322 = tpu.memref_slice %arg14[%dma_start3A_319, %dma_start3A_321] : memref<3x112xf32, #tpu.memory_space<vmem>> -> memref<1x112xf32, #tpu.memory_space<vmem>>
    %dma_start3A_323 = tpu.memref_squeeze %dma_start3A_322 : memref<1x112xf32, #tpu.memory_space<vmem>> -> memref<112xf32, #tpu.memory_space<vmem>>
    %dma_start3A_324 = arith.constant 0 : i32
    %dma_start3A_325 = tpu.memref_slice %arg11[%dma_start3A_318, %dma_start3A_324] : memref<3x112xi32, #tpu.memory_space<vmem>> -> memref<1x112xi32, #tpu.memory_space<vmem>>
    %dma_start3A_326 = tpu.memref_squeeze %dma_start3A_325 : memref<1x112xi32, #tpu.memory_space<vmem>> -> memref<112xi32, #tpu.memory_space<vmem>>
    %dma_start3A_327 = arith.constant 0 : i32
    %dma_start3A_328 = tpu.memref_slice %arg4[%dma_start3A_327] : memref<10000xf32, #tpu.memory_space<hbm>> -> memref<10000xf32, #tpu.memory_space<hbm>>
    %dma_start3A_329 = tpu.memref_slice %arg25[%dma_start3A_320] : memref<3x!tpu.dma_semaphore, #tpu.memory_space<semaphore_mem>> -> memref<1x!tpu.dma_semaphore, #tpu.memory_space<semaphore_mem>>
    %dma_start3A_330 = tpu.memref_squeeze %dma_start3A_329 : memref<1x!tpu.dma_semaphore, #tpu.memory_space<semaphore_mem>> -> memref<!tpu.dma_semaphore, #tpu.memory_space<semaphore_mem>>
    tpu.enqueue_indirect_dma source(%dma_start3A_328 : memref<10000xf32, #tpu.memory_space<hbm>>) target(%dma_start3A_323 : memref<112xf32, #tpu.memory_space<vmem>>) offsets(%dma_start3A_326 : memref<112xi32, #tpu.memory_space<vmem>>) semaphore(%dma_start3A_330 : memref<!tpu.dma_semaphore, #tpu.memory_space<semaphore_mem>>)
    %dma_start3A_331 = arith.constant 0 : i32
    %dma_start3A_332 = arith.constant 0 : i32
    %dma_start3A_333 = arith.constant 0 : i32
    %dma_start3A_334 = arith.constant 0 : i32
    %dma_start3A_335 = tpu.memref_slice %arg15[%dma_start3A_332, %dma_start3A_334] : memref<3x112xf32, #tpu.memory_space<vmem>> -> memref<1x112xf32, #tpu.memory_space<vmem>>
    %dma_start3A_336 = tpu.memref_squeeze %dma_start3A_335 : memref<1x112xf32, #tpu.memory_space<vmem>> -> memref<112xf32, #tpu.memory_space<vmem>>
    %dma_start3A_337 = arith.constant 0 : i32
    %dma_start3A_338 = tpu.memref_slice %arg12[%dma_start3A_331, %dma_start3A_337] : memref<3x112xi32, #tpu.memory_space<vmem>> -> memref<1x112xi32, #tpu.memory_space<vmem>>
    %dma_start3A_339 = tpu.memref_squeeze %dma_start3A_338 : memref<1x112xi32, #tpu.memory_space<vmem>> -> memref<112xi32, #tpu.memory_space<vmem>>
    %dma_start3A_340 = arith.constant 0 : i32
    %dma_start3A_341 = tpu.memref_slice %arg5[%dma_start3A_340] : memref<10000xf32, #tpu.memory_space<hbm>> -> memref<10000xf32, #tpu.memory_space<hbm>>
    %dma_start3A_342 = tpu.memref_slice %arg25[%dma_start3A_333] : memref<3x!tpu.dma_semaphore, #tpu.memory_space<semaphore_mem>> -> memref<1x!tpu.dma_semaphore, #tpu.memory_space<semaphore_mem>>
    %dma_start3A_343 = tpu.memref_squeeze %dma_start3A_342 : memref<1x!tpu.dma_semaphore, #tpu.memory_space<semaphore_mem>> -> memref<!tpu.dma_semaphore, #tpu.memory_space<semaphore_mem>>
    tpu.enqueue_indirect_dma source(%dma_start3A_341 : memref<10000xf32, #tpu.memory_space<hbm>>) target(%dma_start3A_336 : memref<112xf32, #tpu.memory_space<vmem>>) offsets(%dma_start3A_339 : memref<112xi32, #tpu.memory_space<vmem>>) semaphore(%dma_start3A_343 : memref<!tpu.dma_semaphore, #tpu.memory_space<semaphore_mem>>)
    %dma_wait3A_344 = arith.constant 1 : i32
    %dma_wait3A_345 = arith.constant 1 : i32
    %dma_wait3A_346 = arith.constant 0 : i32
    %dma_wait3A_347 = tpu.memref_slice %arg11[%dma_wait3A_344, %dma_wait3A_346] : memref<3x112xi32, #tpu.memory_space<vmem>> -> memref<1x112xi32, #tpu.memory_space<vmem>>
    %dma_wait3A_348 = tpu.memref_squeeze %dma_wait3A_347 : memref<1x112xi32, #tpu.memory_space<vmem>> -> memref<112xi32, #tpu.memory_space<vmem>>
    %dma_wait3A_349 = arith.constant 0 : i32
    %dma_wait3A_350 = tpu.memref_slice %arg2[%dma_wait3A_349] : memref<333312xi32, #tpu.memory_space<hbm>> -> memref<112xi32, #tpu.memory_space<hbm>>
    %dma_wait3A_351 = tpu.memref_slice %arg24[%dma_wait3A_345] : memref<3x!tpu.dma_semaphore, #tpu.memory_space<semaphore_mem>> -> memref<1x!tpu.dma_semaphore, #tpu.memory_space<semaphore_mem>>
    %dma_wait3A_352 = tpu.memref_squeeze %dma_wait3A_351 : memref<1x!tpu.dma_semaphore, #tpu.memory_space<semaphore_mem>> -> memref<!tpu.dma_semaphore, #tpu.memory_space<semaphore_mem>>
    %dma_wait3A_353 = arith.constant 0 : i32
    %dma_wait3A_354 = tpu.memref_slice %arg11[%dma_wait3A_344, %dma_wait3A_353] : memref<3x112xi32, #tpu.memory_space<vmem>> -> memref<1x112xi32, #tpu.memory_space<vmem>>
    %dma_wait3A_355 = tpu.memref_squeeze %dma_wait3A_354 : memref<1x112xi32, #tpu.memory_space<vmem>> -> memref<112xi32, #tpu.memory_space<vmem>>
    %dma_wait3A_356 = arith.constant 0 : i32
    %dma_wait3A_357 = tpu.memref_slice %arg2[%dma_wait3A_356] : memref<333312xi32, #tpu.memory_space<hbm>> -> memref<112xi32, #tpu.memory_space<hbm>>
    tpu.wait_dma2 semaphore(%dma_wait3A_352 : memref<!tpu.dma_semaphore, #tpu.memory_space<semaphore_mem>>) src(%dma_wait3A_357 : memref<112xi32, #tpu.memory_space<hbm>>) dst(%dma_wait3A_355 : memref<112xi32, #tpu.memory_space<vmem>>)
    %dma_wait3A_358 = arith.constant 1 : i32
    %dma_wait3A_359 = arith.constant 1 : i32
    %dma_wait3A_360 = arith.constant 0 : i32
    %dma_wait3A_361 = tpu.memref_slice %arg12[%dma_wait3A_358, %dma_wait3A_360] : memref<3x112xi32, #tpu.memory_space<vmem>> -> memref<1x112xi32, #tpu.memory_space<vmem>>
    %dma_wait3A_362 = tpu.memref_squeeze %dma_wait3A_361 : memref<1x112xi32, #tpu.memory_space<vmem>> -> memref<112xi32, #tpu.memory_space<vmem>>
    %dma_wait3A_363 = arith.constant 0 : i32
    %dma_wait3A_364 = tpu.memref_slice %arg3[%dma_wait3A_363] : memref<333312xi32, #tpu.memory_space<hbm>> -> memref<112xi32, #tpu.memory_space<hbm>>
    %dma_wait3A_365 = tpu.memref_slice %arg24[%dma_wait3A_359] : memref<3x!tpu.dma_semaphore, #tpu.memory_space<semaphore_mem>> -> memref<1x!tpu.dma_semaphore, #tpu.memory_space<semaphore_mem>>
    %dma_wait3A_366 = tpu.memref_squeeze %dma_wait3A_365 : memref<1x!tpu.dma_semaphore, #tpu.memory_space<semaphore_mem>> -> memref<!tpu.dma_semaphore, #tpu.memory_space<semaphore_mem>>
    %dma_wait3A_367 = arith.constant 0 : i32
    %dma_wait3A_368 = tpu.memref_slice %arg12[%dma_wait3A_358, %dma_wait3A_367] : memref<3x112xi32, #tpu.memory_space<vmem>> -> memref<1x112xi32, #tpu.memory_space<vmem>>
    %dma_wait3A_369 = tpu.memref_squeeze %dma_wait3A_368 : memref<1x112xi32, #tpu.memory_space<vmem>> -> memref<112xi32, #tpu.memory_space<vmem>>
    %dma_wait3A_370 = arith.constant 0 : i32
    %dma_wait3A_371 = tpu.memref_slice %arg3[%dma_wait3A_370] : memref<333312xi32, #tpu.memory_space<hbm>> -> memref<112xi32, #tpu.memory_space<hbm>>
    tpu.wait_dma2 semaphore(%dma_wait3A_366 : memref<!tpu.dma_semaphore, #tpu.memory_space<semaphore_mem>>) src(%dma_wait3A_371 : memref<112xi32, #tpu.memory_space<hbm>>) dst(%dma_wait3A_369 : memref<112xi32, #tpu.memory_space<vmem>>)
    %dma_start3A_372 = arith.constant 1 : i32
    %dma_start3A_373 = arith.constant 1 : i32
    %dma_start3A_374 = arith.constant 1 : i32
    %dma_start3A_375 = arith.constant 0 : i32
    %dma_start3A_376 = tpu.memref_slice %arg14[%dma_start3A_373, %dma_start3A_375] : memref<3x112xf32, #tpu.memory_space<vmem>> -> memref<1x112xf32, #tpu.memory_space<vmem>>
    %dma_start3A_377 = tpu.memref_squeeze %dma_start3A_376 : memref<1x112xf32, #tpu.memory_space<vmem>> -> memref<112xf32, #tpu.memory_space<vmem>>
    %dma_start3A_378 = arith.constant 0 : i32
    %dma_start3A_379 = tpu.memref_slice %arg11[%dma_start3A_372, %dma_start3A_378] : memref<3x112xi32, #tpu.memory_space<vmem>> -> memref<1x112xi32, #tpu.memory_space<vmem>>
    %dma_start3A_380 = tpu.memref_squeeze %dma_start3A_379 : memref<1x112xi32, #tpu.memory_space<vmem>> -> memref<112xi32, #tpu.memory_space<vmem>>
    %dma_start3A_381 = arith.constant 0 : i32
    %dma_start3A_382 = tpu.memref_slice %arg4[%dma_start3A_381] : memref<10000xf32, #tpu.memory_space<hbm>> -> memref<10000xf32, #tpu.memory_space<hbm>>
    %dma_start3A_383 = tpu.memref_slice %arg25[%dma_start3A_374] : memref<3x!tpu.dma_semaphore, #tpu.memory_space<semaphore_mem>> -> memref<1x!tpu.dma_semaphore, #tpu.memory_space<semaphore_mem>>
    %dma_start3A_384 = tpu.memref_squeeze %dma_start3A_383 : memref<1x!tpu.dma_semaphore, #tpu.memory_space<semaphore_mem>> -> memref<!tpu.dma_semaphore, #tpu.memory_space<semaphore_mem>>
    tpu.enqueue_indirect_dma source(%dma_start3A_382 : memref<10000xf32, #tpu.memory_space<hbm>>) target(%dma_start3A_377 : memref<112xf32, #tpu.memory_space<vmem>>) offsets(%dma_start3A_380 : memref<112xi32, #tpu.memory_space<vmem>>) semaphore(%dma_start3A_384 : memref<!tpu.dma_semaphore, #tpu.memory_space<semaphore_mem>>)
    %dma_start3A_385 = arith.constant 1 : i32
    %dma_start3A_386 = arith.constant 1 : i32
    %dma_start3A_387 = arith.constant 1 : i32
    %dma_start3A_388 = arith.constant 0 : i32
    %dma_start3A_389 = tpu.memref_slice %arg15[%dma_start3A_386, %dma_start3A_388] : memref<3x112xf32, #tpu.memory_space<vmem>> -> memref<1x112xf32, #tpu.memory_space<vmem>>
    %dma_start3A_390 = tpu.memref_squeeze %dma_start3A_389 : memref<1x112xf32, #tpu.memory_space<vmem>> -> memref<112xf32, #tpu.memory_space<vmem>>
    %dma_start3A_391 = arith.constant 0 : i32
    %dma_start3A_392 = tpu.memref_slice %arg12[%dma_start3A_385, %dma_start3A_391] : memref<3x112xi32, #tpu.memory_space<vmem>> -> memref<1x112xi32, #tpu.memory_space<vmem>>
    %dma_start3A_393 = tpu.memref_squeeze %dma_start3A_392 : memref<1x112xi32, #tpu.memory_space<vmem>> -> memref<112xi32, #tpu.memory_space<vmem>>
    %dma_start3A_394 = arith.constant 0 : i32
    %dma_start3A_395 = tpu.memref_slice %arg5[%dma_start3A_394] : memref<10000xf32, #tpu.memory_space<hbm>> -> memref<10000xf32, #tpu.memory_space<hbm>>
    %dma_start3A_396 = tpu.memref_slice %arg25[%dma_start3A_387] : memref<3x!tpu.dma_semaphore, #tpu.memory_space<semaphore_mem>> -> memref<1x!tpu.dma_semaphore, #tpu.memory_space<semaphore_mem>>
    %dma_start3A_397 = tpu.memref_squeeze %dma_start3A_396 : memref<1x!tpu.dma_semaphore, #tpu.memory_space<semaphore_mem>> -> memref<!tpu.dma_semaphore, #tpu.memory_space<semaphore_mem>>
    tpu.enqueue_indirect_dma source(%dma_start3A_395 : memref<10000xf32, #tpu.memory_space<hbm>>) target(%dma_start3A_390 : memref<112xf32, #tpu.memory_space<vmem>>) offsets(%dma_start3A_393 : memref<112xi32, #tpu.memory_space<vmem>>) semaphore(%dma_start3A_397 : memref<!tpu.dma_semaphore, #tpu.memory_space<semaphore_mem>>)
    %dma_wait3A_398 = arith.constant 2 : i32
    %dma_wait3A_399 = arith.constant 2 : i32
    %dma_wait3A_400 = arith.constant 0 : i32
    %dma_wait3A_401 = tpu.memref_slice %arg11[%dma_wait3A_398, %dma_wait3A_400] : memref<3x112xi32, #tpu.memory_space<vmem>> -> memref<1x112xi32, #tpu.memory_space<vmem>>
    %dma_wait3A_402 = tpu.memref_squeeze %dma_wait3A_401 : memref<1x112xi32, #tpu.memory_space<vmem>> -> memref<112xi32, #tpu.memory_space<vmem>>
    %dma_wait3A_403 = arith.constant 0 : i32
    %dma_wait3A_404 = tpu.memref_slice %arg2[%dma_wait3A_403] : memref<333312xi32, #tpu.memory_space<hbm>> -> memref<112xi32, #tpu.memory_space<hbm>>
    %dma_wait3A_405 = tpu.memref_slice %arg24[%dma_wait3A_399] : memref<3x!tpu.dma_semaphore, #tpu.memory_space<semaphore_mem>> -> memref<1x!tpu.dma_semaphore, #tpu.memory_space<semaphore_mem>>
    %dma_wait3A_406 = tpu.memref_squeeze %dma_wait3A_405 : memref<1x!tpu.dma_semaphore, #tpu.memory_space<semaphore_mem>> -> memref<!tpu.dma_semaphore, #tpu.memory_space<semaphore_mem>>
    %dma_wait3A_407 = arith.constant 0 : i32
    %dma_wait3A_408 = tpu.memref_slice %arg11[%dma_wait3A_398, %dma_wait3A_407] : memref<3x112xi32, #tpu.memory_space<vmem>> -> memref<1x112xi32, #tpu.memory_space<vmem>>
    %dma_wait3A_409 = tpu.memref_squeeze %dma_wait3A_408 : memref<1x112xi32, #tpu.memory_space<vmem>> -> memref<112xi32, #tpu.memory_space<vmem>>
    %dma_wait3A_410 = arith.constant 0 : i32
    %dma_wait3A_411 = tpu.memref_slice %arg2[%dma_wait3A_410] : memref<333312xi32, #tpu.memory_space<hbm>> -> memref<112xi32, #tpu.memory_space<hbm>>
    tpu.wait_dma2 semaphore(%dma_wait3A_406 : memref<!tpu.dma_semaphore, #tpu.memory_space<semaphore_mem>>) src(%dma_wait3A_411 : memref<112xi32, #tpu.memory_space<hbm>>) dst(%dma_wait3A_409 : memref<112xi32, #tpu.memory_space<vmem>>)
    %dma_wait3A_412 = arith.constant 2 : i32
    %dma_wait3A_413 = arith.constant 2 : i32
    %dma_wait3A_414 = arith.constant 0 : i32
    %dma_wait3A_415 = tpu.memref_slice %arg12[%dma_wait3A_412, %dma_wait3A_414] : memref<3x112xi32, #tpu.memory_space<vmem>> -> memref<1x112xi32, #tpu.memory_space<vmem>>
    %dma_wait3A_416 = tpu.memref_squeeze %dma_wait3A_415 : memref<1x112xi32, #tpu.memory_space<vmem>> -> memref<112xi32, #tpu.memory_space<vmem>>
    %dma_wait3A_417 = arith.constant 0 : i32
    %dma_wait3A_418 = tpu.memref_slice %arg3[%dma_wait3A_417] : memref<333312xi32, #tpu.memory_space<hbm>> -> memref<112xi32, #tpu.memory_space<hbm>>
    %dma_wait3A_419 = tpu.memref_slice %arg24[%dma_wait3A_413] : memref<3x!tpu.dma_semaphore, #tpu.memory_space<semaphore_mem>> -> memref<1x!tpu.dma_semaphore, #tpu.memory_space<semaphore_mem>>
    %dma_wait3A_420 = tpu.memref_squeeze %dma_wait3A_419 : memref<1x!tpu.dma_semaphore, #tpu.memory_space<semaphore_mem>> -> memref<!tpu.dma_semaphore, #tpu.memory_space<semaphore_mem>>
    %dma_wait3A_421 = arith.constant 0 : i32
    %dma_wait3A_422 = tpu.memref_slice %arg12[%dma_wait3A_412, %dma_wait3A_421] : memref<3x112xi32, #tpu.memory_space<vmem>> -> memref<1x112xi32, #tpu.memory_space<vmem>>
    %dma_wait3A_423 = tpu.memref_squeeze %dma_wait3A_422 : memref<1x112xi32, #tpu.memory_space<vmem>> -> memref<112xi32, #tpu.memory_space<vmem>>
    %dma_wait3A_424 = arith.constant 0 : i32
    %dma_wait3A_425 = tpu.memref_slice %arg3[%dma_wait3A_424] : memref<333312xi32, #tpu.memory_space<hbm>> -> memref<112xi32, #tpu.memory_space<hbm>>
    tpu.wait_dma2 semaphore(%dma_wait3A_420 : memref<!tpu.dma_semaphore, #tpu.memory_space<semaphore_mem>>) src(%dma_wait3A_425 : memref<112xi32, #tpu.memory_space<hbm>>) dst(%dma_wait3A_423 : memref<112xi32, #tpu.memory_space<vmem>>)
    %dma_start3A_426 = arith.constant 2 : i32
    %dma_start3A_427 = arith.constant 2 : i32
    %dma_start3A_428 = arith.constant 2 : i32
    %dma_start3A_429 = arith.constant 0 : i32
    %dma_start3A_430 = tpu.memref_slice %arg14[%dma_start3A_427, %dma_start3A_429] : memref<3x112xf32, #tpu.memory_space<vmem>> -> memref<1x112xf32, #tpu.memory_space<vmem>>
    %dma_start3A_431 = tpu.memref_squeeze %dma_start3A_430 : memref<1x112xf32, #tpu.memory_space<vmem>> -> memref<112xf32, #tpu.memory_space<vmem>>
    %dma_start3A_432 = arith.constant 0 : i32
    %dma_start3A_433 = tpu.memref_slice %arg11[%dma_start3A_426, %dma_start3A_432] : memref<3x112xi32, #tpu.memory_space<vmem>> -> memref<1x112xi32, #tpu.memory_space<vmem>>
    %dma_start3A_434 = tpu.memref_squeeze %dma_start3A_433 : memref<1x112xi32, #tpu.memory_space<vmem>> -> memref<112xi32, #tpu.memory_space<vmem>>
    %dma_start3A_435 = arith.constant 0 : i32
    %dma_start3A_436 = tpu.memref_slice %arg4[%dma_start3A_435] : memref<10000xf32, #tpu.memory_space<hbm>> -> memref<10000xf32, #tpu.memory_space<hbm>>
    %dma_start3A_437 = tpu.memref_slice %arg25[%dma_start3A_428] : memref<3x!tpu.dma_semaphore, #tpu.memory_space<semaphore_mem>> -> memref<1x!tpu.dma_semaphore, #tpu.memory_space<semaphore_mem>>
    %dma_start3A_438 = tpu.memref_squeeze %dma_start3A_437 : memref<1x!tpu.dma_semaphore, #tpu.memory_space<semaphore_mem>> -> memref<!tpu.dma_semaphore, #tpu.memory_space<semaphore_mem>>
    tpu.enqueue_indirect_dma source(%dma_start3A_436 : memref<10000xf32, #tpu.memory_space<hbm>>) target(%dma_start3A_431 : memref<112xf32, #tpu.memory_space<vmem>>) offsets(%dma_start3A_434 : memref<112xi32, #tpu.memory_space<vmem>>) semaphore(%dma_start3A_438 : memref<!tpu.dma_semaphore, #tpu.memory_space<semaphore_mem>>)
    %dma_start3A_439 = arith.constant 2 : i32
    %dma_start3A_440 = arith.constant 2 : i32
    %dma_start3A_441 = arith.constant 2 : i32
    %dma_start3A_442 = arith.constant 0 : i32
    %dma_start3A_443 = tpu.memref_slice %arg15[%dma_start3A_440, %dma_start3A_442] : memref<3x112xf32, #tpu.memory_space<vmem>> -> memref<1x112xf32, #tpu.memory_space<vmem>>
    %dma_start3A_444 = tpu.memref_squeeze %dma_start3A_443 : memref<1x112xf32, #tpu.memory_space<vmem>> -> memref<112xf32, #tpu.memory_space<vmem>>
    %dma_start3A_445 = arith.constant 0 : i32
    %dma_start3A_446 = tpu.memref_slice %arg12[%dma_start3A_439, %dma_start3A_445] : memref<3x112xi32, #tpu.memory_space<vmem>> -> memref<1x112xi32, #tpu.memory_space<vmem>>
    %dma_start3A_447 = tpu.memref_squeeze %dma_start3A_446 : memref<1x112xi32, #tpu.memory_space<vmem>> -> memref<112xi32, #tpu.memory_space<vmem>>
    %dma_start3A_448 = arith.constant 0 : i32
    %dma_start3A_449 = tpu.memref_slice %arg5[%dma_start3A_448] : memref<10000xf32, #tpu.memory_space<hbm>> -> memref<10000xf32, #tpu.memory_space<hbm>>
    %dma_start3A_450 = tpu.memref_slice %arg25[%dma_start3A_441] : memref<3x!tpu.dma_semaphore, #tpu.memory_space<semaphore_mem>> -> memref<1x!tpu.dma_semaphore, #tpu.memory_space<semaphore_mem>>
    %dma_start3A_451 = tpu.memref_squeeze %dma_start3A_450 : memref<1x!tpu.dma_semaphore, #tpu.memory_space<semaphore_mem>> -> memref<!tpu.dma_semaphore, #tpu.memory_space<semaphore_mem>>
    tpu.enqueue_indirect_dma source(%dma_start3A_449 : memref<10000xf32, #tpu.memory_space<hbm>>) target(%dma_start3A_444 : memref<112xf32, #tpu.memory_space<vmem>>) offsets(%dma_start3A_447 : memref<112xi32, #tpu.memory_space<vmem>>) semaphore(%dma_start3A_451 : memref<!tpu.dma_semaphore, #tpu.memory_space<semaphore_mem>>)
    %dma_start3A_452 = arith.constant 0 : i32
    %dma_start3A_453 = arith.constant 0 : i32
    %dma_start3A_454 = arith.constant 0 : i32
    %dma_start3A_455 = arith.constant 0 : i32
    %dma_start3A_456 = arith.constant 0 : i32
    %dma_start3A_457 = tpu.memref_slice %arg17[%dma_start3A_453, %dma_start3A_455, %dma_start3A_456] : memref<3x112x128xf32, #tpu.memory_space<vmem>> -> memref<1x112x128xf32, #tpu.memory_space<vmem>>
    %dma_start3A_458 = tpu.memref_squeeze %dma_start3A_457 : memref<1x112x128xf32, #tpu.memory_space<vmem>> -> memref<112x128xf32, #tpu.memory_space<vmem>>
    %dma_start3A_459 = arith.constant 0 : i32
    %dma_start3A_460 = tpu.memref_slice %arg12[%dma_start3A_452, %dma_start3A_459] : memref<3x112xi32, #tpu.memory_space<vmem>> -> memref<1x112xi32, #tpu.memory_space<vmem>>
    %dma_start3A_461 = tpu.memref_squeeze %dma_start3A_460 : memref<1x112xi32, #tpu.memory_space<vmem>> -> memref<112xi32, #tpu.memory_space<vmem>>
    %dma_start3A_462 = arith.constant 0 : i32
    %dma_start3A_463 = arith.constant 0 : i32
    %dma_start3A_464 = tpu.memref_slice %arg7[%dma_start3A_462, %dma_start3A_463] : memref<10000x128xf32, #tpu.memory_space<hbm>> -> memref<10000x128xf32, #tpu.memory_space<hbm>>
    %dma_start3A_465 = tpu.memref_slice %arg21[%dma_start3A_454] : memref<3x!tpu.dma_semaphore, #tpu.memory_space<semaphore_mem>> -> memref<1x!tpu.dma_semaphore, #tpu.memory_space<semaphore_mem>>
    %dma_start3A_466 = tpu.memref_squeeze %dma_start3A_465 : memref<1x!tpu.dma_semaphore, #tpu.memory_space<semaphore_mem>> -> memref<!tpu.dma_semaphore, #tpu.memory_space<semaphore_mem>>
    tpu.enqueue_indirect_dma source(%dma_start3A_464 : memref<10000x128xf32, #tpu.memory_space<hbm>>) target(%dma_start3A_458 : memref<112x128xf32, #tpu.memory_space<vmem>>) offsets(%dma_start3A_461 : memref<112xi32, #tpu.memory_space<vmem>>) semaphore(%dma_start3A_466 : memref<!tpu.dma_semaphore, #tpu.memory_space<semaphore_mem>>)
    %dma_start3A_467 = arith.constant 1 : i32
    %dma_start3A_468 = arith.constant 1 : i32
    %dma_start3A_469 = arith.constant 1 : i32
    %dma_start3A_470 = arith.constant 0 : i32
    %dma_start3A_471 = arith.constant 0 : i32
    %dma_start3A_472 = tpu.memref_slice %arg17[%dma_start3A_468, %dma_start3A_470, %dma_start3A_471] : memref<3x112x128xf32, #tpu.memory_space<vmem>> -> memref<1x112x128xf32, #tpu.memory_space<vmem>>
    %dma_start3A_473 = tpu.memref_squeeze %dma_start3A_472 : memref<1x112x128xf32, #tpu.memory_space<vmem>> -> memref<112x128xf32, #tpu.memory_space<vmem>>
    %dma_start3A_474 = arith.constant 0 : i32
    %dma_start3A_475 = tpu.memref_slice %arg12[%dma_start3A_467, %dma_start3A_474] : memref<3x112xi32, #tpu.memory_space<vmem>> -> memref<1x112xi32, #tpu.memory_space<vmem>>
    %dma_start3A_476 = tpu.memref_squeeze %dma_start3A_475 : memref<1x112xi32, #tpu.memory_space<vmem>> -> memref<112xi32, #tpu.memory_space<vmem>>
    %dma_start3A_477 = arith.constant 0 : i32
    %dma_start3A_478 = arith.constant 0 : i32
    %dma_start3A_479 = tpu.memref_slice %arg7[%dma_start3A_477, %dma_start3A_478] : memref<10000x128xf32, #tpu.memory_space<hbm>> -> memref<10000x128xf32, #tpu.memory_space<hbm>>
    %dma_start3A_480 = tpu.memref_slice %arg21[%dma_start3A_469] : memref<3x!tpu.dma_semaphore, #tpu.memory_space<semaphore_mem>> -> memref<1x!tpu.dma_semaphore, #tpu.memory_space<semaphore_mem>>
    %dma_start3A_481 = tpu.memref_squeeze %dma_start3A_480 : memref<1x!tpu.dma_semaphore, #tpu.memory_space<semaphore_mem>> -> memref<!tpu.dma_semaphore, #tpu.memory_space<semaphore_mem>>
    tpu.enqueue_indirect_dma source(%dma_start3A_479 : memref<10000x128xf32, #tpu.memory_space<hbm>>) target(%dma_start3A_473 : memref<112x128xf32, #tpu.memory_space<vmem>>) offsets(%dma_start3A_476 : memref<112xi32, #tpu.memory_space<vmem>>) semaphore(%dma_start3A_481 : memref<!tpu.dma_semaphore, #tpu.memory_space<semaphore_mem>>)
    %scan3A_482 = arith.constant 0 : i32
    %scan3A_483 = arith.constant 0 : i32
    %scan3A_484 = arith.constant 31 : i32
    %scan3A_485 = arith.addi %scan3A_483, %scan3A_484 : i32
    %scan3A_486 = arith.constant 1 : i32
    %scan3A_487 = scf.for %scan3A_619 = %scan3A_483 to %scan3A_485 step %scan3A_486 iter_args(%scan3A_620 = %scan3A_482) -> (i32)  : i32 {
      %mul3A_621 = arith.constant 3 : i32
      %mul3A_622 = arith.muli %mul3A_621, %scan3A_619 : i32
      %mul3A_623 = arith.constant 112 : i32
      %mul3A_624 = arith.muli %mul3A_622, %mul3A_623 : i32
      %add3A_625 = arith.addi %mul3A_2, %mul3A_624 : i32
      %dma_wait3A_626 = arith.constant 0 : i32
      %dma_wait3A_627 = arith.constant 0 : i32
      %dma_wait3A_628 = arith.constant 0 : i32
      %dma_wait3A_629 = arith.constant 0 : i32
      %dma_wait3A_630 = tpu.memref_slice %arg14[%dma_wait3A_627, %dma_wait3A_629] : memref<3x112xf32, #tpu.memory_space<vmem>> -> memref<1x112xf32, #tpu.memory_space<vmem>>
      %dma_wait3A_631 = tpu.memref_squeeze %dma_wait3A_630 : memref<1x112xf32, #tpu.memory_space<vmem>> -> memref<112xf32, #tpu.memory_space<vmem>>
      %dma_wait3A_632 = arith.constant 0 : i32
      %dma_wait3A_633 = tpu.memref_slice %arg11[%dma_wait3A_626, %dma_wait3A_632] : memref<3x112xi32, #tpu.memory_space<vmem>> -> memref<1x112xi32, #tpu.memory_space<vmem>>
      %dma_wait3A_634 = tpu.memref_squeeze %dma_wait3A_633 : memref<1x112xi32, #tpu.memory_space<vmem>> -> memref<112xi32, #tpu.memory_space<vmem>>
      %dma_wait3A_635 = arith.constant 0 : i32
      %dma_wait3A_636 = tpu.memref_slice %arg4[%dma_wait3A_635] : memref<10000xf32, #tpu.memory_space<hbm>> -> memref<10000xf32, #tpu.memory_space<hbm>>
      %dma_wait3A_637 = tpu.memref_slice %arg25[%dma_wait3A_628] : memref<3x!tpu.dma_semaphore, #tpu.memory_space<semaphore_mem>> -> memref<1x!tpu.dma_semaphore, #tpu.memory_space<semaphore_mem>>
      %dma_wait3A_638 = tpu.memref_squeeze %dma_wait3A_637 : memref<1x!tpu.dma_semaphore, #tpu.memory_space<semaphore_mem>> -> memref<!tpu.dma_semaphore, #tpu.memory_space<semaphore_mem>>
      tpu.wait_indirect_dma semaphore(%dma_wait3A_638 : memref<!tpu.dma_semaphore, #tpu.memory_space<semaphore_mem>>) src(%dma_wait3A_636 : memref<10000xf32, #tpu.memory_space<hbm>>) dst(%dma_wait3A_631 : memref<112xf32, #tpu.memory_space<vmem>>)
      %dma_wait3A_639 = arith.constant 0 : i32
      %dma_wait3A_640 = arith.constant 0 : i32
      %dma_wait3A_641 = arith.constant 0 : i32
      %dma_wait3A_642 = arith.constant 0 : i32
      %dma_wait3A_643 = tpu.memref_slice %arg15[%dma_wait3A_640, %dma_wait3A_642] : memref<3x112xf32, #tpu.memory_space<vmem>> -> memref<1x112xf32, #tpu.memory_space<vmem>>
      %dma_wait3A_644 = tpu.memref_squeeze %dma_wait3A_643 : memref<1x112xf32, #tpu.memory_space<vmem>> -> memref<112xf32, #tpu.memory_space<vmem>>
      %dma_wait3A_645 = arith.constant 0 : i32
      %dma_wait3A_646 = tpu.memref_slice %arg12[%dma_wait3A_639, %dma_wait3A_645] : memref<3x112xi32, #tpu.memory_space<vmem>> -> memref<1x112xi32, #tpu.memory_space<vmem>>
      %dma_wait3A_647 = tpu.memref_squeeze %dma_wait3A_646 : memref<1x112xi32, #tpu.memory_space<vmem>> -> memref<112xi32, #tpu.memory_space<vmem>>
      %dma_wait3A_648 = arith.constant 0 : i32
      %dma_wait3A_649 = tpu.memref_slice %arg5[%dma_wait3A_648] : memref<10000xf32, #tpu.memory_space<hbm>> -> memref<10000xf32, #tpu.memory_space<hbm>>
      %dma_wait3A_650 = tpu.memref_slice %arg25[%dma_wait3A_641] : memref<3x!tpu.dma_semaphore, #tpu.memory_space<semaphore_mem>> -> memref<1x!tpu.dma_semaphore, #tpu.memory_space<semaphore_mem>>
      %dma_wait3A_651 = tpu.memref_squeeze %dma_wait3A_650 : memref<1x!tpu.dma_semaphore, #tpu.memory_space<semaphore_mem>> -> memref<!tpu.dma_semaphore, #tpu.memory_space<semaphore_mem>>
      tpu.wait_indirect_dma semaphore(%dma_wait3A_651 : memref<!tpu.dma_semaphore, #tpu.memory_space<semaphore_mem>>) src(%dma_wait3A_649 : memref<10000xf32, #tpu.memory_space<hbm>>) dst(%dma_wait3A_644 : memref<112xf32, #tpu.memory_space<vmem>>)
      %get3A_652 = arith.constant 0 : i32
      %get3A_653 = arith.index_cast %get3A_652 : i32 to index
      %get3A_654 = arith.constant 0 : index
      %get3A_655 = tpu.vector_load %arg14[%get3A_653, %get3A_654] {strides = array<i32>} : memref<3x112xf32, #tpu.memory_space<vmem>>, vector<16xf32>,
      %get3A_656 = arith.constant 0 : i32
      %get3A_657 = arith.index_cast %get3A_656 : i32 to index
      %get3A_658 = arith.constant 0 : index
      %get3A_659 = tpu.vector_load %arg15[%get3A_657, %get3A_658] {strides = array<i32>} : memref<3x112xf32, #tpu.memory_space<vmem>>, vector<16xf32>,
      %add3A_660 = arith.addf %get3A_655, %get3A_659 : vector<16xf32>
      %ge3A = arith.constant 0.000000e+00 : f32
      %ge3A_661 = vector.broadcast %ge3A : f32 to vector<16xf32>
      %ge3A_662 = arith.cmpf oge, %add3A_660, %ge3A_661 : vector<16xf32>
      %mul3A_663 = arith.constant 2.000000e-01 : f32
      %mul3A_664 = vector.broadcast %mul3A_663 : f32 to vector<16xf32>
      %mul3A_665 = arith.mulf %mul3A_664, %add3A_660 : vector<16xf32>
      %select_n3A = arith.select %ge3A_662, %add3A_660, %mul3A_665 : vector<16xi1>, vector<16xf32>
      %sub3A = arith.subf %select_n3A, %get3A_5 : vector<16xf32>
      %exp3A = math.exp %sub3A : vector<16xf32>
      %add3A_666 = arith.constant 0 : i32
      %add3A_667 = arith.addi %add3A_625, %add3A_666 : i32
      %broadcast_in_dim3A_668 = vector.broadcast %add3A_667 : i32 to vector<16xi32>
      %iota3A = tpu.iota {dimensions = array<i32: 0>} : vector<16xi32>
      %add3A_669 = arith.addi %broadcast_in_dim3A_668, %iota3A : vector<16xi32>
      %lt3A = arith.constant 330000 : i32
      %lt3A_670 = vector.broadcast %lt3A : i32 to vector<16xi32>
      %lt3A_671 = arith.cmpi slt, %add3A_669, %lt3A_670 : vector<16xi32>
      %jit3A = arith.constant 0.000000e+00 : f32
      %broadcast_in_dim3A_672 = vector.broadcast %jit3A : f32 to vector<16xf32>
      %select_n3A_673 = arith.select %lt3A_671, %exp3A, %broadcast_in_dim3A_672 : vector<16xi1>, vector<16xf32>
      %swap3A_674 = arith.constant 0 : i32
      %swap3A_675 = arith.index_cast %swap3A_674 : i32 to index
      %swap3A_676 = arith.constant 0 : index
      %swap3A_677 = tpu.vector_load %arg16[%swap3A_675, %swap3A_676] {strides = array<i32>} : memref<3x112xf32, #tpu.memory_space<vmem>>, vector<16xf32>,
      tpu.vector_store %arg16[%swap3A_675, %swap3A_676], %select_n3A_673 {strides = array<i32>} : memref<3x112xf32, #tpu.memory_space<vmem>>, vector<16xf32>,
      %get3A_678 = arith.constant 0 : i32
      %get3A_679 = arith.index_cast %get3A_678 : i32 to index
      %get3A_680 = arith.constant 0 : index
      %get3A_681 = tpu.vector_load %arg11[%get3A_679, %get3A_680] {strides = array<i32>} : memref<3x112xi32, #tpu.memory_space<vmem>>, vector<16xi32>,
      %swap3A_682 = arith.constant 0 : i32
      %swap3A_683 = arith.index_cast %swap3A_682 : i32 to index
      %swap3A_684 = arith.constant 0 : index
      %swap3A_685 = tpu.vector_load %arg13[%swap3A_683, %swap3A_684] {strides = array<i32>} : memref<3x112xi32, #tpu.memory_space<vmem>>, vector<16xi32>,
      tpu.vector_store %arg13[%swap3A_683, %swap3A_684], %get3A_681 {strides = array<i32>} : memref<3x112xi32, #tpu.memory_space<vmem>>, vector<16xi32>,
      %get3A_686 = arith.constant 0 : i32
      %get3A_687 = arith.index_cast %get3A_686 : i32 to index
      %get3A_688 = arith.constant 16 : index
      %get3A_689 = tpu.vector_load %arg14[%get3A_687, %get3A_688] {strides = array<i32>} : memref<3x112xf32, #tpu.memory_space<vmem>>, vector<16xf32>,
      %get3A_690 = arith.constant 0 : i32
      %get3A_691 = arith.index_cast %get3A_690 : i32 to index
      %get3A_692 = arith.constant 16 : index
      %get3A_693 = tpu.vector_load %arg15[%get3A_691, %get3A_692] {strides = array<i32>} : memref<3x112xf32, #tpu.memory_space<vmem>>, vector<16xf32>,
      %add3A_694 = arith.addf %get3A_689, %get3A_693 : vector<16xf32>
      %ge3A_695 = arith.constant 0.000000e+00 : f32
      %ge3A_696 = vector.broadcast %ge3A_695 : f32 to vector<16xf32>
      %ge3A_697 = arith.cmpf oge, %add3A_694, %ge3A_696 : vector<16xf32>
      %mul3A_698 = arith.constant 2.000000e-01 : f32
      %mul3A_699 = vector.broadcast %mul3A_698 : f32 to vector<16xf32>
      %mul3A_700 = arith.mulf %mul3A_699, %add3A_694 : vector<16xf32>
      %select_n3A_701 = arith.select %ge3A_697, %add3A_694, %mul3A_700 : vector<16xi1>, vector<16xf32>
      %sub3A_702 = arith.subf %select_n3A_701, %get3A_5 : vector<16xf32>
      %exp3A_703 = math.exp %sub3A_702 : vector<16xf32>
      %add3A_704 = arith.constant 16 : i32
      %add3A_705 = arith.addi %add3A_625, %add3A_704 : i32
      %broadcast_in_dim3A_706 = vector.broadcast %add3A_705 : i32 to vector<16xi32>
      %iota3A_707 = tpu.iota {dimensions = array<i32: 0>} : vector<16xi32>
      %add3A_708 = arith.addi %broadcast_in_dim3A_706, %iota3A_707 : vector<16xi32>
      %lt3A_709 = arith.constant 330000 : i32
      %lt3A_710 = vector.broadcast %lt3A_709 : i32 to vector<16xi32>
      %lt3A_711 = arith.cmpi slt, %add3A_708, %lt3A_710 : vector<16xi32>
      %jit3A_712 = arith.constant 0.000000e+00 : f32
      %broadcast_in_dim3A_713 = vector.broadcast %jit3A_712 : f32 to vector<16xf32>
      %select_n3A_714 = arith.select %lt3A_711, %exp3A_703, %broadcast_in_dim3A_713 : vector<16xi1>, vector<16xf32>
      %swap3A_715 = arith.constant 0 : i32
      %swap3A_716 = arith.index_cast %swap3A_715 : i32 to index
      %swap3A_717 = arith.constant 16 : index
      %swap3A_718 = tpu.vector_load %arg16[%swap3A_716, %swap3A_717] {strides = array<i32>} : memref<3x112xf32, #tpu.memory_space<vmem>>, vector<16xf32>,
      tpu.vector_store %arg16[%swap3A_716, %swap3A_717], %select_n3A_714 {strides = array<i32>} : memref<3x112xf32, #tpu.memory_space<vmem>>, vector<16xf32>,
      %get3A_719 = arith.constant 0 : i32
      %get3A_720 = arith.index_cast %get3A_719 : i32 to index
      %get3A_721 = arith.constant 16 : index
      %get3A_722 = tpu.vector_load %arg11[%get3A_720, %get3A_721] {strides = array<i32>} : memref<3x112xi32, #tpu.memory_space<vmem>>, vector<16xi32>,
      %swap3A_723 = arith.constant 0 : i32
      %swap3A_724 = arith.index_cast %swap3A_723 : i32 to index
      %swap3A_725 = arith.constant 16 : index
      %swap3A_726 = tpu.vector_load %arg13[%swap3A_724, %swap3A_725] {strides = array<i32>} : memref<3x112xi32, #tpu.memory_space<vmem>>, vector<16xi32>,
      tpu.vector_store %arg13[%swap3A_724, %swap3A_725], %get3A_722 {strides = array<i32>} : memref<3x112xi32, #tpu.memory_space<vmem>>, vector<16xi32>,
      %get3A_727 = arith.constant 0 : i32
      %get3A_728 = arith.index_cast %get3A_727 : i32 to index
      %get3A_729 = arith.constant 32 : index
      %get3A_730 = tpu.vector_load %arg14[%get3A_728, %get3A_729] {strides = array<i32>} : memref<3x112xf32, #tpu.memory_space<vmem>>, vector<16xf32>,
      %get3A_731 = arith.constant 0 : i32
      %get3A_732 = arith.index_cast %get3A_731 : i32 to index
      %get3A_733 = arith.constant 32 : index
      %get3A_734 = tpu.vector_load %arg15[%get3A_732, %get3A_733] {strides = array<i32>} : memref<3x112xf32, #tpu.memory_space<vmem>>, vector<16xf32>,
      %add3A_735 = arith.addf %get3A_730, %get3A_734 : vector<16xf32>
      %ge3A_736 = arith.constant 0.000000e+00 : f32
      %ge3A_737 = vector.broadcast %ge3A_736 : f32 to vector<16xf32>
      %ge3A_738 = arith.cmpf oge, %add3A_735, %ge3A_737 : vector<16xf32>
      %mul3A_739 = arith.constant 2.000000e-01 : f32
      %mul3A_740 = vector.broadcast %mul3A_739 : f32 to vector<16xf32>
      %mul3A_741 = arith.mulf %mul3A_740, %add3A_735 : vector<16xf32>
      %select_n3A_742 = arith.select %ge3A_738, %add3A_735, %mul3A_741 : vector<16xi1>, vector<16xf32>
      %sub3A_743 = arith.subf %select_n3A_742, %get3A_5 : vector<16xf32>
      %exp3A_744 = math.exp %sub3A_743 : vector<16xf32>
      %add3A_745 = arith.constant 32 : i32
      %add3A_746 = arith.addi %add3A_625, %add3A_745 : i32
      %broadcast_in_dim3A_747 = vector.broadcast %add3A_746 : i32 to vector<16xi32>
      %iota3A_748 = tpu.iota {dimensions = array<i32: 0>} : vector<16xi32>
      %add3A_749 = arith.addi %broadcast_in_dim3A_747, %iota3A_748 : vector<16xi32>
      %lt3A_750 = arith.constant 330000 : i32
      %lt3A_751 = vector.broadcast %lt3A_750 : i32 to vector<16xi32>
      %lt3A_752 = arith.cmpi slt, %add3A_749, %lt3A_751 : vector<16xi32>
      %jit3A_753 = arith.constant 0.000000e+00 : f32
      %broadcast_in_dim3A_754 = vector.broadcast %jit3A_753 : f32 to vector<16xf32>
      %select_n3A_755 = arith.select %lt3A_752, %exp3A_744, %broadcast_in_dim3A_754 : vector<16xi1>, vector<16xf32>
      %swap3A_756 = arith.constant 0 : i32
      %swap3A_757 = arith.index_cast %swap3A_756 : i32 to index
      %swap3A_758 = arith.constant 32 : index
      %swap3A_759 = tpu.vector_load %arg16[%swap3A_757, %swap3A_758] {strides = array<i32>} : memref<3x112xf32, #tpu.memory_space<vmem>>, vector<16xf32>,
      tpu.vector_store %arg16[%swap3A_757, %swap3A_758], %select_n3A_755 {strides = array<i32>} : memref<3x112xf32, #tpu.memory_space<vmem>>, vector<16xf32>,
      %get3A_760 = arith.constant 0 : i32
      %get3A_761 = arith.index_cast %get3A_760 : i32 to index
      %get3A_762 = arith.constant 32 : index
      %get3A_763 = tpu.vector_load %arg11[%get3A_761, %get3A_762] {strides = array<i32>} : memref<3x112xi32, #tpu.memory_space<vmem>>, vector<16xi32>,
      %swap3A_764 = arith.constant 0 : i32
      %swap3A_765 = arith.index_cast %swap3A_764 : i32 to index
      %swap3A_766 = arith.constant 32 : index
      %swap3A_767 = tpu.vector_load %arg13[%swap3A_765, %swap3A_766] {strides = array<i32>} : memref<3x112xi32, #tpu.memory_space<vmem>>, vector<16xi32>,
      tpu.vector_store %arg13[%swap3A_765, %swap3A_766], %get3A_763 {strides = array<i32>} : memref<3x112xi32, #tpu.memory_space<vmem>>, vector<16xi32>,
      %get3A_768 = arith.constant 0 : i32
      %get3A_769 = arith.index_cast %get3A_768 : i32 to index
      %get3A_770 = arith.constant 48 : index
      %get3A_771 = tpu.vector_load %arg14[%get3A_769, %get3A_770] {strides = array<i32>} : memref<3x112xf32, #tpu.memory_space<vmem>>, vector<16xf32>,
      %get3A_772 = arith.constant 0 : i32
      %get3A_773 = arith.index_cast %get3A_772 : i32 to index
      %get3A_774 = arith.constant 48 : index
      %get3A_775 = tpu.vector_load %arg15[%get3A_773, %get3A_774] {strides = array<i32>} : memref<3x112xf32, #tpu.memory_space<vmem>>, vector<16xf32>,
      %add3A_776 = arith.addf %get3A_771, %get3A_775 : vector<16xf32>
      %ge3A_777 = arith.constant 0.000000e+00 : f32
      %ge3A_778 = vector.broadcast %ge3A_777 : f32 to vector<16xf32>
      %ge3A_779 = arith.cmpf oge, %add3A_776, %ge3A_778 : vector<16xf32>
      %mul3A_780 = arith.constant 2.000000e-01 : f32
      %mul3A_781 = vector.broadcast %mul3A_780 : f32 to vector<16xf32>
      %mul3A_782 = arith.mulf %mul3A_781, %add3A_776 : vector<16xf32>
      %select_n3A_783 = arith.select %ge3A_779, %add3A_776, %mul3A_782 : vector<16xi1>, vector<16xf32>
      %sub3A_784 = arith.subf %select_n3A_783, %get3A_5 : vector<16xf32>
      %exp3A_785 = math.exp %sub3A_784 : vector<16xf32>
      %add3A_786 = arith.constant 48 : i32
      %add3A_787 = arith.addi %add3A_625, %add3A_786 : i32
      %broadcast_in_dim3A_788 = vector.broadcast %add3A_787 : i32 to vector<16xi32>
      %iota3A_789 = tpu.iota {dimensions = array<i32: 0>} : vector<16xi32>
      %add3A_790 = arith.addi %broadcast_in_dim3A_788, %iota3A_789 : vector<16xi32>
      %lt3A_791 = arith.constant 330000 : i32
      %lt3A_792 = vector.broadcast %lt3A_791 : i32 to vector<16xi32>
      %lt3A_793 = arith.cmpi slt, %add3A_790, %lt3A_792 : vector<16xi32>
      %jit3A_794 = arith.constant 0.000000e+00 : f32
      %broadcast_in_dim3A_795 = vector.broadcast %jit3A_794 : f32 to vector<16xf32>
      %select_n3A_796 = arith.select %lt3A_793, %exp3A_785, %broadcast_in_dim3A_795 : vector<16xi1>, vector<16xf32>
      %swap3A_797 = arith.constant 0 : i32
      %swap3A_798 = arith.index_cast %swap3A_797 : i32 to index
      %swap3A_799 = arith.constant 48 : index
      %swap3A_800 = tpu.vector_load %arg16[%swap3A_798, %swap3A_799] {strides = array<i32>} : memref<3x112xf32, #tpu.memory_space<vmem>>, vector<16xf32>,
      tpu.vector_store %arg16[%swap3A_798, %swap3A_799], %select_n3A_796 {strides = array<i32>} : memref<3x112xf32, #tpu.memory_space<vmem>>, vector<16xf32>,
      %get3A_801 = arith.constant 0 : i32
      %get3A_802 = arith.index_cast %get3A_801 : i32 to index
      %get3A_803 = arith.constant 48 : index
      %get3A_804 = tpu.vector_load %arg11[%get3A_802, %get3A_803] {strides = array<i32>} : memref<3x112xi32, #tpu.memory_space<vmem>>, vector<16xi32>,
      %swap3A_805 = arith.constant 0 : i32
      %swap3A_806 = arith.index_cast %swap3A_805 : i32 to index
      %swap3A_807 = arith.constant 48 : index
      %swap3A_808 = tpu.vector_load %arg13[%swap3A_806, %swap3A_807] {strides = array<i32>} : memref<3x112xi32, #tpu.memory_space<vmem>>, vector<16xi32>,
      tpu.vector_store %arg13[%swap3A_806, %swap3A_807], %get3A_804 {strides = array<i32>} : memref<3x112xi32, #tpu.memory_space<vmem>>, vector<16xi32>,
      %get3A_809 = arith.constant 0 : i32
      %get3A_810 = arith.index_cast %get3A_809 : i32 to index
      %get3A_811 = arith.constant 64 : index
      %get3A_812 = tpu.vector_load %arg14[%get3A_810, %get3A_811] {strides = array<i32>} : memref<3x112xf32, #tpu.memory_space<vmem>>, vector<16xf32>,
      %get3A_813 = arith.constant 0 : i32
      %get3A_814 = arith.index_cast %get3A_813 : i32 to index
      %get3A_815 = arith.constant 64 : index
      %get3A_816 = tpu.vector_load %arg15[%get3A_814, %get3A_815] {strides = array<i32>} : memref<3x112xf32, #tpu.memory_space<vmem>>, vector<16xf32>,
      %add3A_817 = arith.addf %get3A_812, %get3A_816 : vector<16xf32>
      %ge3A_818 = arith.constant 0.000000e+00 : f32
      %ge3A_819 = vector.broadcast %ge3A_818 : f32 to vector<16xf32>
      %ge3A_820 = arith.cmpf oge, %add3A_817, %ge3A_819 : vector<16xf32>
      %mul3A_821 = arith.constant 2.000000e-01 : f32
      %mul3A_822 = vector.broadcast %mul3A_821 : f32 to vector<16xf32>
      %mul3A_823 = arith.mulf %mul3A_822, %add3A_817 : vector<16xf32>
      %select_n3A_824 = arith.select %ge3A_820, %add3A_817, %mul3A_823 : vector<16xi1>, vector<16xf32>
      %sub3A_825 = arith.subf %select_n3A_824, %get3A_5 : vector<16xf32>
      %exp3A_826 = math.exp %sub3A_825 : vector<16xf32>
      %add3A_827 = arith.constant 64 : i32
      %add3A_828 = arith.addi %add3A_625, %add3A_827 : i32
      %broadcast_in_dim3A_829 = vector.broadcast %add3A_828 : i32 to vector<16xi32>
      %iota3A_830 = tpu.iota {dimensions = array<i32: 0>} : vector<16xi32>
      %add3A_831 = arith.addi %broadcast_in_dim3A_829, %iota3A_830 : vector<16xi32>
      %lt3A_832 = arith.constant 330000 : i32
      %lt3A_833 = vector.broadcast %lt3A_832 : i32 to vector<16xi32>
      %lt3A_834 = arith.cmpi slt, %add3A_831, %lt3A_833 : vector<16xi32>
      %jit3A_835 = arith.constant 0.000000e+00 : f32
      %broadcast_in_dim3A_836 = vector.broadcast %jit3A_835 : f32 to vector<16xf32>
      %select_n3A_837 = arith.select %lt3A_834, %exp3A_826, %broadcast_in_dim3A_836 : vector<16xi1>, vector<16xf32>
      %swap3A_838 = arith.constant 0 : i32
      %swap3A_839 = arith.index_cast %swap3A_838 : i32 to index
      %swap3A_840 = arith.constant 64 : index
      %swap3A_841 = tpu.vector_load %arg16[%swap3A_839, %swap3A_840] {strides = array<i32>} : memref<3x112xf32, #tpu.memory_space<vmem>>, vector<16xf32>,
      tpu.vector_store %arg16[%swap3A_839, %swap3A_840], %select_n3A_837 {strides = array<i32>} : memref<3x112xf32, #tpu.memory_space<vmem>>, vector<16xf32>,
      %get3A_842 = arith.constant 0 : i32
      %get3A_843 = arith.index_cast %get3A_842 : i32 to index
      %get3A_844 = arith.constant 64 : index
      %get3A_845 = tpu.vector_load %arg11[%get3A_843, %get3A_844] {strides = array<i32>} : memref<3x112xi32, #tpu.memory_space<vmem>>, vector<16xi32>,
      %swap3A_846 = arith.constant 0 : i32
      %swap3A_847 = arith.index_cast %swap3A_846 : i32 to index
      %swap3A_848 = arith.constant 64 : index
      %swap3A_849 = tpu.vector_load %arg13[%swap3A_847, %swap3A_848] {strides = array<i32>} : memref<3x112xi32, #tpu.memory_space<vmem>>, vector<16xi32>,
      tpu.vector_store %arg13[%swap3A_847, %swap3A_848], %get3A_845 {strides = array<i32>} : memref<3x112xi32, #tpu.memory_space<vmem>>, vector<16xi32>,
      %get3A_850 = arith.constant 0 : i32
      %get3A_851 = arith.index_cast %get3A_850 : i32 to index
      %get3A_852 = arith.constant 80 : index
      %get3A_853 = tpu.vector_load %arg14[%get3A_851, %get3A_852] {strides = array<i32>} : memref<3x112xf32, #tpu.memory_space<vmem>>, vector<16xf32>,
      %get3A_854 = arith.constant 0 : i32
      %get3A_855 = arith.index_cast %get3A_854 : i32 to index
      %get3A_856 = arith.constant 80 : index
      %get3A_857 = tpu.vector_load %arg15[%get3A_855, %get3A_856] {strides = array<i32>} : memref<3x112xf32, #tpu.memory_space<vmem>>, vector<16xf32>,
      %add3A_858 = arith.addf %get3A_853, %get3A_857 : vector<16xf32>
      %ge3A_859 = arith.constant 0.000000e+00 : f32
      %ge3A_860 = vector.broadcast %ge3A_859 : f32 to vector<16xf32>
      %ge3A_861 = arith.cmpf oge, %add3A_858, %ge3A_860 : vector<16xf32>
      %mul3A_862 = arith.constant 2.000000e-01 : f32
      %mul3A_863 = vector.broadcast %mul3A_862 : f32 to vector<16xf32>
      %mul3A_864 = arith.mulf %mul3A_863, %add3A_858 : vector<16xf32>
      %select_n3A_865 = arith.select %ge3A_861, %add3A_858, %mul3A_864 : vector<16xi1>, vector<16xf32>
      %sub3A_866 = arith.subf %select_n3A_865, %get3A_5 : vector<16xf32>
      %exp3A_867 = math.exp %sub3A_866 : vector<16xf32>
      %add3A_868 = arith.constant 80 : i32
      %add3A_869 = arith.addi %add3A_625, %add3A_868 : i32
      %broadcast_in_dim3A_870 = vector.broadcast %add3A_869 : i32 to vector<16xi32>
      %iota3A_871 = tpu.iota {dimensions = array<i32: 0>} : vector<16xi32>
      %add3A_872 = arith.addi %broadcast_in_dim3A_870, %iota3A_871 : vector<16xi32>
      %lt3A_873 = arith.constant 330000 : i32
      %lt3A_874 = vector.broadcast %lt3A_873 : i32 to vector<16xi32>
      %lt3A_875 = arith.cmpi slt, %add3A_872, %lt3A_874 : vector<16xi32>
      %jit3A_876 = arith.constant 0.000000e+00 : f32
      %broadcast_in_dim3A_877 = vector.broadcast %jit3A_876 : f32 to vector<16xf32>
      %select_n3A_878 = arith.select %lt3A_875, %exp3A_867, %broadcast_in_dim3A_877 : vector<16xi1>, vector<16xf32>
      %swap3A_879 = arith.constant 0 : i32
      %swap3A_880 = arith.index_cast %swap3A_879 : i32 to index
      %swap3A_881 = arith.constant 80 : index
      %swap3A_882 = tpu.vector_load %arg16[%swap3A_880, %swap3A_881] {strides = array<i32>} : memref<3x112xf32, #tpu.memory_space<vmem>>, vector<16xf32>,
      tpu.vector_store %arg16[%swap3A_880, %swap3A_881], %select_n3A_878 {strides = array<i32>} : memref<3x112xf32, #tpu.memory_space<vmem>>, vector<16xf32>,
      %get3A_883 = arith.constant 0 : i32
      %get3A_884 = arith.index_cast %get3A_883 : i32 to index
      %get3A_885 = arith.constant 80 : index
      %get3A_886 = tpu.vector_load %arg11[%get3A_884, %get3A_885] {strides = array<i32>} : memref<3x112xi32, #tpu.memory_space<vmem>>, vector<16xi32>,
      %swap3A_887 = arith.constant 0 : i32
      %swap3A_888 = arith.index_cast %swap3A_887 : i32 to index
      %swap3A_889 = arith.constant 80 : index
      %swap3A_890 = tpu.vector_load %arg13[%swap3A_888, %swap3A_889] {strides = array<i32>} : memref<3x112xi32, #tpu.memory_space<vmem>>, vector<16xi32>,
      tpu.vector_store %arg13[%swap3A_888, %swap3A_889], %get3A_886 {strides = array<i32>} : memref<3x112xi32, #tpu.memory_space<vmem>>, vector<16xi32>,
      %get3A_891 = arith.constant 0 : i32
      %get3A_892 = arith.index_cast %get3A_891 : i32 to index
      %get3A_893 = arith.constant 96 : index
      %get3A_894 = tpu.vector_load %arg14[%get3A_892, %get3A_893] {strides = array<i32>} : memref<3x112xf32, #tpu.memory_space<vmem>>, vector<16xf32>,
      %get3A_895 = arith.constant 0 : i32
      %get3A_896 = arith.index_cast %get3A_895 : i32 to index
      %get3A_897 = arith.constant 96 : index
      %get3A_898 = tpu.vector_load %arg15[%get3A_896, %get3A_897] {strides = array<i32>} : memref<3x112xf32, #tpu.memory_space<vmem>>, vector<16xf32>,
      %add3A_899 = arith.addf %get3A_894, %get3A_898 : vector<16xf32>
      %ge3A_900 = arith.constant 0.000000e+00 : f32
      %ge3A_901 = vector.broadcast %ge3A_900 : f32 to vector<16xf32>
      %ge3A_902 = arith.cmpf oge, %add3A_899, %ge3A_901 : vector<16xf32>
      %mul3A_903 = arith.constant 2.000000e-01 : f32
      %mul3A_904 = vector.broadcast %mul3A_903 : f32 to vector<16xf32>
      %mul3A_905 = arith.mulf %mul3A_904, %add3A_899 : vector<16xf32>
      %select_n3A_906 = arith.select %ge3A_902, %add3A_899, %mul3A_905 : vector<16xi1>, vector<16xf32>
      %sub3A_907 = arith.subf %select_n3A_906, %get3A_5 : vector<16xf32>
      %exp3A_908 = math.exp %sub3A_907 : vector<16xf32>
      %add3A_909 = arith.constant 96 : i32
      %add3A_910 = arith.addi %add3A_625, %add3A_909 : i32
      %broadcast_in_dim3A_911 = vector.broadcast %add3A_910 : i32 to vector<16xi32>
      %iota3A_912 = tpu.iota {dimensions = array<i32: 0>} : vector<16xi32>
      %add3A_913 = arith.addi %broadcast_in_dim3A_911, %iota3A_912 : vector<16xi32>
      %lt3A_914 = arith.constant 330000 : i32
      %lt3A_915 = vector.broadcast %lt3A_914 : i32 to vector<16xi32>
      %lt3A_916 = arith.cmpi slt, %add3A_913, %lt3A_915 : vector<16xi32>
      %jit3A_917 = arith.constant 0.000000e+00 : f32
      %broadcast_in_dim3A_918 = vector.broadcast %jit3A_917 : f32 to vector<16xf32>
      %select_n3A_919 = arith.select %lt3A_916, %exp3A_908, %broadcast_in_dim3A_918 : vector<16xi1>, vector<16xf32>
      %swap3A_920 = arith.constant 0 : i32
      %swap3A_921 = arith.index_cast %swap3A_920 : i32 to index
      %swap3A_922 = arith.constant 96 : index
      %swap3A_923 = tpu.vector_load %arg16[%swap3A_921, %swap3A_922] {strides = array<i32>} : memref<3x112xf32, #tpu.memory_space<vmem>>, vector<16xf32>,
      tpu.vector_store %arg16[%swap3A_921, %swap3A_922], %select_n3A_919 {strides = array<i32>} : memref<3x112xf32, #tpu.memory_space<vmem>>, vector<16xf32>,
      %get3A_924 = arith.constant 0 : i32
      %get3A_925 = arith.index_cast %get3A_924 : i32 to index
      %get3A_926 = arith.constant 96 : index
      %get3A_927 = tpu.vector_load %arg11[%get3A_925, %get3A_926] {strides = array<i32>} : memref<3x112xi32, #tpu.memory_space<vmem>>, vector<16xi32>,
      %swap3A_928 = arith.constant 0 : i32
      %swap3A_929 = arith.index_cast %swap3A_928 : i32 to index
      %swap3A_930 = arith.constant 96 : index
      %swap3A_931 = tpu.vector_load %arg13[%swap3A_929, %swap3A_930] {strides = array<i32>} : memref<3x112xi32, #tpu.memory_space<vmem>>, vector<16xi32>,
      tpu.vector_store %arg13[%swap3A_929, %swap3A_930], %get3A_927 {strides = array<i32>} : memref<3x112xi32, #tpu.memory_space<vmem>>, vector<16xi32>,
      %ge3A_932 = arith.constant 1 : i32
      %ge3A_933 = arith.cmpi sge, %mul3A_622, %ge3A_932 : i32
      %convert_element_type3A = arith.extui %ge3A_933 : i1 to i32
      %cond3A = arith.constant 0 : i32
      %cond3A_934 = arith.cmpi ne, %convert_element_type3A, %cond3A : i32
      scf.if %cond3A_934 {
        %dma_wait3A_1997 = arith.constant 2 : i32
        %dma_wait3A_1998 = arith.constant 2 : i32
        %dma_wait3A_1999 = arith.constant 2 : i32
        %dma_wait3A_2000 = arith.constant 0 : i32
        %dma_wait3A_2001 = arith.constant 0 : i32
        %dma_wait3A_2002 = tpu.memref_slice %arg17[%dma_wait3A_1997, %dma_wait3A_2000, %dma_wait3A_2001] : memref<3x112x128xf32, #tpu.memory_space<vmem>> -> memref<1x112x128xf32, #tpu.memory_space<vmem>>
        %dma_wait3A_2003 = tpu.memref_squeeze %dma_wait3A_2002 : memref<1x112x128xf32, #tpu.memory_space<vmem>> -> memref<112x128xf32, #tpu.memory_space<vmem>>
        %dma_wait3A_2004 = arith.constant 0 : i32
        %dma_wait3A_2005 = tpu.memref_slice %arg13[%dma_wait3A_1998, %dma_wait3A_2004] : memref<3x112xi32, #tpu.memory_space<vmem>> -> memref<1x112xi32, #tpu.memory_space<vmem>>
        %dma_wait3A_2006 = tpu.memref_squeeze %dma_wait3A_2005 : memref<1x112xi32, #tpu.memory_space<vmem>> -> memref<112xi32, #tpu.memory_space<vmem>>
        %dma_wait3A_2007 = arith.constant 0 : i32
        %dma_wait3A_2008 = arith.constant 0 : i32
        %dma_wait3A_2009 = tpu.memref_slice %arg19[%dma_wait3A_2007, %dma_wait3A_2008] : memref<10000x128xf32, #tpu.memory_space<vmem_shared>> -> memref<10000x128xf32, #tpu.memory_space<vmem_shared>>
        %dma_wait3A_2010 = tpu.memref_slice %arg22[%dma_wait3A_1999] : memref<3x!tpu.dma_semaphore, #tpu.memory_space<semaphore_mem>> -> memref<1x!tpu.dma_semaphore, #tpu.memory_space<semaphore_mem>>
        %dma_wait3A_2011 = tpu.memref_squeeze %dma_wait3A_2010 : memref<1x!tpu.dma_semaphore, #tpu.memory_space<semaphore_mem>> -> memref<!tpu.dma_semaphore, #tpu.memory_space<semaphore_mem>>
        tpu.wait_indirect_dma semaphore(%dma_wait3A_2011 : memref<!tpu.dma_semaphore, #tpu.memory_space<semaphore_mem>>) src(%dma_wait3A_2003 : memref<112x128xf32, #tpu.memory_space<vmem>>) dst(%dma_wait3A_2009 : memref<10000x128xf32, #tpu.memory_space<vmem_shared>>)
      } else {
      }
      %dma_start3A_935 = arith.constant 2 : i32
      %dma_start3A_936 = arith.constant 2 : i32
      %dma_start3A_937 = arith.constant 2 : i32
      %dma_start3A_938 = arith.constant 0 : i32
      %dma_start3A_939 = arith.constant 0 : i32
      %dma_start3A_940 = tpu.memref_slice %arg17[%dma_start3A_936, %dma_start3A_938, %dma_start3A_939] : memref<3x112x128xf32, #tpu.memory_space<vmem>> -> memref<1x112x128xf32, #tpu.memory_space<vmem>>
      %dma_start3A_941 = tpu.memref_squeeze %dma_start3A_940 : memref<1x112x128xf32, #tpu.memory_space<vmem>> -> memref<112x128xf32, #tpu.memory_space<vmem>>
      %dma_start3A_942 = arith.constant 0 : i32
      %dma_start3A_943 = tpu.memref_slice %arg12[%dma_start3A_935, %dma_start3A_942] : memref<3x112xi32, #tpu.memory_space<vmem>> -> memref<1x112xi32, #tpu.memory_space<vmem>>
      %dma_start3A_944 = tpu.memref_squeeze %dma_start3A_943 : memref<1x112xi32, #tpu.memory_space<vmem>> -> memref<112xi32, #tpu.memory_space<vmem>>
      %dma_start3A_945 = arith.constant 0 : i32
      %dma_start3A_946 = arith.constant 0 : i32
      %dma_start3A_947 = tpu.memref_slice %arg7[%dma_start3A_945, %dma_start3A_946] : memref<10000x128xf32, #tpu.memory_space<hbm>> -> memref<10000x128xf32, #tpu.memory_space<hbm>>
      %dma_start3A_948 = tpu.memref_slice %arg21[%dma_start3A_937] : memref<3x!tpu.dma_semaphore, #tpu.memory_space<semaphore_mem>> -> memref<1x!tpu.dma_semaphore, #tpu.memory_space<semaphore_mem>>
      %dma_start3A_949 = tpu.memref_squeeze %dma_start3A_948 : memref<1x!tpu.dma_semaphore, #tpu.memory_space<semaphore_mem>> -> memref<!tpu.dma_semaphore, #tpu.memory_space<semaphore_mem>>
      tpu.enqueue_indirect_dma source(%dma_start3A_947 : memref<10000x128xf32, #tpu.memory_space<hbm>>) target(%dma_start3A_941 : memref<112x128xf32, #tpu.memory_space<vmem>>) offsets(%dma_start3A_944 : memref<112xi32, #tpu.memory_space<vmem>>) semaphore(%dma_start3A_949 : memref<!tpu.dma_semaphore, #tpu.memory_space<semaphore_mem>>)
      %dma_wait3A_950 = arith.constant 0 : i32
      %dma_wait3A_951 = arith.constant 0 : i32
      %dma_wait3A_952 = arith.constant 0 : i32
      %dma_wait3A_953 = arith.constant 0 : i32
      %dma_wait3A_954 = arith.constant 0 : i32
      %dma_wait3A_955 = tpu.memref_slice %arg17[%dma_wait3A_951, %dma_wait3A_953, %dma_wait3A_954] : memref<3x112x128xf32, #tpu.memory_space<vmem>> -> memref<1x112x128xf32, #tpu.memory_space<vmem>>
      %dma_wait3A_956 = tpu.memref_squeeze %dma_wait3A_955 : memref<1x112x128xf32, #tpu.memory_space<vmem>> -> memref<112x128xf32, #tpu.memory_space<vmem>>
      %dma_wait3A_957 = arith.constant 0 : i32
      %dma_wait3A_958 = tpu.memref_slice %arg12[%dma_wait3A_950, %dma_wait3A_957] : memref<3x112xi32, #tpu.memory_space<vmem>> -> memref<1x112xi32, #tpu.memory_space<vmem>>
      %dma_wait3A_959 = tpu.memref_squeeze %dma_wait3A_958 : memref<1x112xi32, #tpu.memory_space<vmem>> -> memref<112xi32, #tpu.memory_space<vmem>>
      %dma_wait3A_960 = arith.constant 0 : i32
      %dma_wait3A_961 = arith.constant 0 : i32
      %dma_wait3A_962 = tpu.memref_slice %arg7[%dma_wait3A_960, %dma_wait3A_961] : memref<10000x128xf32, #tpu.memory_space<hbm>> -> memref<10000x128xf32, #tpu.memory_space<hbm>>
      %dma_wait3A_963 = tpu.memref_slice %arg21[%dma_wait3A_952] : memref<3x!tpu.dma_semaphore, #tpu.memory_space<semaphore_mem>> -> memref<1x!tpu.dma_semaphore, #tpu.memory_space<semaphore_mem>>
      %dma_wait3A_964 = tpu.memref_squeeze %dma_wait3A_963 : memref<1x!tpu.dma_semaphore, #tpu.memory_space<semaphore_mem>> -> memref<!tpu.dma_semaphore, #tpu.memory_space<semaphore_mem>>
      tpu.wait_indirect_dma semaphore(%dma_wait3A_964 : memref<!tpu.dma_semaphore, #tpu.memory_space<semaphore_mem>>) src(%dma_wait3A_962 : memref<10000x128xf32, #tpu.memory_space<hbm>>) dst(%dma_wait3A_956 : memref<112x128xf32, #tpu.memory_space<vmem>>)
      %scan3A_965 = arith.constant 0 : i32
      %scan3A_966 = arith.constant 0 : i32
      %scan3A_967 = arith.constant 112 : i32
      %scan3A_968 = arith.addi %scan3A_966, %scan3A_967 : i32
      %scan3A_969 = arith.constant 4 : i32
      %scan3A_970 = scf.for %scan3A_1997 = %scan3A_966 to %scan3A_968 step %scan3A_969 iter_args(%scan3A_1998 = %scan3A_965) -> (i32)  : i32 {
        %broadcast_in_dim3A_1999 = vector.broadcast %scan3A_1997 : i32 to vector<16xi32>
        %gather3A = arith.constant 0 : i32
        %gather3A_2000 = arith.constant 0 : i32
        %gather3A_2001 = tpu.memref_slice %arg16[%gather3A, %gather3A_2000] : memref<3x112xf32, #tpu.memory_space<vmem>> -> memref<1x112xf32, #tpu.memory_space<vmem>>
        %gather3A_2002 = tpu.memref_squeeze %gather3A_2001 : memref<1x112xf32, #tpu.memory_space<vmem>> -> memref<112xf32, #tpu.memory_space<vmem>>
        %gather3A_2003 = tpu.vector_load_idx %gather3A_2002[%broadcast_in_dim3A_1999] : memref<112xf32, #tpu.memory_space<vmem>>[vector<16xi32>], vector<16xf32>,
        %get3A_2004 = arith.constant 0 : i32
        %get3A_2005 = arith.index_cast %get3A_2004 : i32 to index
        %get3A_2006 = arith.index_cast %scan3A_1997 : i32 to index
        %get3A_2007 = arith.constant 0 : index
        %get3A_2008 = tpu.vector_load %arg17[%get3A_2005, %get3A_2006, %get3A_2007] {strides = array<i32>} : memref<3x112x128xf32, #tpu.memory_space<vmem>>, vector<16xf32>,
        %mul3A_2009 = arith.mulf %get3A_2008, %gather3A_2003 : vector<16xf32>
        %swap3A_2010 = arith.constant 0 : i32
        %swap3A_2011 = arith.index_cast %swap3A_2010 : i32 to index
        %swap3A_2012 = arith.index_cast %scan3A_1997 : i32 to index
        %swap3A_2013 = arith.constant 0 : index
        %swap3A_2014 = tpu.vector_load %arg17[%swap3A_2011, %swap3A_2012, %swap3A_2013] {strides = array<i32>} : memref<3x112x128xf32, #tpu.memory_space<vmem>>, vector<16xf32>,
        tpu.vector_store %arg17[%swap3A_2011, %swap3A_2012, %swap3A_2013], %mul3A_2009 {strides = array<i32>} : memref<3x112x128xf32, #tpu.memory_space<vmem>>, vector<16xf32>,
        %get3A_2015 = arith.constant 0 : i32
        %get3A_2016 = arith.index_cast %get3A_2015 : i32 to index
        %get3A_2017 = arith.index_cast %scan3A_1997 : i32 to index
        %get3A_2018 = arith.constant 16 : index
        %get3A_2019 = tpu.vector_load %arg17[%get3A_2016, %get3A_2017, %get3A_2018] {strides = array<i32>} : memref<3x112x128xf32, #tpu.memory_space<vmem>>, vector<16xf32>,
        %mul3A_2020 = arith.mulf %get3A_2019, %gather3A_2003 : vector<16xf32>
        %swap3A_2021 = arith.constant 0 : i32
        %swap3A_2022 = arith.index_cast %swap3A_2021 : i32 to index
        %swap3A_2023 = arith.index_cast %scan3A_1997 : i32 to index
        %swap3A_2024 = arith.constant 16 : index
        %swap3A_2025 = tpu.vector_load %arg17[%swap3A_2022, %swap3A_2023, %swap3A_2024] {strides = array<i32>} : memref<3x112x128xf32, #tpu.memory_space<vmem>>, vector<16xf32>,
        tpu.vector_store %arg17[%swap3A_2022, %swap3A_2023, %swap3A_2024], %mul3A_2020 {strides = array<i32>} : memref<3x112x128xf32, #tpu.memory_space<vmem>>, vector<16xf32>,
        %get3A_2026 = arith.constant 0 : i32
        %get3A_2027 = arith.index_cast %get3A_2026 : i32 to index
        %get3A_2028 = arith.index_cast %scan3A_1997 : i32 to index
        %get3A_2029 = arith.constant 32 : index
        %get3A_2030 = tpu.vector_load %arg17[%get3A_2027, %get3A_2028, %get3A_2029] {strides = array<i32>} : memref<3x112x128xf32, #tpu.memory_space<vmem>>, vector<16xf32>,
        %mul3A_2031 = arith.mulf %get3A_2030, %gather3A_2003 : vector<16xf32>
        %swap3A_2032 = arith.constant 0 : i32
        %swap3A_2033 = arith.index_cast %swap3A_2032 : i32 to index
        %swap3A_2034 = arith.index_cast %scan3A_1997 : i32 to index
        %swap3A_2035 = arith.constant 32 : index
        %swap3A_2036 = tpu.vector_load %arg17[%swap3A_2033, %swap3A_2034, %swap3A_2035] {strides = array<i32>} : memref<3x112x128xf32, #tpu.memory_space<vmem>>, vector<16xf32>,
        tpu.vector_store %arg17[%swap3A_2033, %swap3A_2034, %swap3A_2035], %mul3A_2031 {strides = array<i32>} : memref<3x112x128xf32, #tpu.memory_space<vmem>>, vector<16xf32>,
        %get3A_2037 = arith.constant 0 : i32
        %get3A_2038 = arith.index_cast %get3A_2037 : i32 to index
        %get3A_2039 = arith.index_cast %scan3A_1997 : i32 to index
        %get3A_2040 = arith.constant 48 : index
        %get3A_2041 = tpu.vector_load %arg17[%get3A_2038, %get3A_2039, %get3A_2040] {strides = array<i32>} : memref<3x112x128xf32, #tpu.memory_space<vmem>>, vector<16xf32>,
        %mul3A_2042 = arith.mulf %get3A_2041, %gather3A_2003 : vector<16xf32>
        %swap3A_2043 = arith.constant 0 : i32
        %swap3A_2044 = arith.index_cast %swap3A_2043 : i32 to index
        %swap3A_2045 = arith.index_cast %scan3A_1997 : i32 to index
        %swap3A_2046 = arith.constant 48 : index
        %swap3A_2047 = tpu.vector_load %arg17[%swap3A_2044, %swap3A_2045, %swap3A_2046] {strides = array<i32>} : memref<3x112x128xf32, #tpu.memory_space<vmem>>, vector<16xf32>,
        tpu.vector_store %arg17[%swap3A_2044, %swap3A_2045, %swap3A_2046], %mul3A_2042 {strides = array<i32>} : memref<3x112x128xf32, #tpu.memory_space<vmem>>, vector<16xf32>,
        %get3A_2048 = arith.constant 0 : i32
        %get3A_2049 = arith.index_cast %get3A_2048 : i32 to index
        %get3A_2050 = arith.index_cast %scan3A_1997 : i32 to index
        %get3A_2051 = arith.constant 64 : index
        %get3A_2052 = tpu.vector_load %arg17[%get3A_2049, %get3A_2050, %get3A_2051] {strides = array<i32>} : memref<3x112x128xf32, #tpu.memory_space<vmem>>, vector<16xf32>,
        %mul3A_2053 = arith.mulf %get3A_2052, %gather3A_2003 : vector<16xf32>
        %swap3A_2054 = arith.constant 0 : i32
        %swap3A_2055 = arith.index_cast %swap3A_2054 : i32 to index
        %swap3A_2056 = arith.index_cast %scan3A_1997 : i32 to index
        %swap3A_2057 = arith.constant 64 : index
        %swap3A_2058 = tpu.vector_load %arg17[%swap3A_2055, %swap3A_2056, %swap3A_2057] {strides = array<i32>} : memref<3x112x128xf32, #tpu.memory_space<vmem>>, vector<16xf32>,
        tpu.vector_store %arg17[%swap3A_2055, %swap3A_2056, %swap3A_2057], %mul3A_2053 {strides = array<i32>} : memref<3x112x128xf32, #tpu.memory_space<vmem>>, vector<16xf32>,
        %get3A_2059 = arith.constant 0 : i32
        %get3A_2060 = arith.index_cast %get3A_2059 : i32 to index
        %get3A_2061 = arith.index_cast %scan3A_1997 : i32 to index
        %get3A_2062 = arith.constant 80 : index
        %get3A_2063 = tpu.vector_load %arg17[%get3A_2060, %get3A_2061, %get3A_2062] {strides = array<i32>} : memref<3x112x128xf32, #tpu.memory_space<vmem>>, vector<16xf32>,
        %mul3A_2064 = arith.mulf %get3A_2063, %gather3A_2003 : vector<16xf32>
        %swap3A_2065 = arith.constant 0 : i32
        %swap3A_2066 = arith.index_cast %swap3A_2065 : i32 to index
        %swap3A_2067 = arith.index_cast %scan3A_1997 : i32 to index
        %swap3A_2068 = arith.constant 80 : index
        %swap3A_2069 = tpu.vector_load %arg17[%swap3A_2066, %swap3A_2067, %swap3A_2068] {strides = array<i32>} : memref<3x112x128xf32, #tpu.memory_space<vmem>>, vector<16xf32>,
        tpu.vector_store %arg17[%swap3A_2066, %swap3A_2067, %swap3A_2068], %mul3A_2064 {strides = array<i32>} : memref<3x112x128xf32, #tpu.memory_space<vmem>>, vector<16xf32>,
        %get3A_2070 = arith.constant 0 : i32
        %get3A_2071 = arith.index_cast %get3A_2070 : i32 to index
        %get3A_2072 = arith.index_cast %scan3A_1997 : i32 to index
        %get3A_2073 = arith.constant 96 : index
        %get3A_2074 = tpu.vector_load %arg17[%get3A_2071, %get3A_2072, %get3A_2073] {strides = array<i32>} : memref<3x112x128xf32, #tpu.memory_space<vmem>>, vector<16xf32>,
        %mul3A_2075 = arith.mulf %get3A_2074, %gather3A_2003 : vector<16xf32>
        %swap3A_2076 = arith.constant 0 : i32
        %swap3A_2077 = arith.index_cast %swap3A_2076 : i32 to index
        %swap3A_2078 = arith.index_cast %scan3A_1997 : i32 to index
        %swap3A_2079 = arith.constant 96 : index
        %swap3A_2080 = tpu.vector_load %arg17[%swap3A_2077, %swap3A_2078, %swap3A_2079] {strides = array<i32>} : memref<3x112x128xf32, #tpu.memory_space<vmem>>, vector<16xf32>,
        tpu.vector_store %arg17[%swap3A_2077, %swap3A_2078, %swap3A_2079], %mul3A_2075 {strides = array<i32>} : memref<3x112x128xf32, #tpu.memory_space<vmem>>, vector<16xf32>,
        %get3A_2081 = arith.constant 0 : i32
        %get3A_2082 = arith.index_cast %get3A_2081 : i32 to index
        %get3A_2083 = arith.index_cast %scan3A_1997 : i32 to index
        %get3A_2084 = arith.constant 112 : index
        %get3A_2085 = tpu.vector_load %arg17[%get3A_2082, %get3A_2083, %get3A_2084] {strides = array<i32>} : memref<3x112x128xf32, #tpu.memory_space<vmem>>, vector<16xf32>,
        %mul3A_2086 = arith.mulf %get3A_2085, %gather3A_2003 : vector<16xf32>
        %swap3A_2087 = arith.constant 0 : i32
        %swap3A_2088 = arith.index_cast %swap3A_2087 : i32 to index
        %swap3A_2089 = arith.index_cast %scan3A_1997 : i32 to index
        %swap3A_2090 = arith.constant 112 : index
        %swap3A_2091 = tpu.vector_load %arg17[%swap3A_2088, %swap3A_2089, %swap3A_2090] {strides = array<i32>} : memref<3x112x128xf32, #tpu.memory_space<vmem>>, vector<16xf32>,
        tpu.vector_store %arg17[%swap3A_2088, %swap3A_2089, %swap3A_2090], %mul3A_2086 {strides = array<i32>} : memref<3x112x128xf32, #tpu.memory_space<vmem>>, vector<16xf32>,
        %scan3A_2092 = arith.constant 0 : i32
        %scan3A_2093 = arith.constant 1 : i32
        %scan3A_2094 = arith.addi %scan3A_1997, %scan3A_2093 : i32
        %broadcast_in_dim3A_2095 = vector.broadcast %scan3A_2094 : i32 to vector<16xi32>
        %gather3A_2096 = arith.constant 0 : i32
        %gather3A_2097 = arith.constant 0 : i32
        %gather3A_2098 = tpu.memref_slice %arg16[%gather3A_2096, %gather3A_2097] : memref<3x112xf32, #tpu.memory_space<vmem>> -> memref<1x112xf32, #tpu.memory_space<vmem>>
        %gather3A_2099 = tpu.memref_squeeze %gather3A_2098 : memref<1x112xf32, #tpu.memory_space<vmem>> -> memref<112xf32, #tpu.memory_space<vmem>>
        %gather3A_2100 = tpu.vector_load_idx %gather3A_2099[%broadcast_in_dim3A_2095] : memref<112xf32, #tpu.memory_space<vmem>>[vector<16xi32>], vector<16xf32>,
        %get3A_2101 = arith.constant 0 : i32
        %get3A_2102 = arith.index_cast %get3A_2101 : i32 to index
        %get3A_2103 = arith.index_cast %scan3A_2094 : i32 to index
        %get3A_2104 = arith.constant 0 : index
        %get3A_2105 = tpu.vector_load %arg17[%get3A_2102, %get3A_2103, %get3A_2104] {strides = array<i32>} : memref<3x112x128xf32, #tpu.memory_space<vmem>>, vector<16xf32>,
        %mul3A_2106 = arith.mulf %get3A_2105, %gather3A_2100 : vector<16xf32>
        %swap3A_2107 = arith.constant 0 : i32
        %swap3A_2108 = arith.index_cast %swap3A_2107 : i32 to index
        %swap3A_2109 = arith.index_cast %scan3A_2094 : i32 to index
        %swap3A_2110 = arith.constant 0 : index
        %swap3A_2111 = tpu.vector_load %arg17[%swap3A_2108, %swap3A_2109, %swap3A_2110] {strides = array<i32>} : memref<3x112x128xf32, #tpu.memory_space<vmem>>, vector<16xf32>,
        tpu.vector_store %arg17[%swap3A_2108, %swap3A_2109, %swap3A_2110], %mul3A_2106 {strides = array<i32>} : memref<3x112x128xf32, #tpu.memory_space<vmem>>, vector<16xf32>,
        %get3A_2112 = arith.constant 0 : i32
        %get3A_2113 = arith.index_cast %get3A_2112 : i32 to index
        %get3A_2114 = arith.index_cast %scan3A_2094 : i32 to index
        %get3A_2115 = arith.constant 16 : index
        %get3A_2116 = tpu.vector_load %arg17[%get3A_2113, %get3A_2114, %get3A_2115] {strides = array<i32>} : memref<3x112x128xf32, #tpu.memory_space<vmem>>, vector<16xf32>,
        %mul3A_2117 = arith.mulf %get3A_2116, %gather3A_2100 : vector<16xf32>
        %swap3A_2118 = arith.constant 0 : i32
        %swap3A_2119 = arith.index_cast %swap3A_2118 : i32 to index
        %swap3A_2120 = arith.index_cast %scan3A_2094 : i32 to index
        %swap3A_2121 = arith.constant 16 : index
        %swap3A_2122 = tpu.vector_load %arg17[%swap3A_2119, %swap3A_2120, %swap3A_2121] {strides = array<i32>} : memref<3x112x128xf32, #tpu.memory_space<vmem>>, vector<16xf32>,
        tpu.vector_store %arg17[%swap3A_2119, %swap3A_2120, %swap3A_2121], %mul3A_2117 {strides = array<i32>} : memref<3x112x128xf32, #tpu.memory_space<vmem>>, vector<16xf32>,
        %get3A_2123 = arith.constant 0 : i32
        %get3A_2124 = arith.index_cast %get3A_2123 : i32 to index
        %get3A_2125 = arith.index_cast %scan3A_2094 : i32 to index
        %get3A_2126 = arith.constant 32 : index
        %get3A_2127 = tpu.vector_load %arg17[%get3A_2124, %get3A_2125, %get3A_2126] {strides = array<i32>} : memref<3x112x128xf32, #tpu.memory_space<vmem>>, vector<16xf32>,
        %mul3A_2128 = arith.mulf %get3A_2127, %gather3A_2100 : vector<16xf32>
        %swap3A_2129 = arith.constant 0 : i32
        %swap3A_2130 = arith.index_cast %swap3A_2129 : i32 to index
        %swap3A_2131 = arith.index_cast %scan3A_2094 : i32 to index
        %swap3A_2132 = arith.constant 32 : index
        %swap3A_2133 = tpu.vector_load %arg17[%swap3A_2130, %swap3A_2131, %swap3A_2132] {strides = array<i32>} : memref<3x112x128xf32, #tpu.memory_space<vmem>>, vector<16xf32>,
        tpu.vector_store %arg17[%swap3A_2130, %swap3A_2131, %swap3A_2132], %mul3A_2128 {strides = array<i32>} : memref<3x112x128xf32, #tpu.memory_space<vmem>>, vector<16xf32>,
        %get3A_2134 = arith.constant 0 : i32
        %get3A_2135 = arith.index_cast %get3A_2134 : i32 to index
        %get3A_2136 = arith.index_cast %scan3A_2094 : i32 to index
        %get3A_2137 = arith.constant 48 : index
        %get3A_2138 = tpu.vector_load %arg17[%get3A_2135, %get3A_2136, %get3A_2137] {strides = array<i32>} : memref<3x112x128xf32, #tpu.memory_space<vmem>>, vector<16xf32>,
        %mul3A_2139 = arith.mulf %get3A_2138, %gather3A_2100 : vector<16xf32>
        %swap3A_2140 = arith.constant 0 : i32
        %swap3A_2141 = arith.index_cast %swap3A_2140 : i32 to index
        %swap3A_2142 = arith.index_cast %scan3A_2094 : i32 to index
        %swap3A_2143 = arith.constant 48 : index
        %swap3A_2144 = tpu.vector_load %arg17[%swap3A_2141, %swap3A_2142, %swap3A_2143] {strides = array<i32>} : memref<3x112x128xf32, #tpu.memory_space<vmem>>, vector<16xf32>,
        tpu.vector_store %arg17[%swap3A_2141, %swap3A_2142, %swap3A_2143], %mul3A_2139 {strides = array<i32>} : memref<3x112x128xf32, #tpu.memory_space<vmem>>, vector<16xf32>,
        %get3A_2145 = arith.constant 0 : i32
        %get3A_2146 = arith.index_cast %get3A_2145 : i32 to index
        %get3A_2147 = arith.index_cast %scan3A_2094 : i32 to index
        %get3A_2148 = arith.constant 64 : index
        %get3A_2149 = tpu.vector_load %arg17[%get3A_2146, %get3A_2147, %get3A_2148] {strides = array<i32>} : memref<3x112x128xf32, #tpu.memory_space<vmem>>, vector<16xf32>,
        %mul3A_2150 = arith.mulf %get3A_2149, %gather3A_2100 : vector<16xf32>
        %swap3A_2151 = arith.constant 0 : i32
        %swap3A_2152 = arith.index_cast %swap3A_2151 : i32 to index
        %swap3A_2153 = arith.index_cast %scan3A_2094 : i32 to index
        %swap3A_2154 = arith.constant 64 : index
        %swap3A_2155 = tpu.vector_load %arg17[%swap3A_2152, %swap3A_2153, %swap3A_2154] {strides = array<i32>} : memref<3x112x128xf32, #tpu.memory_space<vmem>>, vector<16xf32>,
        tpu.vector_store %arg17[%swap3A_2152, %swap3A_2153, %swap3A_2154], %mul3A_2150 {strides = array<i32>} : memref<3x112x128xf32, #tpu.memory_space<vmem>>, vector<16xf32>,
        %get3A_2156 = arith.constant 0 : i32
        %get3A_2157 = arith.index_cast %get3A_2156 : i32 to index
        %get3A_2158 = arith.index_cast %scan3A_2094 : i32 to index
        %get3A_2159 = arith.constant 80 : index
        %get3A_2160 = tpu.vector_load %arg17[%get3A_2157, %get3A_2158, %get3A_2159] {strides = array<i32>} : memref<3x112x128xf32, #tpu.memory_space<vmem>>, vector<16xf32>,
        %mul3A_2161 = arith.mulf %get3A_2160, %gather3A_2100 : vector<16xf32>
        %swap3A_2162 = arith.constant 0 : i32
        %swap3A_2163 = arith.index_cast %swap3A_2162 : i32 to index
        %swap3A_2164 = arith.index_cast %scan3A_2094 : i32 to index
        %swap3A_2165 = arith.constant 80 : index
        %swap3A_2166 = tpu.vector_load %arg17[%swap3A_2163, %swap3A_2164, %swap3A_2165] {strides = array<i32>} : memref<3x112x128xf32, #tpu.memory_space<vmem>>, vector<16xf32>,
        tpu.vector_store %arg17[%swap3A_2163, %swap3A_2164, %swap3A_2165], %mul3A_2161 {strides = array<i32>} : memref<3x112x128xf32, #tpu.memory_space<vmem>>, vector<16xf32>,
        %get3A_2167 = arith.constant 0 : i32
        %get3A_2168 = arith.index_cast %get3A_2167 : i32 to index
        %get3A_2169 = arith.index_cast %scan3A_2094 : i32 to index
        %get3A_2170 = arith.constant 96 : index
        %get3A_2171 = tpu.vector_load %arg17[%get3A_2168, %get3A_2169, %get3A_2170] {strides = array<i32>} : memref<3x112x128xf32, #tpu.memory_space<vmem>>, vector<16xf32>,
        %mul3A_2172 = arith.mulf %get3A_2171, %gather3A_2100 : vector<16xf32>
        %swap3A_2173 = arith.constant 0 : i32
        %swap3A_2174 = arith.index_cast %swap3A_2173 : i32 to index
        %swap3A_2175 = arith.index_cast %scan3A_2094 : i32 to index
        %swap3A_2176 = arith.constant 96 : index
        %swap3A_2177 = tpu.vector_load %arg17[%swap3A_2174, %swap3A_2175, %swap3A_2176] {strides = array<i32>} : memref<3x112x128xf32, #tpu.memory_space<vmem>>, vector<16xf32>,
        tpu.vector_store %arg17[%swap3A_2174, %swap3A_2175, %swap3A_2176], %mul3A_2172 {strides = array<i32>} : memref<3x112x128xf32, #tpu.memory_space<vmem>>, vector<16xf32>,
        %get3A_2178 = arith.constant 0 : i32
        %get3A_2179 = arith.index_cast %get3A_2178 : i32 to index
        %get3A_2180 = arith.index_cast %scan3A_2094 : i32 to index
        %get3A_2181 = arith.constant 112 : index
        %get3A_2182 = tpu.vector_load %arg17[%get3A_2179, %get3A_2180, %get3A_2181] {strides = array<i32>} : memref<3x112x128xf32, #tpu.memory_space<vmem>>, vector<16xf32>,
        %mul3A_2183 = arith.mulf %get3A_2182, %gather3A_2100 : vector<16xf32>
        %swap3A_2184 = arith.constant 0 : i32
        %swap3A_2185 = arith.index_cast %swap3A_2184 : i32 to index
        %swap3A_2186 = arith.index_cast %scan3A_2094 : i32 to index
        %swap3A_2187 = arith.constant 112 : index
        %swap3A_2188 = tpu.vector_load %arg17[%swap3A_2185, %swap3A_2186, %swap3A_2187] {strides = array<i32>} : memref<3x112x128xf32, #tpu.memory_space<vmem>>, vector<16xf32>,
        tpu.vector_store %arg17[%swap3A_2185, %swap3A_2186, %swap3A_2187], %mul3A_2183 {strides = array<i32>} : memref<3x112x128xf32, #tpu.memory_space<vmem>>, vector<16xf32>,
        %scan3A_2189 = arith.constant 0 : i32
        %scan3A_2190 = arith.constant 2 : i32
        %scan3A_2191 = arith.addi %scan3A_1997, %scan3A_2190 : i32
        %broadcast_in_dim3A_2192 = vector.broadcast %scan3A_2191 : i32 to vector<16xi32>
        %gather3A_2193 = arith.constant 0 : i32
        %gather3A_2194 = arith.constant 0 : i32
        %gather3A_2195 = tpu.memref_slice %arg16[%gather3A_2193, %gather3A_2194] : memref<3x112xf32, #tpu.memory_space<vmem>> -> memref<1x112xf32, #tpu.memory_space<vmem>>
        %gather3A_2196 = tpu.memref_squeeze %gather3A_2195 : memref<1x112xf32, #tpu.memory_space<vmem>> -> memref<112xf32, #tpu.memory_space<vmem>>
        %gather3A_2197 = tpu.vector_load_idx %gather3A_2196[%broadcast_in_dim3A_2192] : memref<112xf32, #tpu.memory_space<vmem>>[vector<16xi32>], vector<16xf32>,
        %get3A_2198 = arith.constant 0 : i32
        %get3A_2199 = arith.index_cast %get3A_2198 : i32 to index
        %get3A_2200 = arith.index_cast %scan3A_2191 : i32 to index
        %get3A_2201 = arith.constant 0 : index
        %get3A_2202 = tpu.vector_load %arg17[%get3A_2199, %get3A_2200, %get3A_2201] {strides = array<i32>} : memref<3x112x128xf32, #tpu.memory_space<vmem>>, vector<16xf32>,
        %mul3A_2203 = arith.mulf %get3A_2202, %gather3A_2197 : vector<16xf32>
        %swap3A_2204 = arith.constant 0 : i32
        %swap3A_2205 = arith.index_cast %swap3A_2204 : i32 to index
        %swap3A_2206 = arith.index_cast %scan3A_2191 : i32 to index
        %swap3A_2207 = arith.constant 0 : index
        %swap3A_2208 = tpu.vector_load %arg17[%swap3A_2205, %swap3A_2206, %swap3A_2207] {strides = array<i32>} : memref<3x112x128xf32, #tpu.memory_space<vmem>>, vector<16xf32>,
        tpu.vector_store %arg17[%swap3A_2205, %swap3A_2206, %swap3A_2207], %mul3A_2203 {strides = array<i32>} : memref<3x112x128xf32, #tpu.memory_space<vmem>>, vector<16xf32>,
        %get3A_2209 = arith.constant 0 : i32
        %get3A_2210 = arith.index_cast %get3A_2209 : i32 to index
        %get3A_2211 = arith.index_cast %scan3A_2191 : i32 to index
        %get3A_2212 = arith.constant 16 : index
        %get3A_2213 = tpu.vector_load %arg17[%get3A_2210, %get3A_2211, %get3A_2212] {strides = array<i32>} : memref<3x112x128xf32, #tpu.memory_space<vmem>>, vector<16xf32>,
        %mul3A_2214 = arith.mulf %get3A_2213, %gather3A_2197 : vector<16xf32>
        %swap3A_2215 = arith.constant 0 : i32
        %swap3A_2216 = arith.index_cast %swap3A_2215 : i32 to index
        %swap3A_2217 = arith.index_cast %scan3A_2191 : i32 to index
        %swap3A_2218 = arith.constant 16 : index
        %swap3A_2219 = tpu.vector_load %arg17[%swap3A_2216, %swap3A_2217, %swap3A_2218] {strides = array<i32>} : memref<3x112x128xf32, #tpu.memory_space<vmem>>, vector<16xf32>,
        tpu.vector_store %arg17[%swap3A_2216, %swap3A_2217, %swap3A_2218], %mul3A_2214 {strides = array<i32>} : memref<3x112x128xf32, #tpu.memory_space<vmem>>, vector<16xf32>,
        %get3A_2220 = arith.constant 0 : i32
        %get3A_2221 = arith.index_cast %get3A_2220 : i32 to index
        %get3A_2222 = arith.index_cast %scan3A_2191 : i32 to index
        %get3A_2223 = arith.constant 32 : index
        %get3A_2224 = tpu.vector_load %arg17[%get3A_2221, %get3A_2222, %get3A_2223] {strides = array<i32>} : memref<3x112x128xf32, #tpu.memory_space<vmem>>, vector<16xf32>,
        %mul3A_2225 = arith.mulf %get3A_2224, %gather3A_2197 : vector<16xf32>
        %swap3A_2226 = arith.constant 0 : i32
        %swap3A_2227 = arith.index_cast %swap3A_2226 : i32 to index
        %swap3A_2228 = arith.index_cast %scan3A_2191 : i32 to index
        %swap3A_2229 = arith.constant 32 : index
        %swap3A_2230 = tpu.vector_load %arg17[%swap3A_2227, %swap3A_2228, %swap3A_2229] {strides = array<i32>} : memref<3x112x128xf32, #tpu.memory_space<vmem>>, vector<16xf32>,
        tpu.vector_store %arg17[%swap3A_2227, %swap3A_2228, %swap3A_2229], %mul3A_2225 {strides = array<i32>} : memref<3x112x128xf32, #tpu.memory_space<vmem>>, vector<16xf32>,
        %get3A_2231 = arith.constant 0 : i32
        %get3A_2232 = arith.index_cast %get3A_2231 : i32 to index
        %get3A_2233 = arith.index_cast %scan3A_2191 : i32 to index
        %get3A_2234 = arith.constant 48 : index
        %get3A_2235 = tpu.vector_load %arg17[%get3A_2232, %get3A_2233, %get3A_2234] {strides = array<i32>} : memref<3x112x128xf32, #tpu.memory_space<vmem>>, vector<16xf32>,
        %mul3A_2236 = arith.mulf %get3A_2235, %gather3A_2197 : vector<16xf32>
        %swap3A_2237 = arith.constant 0 : i32
        %swap3A_2238 = arith.index_cast %swap3A_2237 : i32 to index
        %swap3A_2239 = arith.index_cast %scan3A_2191 : i32 to index
        %swap3A_2240 = arith.constant 48 : index
        %swap3A_2241 = tpu.vector_load %arg17[%swap3A_2238, %swap3A_2239, %swap3A_2240] {strides = array<i32>} : memref<3x112x128xf32, #tpu.memory_space<vmem>>, vector<16xf32>,
        tpu.vector_store %arg17[%swap3A_2238, %swap3A_2239, %swap3A_2240], %mul3A_2236 {strides = array<i32>} : memref<3x112x128xf32, #tpu.memory_space<vmem>>, vector<16xf32>,
        %get3A_2242 = arith.constant 0 : i32
        %get3A_2243 = arith.index_cast %get3A_2242 : i32 to index
        %get3A_2244 = arith.index_cast %scan3A_2191 : i32 to index
        %get3A_2245 = arith.constant 64 : index
        %get3A_2246 = tpu.vector_load %arg17[%get3A_2243, %get3A_2244, %get3A_2245] {strides = array<i32>} : memref<3x112x128xf32, #tpu.memory_space<vmem>>, vector<16xf32>,
        %mul3A_2247 = arith.mulf %get3A_2246, %gather3A_2197 : vector<16xf32>
        %swap3A_2248 = arith.constant 0 : i32
        %swap3A_2249 = arith.index_cast %swap3A_2248 : i32 to index
        %swap3A_2250 = arith.index_cast %scan3A_2191 : i32 to index
        %swap3A_2251 = arith.constant 64 : index
        %swap3A_2252 = tpu.vector_load %arg17[%swap3A_2249, %swap3A_2250, %swap3A_2251] {strides = array<i32>} : memref<3x112x128xf32, #tpu.memory_space<vmem>>, vector<16xf32>,
        tpu.vector_store %arg17[%swap3A_2249, %swap3A_2250, %swap3A_2251], %mul3A_2247 {strides = array<i32>} : memref<3x112x128xf32, #tpu.memory_space<vmem>>, vector<16xf32>,
        %get3A_2253 = arith.constant 0 : i32
        %get3A_2254 = arith.index_cast %get3A_2253 : i32 to index
        %get3A_2255 = arith.index_cast %scan3A_2191 : i32 to index
        %get3A_2256 = arith.constant 80 : index
        %get3A_2257 = tpu.vector_load %arg17[%get3A_2254, %get3A_2255, %get3A_2256] {strides = array<i32>} : memref<3x112x128xf32, #tpu.memory_space<vmem>>, vector<16xf32>,
        %mul3A_2258 = arith.mulf %get3A_2257, %gather3A_2197 : vector<16xf32>
        %swap3A_2259 = arith.constant 0 : i32
        %swap3A_2260 = arith.index_cast %swap3A_2259 : i32 to index
        %swap3A_2261 = arith.index_cast %scan3A_2191 : i32 to index
        %swap3A_2262 = arith.constant 80 : index
        %swap3A_2263 = tpu.vector_load %arg17[%swap3A_2260, %swap3A_2261, %swap3A_2262] {strides = array<i32>} : memref<3x112x128xf32, #tpu.memory_space<vmem>>, vector<16xf32>,
        tpu.vector_store %arg17[%swap3A_2260, %swap3A_2261, %swap3A_2262], %mul3A_2258 {strides = array<i32>} : memref<3x112x128xf32, #tpu.memory_space<vmem>>, vector<16xf32>,
        %get3A_2264 = arith.constant 0 : i32
        %get3A_2265 = arith.index_cast %get3A_2264 : i32 to index
        %get3A_2266 = arith.index_cast %scan3A_2191 : i32 to index
        %get3A_2267 = arith.constant 96 : index
        %get3A_2268 = tpu.vector_load %arg17[%get3A_2265, %get3A_2266, %get3A_2267] {strides = array<i32>} : memref<3x112x128xf32, #tpu.memory_space<vmem>>, vector<16xf32>,
        %mul3A_2269 = arith.mulf %get3A_2268, %gather3A_2197 : vector<16xf32>
        %swap3A_2270 = arith.constant 0 : i32
        %swap3A_2271 = arith.index_cast %swap3A_2270 : i32 to index
        %swap3A_2272 = arith.index_cast %scan3A_2191 : i32 to index
        %swap3A_2273 = arith.constant 96 : index
        %swap3A_2274 = tpu.vector_load %arg17[%swap3A_2271, %swap3A_2272, %swap3A_2273] {strides = array<i32>} : memref<3x112x128xf32, #tpu.memory_space<vmem>>, vector<16xf32>,
        tpu.vector_store %arg17[%swap3A_2271, %swap3A_2272, %swap3A_2273], %mul3A_2269 {strides = array<i32>} : memref<3x112x128xf32, #tpu.memory_space<vmem>>, vector<16xf32>,
        %get3A_2275 = arith.constant 0 : i32
        %get3A_2276 = arith.index_cast %get3A_2275 : i32 to index
        %get3A_2277 = arith.index_cast %scan3A_2191 : i32 to index
        %get3A_2278 = arith.constant 112 : index
        %get3A_2279 = tpu.vector_load %arg17[%get3A_2276, %get3A_2277, %get3A_2278] {strides = array<i32>} : memref<3x112x128xf32, #tpu.memory_space<vmem>>, vector<16xf32>,
        %mul3A_2280 = arith.mulf %get3A_2279, %gather3A_2197 : vector<16xf32>
        %swap3A_2281 = arith.constant 0 : i32
        %swap3A_2282 = arith.index_cast %swap3A_2281 : i32 to index
        %swap3A_2283 = arith.index_cast %scan3A_2191 : i32 to index
        %swap3A_2284 = arith.constant 112 : index
        %swap3A_2285 = tpu.vector_load %arg17[%swap3A_2282, %swap3A_2283, %swap3A_2284] {strides = array<i32>} : memref<3x112x128xf32, #tpu.memory_space<vmem>>, vector<16xf32>,
        tpu.vector_store %arg17[%swap3A_2282, %swap3A_2283, %swap3A_2284], %mul3A_2280 {strides = array<i32>} : memref<3x112x128xf32, #tpu.memory_space<vmem>>, vector<16xf32>,
        %scan3A_2286 = arith.constant 0 : i32
        %scan3A_2287 = arith.constant 3 : i32
        %scan3A_2288 = arith.addi %scan3A_1997, %scan3A_2287 : i32
        %broadcast_in_dim3A_2289 = vector.broadcast %scan3A_2288 : i32 to vector<16xi32>
        %gather3A_2290 = arith.constant 0 : i32
        %gather3A_2291 = arith.constant 0 : i32
        %gather3A_2292 = tpu.memref_slice %arg16[%gather3A_2290, %gather3A_2291] : memref<3x112xf32, #tpu.memory_space<vmem>> -> memref<1x112xf32, #tpu.memory_space<vmem>>
        %gather3A_2293 = tpu.memref_squeeze %gather3A_2292 : memref<1x112xf32, #tpu.memory_space<vmem>> -> memref<112xf32, #tpu.memory_space<vmem>>
        %gather3A_2294 = tpu.vector_load_idx %gather3A_2293[%broadcast_in_dim3A_2289] : memref<112xf32, #tpu.memory_space<vmem>>[vector<16xi32>], vector<16xf32>,
        %get3A_2295 = arith.constant 0 : i32
        %get3A_2296 = arith.index_cast %get3A_2295 : i32 to index
        %get3A_2297 = arith.index_cast %scan3A_2288 : i32 to index
        %get3A_2298 = arith.constant 0 : index
        %get3A_2299 = tpu.vector_load %arg17[%get3A_2296, %get3A_2297, %get3A_2298] {strides = array<i32>} : memref<3x112x128xf32, #tpu.memory_space<vmem>>, vector<16xf32>,
        %mul3A_2300 = arith.mulf %get3A_2299, %gather3A_2294 : vector<16xf32>
        %swap3A_2301 = arith.constant 0 : i32
        %swap3A_2302 = arith.index_cast %swap3A_2301 : i32 to index
        %swap3A_2303 = arith.index_cast %scan3A_2288 : i32 to index
        %swap3A_2304 = arith.constant 0 : index
        %swap3A_2305 = tpu.vector_load %arg17[%swap3A_2302, %swap3A_2303, %swap3A_2304] {strides = array<i32>} : memref<3x112x128xf32, #tpu.memory_space<vmem>>, vector<16xf32>,
        tpu.vector_store %arg17[%swap3A_2302, %swap3A_2303, %swap3A_2304], %mul3A_2300 {strides = array<i32>} : memref<3x112x128xf32, #tpu.memory_space<vmem>>, vector<16xf32>,
        %get3A_2306 = arith.constant 0 : i32
        %get3A_2307 = arith.index_cast %get3A_2306 : i32 to index
        %get3A_2308 = arith.index_cast %scan3A_2288 : i32 to index
        %get3A_2309 = arith.constant 16 : index
        %get3A_2310 = tpu.vector_load %arg17[%get3A_2307, %get3A_2308, %get3A_2309] {strides = array<i32>} : memref<3x112x128xf32, #tpu.memory_space<vmem>>, vector<16xf32>,
        %mul3A_2311 = arith.mulf %get3A_2310, %gather3A_2294 : vector<16xf32>
        %swap3A_2312 = arith.constant 0 : i32
        %swap3A_2313 = arith.index_cast %swap3A_2312 : i32 to index
        %swap3A_2314 = arith.index_cast %scan3A_2288 : i32 to index
        %swap3A_2315 = arith.constant 16 : index
        %swap3A_2316 = tpu.vector_load %arg17[%swap3A_2313, %swap3A_2314, %swap3A_2315] {strides = array<i32>} : memref<3x112x128xf32, #tpu.memory_space<vmem>>, vector<16xf32>,
        tpu.vector_store %arg17[%swap3A_2313, %swap3A_2314, %swap3A_2315], %mul3A_2311 {strides = array<i32>} : memref<3x112x128xf32, #tpu.memory_space<vmem>>, vector<16xf32>,
        %get3A_2317 = arith.constant 0 : i32
        %get3A_2318 = arith.index_cast %get3A_2317 : i32 to index
        %get3A_2319 = arith.index_cast %scan3A_2288 : i32 to index
        %get3A_2320 = arith.constant 32 : index
        %get3A_2321 = tpu.vector_load %arg17[%get3A_2318, %get3A_2319, %get3A_2320] {strides = array<i32>} : memref<3x112x128xf32, #tpu.memory_space<vmem>>, vector<16xf32>,
        %mul3A_2322 = arith.mulf %get3A_2321, %gather3A_2294 : vector<16xf32>
        %swap3A_2323 = arith.constant 0 : i32
        %swap3A_2324 = arith.index_cast %swap3A_2323 : i32 to index
        %swap3A_2325 = arith.index_cast %scan3A_2288 : i32 to index
        %swap3A_2326 = arith.constant 32 : index
        %swap3A_2327 = tpu.vector_load %arg17[%swap3A_2324, %swap3A_2325, %swap3A_2326] {strides = array<i32>} : memref<3x112x128xf32, #tpu.memory_space<vmem>>, vector<16xf32>,
        tpu.vector_store %arg17[%swap3A_2324, %swap3A_2325, %swap3A_2326], %mul3A_2322 {strides = array<i32>} : memref<3x112x128xf32, #tpu.memory_space<vmem>>, vector<16xf32>,
        %get3A_2328 = arith.constant 0 : i32
        %get3A_2329 = arith.index_cast %get3A_2328 : i32 to index
        %get3A_2330 = arith.index_cast %scan3A_2288 : i32 to index
        %get3A_2331 = arith.constant 48 : index
        %get3A_2332 = tpu.vector_load %arg17[%get3A_2329, %get3A_2330, %get3A_2331] {strides = array<i32>} : memref<3x112x128xf32, #tpu.memory_space<vmem>>, vector<16xf32>,
        %mul3A_2333 = arith.mulf %get3A_2332, %gather3A_2294 : vector<16xf32>
        %swap3A_2334 = arith.constant 0 : i32
        %swap3A_2335 = arith.index_cast %swap3A_2334 : i32 to index
        %swap3A_2336 = arith.index_cast %scan3A_2288 : i32 to index
        %swap3A_2337 = arith.constant 48 : index
        %swap3A_2338 = tpu.vector_load %arg17[%swap3A_2335, %swap3A_2336, %swap3A_2337] {strides = array<i32>} : memref<3x112x128xf32, #tpu.memory_space<vmem>>, vector<16xf32>,
        tpu.vector_store %arg17[%swap3A_2335, %swap3A_2336, %swap3A_2337], %mul3A_2333 {strides = array<i32>} : memref<3x112x128xf32, #tpu.memory_space<vmem>>, vector<16xf32>,
        %get3A_2339 = arith.constant 0 : i32
        %get3A_2340 = arith.index_cast %get3A_2339 : i32 to index
        %get3A_2341 = arith.index_cast %scan3A_2288 : i32 to index
        %get3A_2342 = arith.constant 64 : index
        %get3A_2343 = tpu.vector_load %arg17[%get3A_2340, %get3A_2341, %get3A_2342] {strides = array<i32>} : memref<3x112x128xf32, #tpu.memory_space<vmem>>, vector<16xf32>,
        %mul3A_2344 = arith.mulf %get3A_2343, %gather3A_2294 : vector<16xf32>
        %swap3A_2345 = arith.constant 0 : i32
        %swap3A_2346 = arith.index_cast %swap3A_2345 : i32 to index
        %swap3A_2347 = arith.index_cast %scan3A_2288 : i32 to index
        %swap3A_2348 = arith.constant 64 : index
        %swap3A_2349 = tpu.vector_load %arg17[%swap3A_2346, %swap3A_2347, %swap3A_2348] {strides = array<i32>} : memref<3x112x128xf32, #tpu.memory_space<vmem>>, vector<16xf32>,
        tpu.vector_store %arg17[%swap3A_2346, %swap3A_2347, %swap3A_2348], %mul3A_2344 {strides = array<i32>} : memref<3x112x128xf32, #tpu.memory_space<vmem>>, vector<16xf32>,
        %get3A_2350 = arith.constant 0 : i32
        %get3A_2351 = arith.index_cast %get3A_2350 : i32 to index
        %get3A_2352 = arith.index_cast %scan3A_2288 : i32 to index
        %get3A_2353 = arith.constant 80 : index
        %get3A_2354 = tpu.vector_load %arg17[%get3A_2351, %get3A_2352, %get3A_2353] {strides = array<i32>} : memref<3x112x128xf32, #tpu.memory_space<vmem>>, vector<16xf32>,
        %mul3A_2355 = arith.mulf %get3A_2354, %gather3A_2294 : vector<16xf32>
        %swap3A_2356 = arith.constant 0 : i32
        %swap3A_2357 = arith.index_cast %swap3A_2356 : i32 to index
        %swap3A_2358 = arith.index_cast %scan3A_2288 : i32 to index
        %swap3A_2359 = arith.constant 80 : index
        %swap3A_2360 = tpu.vector_load %arg17[%swap3A_2357, %swap3A_2358, %swap3A_2359] {strides = array<i32>} : memref<3x112x128xf32, #tpu.memory_space<vmem>>, vector<16xf32>,
        tpu.vector_store %arg17[%swap3A_2357, %swap3A_2358, %swap3A_2359], %mul3A_2355 {strides = array<i32>} : memref<3x112x128xf32, #tpu.memory_space<vmem>>, vector<16xf32>,
        %get3A_2361 = arith.constant 0 : i32
        %get3A_2362 = arith.index_cast %get3A_2361 : i32 to index
        %get3A_2363 = arith.index_cast %scan3A_2288 : i32 to index
        %get3A_2364 = arith.constant 96 : index
        %get3A_2365 = tpu.vector_load %arg17[%get3A_2362, %get3A_2363, %get3A_2364] {strides = array<i32>} : memref<3x112x128xf32, #tpu.memory_space<vmem>>, vector<16xf32>,
        %mul3A_2366 = arith.mulf %get3A_2365, %gather3A_2294 : vector<16xf32>
        %swap3A_2367 = arith.constant 0 : i32
        %swap3A_2368 = arith.index_cast %swap3A_2367 : i32 to index
        %swap3A_2369 = arith.index_cast %scan3A_2288 : i32 to index
        %swap3A_2370 = arith.constant 96 : index
        %swap3A_2371 = tpu.vector_load %arg17[%swap3A_2368, %swap3A_2369, %swap3A_2370] {strides = array<i32>} : memref<3x112x128xf32, #tpu.memory_space<vmem>>, vector<16xf32>,
        tpu.vector_store %arg17[%swap3A_2368, %swap3A_2369, %swap3A_2370], %mul3A_2366 {strides = array<i32>} : memref<3x112x128xf32, #tpu.memory_space<vmem>>, vector<16xf32>,
        %get3A_2372 = arith.constant 0 : i32
        %get3A_2373 = arith.index_cast %get3A_2372 : i32 to index
        %get3A_2374 = arith.index_cast %scan3A_2288 : i32 to index
        %get3A_2375 = arith.constant 112 : index
        %get3A_2376 = tpu.vector_load %arg17[%get3A_2373, %get3A_2374, %get3A_2375] {strides = array<i32>} : memref<3x112x128xf32, #tpu.memory_space<vmem>>, vector<16xf32>,
        %mul3A_2377 = arith.mulf %get3A_2376, %gather3A_2294 : vector<16xf32>
        %swap3A_2378 = arith.constant 0 : i32
        %swap3A_2379 = arith.index_cast %swap3A_2378 : i32 to index
        %swap3A_2380 = arith.index_cast %scan3A_2288 : i32 to index
        %swap3A_2381 = arith.constant 112 : index
        %swap3A_2382 = tpu.vector_load %arg17[%swap3A_2379, %swap3A_2380, %swap3A_2381] {strides = array<i32>} : memref<3x112x128xf32, #tpu.memory_space<vmem>>, vector<16xf32>,
        tpu.vector_store %arg17[%swap3A_2379, %swap3A_2380, %swap3A_2381], %mul3A_2377 {strides = array<i32>} : memref<3x112x128xf32, #tpu.memory_space<vmem>>, vector<16xf32>,
        %scan3A_2383 = arith.constant 0 : i32
        scf.yield %scan3A_2383 : i32
      }
      %scan3A_971 = arith.constant 112 : i32
      %dma_start3A_972 = arith.constant 0 : i32
      %dma_start3A_973 = arith.constant 0 : i32
      %dma_start3A_974 = arith.constant 0 : i32
      %dma_start3A_975 = arith.constant 0 : i32
      %dma_start3A_976 = arith.constant 0 : i32
      %dma_start3A_977 = tpu.memref_slice %arg17[%dma_start3A_972, %dma_start3A_975, %dma_start3A_976] : memref<3x112x128xf32, #tpu.memory_space<vmem>> -> memref<1x112x128xf32, #tpu.memory_space<vmem>>
      %dma_start3A_978 = tpu.memref_squeeze %dma_start3A_977 : memref<1x112x128xf32, #tpu.memory_space<vmem>> -> memref<112x128xf32, #tpu.memory_space<vmem>>
      %dma_start3A_979 = arith.constant 0 : i32
      %dma_start3A_980 = tpu.memref_slice %arg13[%dma_start3A_973, %dma_start3A_979] : memref<3x112xi32, #tpu.memory_space<vmem>> -> memref<1x112xi32, #tpu.memory_space<vmem>>
      %dma_start3A_981 = tpu.memref_squeeze %dma_start3A_980 : memref<1x112xi32, #tpu.memory_space<vmem>> -> memref<112xi32, #tpu.memory_space<vmem>>
      %dma_start3A_982 = arith.constant 0 : i32
      %dma_start3A_983 = arith.constant 0 : i32
      %dma_start3A_984 = tpu.memref_slice %arg19[%dma_start3A_982, %dma_start3A_983] : memref<10000x128xf32, #tpu.memory_space<vmem_shared>> -> memref<10000x128xf32, #tpu.memory_space<vmem_shared>>
      %dma_start3A_985 = tpu.memref_slice %arg22[%dma_start3A_974] : memref<3x!tpu.dma_semaphore, #tpu.memory_space<semaphore_mem>> -> memref<1x!tpu.dma_semaphore, #tpu.memory_space<semaphore_mem>>
      %dma_start3A_986 = tpu.memref_squeeze %dma_start3A_985 : memref<1x!tpu.dma_semaphore, #tpu.memory_space<semaphore_mem>> -> memref<!tpu.dma_semaphore, #tpu.memory_space<semaphore_mem>>
      tpu.enqueue_indirect_dma source(%dma_start3A_978 : memref<112x128xf32, #tpu.memory_space<vmem>>) target(%dma_start3A_984 : memref<10000x128xf32, #tpu.memory_space<vmem_shared>>) offsets(%dma_start3A_981 : memref<112xi32, #tpu.memory_space<vmem>>) semaphore(%dma_start3A_986 : memref<!tpu.dma_semaphore, #tpu.memory_space<semaphore_mem>>) {add = true}
      %add3A_987 = arith.constant 3 : i32
      %add3A_988 = arith.addi %mul3A_622, %add3A_987 : i32
      %min3A_989 = arith.constant 92 : i32
      %min3A_990 = arith.minsi %add3A_988, %min3A_989 : i32
      %mul3A_991 = arith.constant 112 : i32
      %mul3A_992 = arith.muli %min3A_990, %mul3A_991 : i32
      %add3A_993 = arith.addi %mul3A_2, %mul3A_992 : i32
      %dma_start3A_994 = arith.constant 0 : i32
      %dma_start3A_995 = arith.constant 0 : i32
      %dma_start3A_996 = arith.constant 0 : i32
      %dma_start3A_997 = tpu.memref_slice %arg11[%dma_start3A_994, %dma_start3A_996] : memref<3x112xi32, #tpu.memory_space<vmem>> -> memref<1x112xi32, #tpu.memory_space<vmem>>
      %dma_start3A_998 = tpu.memref_squeeze %dma_start3A_997 : memref<1x112xi32, #tpu.memory_space<vmem>> -> memref<112xi32, #tpu.memory_space<vmem>>
      %dma_start3A_999 = tpu.memref_slice %arg2[%add3A_993] : memref<333312xi32, #tpu.memory_space<hbm>> -> memref<112xi32, #tpu.memory_space<hbm>>
      %dma_start3A_1000 = tpu.memref_slice %arg24[%dma_start3A_995] : memref<3x!tpu.dma_semaphore, #tpu.memory_space<semaphore_mem>> -> memref<1x!tpu.dma_semaphore, #tpu.memory_space<semaphore_mem>>
      %dma_start3A_1001 = tpu.memref_squeeze %dma_start3A_1000 : memref<1x!tpu.dma_semaphore, #tpu.memory_space<semaphore_mem>> -> memref<!tpu.dma_semaphore, #tpu.memory_space<semaphore_mem>>
      %dma_start3A_1002 = arith.constant 0 : i32
      %dma_start3A_1003 = tpu.memref_slice %arg11[%dma_start3A_994, %dma_start3A_1002] : memref<3x112xi32, #tpu.memory_space<vmem>> -> memref<1x112xi32, #tpu.memory_space<vmem>>
      %dma_start3A_1004 = tpu.memref_squeeze %dma_start3A_1003 : memref<1x112xi32, #tpu.memory_space<vmem>> -> memref<112xi32, #tpu.memory_space<vmem>>
      %dma_start3A_1005 = tpu.memref_slice %arg2[%add3A_993] : memref<333312xi32, #tpu.memory_space<hbm>> -> memref<112xi32, #tpu.memory_space<hbm>>
      tpu.enqueue_dma source(%dma_start3A_1005 : memref<112xi32, #tpu.memory_space<hbm>>) target(%dma_start3A_1004 : memref<112xi32, #tpu.memory_space<vmem>>) target_semaphore(%dma_start3A_1001 : memref<!tpu.dma_semaphore, #tpu.memory_space<semaphore_mem>>)
      %dma_start3A_1006 = arith.constant 0 : i32
      %dma_start3A_1007 = arith.constant 0 : i32
      %dma_start3A_1008 = arith.constant 0 : i32
      %dma_start3A_1009 = tpu.memref_slice %arg12[%dma_start3A_1006, %dma_start3A_1008] : memref<3x112xi32, #tpu.memory_space<vmem>> -> memref<1x112xi32, #tpu.memory_space<vmem>>
      %dma_start3A_1010 = tpu.memref_squeeze %dma_start3A_1009 : memref<1x112xi32, #tpu.memory_space<vmem>> -> memref<112xi32, #tpu.memory_space<vmem>>
      %dma_start3A_1011 = tpu.memref_slice %arg3[%add3A_993] : memref<333312xi32, #tpu.memory_space<hbm>> -> memref<112xi32, #tpu.memory_space<hbm>>
      %dma_start3A_1012 = tpu.memref_slice %arg24[%dma_start3A_1007] : memref<3x!tpu.dma_semaphore, #tpu.memory_space<semaphore_mem>> -> memref<1x!tpu.dma_semaphore, #tpu.memory_space<semaphore_mem>>
      %dma_start3A_1013 = tpu.memref_squeeze %dma_start3A_1012 : memref<1x!tpu.dma_semaphore, #tpu.memory_space<semaphore_mem>> -> memref<!tpu.dma_semaphore, #tpu.memory_space<semaphore_mem>>
      %dma_start3A_1014 = arith.constant 0 : i32
      %dma_start3A_1015 = tpu.memref_slice %arg12[%dma_start3A_1006, %dma_start3A_1014] : memref<3x112xi32, #tpu.memory_space<vmem>> -> memref<1x112xi32, #tpu.memory_space<vmem>>
      %dma_start3A_1016 = tpu.memref_squeeze %dma_start3A_1015 : memref<1x112xi32, #tpu.memory_space<vmem>> -> memref<112xi32, #tpu.memory_space<vmem>>
      %dma_start3A_1017 = tpu.memref_slice %arg3[%add3A_993] : memref<333312xi32, #tpu.memory_space<hbm>> -> memref<112xi32, #tpu.memory_space<hbm>>
      tpu.enqueue_dma source(%dma_start3A_1017 : memref<112xi32, #tpu.memory_space<hbm>>) target(%dma_start3A_1016 : memref<112xi32, #tpu.memory_space<vmem>>) target_semaphore(%dma_start3A_1013 : memref<!tpu.dma_semaphore, #tpu.memory_space<semaphore_mem>>)
      %dma_wait3A_1018 = arith.constant 0 : i32
      %dma_wait3A_1019 = arith.constant 0 : i32
      %dma_wait3A_1020 = arith.constant 0 : i32
      %dma_wait3A_1021 = tpu.memref_slice %arg11[%dma_wait3A_1018, %dma_wait3A_1020] : memref<3x112xi32, #tpu.memory_space<vmem>> -> memref<1x112xi32, #tpu.memory_space<vmem>>
      %dma_wait3A_1022 = tpu.memref_squeeze %dma_wait3A_1021 : memref<1x112xi32, #tpu.memory_space<vmem>> -> memref<112xi32, #tpu.memory_space<vmem>>
      %dma_wait3A_1023 = arith.constant 0 : i32
      %dma_wait3A_1024 = tpu.memref_slice %arg2[%dma_wait3A_1023] : memref<333312xi32, #tpu.memory_space<hbm>> -> memref<112xi32, #tpu.memory_space<hbm>>
      %dma_wait3A_1025 = tpu.memref_slice %arg24[%dma_wait3A_1019] : memref<3x!tpu.dma_semaphore, #tpu.memory_space<semaphore_mem>> -> memref<1x!tpu.dma_semaphore, #tpu.memory_space<semaphore_mem>>
      %dma_wait3A_1026 = tpu.memref_squeeze %dma_wait3A_1025 : memref<1x!tpu.dma_semaphore, #tpu.memory_space<semaphore_mem>> -> memref<!tpu.dma_semaphore, #tpu.memory_space<semaphore_mem>>
      %dma_wait3A_1027 = arith.constant 0 : i32
      %dma_wait3A_1028 = tpu.memref_slice %arg11[%dma_wait3A_1018, %dma_wait3A_1027] : memref<3x112xi32, #tpu.memory_space<vmem>> -> memref<1x112xi32, #tpu.memory_space<vmem>>
      %dma_wait3A_1029 = tpu.memref_squeeze %dma_wait3A_1028 : memref<1x112xi32, #tpu.memory_space<vmem>> -> memref<112xi32, #tpu.memory_space<vmem>>
      %dma_wait3A_1030 = arith.constant 0 : i32
      %dma_wait3A_1031 = tpu.memref_slice %arg2[%dma_wait3A_1030] : memref<333312xi32, #tpu.memory_space<hbm>> -> memref<112xi32, #tpu.memory_space<hbm>>
      tpu.wait_dma2 semaphore(%dma_wait3A_1026 : memref<!tpu.dma_semaphore, #tpu.memory_space<semaphore_mem>>) src(%dma_wait3A_1031 : memref<112xi32, #tpu.memory_space<hbm>>) dst(%dma_wait3A_1029 : memref<112xi32, #tpu.memory_space<vmem>>)
      %dma_wait3A_1032 = arith.constant 0 : i32
      %dma_wait3A_1033 = arith.constant 0 : i32
      %dma_wait3A_1034 = arith.constant 0 : i32
      %dma_wait3A_1035 = tpu.memref_slice %arg12[%dma_wait3A_1032, %dma_wait3A_1034] : memref<3x112xi32, #tpu.memory_space<vmem>> -> memref<1x112xi32, #tpu.memory_space<vmem>>
      %dma_wait3A_1036 = tpu.memref_squeeze %dma_wait3A_1035 : memref<1x112xi32, #tpu.memory_space<vmem>> -> memref<112xi32, #tpu.memory_space<vmem>>
      %dma_wait3A_1037 = arith.constant 0 : i32
      %dma_wait3A_1038 = tpu.memref_slice %arg3[%dma_wait3A_1037] : memref<333312xi32, #tpu.memory_space<hbm>> -> memref<112xi32, #tpu.memory_space<hbm>>
      %dma_wait3A_1039 = tpu.memref_slice %arg24[%dma_wait3A_1033] : memref<3x!tpu.dma_semaphore, #tpu.memory_space<semaphore_mem>> -> memref<1x!tpu.dma_semaphore, #tpu.memory_space<semaphore_mem>>
      %dma_wait3A_1040 = tpu.memref_squeeze %dma_wait3A_1039 : memref<1x!tpu.dma_semaphore, #tpu.memory_space<semaphore_mem>> -> memref<!tpu.dma_semaphore, #tpu.memory_space<semaphore_mem>>
      %dma_wait3A_1041 = arith.constant 0 : i32
      %dma_wait3A_1042 = tpu.memref_slice %arg12[%dma_wait3A_1032, %dma_wait3A_1041] : memref<3x112xi32, #tpu.memory_space<vmem>> -> memref<1x112xi32, #tpu.memory_space<vmem>>
      %dma_wait3A_1043 = tpu.memref_squeeze %dma_wait3A_1042 : memref<1x112xi32, #tpu.memory_space<vmem>> -> memref<112xi32, #tpu.memory_space<vmem>>
      %dma_wait3A_1044 = arith.constant 0 : i32
      %dma_wait3A_1045 = tpu.memref_slice %arg3[%dma_wait3A_1044] : memref<333312xi32, #tpu.memory_space<hbm>> -> memref<112xi32, #tpu.memory_space<hbm>>
      tpu.wait_dma2 semaphore(%dma_wait3A_1040 : memref<!tpu.dma_semaphore, #tpu.memory_space<semaphore_mem>>) src(%dma_wait3A_1045 : memref<112xi32, #tpu.memory_space<hbm>>) dst(%dma_wait3A_1043 : memref<112xi32, #tpu.memory_space<vmem>>)
      %dma_start3A_1046 = arith.constant 0 : i32
      %dma_start3A_1047 = arith.constant 0 : i32
      %dma_start3A_1048 = arith.constant 0 : i32
      %dma_start3A_1049 = arith.constant 0 : i32
      %dma_start3A_1050 = tpu.memref_slice %arg14[%dma_start3A_1047, %dma_start3A_1049] : memref<3x112xf32, #tpu.memory_space<vmem>> -> memref<1x112xf32, #tpu.memory_space<vmem>>
      %dma_start3A_1051 = tpu.memref_squeeze %dma_start3A_1050 : memref<1x112xf32, #tpu.memory_space<vmem>> -> memref<112xf32, #tpu.memory_space<vmem>>
      %dma_start3A_1052 = arith.constant 0 : i32
      %dma_start3A_1053 = tpu.memref_slice %arg11[%dma_start3A_1046, %dma_start3A_1052] : memref<3x112xi32, #tpu.memory_space<vmem>> -> memref<1x112xi32, #tpu.memory_space<vmem>>
      %dma_start3A_1054 = tpu.memref_squeeze %dma_start3A_1053 : memref<1x112xi32, #tpu.memory_space<vmem>> -> memref<112xi32, #tpu.memory_space<vmem>>
      %dma_start3A_1055 = arith.constant 0 : i32
      %dma_start3A_1056 = tpu.memref_slice %arg4[%dma_start3A_1055] : memref<10000xf32, #tpu.memory_space<hbm>> -> memref<10000xf32, #tpu.memory_space<hbm>>
      %dma_start3A_1057 = tpu.memref_slice %arg25[%dma_start3A_1048] : memref<3x!tpu.dma_semaphore, #tpu.memory_space<semaphore_mem>> -> memref<1x!tpu.dma_semaphore, #tpu.memory_space<semaphore_mem>>
      %dma_start3A_1058 = tpu.memref_squeeze %dma_start3A_1057 : memref<1x!tpu.dma_semaphore, #tpu.memory_space<semaphore_mem>> -> memref<!tpu.dma_semaphore, #tpu.memory_space<semaphore_mem>>
      tpu.enqueue_indirect_dma source(%dma_start3A_1056 : memref<10000xf32, #tpu.memory_space<hbm>>) target(%dma_start3A_1051 : memref<112xf32, #tpu.memory_space<vmem>>) offsets(%dma_start3A_1054 : memref<112xi32, #tpu.memory_space<vmem>>) semaphore(%dma_start3A_1058 : memref<!tpu.dma_semaphore, #tpu.memory_space<semaphore_mem>>)
      %dma_start3A_1059 = arith.constant 0 : i32
      %dma_start3A_1060 = arith.constant 0 : i32
      %dma_start3A_1061 = arith.constant 0 : i32
      %dma_start3A_1062 = arith.constant 0 : i32
      %dma_start3A_1063 = tpu.memref_slice %arg15[%dma_start3A_1060, %dma_start3A_1062] : memref<3x112xf32, #tpu.memory_space<vmem>> -> memref<1x112xf32, #tpu.memory_space<vmem>>
      %dma_start3A_1064 = tpu.memref_squeeze %dma_start3A_1063 : memref<1x112xf32, #tpu.memory_space<vmem>> -> memref<112xf32, #tpu.memory_space<vmem>>
      %dma_start3A_1065 = arith.constant 0 : i32
      %dma_start3A_1066 = tpu.memref_slice %arg12[%dma_start3A_1059, %dma_start3A_1065] : memref<3x112xi32, #tpu.memory_space<vmem>> -> memref<1x112xi32, #tpu.memory_space<vmem>>
      %dma_start3A_1067 = tpu.memref_squeeze %dma_start3A_1066 : memref<1x112xi32, #tpu.memory_space<vmem>> -> memref<112xi32, #tpu.memory_space<vmem>>
      %dma_start3A_1068 = arith.constant 0 : i32
      %dma_start3A_1069 = tpu.memref_slice %arg5[%dma_start3A_1068] : memref<10000xf32, #tpu.memory_space<hbm>> -> memref<10000xf32, #tpu.memory_space<hbm>>
      %dma_start3A_1070 = tpu.memref_slice %arg25[%dma_start3A_1061] : memref<3x!tpu.dma_semaphore, #tpu.memory_space<semaphore_mem>> -> memref<1x!tpu.dma_semaphore, #tpu.memory_space<semaphore_mem>>
      %dma_start3A_1071 = tpu.memref_squeeze %dma_start3A_1070 : memref<1x!tpu.dma_semaphore, #tpu.memory_space<semaphore_mem>> -> memref<!tpu.dma_semaphore, #tpu.memory_space<semaphore_mem>>
      tpu.enqueue_indirect_dma source(%dma_start3A_1069 : memref<10000xf32, #tpu.memory_space<hbm>>) target(%dma_start3A_1064 : memref<112xf32, #tpu.memory_space<vmem>>) offsets(%dma_start3A_1067 : memref<112xi32, #tpu.memory_space<vmem>>) semaphore(%dma_start3A_1071 : memref<!tpu.dma_semaphore, #tpu.memory_space<semaphore_mem>>)
      %mul3A_1072 = arith.constant 3 : i32
      %mul3A_1073 = arith.muli %mul3A_1072, %scan3A_619 : i32
      %add3A_1074 = arith.constant 1 : i32
      %add3A_1075 = arith.addi %mul3A_1073, %add3A_1074 : i32
      %mul3A_1076 = arith.constant 112 : i32
      %mul3A_1077 = arith.muli %add3A_1075, %mul3A_1076 : i32
      %add3A_1078 = arith.addi %mul3A_2, %mul3A_1077 : i32
      %dma_wait3A_1079 = arith.constant 1 : i32
      %dma_wait3A_1080 = arith.constant 1 : i32
      %dma_wait3A_1081 = arith.constant 1 : i32
      %dma_wait3A_1082 = arith.constant 0 : i32
      %dma_wait3A_1083 = tpu.memref_slice %arg14[%dma_wait3A_1080, %dma_wait3A_1082] : memref<3x112xf32, #tpu.memory_space<vmem>> -> memref<1x112xf32, #tpu.memory_space<vmem>>
      %dma_wait3A_1084 = tpu.memref_squeeze %dma_wait3A_1083 : memref<1x112xf32, #tpu.memory_space<vmem>> -> memref<112xf32, #tpu.memory_space<vmem>>
      %dma_wait3A_1085 = arith.constant 0 : i32
      %dma_wait3A_1086 = tpu.memref_slice %arg11[%dma_wait3A_1079, %dma_wait3A_1085] : memref<3x112xi32, #tpu.memory_space<vmem>> -> memref<1x112xi32, #tpu.memory_space<vmem>>
      %dma_wait3A_1087 = tpu.memref_squeeze %dma_wait3A_1086 : memref<1x112xi32, #tpu.memory_space<vmem>> -> memref<112xi32, #tpu.memory_space<vmem>>
      %dma_wait3A_1088 = arith.constant 0 : i32
      %dma_wait3A_1089 = tpu.memref_slice %arg4[%dma_wait3A_1088] : memref<10000xf32, #tpu.memory_space<hbm>> -> memref<10000xf32, #tpu.memory_space<hbm>>
      %dma_wait3A_1090 = tpu.memref_slice %arg25[%dma_wait3A_1081] : memref<3x!tpu.dma_semaphore, #tpu.memory_space<semaphore_mem>> -> memref<1x!tpu.dma_semaphore, #tpu.memory_space<semaphore_mem>>
      %dma_wait3A_1091 = tpu.memref_squeeze %dma_wait3A_1090 : memref<1x!tpu.dma_semaphore, #tpu.memory_space<semaphore_mem>> -> memref<!tpu.dma_semaphore, #tpu.memory_space<semaphore_mem>>
      tpu.wait_indirect_dma semaphore(%dma_wait3A_1091 : memref<!tpu.dma_semaphore, #tpu.memory_space<semaphore_mem>>) src(%dma_wait3A_1089 : memref<10000xf32, #tpu.memory_space<hbm>>) dst(%dma_wait3A_1084 : memref<112xf32, #tpu.memory_space<vmem>>)
      %dma_wait3A_1092 = arith.constant 1 : i32
      %dma_wait3A_1093 = arith.constant 1 : i32
      %dma_wait3A_1094 = arith.constant 1 : i32
      %dma_wait3A_1095 = arith.constant 0 : i32
      %dma_wait3A_1096 = tpu.memref_slice %arg15[%dma_wait3A_1093, %dma_wait3A_1095] : memref<3x112xf32, #tpu.memory_space<vmem>> -> memref<1x112xf32, #tpu.memory_space<vmem>>
      %dma_wait3A_1097 = tpu.memref_squeeze %dma_wait3A_1096 : memref<1x112xf32, #tpu.memory_space<vmem>> -> memref<112xf32, #tpu.memory_space<vmem>>
      %dma_wait3A_1098 = arith.constant 0 : i32
      %dma_wait3A_1099 = tpu.memref_slice %arg12[%dma_wait3A_1092, %dma_wait3A_1098] : memref<3x112xi32, #tpu.memory_space<vmem>> -> memref<1x112xi32, #tpu.memory_space<vmem>>
      %dma_wait3A_1100 = tpu.memref_squeeze %dma_wait3A_1099 : memref<1x112xi32, #tpu.memory_space<vmem>> -> memref<112xi32, #tpu.memory_space<vmem>>
      %dma_wait3A_1101 = arith.constant 0 : i32
      %dma_wait3A_1102 = tpu.memref_slice %arg5[%dma_wait3A_1101] : memref<10000xf32, #tpu.memory_space<hbm>> -> memref<10000xf32, #tpu.memory_space<hbm>>
      %dma_wait3A_1103 = tpu.memref_slice %arg25[%dma_wait3A_1094] : memref<3x!tpu.dma_semaphore, #tpu.memory_space<semaphore_mem>> -> memref<1x!tpu.dma_semaphore, #tpu.memory_space<semaphore_mem>>
      %dma_wait3A_1104 = tpu.memref_squeeze %dma_wait3A_1103 : memref<1x!tpu.dma_semaphore, #tpu.memory_space<semaphore_mem>> -> memref<!tpu.dma_semaphore, #tpu.memory_space<semaphore_mem>>
      tpu.wait_indirect_dma semaphore(%dma_wait3A_1104 : memref<!tpu.dma_semaphore, #tpu.memory_space<semaphore_mem>>) src(%dma_wait3A_1102 : memref<10000xf32, #tpu.memory_space<hbm>>) dst(%dma_wait3A_1097 : memref<112xf32, #tpu.memory_space<vmem>>)
      %get3A_1105 = arith.constant 1 : i32
      %get3A_1106 = arith.index_cast %get3A_1105 : i32 to index
      %get3A_1107 = arith.constant 0 : index
      %get3A_1108 = tpu.vector_load %arg14[%get3A_1106, %get3A_1107] {strides = array<i32>} : memref<3x112xf32, #tpu.memory_space<vmem>>, vector<16xf32>,
      %get3A_1109 = arith.constant 1 : i32
      %get3A_1110 = arith.index_cast %get3A_1109 : i32 to index
      %get3A_1111 = arith.constant 0 : index
      %get3A_1112 = tpu.vector_load %arg15[%get3A_1110, %get3A_1111] {strides = array<i32>} : memref<3x112xf32, #tpu.memory_space<vmem>>, vector<16xf32>,
      %add3A_1113 = arith.addf %get3A_1108, %get3A_1112 : vector<16xf32>
      %ge3A_1114 = arith.constant 0.000000e+00 : f32
      %ge3A_1115 = vector.broadcast %ge3A_1114 : f32 to vector<16xf32>
      %ge3A_1116 = arith.cmpf oge, %add3A_1113, %ge3A_1115 : vector<16xf32>
      %mul3A_1117 = arith.constant 2.000000e-01 : f32
      %mul3A_1118 = vector.broadcast %mul3A_1117 : f32 to vector<16xf32>
      %mul3A_1119 = arith.mulf %mul3A_1118, %add3A_1113 : vector<16xf32>
      %select_n3A_1120 = arith.select %ge3A_1116, %add3A_1113, %mul3A_1119 : vector<16xi1>, vector<16xf32>
      %sub3A_1121 = arith.subf %select_n3A_1120, %get3A_5 : vector<16xf32>
      %exp3A_1122 = math.exp %sub3A_1121 : vector<16xf32>
      %add3A_1123 = arith.constant 0 : i32
      %add3A_1124 = arith.addi %add3A_1078, %add3A_1123 : i32
      %broadcast_in_dim3A_1125 = vector.broadcast %add3A_1124 : i32 to vector<16xi32>
      %iota3A_1126 = tpu.iota {dimensions = array<i32: 0>} : vector<16xi32>
      %add3A_1127 = arith.addi %broadcast_in_dim3A_1125, %iota3A_1126 : vector<16xi32>
      %lt3A_1128 = arith.constant 330000 : i32
      %lt3A_1129 = vector.broadcast %lt3A_1128 : i32 to vector<16xi32>
      %lt3A_1130 = arith.cmpi slt, %add3A_1127, %lt3A_1129 : vector<16xi32>
      %jit3A_1131 = arith.constant 0.000000e+00 : f32
      %broadcast_in_dim3A_1132 = vector.broadcast %jit3A_1131 : f32 to vector<16xf32>
      %select_n3A_1133 = arith.select %lt3A_1130, %exp3A_1122, %broadcast_in_dim3A_1132 : vector<16xi1>, vector<16xf32>
      %swap3A_1134 = arith.constant 1 : i32
      %swap3A_1135 = arith.index_cast %swap3A_1134 : i32 to index
      %swap3A_1136 = arith.constant 0 : index
      %swap3A_1137 = tpu.vector_load %arg16[%swap3A_1135, %swap3A_1136] {strides = array<i32>} : memref<3x112xf32, #tpu.memory_space<vmem>>, vector<16xf32>,
      tpu.vector_store %arg16[%swap3A_1135, %swap3A_1136], %select_n3A_1133 {strides = array<i32>} : memref<3x112xf32, #tpu.memory_space<vmem>>, vector<16xf32>,
      %get3A_1138 = arith.constant 1 : i32
      %get3A_1139 = arith.index_cast %get3A_1138 : i32 to index
      %get3A_1140 = arith.constant 0 : index
      %get3A_1141 = tpu.vector_load %arg11[%get3A_1139, %get3A_1140] {strides = array<i32>} : memref<3x112xi32, #tpu.memory_space<vmem>>, vector<16xi32>,
      %swap3A_1142 = arith.constant 1 : i32
      %swap3A_1143 = arith.index_cast %swap3A_1142 : i32 to index
      %swap3A_1144 = arith.constant 0 : index
      %swap3A_1145 = tpu.vector_load %arg13[%swap3A_1143, %swap3A_1144] {strides = array<i32>} : memref<3x112xi32, #tpu.memory_space<vmem>>, vector<16xi32>,
      tpu.vector_store %arg13[%swap3A_1143, %swap3A_1144], %get3A_1141 {strides = array<i32>} : memref<3x112xi32, #tpu.memory_space<vmem>>, vector<16xi32>,
      %get3A_1146 = arith.constant 1 : i32
      %get3A_1147 = arith.index_cast %get3A_1146 : i32 to index
      %get3A_1148 = arith.constant 16 : index
      %get3A_1149 = tpu.vector_load %arg14[%get3A_1147, %get3A_1148] {strides = array<i32>} : memref<3x112xf32, #tpu.memory_space<vmem>>, vector<16xf32>,
      %get3A_1150 = arith.constant 1 : i32
      %get3A_1151 = arith.index_cast %get3A_1150 : i32 to index
      %get3A_1152 = arith.constant 16 : index
      %get3A_1153 = tpu.vector_load %arg15[%get3A_1151, %get3A_1152] {strides = array<i32>} : memref<3x112xf32, #tpu.memory_space<vmem>>, vector<16xf32>,
      %add3A_1154 = arith.addf %get3A_1149, %get3A_1153 : vector<16xf32>
      %ge3A_1155 = arith.constant 0.000000e+00 : f32
      %ge3A_1156 = vector.broadcast %ge3A_1155 : f32 to vector<16xf32>
      %ge3A_1157 = arith.cmpf oge, %add3A_1154, %ge3A_1156 : vector<16xf32>
      %mul3A_1158 = arith.constant 2.000000e-01 : f32
      %mul3A_1159 = vector.broadcast %mul3A_1158 : f32 to vector<16xf32>
      %mul3A_1160 = arith.mulf %mul3A_1159, %add3A_1154 : vector<16xf32>
      %select_n3A_1161 = arith.select %ge3A_1157, %add3A_1154, %mul3A_1160 : vector<16xi1>, vector<16xf32>
      %sub3A_1162 = arith.subf %select_n3A_1161, %get3A_5 : vector<16xf32>
      %exp3A_1163 = math.exp %sub3A_1162 : vector<16xf32>
      %add3A_1164 = arith.constant 16 : i32
      %add3A_1165 = arith.addi %add3A_1078, %add3A_1164 : i32
      %broadcast_in_dim3A_1166 = vector.broadcast %add3A_1165 : i32 to vector<16xi32>
      %iota3A_1167 = tpu.iota {dimensions = array<i32: 0>} : vector<16xi32>
      %add3A_1168 = arith.addi %broadcast_in_dim3A_1166, %iota3A_1167 : vector<16xi32>
      %lt3A_1169 = arith.constant 330000 : i32
      %lt3A_1170 = vector.broadcast %lt3A_1169 : i32 to vector<16xi32>
      %lt3A_1171 = arith.cmpi slt, %add3A_1168, %lt3A_1170 : vector<16xi32>
      %jit3A_1172 = arith.constant 0.000000e+00 : f32
      %broadcast_in_dim3A_1173 = vector.broadcast %jit3A_1172 : f32 to vector<16xf32>
      %select_n3A_1174 = arith.select %lt3A_1171, %exp3A_1163, %broadcast_in_dim3A_1173 : vector<16xi1>, vector<16xf32>
      %swap3A_1175 = arith.constant 1 : i32
      %swap3A_1176 = arith.index_cast %swap3A_1175 : i32 to index
      %swap3A_1177 = arith.constant 16 : index
      %swap3A_1178 = tpu.vector_load %arg16[%swap3A_1176, %swap3A_1177] {strides = array<i32>} : memref<3x112xf32, #tpu.memory_space<vmem>>, vector<16xf32>,
      tpu.vector_store %arg16[%swap3A_1176, %swap3A_1177], %select_n3A_1174 {strides = array<i32>} : memref<3x112xf32, #tpu.memory_space<vmem>>, vector<16xf32>,
      %get3A_1179 = arith.constant 1 : i32
      %get3A_1180 = arith.index_cast %get3A_1179 : i32 to index
      %get3A_1181 = arith.constant 16 : index
      %get3A_1182 = tpu.vector_load %arg11[%get3A_1180, %get3A_1181] {strides = array<i32>} : memref<3x112xi32, #tpu.memory_space<vmem>>, vector<16xi32>,
      %swap3A_1183 = arith.constant 1 : i32
      %swap3A_1184 = arith.index_cast %swap3A_1183 : i32 to index
      %swap3A_1185 = arith.constant 16 : index
      %swap3A_1186 = tpu.vector_load %arg13[%swap3A_1184, %swap3A_1185] {strides = array<i32>} : memref<3x112xi32, #tpu.memory_space<vmem>>, vector<16xi32>,
      tpu.vector_store %arg13[%swap3A_1184, %swap3A_1185], %get3A_1182 {strides = array<i32>} : memref<3x112xi32, #tpu.memory_space<vmem>>, vector<16xi32>,
      %get3A_1187 = arith.constant 1 : i32
      %get3A_1188 = arith.index_cast %get3A_1187 : i32 to index
      %get3A_1189 = arith.constant 32 : index
      %get3A_1190 = tpu.vector_load %arg14[%get3A_1188, %get3A_1189] {strides = array<i32>} : memref<3x112xf32, #tpu.memory_space<vmem>>, vector<16xf32>,
      %get3A_1191 = arith.constant 1 : i32
      %get3A_1192 = arith.index_cast %get3A_1191 : i32 to index
      %get3A_1193 = arith.constant 32 : index
      %get3A_1194 = tpu.vector_load %arg15[%get3A_1192, %get3A_1193] {strides = array<i32>} : memref<3x112xf32, #tpu.memory_space<vmem>>, vector<16xf32>,
      %add3A_1195 = arith.addf %get3A_1190, %get3A_1194 : vector<16xf32>
      %ge3A_1196 = arith.constant 0.000000e+00 : f32
      %ge3A_1197 = vector.broadcast %ge3A_1196 : f32 to vector<16xf32>
      %ge3A_1198 = arith.cmpf oge, %add3A_1195, %ge3A_1197 : vector<16xf32>
      %mul3A_1199 = arith.constant 2.000000e-01 : f32
      %mul3A_1200 = vector.broadcast %mul3A_1199 : f32 to vector<16xf32>
      %mul3A_1201 = arith.mulf %mul3A_1200, %add3A_1195 : vector<16xf32>
      %select_n3A_1202 = arith.select %ge3A_1198, %add3A_1195, %mul3A_1201 : vector<16xi1>, vector<16xf32>
      %sub3A_1203 = arith.subf %select_n3A_1202, %get3A_5 : vector<16xf32>
      %exp3A_1204 = math.exp %sub3A_1203 : vector<16xf32>
      %add3A_1205 = arith.constant 32 : i32
      %add3A_1206 = arith.addi %add3A_1078, %add3A_1205 : i32
      %broadcast_in_dim3A_1207 = vector.broadcast %add3A_1206 : i32 to vector<16xi32>
      %iota3A_1208 = tpu.iota {dimensions = array<i32: 0>} : vector<16xi32>
      %add3A_1209 = arith.addi %broadcast_in_dim3A_1207, %iota3A_1208 : vector<16xi32>
      %lt3A_1210 = arith.constant 330000 : i32
      %lt3A_1211 = vector.broadcast %lt3A_1210 : i32 to vector<16xi32>
      %lt3A_1212 = arith.cmpi slt, %add3A_1209, %lt3A_1211 : vector<16xi32>
      %jit3A_1213 = arith.constant 0.000000e+00 : f32
      %broadcast_in_dim3A_1214 = vector.broadcast %jit3A_1213 : f32 to vector<16xf32>
      %select_n3A_1215 = arith.select %lt3A_1212, %exp3A_1204, %broadcast_in_dim3A_1214 : vector<16xi1>, vector<16xf32>
      %swap3A_1216 = arith.constant 1 : i32
      %swap3A_1217 = arith.index_cast %swap3A_1216 : i32 to index
      %swap3A_1218 = arith.constant 32 : index
      %swap3A_1219 = tpu.vector_load %arg16[%swap3A_1217, %swap3A_1218] {strides = array<i32>} : memref<3x112xf32, #tpu.memory_space<vmem>>, vector<16xf32>,
      tpu.vector_store %arg16[%swap3A_1217, %swap3A_1218], %select_n3A_1215 {strides = array<i32>} : memref<3x112xf32, #tpu.memory_space<vmem>>, vector<16xf32>,
      %get3A_1220 = arith.constant 1 : i32
      %get3A_1221 = arith.index_cast %get3A_1220 : i32 to index
      %get3A_1222 = arith.constant 32 : index
      %get3A_1223 = tpu.vector_load %arg11[%get3A_1221, %get3A_1222] {strides = array<i32>} : memref<3x112xi32, #tpu.memory_space<vmem>>, vector<16xi32>,
      %swap3A_1224 = arith.constant 1 : i32
      %swap3A_1225 = arith.index_cast %swap3A_1224 : i32 to index
      %swap3A_1226 = arith.constant 32 : index
      %swap3A_1227 = tpu.vector_load %arg13[%swap3A_1225, %swap3A_1226] {strides = array<i32>} : memref<3x112xi32, #tpu.memory_space<vmem>>, vector<16xi32>,
      tpu.vector_store %arg13[%swap3A_1225, %swap3A_1226], %get3A_1223 {strides = array<i32>} : memref<3x112xi32, #tpu.memory_space<vmem>>, vector<16xi32>,
      %get3A_1228 = arith.constant 1 : i32
      %get3A_1229 = arith.index_cast %get3A_1228 : i32 to index
      %get3A_1230 = arith.constant 48 : index
      %get3A_1231 = tpu.vector_load %arg14[%get3A_1229, %get3A_1230] {strides = array<i32>} : memref<3x112xf32, #tpu.memory_space<vmem>>, vector<16xf32>,
      %get3A_1232 = arith.constant 1 : i32
      %get3A_1233 = arith.index_cast %get3A_1232 : i32 to index
      %get3A_1234 = arith.constant 48 : index
      %get3A_1235 = tpu.vector_load %arg15[%get3A_1233, %get3A_1234] {strides = array<i32>} : memref<3x112xf32, #tpu.memory_space<vmem>>, vector<16xf32>,
      %add3A_1236 = arith.addf %get3A_1231, %get3A_1235 : vector<16xf32>
      %ge3A_1237 = arith.constant 0.000000e+00 : f32
      %ge3A_1238 = vector.broadcast %ge3A_1237 : f32 to vector<16xf32>
      %ge3A_1239 = arith.cmpf oge, %add3A_1236, %ge3A_1238 : vector<16xf32>
      %mul3A_1240 = arith.constant 2.000000e-01 : f32
      %mul3A_1241 = vector.broadcast %mul3A_1240 : f32 to vector<16xf32>
      %mul3A_1242 = arith.mulf %mul3A_1241, %add3A_1236 : vector<16xf32>
      %select_n3A_1243 = arith.select %ge3A_1239, %add3A_1236, %mul3A_1242 : vector<16xi1>, vector<16xf32>
      %sub3A_1244 = arith.subf %select_n3A_1243, %get3A_5 : vector<16xf32>
      %exp3A_1245 = math.exp %sub3A_1244 : vector<16xf32>
      %add3A_1246 = arith.constant 48 : i32
      %add3A_1247 = arith.addi %add3A_1078, %add3A_1246 : i32
      %broadcast_in_dim3A_1248 = vector.broadcast %add3A_1247 : i32 to vector<16xi32>
      %iota3A_1249 = tpu.iota {dimensions = array<i32: 0>} : vector<16xi32>
      %add3A_1250 = arith.addi %broadcast_in_dim3A_1248, %iota3A_1249 : vector<16xi32>
      %lt3A_1251 = arith.constant 330000 : i32
      %lt3A_1252 = vector.broadcast %lt3A_1251 : i32 to vector<16xi32>
      %lt3A_1253 = arith.cmpi slt, %add3A_1250, %lt3A_1252 : vector<16xi32>
      %jit3A_1254 = arith.constant 0.000000e+00 : f32
      %broadcast_in_dim3A_1255 = vector.broadcast %jit3A_1254 : f32 to vector<16xf32>
      %select_n3A_1256 = arith.select %lt3A_1253, %exp3A_1245, %broadcast_in_dim3A_1255 : vector<16xi1>, vector<16xf32>
      %swap3A_1257 = arith.constant 1 : i32
      %swap3A_1258 = arith.index_cast %swap3A_1257 : i32 to index
      %swap3A_1259 = arith.constant 48 : index
      %swap3A_1260 = tpu.vector_load %arg16[%swap3A_1258, %swap3A_1259] {strides = array<i32>} : memref<3x112xf32, #tpu.memory_space<vmem>>, vector<16xf32>,
      tpu.vector_store %arg16[%swap3A_1258, %swap3A_1259], %select_n3A_1256 {strides = array<i32>} : memref<3x112xf32, #tpu.memory_space<vmem>>, vector<16xf32>,
      %get3A_1261 = arith.constant 1 : i32
      %get3A_1262 = arith.index_cast %get3A_1261 : i32 to index
      %get3A_1263 = arith.constant 48 : index
      %get3A_1264 = tpu.vector_load %arg11[%get3A_1262, %get3A_1263] {strides = array<i32>} : memref<3x112xi32, #tpu.memory_space<vmem>>, vector<16xi32>,
      %swap3A_1265 = arith.constant 1 : i32
      %swap3A_1266 = arith.index_cast %swap3A_1265 : i32 to index
      %swap3A_1267 = arith.constant 48 : index
      %swap3A_1268 = tpu.vector_load %arg13[%swap3A_1266, %swap3A_1267] {strides = array<i32>} : memref<3x112xi32, #tpu.memory_space<vmem>>, vector<16xi32>,
      tpu.vector_store %arg13[%swap3A_1266, %swap3A_1267], %get3A_1264 {strides = array<i32>} : memref<3x112xi32, #tpu.memory_space<vmem>>, vector<16xi32>,
      %get3A_1269 = arith.constant 1 : i32
      %get3A_1270 = arith.index_cast %get3A_1269 : i32 to index
      %get3A_1271 = arith.constant 64 : index
      %get3A_1272 = tpu.vector_load %arg14[%get3A_1270, %get3A_1271] {strides = array<i32>} : memref<3x112xf32, #tpu.memory_space<vmem>>, vector<16xf32>,
      %get3A_1273 = arith.constant 1 : i32
      %get3A_1274 = arith.index_cast %get3A_1273 : i32 to index
      %get3A_1275 = arith.constant 64 : index
      %get3A_1276 = tpu.vector_load %arg15[%get3A_1274, %get3A_1275] {strides = array<i32>} : memref<3x112xf32, #tpu.memory_space<vmem>>, vector<16xf32>,
      %add3A_1277 = arith.addf %get3A_1272, %get3A_1276 : vector<16xf32>
      %ge3A_1278 = arith.constant 0.000000e+00 : f32
      %ge3A_1279 = vector.broadcast %ge3A_1278 : f32 to vector<16xf32>
      %ge3A_1280 = arith.cmpf oge, %add3A_1277, %ge3A_1279 : vector<16xf32>
      %mul3A_1281 = arith.constant 2.000000e-01 : f32
      %mul3A_1282 = vector.broadcast %mul3A_1281 : f32 to vector<16xf32>
      %mul3A_1283 = arith.mulf %mul3A_1282, %add3A_1277 : vector<16xf32>
      %select_n3A_1284 = arith.select %ge3A_1280, %add3A_1277, %mul3A_1283 : vector<16xi1>, vector<16xf32>
      %sub3A_1285 = arith.subf %select_n3A_1284, %get3A_5 : vector<16xf32>
      %exp3A_1286 = math.exp %sub3A_1285 : vector<16xf32>
      %add3A_1287 = arith.constant 64 : i32
      %add3A_1288 = arith.addi %add3A_1078, %add3A_1287 : i32
      %broadcast_in_dim3A_1289 = vector.broadcast %add3A_1288 : i32 to vector<16xi32>
      %iota3A_1290 = tpu.iota {dimensions = array<i32: 0>} : vector<16xi32>
      %add3A_1291 = arith.addi %broadcast_in_dim3A_1289, %iota3A_1290 : vector<16xi32>
      %lt3A_1292 = arith.constant 330000 : i32
      %lt3A_1293 = vector.broadcast %lt3A_1292 : i32 to vector<16xi32>
      %lt3A_1294 = arith.cmpi slt, %add3A_1291, %lt3A_1293 : vector<16xi32>
      %jit3A_1295 = arith.constant 0.000000e+00 : f32
      %broadcast_in_dim3A_1296 = vector.broadcast %jit3A_1295 : f32 to vector<16xf32>
      %select_n3A_1297 = arith.select %lt3A_1294, %exp3A_1286, %broadcast_in_dim3A_1296 : vector<16xi1>, vector<16xf32>
      %swap3A_1298 = arith.constant 1 : i32
      %swap3A_1299 = arith.index_cast %swap3A_1298 : i32 to index
      %swap3A_1300 = arith.constant 64 : index
      %swap3A_1301 = tpu.vector_load %arg16[%swap3A_1299, %swap3A_1300] {strides = array<i32>} : memref<3x112xf32, #tpu.memory_space<vmem>>, vector<16xf32>,
      tpu.vector_store %arg16[%swap3A_1299, %swap3A_1300], %select_n3A_1297 {strides = array<i32>} : memref<3x112xf32, #tpu.memory_space<vmem>>, vector<16xf32>,
      %get3A_1302 = arith.constant 1 : i32
      %get3A_1303 = arith.index_cast %get3A_1302 : i32 to index
      %get3A_1304 = arith.constant 64 : index
      %get3A_1305 = tpu.vector_load %arg11[%get3A_1303, %get3A_1304] {strides = array<i32>} : memref<3x112xi32, #tpu.memory_space<vmem>>, vector<16xi32>,
      %swap3A_1306 = arith.constant 1 : i32
      %swap3A_1307 = arith.index_cast %swap3A_1306 : i32 to index
      %swap3A_1308 = arith.constant 64 : index
      %swap3A_1309 = tpu.vector_load %arg13[%swap3A_1307, %swap3A_1308] {strides = array<i32>} : memref<3x112xi32, #tpu.memory_space<vmem>>, vector<16xi32>,
      tpu.vector_store %arg13[%swap3A_1307, %swap3A_1308], %get3A_1305 {strides = array<i32>} : memref<3x112xi32, #tpu.memory_space<vmem>>, vector<16xi32>,
      %get3A_1310 = arith.constant 1 : i32
      %get3A_1311 = arith.index_cast %get3A_1310 : i32 to index
      %get3A_1312 = arith.constant 80 : index
      %get3A_1313 = tpu.vector_load %arg14[%get3A_1311, %get3A_1312] {strides = array<i32>} : memref<3x112xf32, #tpu.memory_space<vmem>>, vector<16xf32>,
      %get3A_1314 = arith.constant 1 : i32
      %get3A_1315 = arith.index_cast %get3A_1314 : i32 to index
      %get3A_1316 = arith.constant 80 : index
      %get3A_1317 = tpu.vector_load %arg15[%get3A_1315, %get3A_1316] {strides = array<i32>} : memref<3x112xf32, #tpu.memory_space<vmem>>, vector<16xf32>,
      %add3A_1318 = arith.addf %get3A_1313, %get3A_1317 : vector<16xf32>
      %ge3A_1319 = arith.constant 0.000000e+00 : f32
      %ge3A_1320 = vector.broadcast %ge3A_1319 : f32 to vector<16xf32>
      %ge3A_1321 = arith.cmpf oge, %add3A_1318, %ge3A_1320 : vector<16xf32>
      %mul3A_1322 = arith.constant 2.000000e-01 : f32
      %mul3A_1323 = vector.broadcast %mul3A_1322 : f32 to vector<16xf32>
      %mul3A_1324 = arith.mulf %mul3A_1323, %add3A_1318 : vector<16xf32>
      %select_n3A_1325 = arith.select %ge3A_1321, %add3A_1318, %mul3A_1324 : vector<16xi1>, vector<16xf32>
      %sub3A_1326 = arith.subf %select_n3A_1325, %get3A_5 : vector<16xf32>
      %exp3A_1327 = math.exp %sub3A_1326 : vector<16xf32>
      %add3A_1328 = arith.constant 80 : i32
      %add3A_1329 = arith.addi %add3A_1078, %add3A_1328 : i32
      %broadcast_in_dim3A_1330 = vector.broadcast %add3A_1329 : i32 to vector<16xi32>
      %iota3A_1331 = tpu.iota {dimensions = array<i32: 0>} : vector<16xi32>
      %add3A_1332 = arith.addi %broadcast_in_dim3A_1330, %iota3A_1331 : vector<16xi32>
      %lt3A_1333 = arith.constant 330000 : i32
      %lt3A_1334 = vector.broadcast %lt3A_1333 : i32 to vector<16xi32>
      %lt3A_1335 = arith.cmpi slt, %add3A_1332, %lt3A_1334 : vector<16xi32>
      %jit3A_1336 = arith.constant 0.000000e+00 : f32
      %broadcast_in_dim3A_1337 = vector.broadcast %jit3A_1336 : f32 to vector<16xf32>
      %select_n3A_1338 = arith.select %lt3A_1335, %exp3A_1327, %broadcast_in_dim3A_1337 : vector<16xi1>, vector<16xf32>
      %swap3A_1339 = arith.constant 1 : i32
      %swap3A_1340 = arith.index_cast %swap3A_1339 : i32 to index
      %swap3A_1341 = arith.constant 80 : index
      %swap3A_1342 = tpu.vector_load %arg16[%swap3A_1340, %swap3A_1341] {strides = array<i32>} : memref<3x112xf32, #tpu.memory_space<vmem>>, vector<16xf32>,
      tpu.vector_store %arg16[%swap3A_1340, %swap3A_1341], %select_n3A_1338 {strides = array<i32>} : memref<3x112xf32, #tpu.memory_space<vmem>>, vector<16xf32>,
      %get3A_1343 = arith.constant 1 : i32
      %get3A_1344 = arith.index_cast %get3A_1343 : i32 to index
      %get3A_1345 = arith.constant 80 : index
      %get3A_1346 = tpu.vector_load %arg11[%get3A_1344, %get3A_1345] {strides = array<i32>} : memref<3x112xi32, #tpu.memory_space<vmem>>, vector<16xi32>,
      %swap3A_1347 = arith.constant 1 : i32
      %swap3A_1348 = arith.index_cast %swap3A_1347 : i32 to index
      %swap3A_1349 = arith.constant 80 : index
      %swap3A_1350 = tpu.vector_load %arg13[%swap3A_1348, %swap3A_1349] {strides = array<i32>} : memref<3x112xi32, #tpu.memory_space<vmem>>, vector<16xi32>,
      tpu.vector_store %arg13[%swap3A_1348, %swap3A_1349], %get3A_1346 {strides = array<i32>} : memref<3x112xi32, #tpu.memory_space<vmem>>, vector<16xi32>,
      %get3A_1351 = arith.constant 1 : i32
      %get3A_1352 = arith.index_cast %get3A_1351 : i32 to index
      %get3A_1353 = arith.constant 96 : index
      %get3A_1354 = tpu.vector_load %arg14[%get3A_1352, %get3A_1353] {strides = array<i32>} : memref<3x112xf32, #tpu.memory_space<vmem>>, vector<16xf32>,
      %get3A_1355 = arith.constant 1 : i32
      %get3A_1356 = arith.index_cast %get3A_1355 : i32 to index
      %get3A_1357 = arith.constant 96 : index
      %get3A_1358 = tpu.vector_load %arg15[%get3A_1356, %get3A_1357] {strides = array<i32>} : memref<3x112xf32, #tpu.memory_space<vmem>>, vector<16xf32>,
      %add3A_1359 = arith.addf %get3A_1354, %get3A_1358 : vector<16xf32>
      %ge3A_1360 = arith.constant 0.000000e+00 : f32
      %ge3A_1361 = vector.broadcast %ge3A_1360 : f32 to vector<16xf32>
      %ge3A_1362 = arith.cmpf oge, %add3A_1359, %ge3A_1361 : vector<16xf32>
      %mul3A_1363 = arith.constant 2.000000e-01 : f32
      %mul3A_1364 = vector.broadcast %mul3A_1363 : f32 to vector<16xf32>
      %mul3A_1365 = arith.mulf %mul3A_1364, %add3A_1359 : vector<16xf32>
      %select_n3A_1366 = arith.select %ge3A_1362, %add3A_1359, %mul3A_1365 : vector<16xi1>, vector<16xf32>
      %sub3A_1367 = arith.subf %select_n3A_1366, %get3A_5 : vector<16xf32>
      %exp3A_1368 = math.exp %sub3A_1367 : vector<16xf32>
      %add3A_1369 = arith.constant 96 : i32
      %add3A_1370 = arith.addi %add3A_1078, %add3A_1369 : i32
      %broadcast_in_dim3A_1371 = vector.broadcast %add3A_1370 : i32 to vector<16xi32>
      %iota3A_1372 = tpu.iota {dimensions = array<i32: 0>} : vector<16xi32>
      %add3A_1373 = arith.addi %broadcast_in_dim3A_1371, %iota3A_1372 : vector<16xi32>
      %lt3A_1374 = arith.constant 330000 : i32
      %lt3A_1375 = vector.broadcast %lt3A_1374 : i32 to vector<16xi32>
      %lt3A_1376 = arith.cmpi slt, %add3A_1373, %lt3A_1375 : vector<16xi32>
      %jit3A_1377 = arith.constant 0.000000e+00 : f32
      %broadcast_in_dim3A_1378 = vector.broadcast %jit3A_1377 : f32 to vector<16xf32>
      %select_n3A_1379 = arith.select %lt3A_1376, %exp3A_1368, %broadcast_in_dim3A_1378 : vector<16xi1>, vector<16xf32>
      %swap3A_1380 = arith.constant 1 : i32
      %swap3A_1381 = arith.index_cast %swap3A_1380 : i32 to index
      %swap3A_1382 = arith.constant 96 : index
      %swap3A_1383 = tpu.vector_load %arg16[%swap3A_1381, %swap3A_1382] {strides = array<i32>} : memref<3x112xf32, #tpu.memory_space<vmem>>, vector<16xf32>,
      tpu.vector_store %arg16[%swap3A_1381, %swap3A_1382], %select_n3A_1379 {strides = array<i32>} : memref<3x112xf32, #tpu.memory_space<vmem>>, vector<16xf32>,
      %get3A_1384 = arith.constant 1 : i32
      %get3A_1385 = arith.index_cast %get3A_1384 : i32 to index
      %get3A_1386 = arith.constant 96 : index
      %get3A_1387 = tpu.vector_load %arg11[%get3A_1385, %get3A_1386] {strides = array<i32>} : memref<3x112xi32, #tpu.memory_space<vmem>>, vector<16xi32>,
      %swap3A_1388 = arith.constant 1 : i32
      %swap3A_1389 = arith.index_cast %swap3A_1388 : i32 to index
      %swap3A_1390 = arith.constant 96 : index
      %swap3A_1391 = tpu.vector_load %arg13[%swap3A_1389, %swap3A_1390] {strides = array<i32>} : memref<3x112xi32, #tpu.memory_space<vmem>>, vector<16xi32>,
      tpu.vector_store %arg13[%swap3A_1389, %swap3A_1390], %get3A_1387 {strides = array<i32>} : memref<3x112xi32, #tpu.memory_space<vmem>>, vector<16xi32>,
      %ge3A_1392 = arith.constant 1 : i32
      %ge3A_1393 = arith.cmpi sge, %add3A_1075, %ge3A_1392 : i32
      %convert_element_type3A_1394 = arith.extui %ge3A_1393 : i1 to i32
      %cond3A_1395 = arith.constant 0 : i32
      %cond3A_1396 = arith.cmpi ne, %convert_element_type3A_1394, %cond3A_1395 : i32
      scf.if %cond3A_1396 {
        %dma_wait3A_1997 = arith.constant 0 : i32
        %dma_wait3A_1998 = arith.constant 0 : i32
        %dma_wait3A_1999 = arith.constant 0 : i32
        %dma_wait3A_2000 = arith.constant 0 : i32
        %dma_wait3A_2001 = arith.constant 0 : i32
        %dma_wait3A_2002 = tpu.memref_slice %arg17[%dma_wait3A_1997, %dma_wait3A_2000, %dma_wait3A_2001] : memref<3x112x128xf32, #tpu.memory_space<vmem>> -> memref<1x112x128xf32, #tpu.memory_space<vmem>>
        %dma_wait3A_2003 = tpu.memref_squeeze %dma_wait3A_2002 : memref<1x112x128xf32, #tpu.memory_space<vmem>> -> memref<112x128xf32, #tpu.memory_space<vmem>>
        %dma_wait3A_2004 = arith.constant 0 : i32
        %dma_wait3A_2005 = tpu.memref_slice %arg13[%dma_wait3A_1998, %dma_wait3A_2004] : memref<3x112xi32, #tpu.memory_space<vmem>> -> memref<1x112xi32, #tpu.memory_space<vmem>>
        %dma_wait3A_2006 = tpu.memref_squeeze %dma_wait3A_2005 : memref<1x112xi32, #tpu.memory_space<vmem>> -> memref<112xi32, #tpu.memory_space<vmem>>
        %dma_wait3A_2007 = arith.constant 0 : i32
        %dma_wait3A_2008 = arith.constant 0 : i32
        %dma_wait3A_2009 = tpu.memref_slice %arg19[%dma_wait3A_2007, %dma_wait3A_2008] : memref<10000x128xf32, #tpu.memory_space<vmem_shared>> -> memref<10000x128xf32, #tpu.memory_space<vmem_shared>>
        %dma_wait3A_2010 = tpu.memref_slice %arg22[%dma_wait3A_1999] : memref<3x!tpu.dma_semaphore, #tpu.memory_space<semaphore_mem>> -> memref<1x!tpu.dma_semaphore, #tpu.memory_space<semaphore_mem>>
        %dma_wait3A_2011 = tpu.memref_squeeze %dma_wait3A_2010 : memref<1x!tpu.dma_semaphore, #tpu.memory_space<semaphore_mem>> -> memref<!tpu.dma_semaphore, #tpu.memory_space<semaphore_mem>>
        tpu.wait_indirect_dma semaphore(%dma_wait3A_2011 : memref<!tpu.dma_semaphore, #tpu.memory_space<semaphore_mem>>) src(%dma_wait3A_2003 : memref<112x128xf32, #tpu.memory_space<vmem>>) dst(%dma_wait3A_2009 : memref<10000x128xf32, #tpu.memory_space<vmem_shared>>)
      } else {
      }
      %dma_start3A_1397 = arith.constant 0 : i32
      %dma_start3A_1398 = arith.constant 0 : i32
      %dma_start3A_1399 = arith.constant 0 : i32
      %dma_start3A_1400 = arith.constant 0 : i32
      %dma_start3A_1401 = arith.constant 0 : i32
      %dma_start3A_1402 = tpu.memref_slice %arg17[%dma_start3A_1398, %dma_start3A_1400, %dma_start3A_1401] : memref<3x112x128xf32, #tpu.memory_space<vmem>> -> memref<1x112x128xf32, #tpu.memory_space<vmem>>
      %dma_start3A_1403 = tpu.memref_squeeze %dma_start3A_1402 : memref<1x112x128xf32, #tpu.memory_space<vmem>> -> memref<112x128xf32, #tpu.memory_space<vmem>>
      %dma_start3A_1404 = arith.constant 0 : i32
      %dma_start3A_1405 = tpu.memref_slice %arg12[%dma_start3A_1397, %dma_start3A_1404] : memref<3x112xi32, #tpu.memory_space<vmem>> -> memref<1x112xi32, #tpu.memory_space<vmem>>
      %dma_start3A_1406 = tpu.memref_squeeze %dma_start3A_1405 : memref<1x112xi32, #tpu.memory_space<vmem>> -> memref<112xi32, #tpu.memory_space<vmem>>
      %dma_start3A_1407 = arith.constant 0 : i32
      %dma_start3A_1408 = arith.constant 0 : i32
      %dma_start3A_1409 = tpu.memref_slice %arg7[%dma_start3A_1407, %dma_start3A_1408] : memref<10000x128xf32, #tpu.memory_space<hbm>> -> memref<10000x128xf32, #tpu.memory_space<hbm>>
      %dma_start3A_1410 = tpu.memref_slice %arg21[%dma_start3A_1399] : memref<3x!tpu.dma_semaphore, #tpu.memory_space<semaphore_mem>> -> memref<1x!tpu.dma_semaphore, #tpu.memory_space<semaphore_mem>>
      %dma_start3A_1411 = tpu.memref_squeeze %dma_start3A_1410 : memref<1x!tpu.dma_semaphore, #tpu.memory_space<semaphore_mem>> -> memref<!tpu.dma_semaphore, #tpu.memory_space<semaphore_mem>>
      tpu.enqueue_indirect_dma source(%dma_start3A_1409 : memref<10000x128xf32, #tpu.memory_space<hbm>>) target(%dma_start3A_1403 : memref<112x128xf32, #tpu.memory_space<vmem>>) offsets(%dma_start3A_1406 : memref<112xi32, #tpu.memory_space<vmem>>) semaphore(%dma_start3A_1411 : memref<!tpu.dma_semaphore, #tpu.memory_space<semaphore_mem>>)
      %dma_wait3A_1412 = arith.constant 1 : i32
      %dma_wait3A_1413 = arith.constant 1 : i32
      %dma_wait3A_1414 = arith.constant 1 : i32
      %dma_wait3A_1415 = arith.constant 0 : i32
      %dma_wait3A_1416 = arith.constant 0 : i32
      %dma_wait3A_1417 = tpu.memref_slice %arg17[%dma_wait3A_1413, %dma_wait3A_1415, %dma_wait3A_1416] : memref<3x112x128xf32, #tpu.memory_space<vmem>> -> memref<1x112x128xf32, #tpu.memory_space<vmem>>
      %dma_wait3A_1418 = tpu.memref_squeeze %dma_wait3A_1417 : memref<1x112x128xf32, #tpu.memory_space<vmem>> -> memref<112x128xf32, #tpu.memory_space<vmem>>
      %dma_wait3A_1419 = arith.constant 0 : i32
      %dma_wait3A_1420 = tpu.memref_slice %arg12[%dma_wait3A_1412, %dma_wait3A_1419] : memref<3x112xi32, #tpu.memory_space<vmem>> -> memref<1x112xi32, #tpu.memory_space<vmem>>
      %dma_wait3A_1421 = tpu.memref_squeeze %dma_wait3A_1420 : memref<1x112xi32, #tpu.memory_space<vmem>> -> memref<112xi32, #tpu.memory_space<vmem>>
      %dma_wait3A_1422 = arith.constant 0 : i32
      %dma_wait3A_1423 = arith.constant 0 : i32
      %dma_wait3A_1424 = tpu.memref_slice %arg7[%dma_wait3A_1422, %dma_wait3A_1423] : memref<10000x128xf32, #tpu.memory_space<hbm>> -> memref<10000x128xf32, #tpu.memory_space<hbm>>
      %dma_wait3A_1425 = tpu.memref_slice %arg21[%dma_wait3A_1414] : memref<3x!tpu.dma_semaphore, #tpu.memory_space<semaphore_mem>> -> memref<1x!tpu.dma_semaphore, #tpu.memory_space<semaphore_mem>>
      %dma_wait3A_1426 = tpu.memref_squeeze %dma_wait3A_1425 : memref<1x!tpu.dma_semaphore, #tpu.memory_space<semaphore_mem>> -> memref<!tpu.dma_semaphore, #tpu.memory_space<semaphore_mem>>
      tpu.wait_indirect_dma semaphore(%dma_wait3A_1426 : memref<!tpu.dma_semaphore, #tpu.memory_space<semaphore_mem>>) src(%dma_wait3A_1424 : memref<10000x128xf32, #tpu.memory_space<hbm>>) dst(%dma_wait3A_1418 : memref<112x128xf32, #tpu.memory_space<vmem>>)
      %scan3A_1427 = arith.constant 0 : i32
      %scan3A_1428 = arith.constant 0 : i32
      %scan3A_1429 = arith.constant 112 : i32
      %scan3A_1430 = arith.addi %scan3A_1428, %scan3A_1429 : i32
      %scan3A_1431 = arith.constant 4 : i32
      %scan3A_1432 = scf.for %scan3A_1997 = %scan3A_1428 to %scan3A_1430 step %scan3A_1431 iter_args(%scan3A_1998 = %scan3A_1427) -> (i32)  : i32 {
        %broadcast_in_dim3A_1999 = vector.broadcast %scan3A_1997 : i32 to vector<16xi32>
        %gather3A = arith.constant 1 : i32
        %gather3A_2000 = arith.constant 0 : i32
        %gather3A_2001 = tpu.memref_slice %arg16[%gather3A, %gather3A_2000] : memref<3x112xf32, #tpu.memory_space<vmem>> -> memref<1x112xf32, #tpu.memory_space<vmem>>
        %gather3A_2002 = tpu.memref_squeeze %gather3A_2001 : memref<1x112xf32, #tpu.memory_space<vmem>> -> memref<112xf32, #tpu.memory_space<vmem>>
        %gather3A_2003 = tpu.vector_load_idx %gather3A_2002[%broadcast_in_dim3A_1999] : memref<112xf32, #tpu.memory_space<vmem>>[vector<16xi32>], vector<16xf32>,
        %get3A_2004 = arith.constant 1 : i32
        %get3A_2005 = arith.index_cast %get3A_2004 : i32 to index
        %get3A_2006 = arith.index_cast %scan3A_1997 : i32 to index
        %get3A_2007 = arith.constant 0 : index
        %get3A_2008 = tpu.vector_load %arg17[%get3A_2005, %get3A_2006, %get3A_2007] {strides = array<i32>} : memref<3x112x128xf32, #tpu.memory_space<vmem>>, vector<16xf32>,
        %mul3A_2009 = arith.mulf %get3A_2008, %gather3A_2003 : vector<16xf32>
        %swap3A_2010 = arith.constant 1 : i32
        %swap3A_2011 = arith.index_cast %swap3A_2010 : i32 to index
        %swap3A_2012 = arith.index_cast %scan3A_1997 : i32 to index
        %swap3A_2013 = arith.constant 0 : index
        %swap3A_2014 = tpu.vector_load %arg17[%swap3A_2011, %swap3A_2012, %swap3A_2013] {strides = array<i32>} : memref<3x112x128xf32, #tpu.memory_space<vmem>>, vector<16xf32>,
        tpu.vector_store %arg17[%swap3A_2011, %swap3A_2012, %swap3A_2013], %mul3A_2009 {strides = array<i32>} : memref<3x112x128xf32, #tpu.memory_space<vmem>>, vector<16xf32>,
        %get3A_2015 = arith.constant 1 : i32
        %get3A_2016 = arith.index_cast %get3A_2015 : i32 to index
        %get3A_2017 = arith.index_cast %scan3A_1997 : i32 to index
        %get3A_2018 = arith.constant 16 : index
        %get3A_2019 = tpu.vector_load %arg17[%get3A_2016, %get3A_2017, %get3A_2018] {strides = array<i32>} : memref<3x112x128xf32, #tpu.memory_space<vmem>>, vector<16xf32>,
        %mul3A_2020 = arith.mulf %get3A_2019, %gather3A_2003 : vector<16xf32>
        %swap3A_2021 = arith.constant 1 : i32
        %swap3A_2022 = arith.index_cast %swap3A_2021 : i32 to index
        %swap3A_2023 = arith.index_cast %scan3A_1997 : i32 to index
        %swap3A_2024 = arith.constant 16 : index
        %swap3A_2025 = tpu.vector_load %arg17[%swap3A_2022, %swap3A_2023, %swap3A_2024] {strides = array<i32>} : memref<3x112x128xf32, #tpu.memory_space<vmem>>, vector<16xf32>,
        tpu.vector_store %arg17[%swap3A_2022, %swap3A_2023, %swap3A_2024], %mul3A_2020 {strides = array<i32>} : memref<3x112x128xf32, #tpu.memory_space<vmem>>, vector<16xf32>,
        %get3A_2026 = arith.constant 1 : i32
        %get3A_2027 = arith.index_cast %get3A_2026 : i32 to index
        %get3A_2028 = arith.index_cast %scan3A_1997 : i32 to index
        %get3A_2029 = arith.constant 32 : index
        %get3A_2030 = tpu.vector_load %arg17[%get3A_2027, %get3A_2028, %get3A_2029] {strides = array<i32>} : memref<3x112x128xf32, #tpu.memory_space<vmem>>, vector<16xf32>,
        %mul3A_2031 = arith.mulf %get3A_2030, %gather3A_2003 : vector<16xf32>
        %swap3A_2032 = arith.constant 1 : i32
        %swap3A_2033 = arith.index_cast %swap3A_2032 : i32 to index
        %swap3A_2034 = arith.index_cast %scan3A_1997 : i32 to index
        %swap3A_2035 = arith.constant 32 : index
        %swap3A_2036 = tpu.vector_load %arg17[%swap3A_2033, %swap3A_2034, %swap3A_2035] {strides = array<i32>} : memref<3x112x128xf32, #tpu.memory_space<vmem>>, vector<16xf32>,
        tpu.vector_store %arg17[%swap3A_2033, %swap3A_2034, %swap3A_2035], %mul3A_2031 {strides = array<i32>} : memref<3x112x128xf32, #tpu.memory_space<vmem>>, vector<16xf32>,
        %get3A_2037 = arith.constant 1 : i32
        %get3A_2038 = arith.index_cast %get3A_2037 : i32 to index
        %get3A_2039 = arith.index_cast %scan3A_1997 : i32 to index
        %get3A_2040 = arith.constant 48 : index
        %get3A_2041 = tpu.vector_load %arg17[%get3A_2038, %get3A_2039, %get3A_2040] {strides = array<i32>} : memref<3x112x128xf32, #tpu.memory_space<vmem>>, vector<16xf32>,
        %mul3A_2042 = arith.mulf %get3A_2041, %gather3A_2003 : vector<16xf32>
        %swap3A_2043 = arith.constant 1 : i32
        %swap3A_2044 = arith.index_cast %swap3A_2043 : i32 to index
        %swap3A_2045 = arith.index_cast %scan3A_1997 : i32 to index
        %swap3A_2046 = arith.constant 48 : index
        %swap3A_2047 = tpu.vector_load %arg17[%swap3A_2044, %swap3A_2045, %swap3A_2046] {strides = array<i32>} : memref<3x112x128xf32, #tpu.memory_space<vmem>>, vector<16xf32>,
        tpu.vector_store %arg17[%swap3A_2044, %swap3A_2045, %swap3A_2046], %mul3A_2042 {strides = array<i32>} : memref<3x112x128xf32, #tpu.memory_space<vmem>>, vector<16xf32>,
        %get3A_2048 = arith.constant 1 : i32
        %get3A_2049 = arith.index_cast %get3A_2048 : i32 to index
        %get3A_2050 = arith.index_cast %scan3A_1997 : i32 to index
        %get3A_2051 = arith.constant 64 : index
        %get3A_2052 = tpu.vector_load %arg17[%get3A_2049, %get3A_2050, %get3A_2051] {strides = array<i32>} : memref<3x112x128xf32, #tpu.memory_space<vmem>>, vector<16xf32>,
        %mul3A_2053 = arith.mulf %get3A_2052, %gather3A_2003 : vector<16xf32>
        %swap3A_2054 = arith.constant 1 : i32
        %swap3A_2055 = arith.index_cast %swap3A_2054 : i32 to index
        %swap3A_2056 = arith.index_cast %scan3A_1997 : i32 to index
        %swap3A_2057 = arith.constant 64 : index
        %swap3A_2058 = tpu.vector_load %arg17[%swap3A_2055, %swap3A_2056, %swap3A_2057] {strides = array<i32>} : memref<3x112x128xf32, #tpu.memory_space<vmem>>, vector<16xf32>,
        tpu.vector_store %arg17[%swap3A_2055, %swap3A_2056, %swap3A_2057], %mul3A_2053 {strides = array<i32>} : memref<3x112x128xf32, #tpu.memory_space<vmem>>, vector<16xf32>,
        %get3A_2059 = arith.constant 1 : i32
        %get3A_2060 = arith.index_cast %get3A_2059 : i32 to index
        %get3A_2061 = arith.index_cast %scan3A_1997 : i32 to index
        %get3A_2062 = arith.constant 80 : index
        %get3A_2063 = tpu.vector_load %arg17[%get3A_2060, %get3A_2061, %get3A_2062] {strides = array<i32>} : memref<3x112x128xf32, #tpu.memory_space<vmem>>, vector<16xf32>,
        %mul3A_2064 = arith.mulf %get3A_2063, %gather3A_2003 : vector<16xf32>
        %swap3A_2065 = arith.constant 1 : i32
        %swap3A_2066 = arith.index_cast %swap3A_2065 : i32 to index
        %swap3A_2067 = arith.index_cast %scan3A_1997 : i32 to index
        %swap3A_2068 = arith.constant 80 : index
        %swap3A_2069 = tpu.vector_load %arg17[%swap3A_2066, %swap3A_2067, %swap3A_2068] {strides = array<i32>} : memref<3x112x128xf32, #tpu.memory_space<vmem>>, vector<16xf32>,
        tpu.vector_store %arg17[%swap3A_2066, %swap3A_2067, %swap3A_2068], %mul3A_2064 {strides = array<i32>} : memref<3x112x128xf32, #tpu.memory_space<vmem>>, vector<16xf32>,
        %get3A_2070 = arith.constant 1 : i32
        %get3A_2071 = arith.index_cast %get3A_2070 : i32 to index
        %get3A_2072 = arith.index_cast %scan3A_1997 : i32 to index
        %get3A_2073 = arith.constant 96 : index
        %get3A_2074 = tpu.vector_load %arg17[%get3A_2071, %get3A_2072, %get3A_2073] {strides = array<i32>} : memref<3x112x128xf32, #tpu.memory_space<vmem>>, vector<16xf32>,
        %mul3A_2075 = arith.mulf %get3A_2074, %gather3A_2003 : vector<16xf32>
        %swap3A_2076 = arith.constant 1 : i32
        %swap3A_2077 = arith.index_cast %swap3A_2076 : i32 to index
        %swap3A_2078 = arith.index_cast %scan3A_1997 : i32 to index
        %swap3A_2079 = arith.constant 96 : index
        %swap3A_2080 = tpu.vector_load %arg17[%swap3A_2077, %swap3A_2078, %swap3A_2079] {strides = array<i32>} : memref<3x112x128xf32, #tpu.memory_space<vmem>>, vector<16xf32>,
        tpu.vector_store %arg17[%swap3A_2077, %swap3A_2078, %swap3A_2079], %mul3A_2075 {strides = array<i32>} : memref<3x112x128xf32, #tpu.memory_space<vmem>>, vector<16xf32>,
        %get3A_2081 = arith.constant 1 : i32
        %get3A_2082 = arith.index_cast %get3A_2081 : i32 to index
        %get3A_2083 = arith.index_cast %scan3A_1997 : i32 to index
        %get3A_2084 = arith.constant 112 : index
        %get3A_2085 = tpu.vector_load %arg17[%get3A_2082, %get3A_2083, %get3A_2084] {strides = array<i32>} : memref<3x112x128xf32, #tpu.memory_space<vmem>>, vector<16xf32>,
        %mul3A_2086 = arith.mulf %get3A_2085, %gather3A_2003 : vector<16xf32>
        %swap3A_2087 = arith.constant 1 : i32
        %swap3A_2088 = arith.index_cast %swap3A_2087 : i32 to index
        %swap3A_2089 = arith.index_cast %scan3A_1997 : i32 to index
        %swap3A_2090 = arith.constant 112 : index
        %swap3A_2091 = tpu.vector_load %arg17[%swap3A_2088, %swap3A_2089, %swap3A_2090] {strides = array<i32>} : memref<3x112x128xf32, #tpu.memory_space<vmem>>, vector<16xf32>,
        tpu.vector_store %arg17[%swap3A_2088, %swap3A_2089, %swap3A_2090], %mul3A_2086 {strides = array<i32>} : memref<3x112x128xf32, #tpu.memory_space<vmem>>, vector<16xf32>,
        %scan3A_2092 = arith.constant 0 : i32
        %scan3A_2093 = arith.constant 1 : i32
        %scan3A_2094 = arith.addi %scan3A_1997, %scan3A_2093 : i32
        %broadcast_in_dim3A_2095 = vector.broadcast %scan3A_2094 : i32 to vector<16xi32>
        %gather3A_2096 = arith.constant 1 : i32
        %gather3A_2097 = arith.constant 0 : i32
        %gather3A_2098 = tpu.memref_slice %arg16[%gather3A_2096, %gather3A_2097] : memref<3x112xf32, #tpu.memory_space<vmem>> -> memref<1x112xf32, #tpu.memory_space<vmem>>
        %gather3A_2099 = tpu.memref_squeeze %gather3A_2098 : memref<1x112xf32, #tpu.memory_space<vmem>> -> memref<112xf32, #tpu.memory_space<vmem>>
        %gather3A_2100 = tpu.vector_load_idx %gather3A_2099[%broadcast_in_dim3A_2095] : memref<112xf32, #tpu.memory_space<vmem>>[vector<16xi32>], vector<16xf32>,
        %get3A_2101 = arith.constant 1 : i32
        %get3A_2102 = arith.index_cast %get3A_2101 : i32 to index
        %get3A_2103 = arith.index_cast %scan3A_2094 : i32 to index
        %get3A_2104 = arith.constant 0 : index
        %get3A_2105 = tpu.vector_load %arg17[%get3A_2102, %get3A_2103, %get3A_2104] {strides = array<i32>} : memref<3x112x128xf32, #tpu.memory_space<vmem>>, vector<16xf32>,
        %mul3A_2106 = arith.mulf %get3A_2105, %gather3A_2100 : vector<16xf32>
        %swap3A_2107 = arith.constant 1 : i32
        %swap3A_2108 = arith.index_cast %swap3A_2107 : i32 to index
        %swap3A_2109 = arith.index_cast %scan3A_2094 : i32 to index
        %swap3A_2110 = arith.constant 0 : index
        %swap3A_2111 = tpu.vector_load %arg17[%swap3A_2108, %swap3A_2109, %swap3A_2110] {strides = array<i32>} : memref<3x112x128xf32, #tpu.memory_space<vmem>>, vector<16xf32>,
        tpu.vector_store %arg17[%swap3A_2108, %swap3A_2109, %swap3A_2110], %mul3A_2106 {strides = array<i32>} : memref<3x112x128xf32, #tpu.memory_space<vmem>>, vector<16xf32>,
        %get3A_2112 = arith.constant 1 : i32
        %get3A_2113 = arith.index_cast %get3A_2112 : i32 to index
        %get3A_2114 = arith.index_cast %scan3A_2094 : i32 to index
        %get3A_2115 = arith.constant 16 : index
        %get3A_2116 = tpu.vector_load %arg17[%get3A_2113, %get3A_2114, %get3A_2115] {strides = array<i32>} : memref<3x112x128xf32, #tpu.memory_space<vmem>>, vector<16xf32>,
        %mul3A_2117 = arith.mulf %get3A_2116, %gather3A_2100 : vector<16xf32>
        %swap3A_2118 = arith.constant 1 : i32
        %swap3A_2119 = arith.index_cast %swap3A_2118 : i32 to index
        %swap3A_2120 = arith.index_cast %scan3A_2094 : i32 to index
        %swap3A_2121 = arith.constant 16 : index
        %swap3A_2122 = tpu.vector_load %arg17[%swap3A_2119, %swap3A_2120, %swap3A_2121] {strides = array<i32>} : memref<3x112x128xf32, #tpu.memory_space<vmem>>, vector<16xf32>,
        tpu.vector_store %arg17[%swap3A_2119, %swap3A_2120, %swap3A_2121], %mul3A_2117 {strides = array<i32>} : memref<3x112x128xf32, #tpu.memory_space<vmem>>, vector<16xf32>,
        %get3A_2123 = arith.constant 1 : i32
        %get3A_2124 = arith.index_cast %get3A_2123 : i32 to index
        %get3A_2125 = arith.index_cast %scan3A_2094 : i32 to index
        %get3A_2126 = arith.constant 32 : index
        %get3A_2127 = tpu.vector_load %arg17[%get3A_2124, %get3A_2125, %get3A_2126] {strides = array<i32>} : memref<3x112x128xf32, #tpu.memory_space<vmem>>, vector<16xf32>,
        %mul3A_2128 = arith.mulf %get3A_2127, %gather3A_2100 : vector<16xf32>
        %swap3A_2129 = arith.constant 1 : i32
        %swap3A_2130 = arith.index_cast %swap3A_2129 : i32 to index
        %swap3A_2131 = arith.index_cast %scan3A_2094 : i32 to index
        %swap3A_2132 = arith.constant 32 : index
        %swap3A_2133 = tpu.vector_load %arg17[%swap3A_2130, %swap3A_2131, %swap3A_2132] {strides = array<i32>} : memref<3x112x128xf32, #tpu.memory_space<vmem>>, vector<16xf32>,
        tpu.vector_store %arg17[%swap3A_2130, %swap3A_2131, %swap3A_2132], %mul3A_2128 {strides = array<i32>} : memref<3x112x128xf32, #tpu.memory_space<vmem>>, vector<16xf32>,
        %get3A_2134 = arith.constant 1 : i32
        %get3A_2135 = arith.index_cast %get3A_2134 : i32 to index
        %get3A_2136 = arith.index_cast %scan3A_2094 : i32 to index
        %get3A_2137 = arith.constant 48 : index
        %get3A_2138 = tpu.vector_load %arg17[%get3A_2135, %get3A_2136, %get3A_2137] {strides = array<i32>} : memref<3x112x128xf32, #tpu.memory_space<vmem>>, vector<16xf32>,
        %mul3A_2139 = arith.mulf %get3A_2138, %gather3A_2100 : vector<16xf32>
        %swap3A_2140 = arith.constant 1 : i32
        %swap3A_2141 = arith.index_cast %swap3A_2140 : i32 to index
        %swap3A_2142 = arith.index_cast %scan3A_2094 : i32 to index
        %swap3A_2143 = arith.constant 48 : index
        %swap3A_2144 = tpu.vector_load %arg17[%swap3A_2141, %swap3A_2142, %swap3A_2143] {strides = array<i32>} : memref<3x112x128xf32, #tpu.memory_space<vmem>>, vector<16xf32>,
        tpu.vector_store %arg17[%swap3A_2141, %swap3A_2142, %swap3A_2143], %mul3A_2139 {strides = array<i32>} : memref<3x112x128xf32, #tpu.memory_space<vmem>>, vector<16xf32>,
        %get3A_2145 = arith.constant 1 : i32
        %get3A_2146 = arith.index_cast %get3A_2145 : i32 to index
        %get3A_2147 = arith.index_cast %scan3A_2094 : i32 to index
        %get3A_2148 = arith.constant 64 : index
        %get3A_2149 = tpu.vector_load %arg17[%get3A_2146, %get3A_2147, %get3A_2148] {strides = array<i32>} : memref<3x112x128xf32, #tpu.memory_space<vmem>>, vector<16xf32>,
        %mul3A_2150 = arith.mulf %get3A_2149, %gather3A_2100 : vector<16xf32>
        %swap3A_2151 = arith.constant 1 : i32
        %swap3A_2152 = arith.index_cast %swap3A_2151 : i32 to index
        %swap3A_2153 = arith.index_cast %scan3A_2094 : i32 to index
        %swap3A_2154 = arith.constant 64 : index
        %swap3A_2155 = tpu.vector_load %arg17[%swap3A_2152, %swap3A_2153, %swap3A_2154] {strides = array<i32>} : memref<3x112x128xf32, #tpu.memory_space<vmem>>, vector<16xf32>,
        tpu.vector_store %arg17[%swap3A_2152, %swap3A_2153, %swap3A_2154], %mul3A_2150 {strides = array<i32>} : memref<3x112x128xf32, #tpu.memory_space<vmem>>, vector<16xf32>,
        %get3A_2156 = arith.constant 1 : i32
        %get3A_2157 = arith.index_cast %get3A_2156 : i32 to index
        %get3A_2158 = arith.index_cast %scan3A_2094 : i32 to index
        %get3A_2159 = arith.constant 80 : index
        %get3A_2160 = tpu.vector_load %arg17[%get3A_2157, %get3A_2158, %get3A_2159] {strides = array<i32>} : memref<3x112x128xf32, #tpu.memory_space<vmem>>, vector<16xf32>,
        %mul3A_2161 = arith.mulf %get3A_2160, %gather3A_2100 : vector<16xf32>
        %swap3A_2162 = arith.constant 1 : i32
        %swap3A_2163 = arith.index_cast %swap3A_2162 : i32 to index
        %swap3A_2164 = arith.index_cast %scan3A_2094 : i32 to index
        %swap3A_2165 = arith.constant 80 : index
        %swap3A_2166 = tpu.vector_load %arg17[%swap3A_2163, %swap3A_2164, %swap3A_2165] {strides = array<i32>} : memref<3x112x128xf32, #tpu.memory_space<vmem>>, vector<16xf32>,
        tpu.vector_store %arg17[%swap3A_2163, %swap3A_2164, %swap3A_2165], %mul3A_2161 {strides = array<i32>} : memref<3x112x128xf32, #tpu.memory_space<vmem>>, vector<16xf32>,
        %get3A_2167 = arith.constant 1 : i32
        %get3A_2168 = arith.index_cast %get3A_2167 : i32 to index
        %get3A_2169 = arith.index_cast %scan3A_2094 : i32 to index
        %get3A_2170 = arith.constant 96 : index
        %get3A_2171 = tpu.vector_load %arg17[%get3A_2168, %get3A_2169, %get3A_2170] {strides = array<i32>} : memref<3x112x128xf32, #tpu.memory_space<vmem>>, vector<16xf32>,
        %mul3A_2172 = arith.mulf %get3A_2171, %gather3A_2100 : vector<16xf32>
        %swap3A_2173 = arith.constant 1 : i32
        %swap3A_2174 = arith.index_cast %swap3A_2173 : i32 to index
        %swap3A_2175 = arith.index_cast %scan3A_2094 : i32 to index
        %swap3A_2176 = arith.constant 96 : index
        %swap3A_2177 = tpu.vector_load %arg17[%swap3A_2174, %swap3A_2175, %swap3A_2176] {strides = array<i32>} : memref<3x112x128xf32, #tpu.memory_space<vmem>>, vector<16xf32>,
        tpu.vector_store %arg17[%swap3A_2174, %swap3A_2175, %swap3A_2176], %mul3A_2172 {strides = array<i32>} : memref<3x112x128xf32, #tpu.memory_space<vmem>>, vector<16xf32>,
        %get3A_2178 = arith.constant 1 : i32
        %get3A_2179 = arith.index_cast %get3A_2178 : i32 to index
        %get3A_2180 = arith.index_cast %scan3A_2094 : i32 to index
        %get3A_2181 = arith.constant 112 : index
        %get3A_2182 = tpu.vector_load %arg17[%get3A_2179, %get3A_2180, %get3A_2181] {strides = array<i32>} : memref<3x112x128xf32, #tpu.memory_space<vmem>>, vector<16xf32>,
        %mul3A_2183 = arith.mulf %get3A_2182, %gather3A_2100 : vector<16xf32>
        %swap3A_2184 = arith.constant 1 : i32
        %swap3A_2185 = arith.index_cast %swap3A_2184 : i32 to index
        %swap3A_2186 = arith.index_cast %scan3A_2094 : i32 to index
        %swap3A_2187 = arith.constant 112 : index
        %swap3A_2188 = tpu.vector_load %arg17[%swap3A_2185, %swap3A_2186, %swap3A_2187] {strides = array<i32>} : memref<3x112x128xf32, #tpu.memory_space<vmem>>, vector<16xf32>,
        tpu.vector_store %arg17[%swap3A_2185, %swap3A_2186, %swap3A_2187], %mul3A_2183 {strides = array<i32>} : memref<3x112x128xf32, #tpu.memory_space<vmem>>, vector<16xf32>,
        %scan3A_2189 = arith.constant 0 : i32
        %scan3A_2190 = arith.constant 2 : i32
        %scan3A_2191 = arith.addi %scan3A_1997, %scan3A_2190 : i32
        %broadcast_in_dim3A_2192 = vector.broadcast %scan3A_2191 : i32 to vector<16xi32>
        %gather3A_2193 = arith.constant 1 : i32
        %gather3A_2194 = arith.constant 0 : i32
        %gather3A_2195 = tpu.memref_slice %arg16[%gather3A_2193, %gather3A_2194] : memref<3x112xf32, #tpu.memory_space<vmem>> -> memref<1x112xf32, #tpu.memory_space<vmem>>
        %gather3A_2196 = tpu.memref_squeeze %gather3A_2195 : memref<1x112xf32, #tpu.memory_space<vmem>> -> memref<112xf32, #tpu.memory_space<vmem>>
        %gather3A_2197 = tpu.vector_load_idx %gather3A_2196[%broadcast_in_dim3A_2192] : memref<112xf32, #tpu.memory_space<vmem>>[vector<16xi32>], vector<16xf32>,
        %get3A_2198 = arith.constant 1 : i32
        %get3A_2199 = arith.index_cast %get3A_2198 : i32 to index
        %get3A_2200 = arith.index_cast %scan3A_2191 : i32 to index
        %get3A_2201 = arith.constant 0 : index
        %get3A_2202 = tpu.vector_load %arg17[%get3A_2199, %get3A_2200, %get3A_2201] {strides = array<i32>} : memref<3x112x128xf32, #tpu.memory_space<vmem>>, vector<16xf32>,
        %mul3A_2203 = arith.mulf %get3A_2202, %gather3A_2197 : vector<16xf32>
        %swap3A_2204 = arith.constant 1 : i32
        %swap3A_2205 = arith.index_cast %swap3A_2204 : i32 to index
        %swap3A_2206 = arith.index_cast %scan3A_2191 : i32 to index
        %swap3A_2207 = arith.constant 0 : index
        %swap3A_2208 = tpu.vector_load %arg17[%swap3A_2205, %swap3A_2206, %swap3A_2207] {strides = array<i32>} : memref<3x112x128xf32, #tpu.memory_space<vmem>>, vector<16xf32>,
        tpu.vector_store %arg17[%swap3A_2205, %swap3A_2206, %swap3A_2207], %mul3A_2203 {strides = array<i32>} : memref<3x112x128xf32, #tpu.memory_space<vmem>>, vector<16xf32>,
        %get3A_2209 = arith.constant 1 : i32
        %get3A_2210 = arith.index_cast %get3A_2209 : i32 to index
        %get3A_2211 = arith.index_cast %scan3A_2191 : i32 to index
        %get3A_2212 = arith.constant 16 : index
        %get3A_2213 = tpu.vector_load %arg17[%get3A_2210, %get3A_2211, %get3A_2212] {strides = array<i32>} : memref<3x112x128xf32, #tpu.memory_space<vmem>>, vector<16xf32>,
        %mul3A_2214 = arith.mulf %get3A_2213, %gather3A_2197 : vector<16xf32>
        %swap3A_2215 = arith.constant 1 : i32
        %swap3A_2216 = arith.index_cast %swap3A_2215 : i32 to index
        %swap3A_2217 = arith.index_cast %scan3A_2191 : i32 to index
        %swap3A_2218 = arith.constant 16 : index
        %swap3A_2219 = tpu.vector_load %arg17[%swap3A_2216, %swap3A_2217, %swap3A_2218] {strides = array<i32>} : memref<3x112x128xf32, #tpu.memory_space<vmem>>, vector<16xf32>,
        tpu.vector_store %arg17[%swap3A_2216, %swap3A_2217, %swap3A_2218], %mul3A_2214 {strides = array<i32>} : memref<3x112x128xf32, #tpu.memory_space<vmem>>, vector<16xf32>,
        %get3A_2220 = arith.constant 1 : i32
        %get3A_2221 = arith.index_cast %get3A_2220 : i32 to index
        %get3A_2222 = arith.index_cast %scan3A_2191 : i32 to index
        %get3A_2223 = arith.constant 32 : index
        %get3A_2224 = tpu.vector_load %arg17[%get3A_2221, %get3A_2222, %get3A_2223] {strides = array<i32>} : memref<3x112x128xf32, #tpu.memory_space<vmem>>, vector<16xf32>,
        %mul3A_2225 = arith.mulf %get3A_2224, %gather3A_2197 : vector<16xf32>
        %swap3A_2226 = arith.constant 1 : i32
        %swap3A_2227 = arith.index_cast %swap3A_2226 : i32 to index
        %swap3A_2228 = arith.index_cast %scan3A_2191 : i32 to index
        %swap3A_2229 = arith.constant 32 : index
        %swap3A_2230 = tpu.vector_load %arg17[%swap3A_2227, %swap3A_2228, %swap3A_2229] {strides = array<i32>} : memref<3x112x128xf32, #tpu.memory_space<vmem>>, vector<16xf32>,
        tpu.vector_store %arg17[%swap3A_2227, %swap3A_2228, %swap3A_2229], %mul3A_2225 {strides = array<i32>} : memref<3x112x128xf32, #tpu.memory_space<vmem>>, vector<16xf32>,
        %get3A_2231 = arith.constant 1 : i32
        %get3A_2232 = arith.index_cast %get3A_2231 : i32 to index
        %get3A_2233 = arith.index_cast %scan3A_2191 : i32 to index
        %get3A_2234 = arith.constant 48 : index
        %get3A_2235 = tpu.vector_load %arg17[%get3A_2232, %get3A_2233, %get3A_2234] {strides = array<i32>} : memref<3x112x128xf32, #tpu.memory_space<vmem>>, vector<16xf32>,
        %mul3A_2236 = arith.mulf %get3A_2235, %gather3A_2197 : vector<16xf32>
        %swap3A_2237 = arith.constant 1 : i32
        %swap3A_2238 = arith.index_cast %swap3A_2237 : i32 to index
        %swap3A_2239 = arith.index_cast %scan3A_2191 : i32 to index
        %swap3A_2240 = arith.constant 48 : index
        %swap3A_2241 = tpu.vector_load %arg17[%swap3A_2238, %swap3A_2239, %swap3A_2240] {strides = array<i32>} : memref<3x112x128xf32, #tpu.memory_space<vmem>>, vector<16xf32>,
        tpu.vector_store %arg17[%swap3A_2238, %swap3A_2239, %swap3A_2240], %mul3A_2236 {strides = array<i32>} : memref<3x112x128xf32, #tpu.memory_space<vmem>>, vector<16xf32>,
        %get3A_2242 = arith.constant 1 : i32
        %get3A_2243 = arith.index_cast %get3A_2242 : i32 to index
        %get3A_2244 = arith.index_cast %scan3A_2191 : i32 to index
        %get3A_2245 = arith.constant 64 : index
        %get3A_2246 = tpu.vector_load %arg17[%get3A_2243, %get3A_2244, %get3A_2245] {strides = array<i32>} : memref<3x112x128xf32, #tpu.memory_space<vmem>>, vector<16xf32>,
        %mul3A_2247 = arith.mulf %get3A_2246, %gather3A_2197 : vector<16xf32>
        %swap3A_2248 = arith.constant 1 : i32
        %swap3A_2249 = arith.index_cast %swap3A_2248 : i32 to index
        %swap3A_2250 = arith.index_cast %scan3A_2191 : i32 to index
        %swap3A_2251 = arith.constant 64 : index
        %swap3A_2252 = tpu.vector_load %arg17[%swap3A_2249, %swap3A_2250, %swap3A_2251] {strides = array<i32>} : memref<3x112x128xf32, #tpu.memory_space<vmem>>, vector<16xf32>,
        tpu.vector_store %arg17[%swap3A_2249, %swap3A_2250, %swap3A_2251], %mul3A_2247 {strides = array<i32>} : memref<3x112x128xf32, #tpu.memory_space<vmem>>, vector<16xf32>,
        %get3A_2253 = arith.constant 1 : i32
        %get3A_2254 = arith.index_cast %get3A_2253 : i32 to index
        %get3A_2255 = arith.index_cast %scan3A_2191 : i32 to index
        %get3A_2256 = arith.constant 80 : index
        %get3A_2257 = tpu.vector_load %arg17[%get3A_2254, %get3A_2255, %get3A_2256] {strides = array<i32>} : memref<3x112x128xf32, #tpu.memory_space<vmem>>, vector<16xf32>,
        %mul3A_2258 = arith.mulf %get3A_2257, %gather3A_2197 : vector<16xf32>
        %swap3A_2259 = arith.constant 1 : i32
        %swap3A_2260 = arith.index_cast %swap3A_2259 : i32 to index
        %swap3A_2261 = arith.index_cast %scan3A_2191 : i32 to index
        %swap3A_2262 = arith.constant 80 : index
        %swap3A_2263 = tpu.vector_load %arg17[%swap3A_2260, %swap3A_2261, %swap3A_2262] {strides = array<i32>} : memref<3x112x128xf32, #tpu.memory_space<vmem>>, vector<16xf32>,
        tpu.vector_store %arg17[%swap3A_2260, %swap3A_2261, %swap3A_2262], %mul3A_2258 {strides = array<i32>} : memref<3x112x128xf32, #tpu.memory_space<vmem>>, vector<16xf32>,
        %get3A_2264 = arith.constant 1 : i32
        %get3A_2265 = arith.index_cast %get3A_2264 : i32 to index
        %get3A_2266 = arith.index_cast %scan3A_2191 : i32 to index
        %get3A_2267 = arith.constant 96 : index
        %get3A_2268 = tpu.vector_load %arg17[%get3A_2265, %get3A_2266, %get3A_2267] {strides = array<i32>} : memref<3x112x128xf32, #tpu.memory_space<vmem>>, vector<16xf32>,
        %mul3A_2269 = arith.mulf %get3A_2268, %gather3A_2197 : vector<16xf32>
        %swap3A_2270 = arith.constant 1 : i32
        %swap3A_2271 = arith.index_cast %swap3A_2270 : i32 to index
        %swap3A_2272 = arith.index_cast %scan3A_2191 : i32 to index
        %swap3A_2273 = arith.constant 96 : index
        %swap3A_2274 = tpu.vector_load %arg17[%swap3A_2271, %swap3A_2272, %swap3A_2273] {strides = array<i32>} : memref<3x112x128xf32, #tpu.memory_space<vmem>>, vector<16xf32>,
        tpu.vector_store %arg17[%swap3A_2271, %swap3A_2272, %swap3A_2273], %mul3A_2269 {strides = array<i32>} : memref<3x112x128xf32, #tpu.memory_space<vmem>>, vector<16xf32>,
        %get3A_2275 = arith.constant 1 : i32
        %get3A_2276 = arith.index_cast %get3A_2275 : i32 to index
        %get3A_2277 = arith.index_cast %scan3A_2191 : i32 to index
        %get3A_2278 = arith.constant 112 : index
        %get3A_2279 = tpu.vector_load %arg17[%get3A_2276, %get3A_2277, %get3A_2278] {strides = array<i32>} : memref<3x112x128xf32, #tpu.memory_space<vmem>>, vector<16xf32>,
        %mul3A_2280 = arith.mulf %get3A_2279, %gather3A_2197 : vector<16xf32>
        %swap3A_2281 = arith.constant 1 : i32
        %swap3A_2282 = arith.index_cast %swap3A_2281 : i32 to index
        %swap3A_2283 = arith.index_cast %scan3A_2191 : i32 to index
        %swap3A_2284 = arith.constant 112 : index
        %swap3A_2285 = tpu.vector_load %arg17[%swap3A_2282, %swap3A_2283, %swap3A_2284] {strides = array<i32>} : memref<3x112x128xf32, #tpu.memory_space<vmem>>, vector<16xf32>,
        tpu.vector_store %arg17[%swap3A_2282, %swap3A_2283, %swap3A_2284], %mul3A_2280 {strides = array<i32>} : memref<3x112x128xf32, #tpu.memory_space<vmem>>, vector<16xf32>,
        %scan3A_2286 = arith.constant 0 : i32
        %scan3A_2287 = arith.constant 3 : i32
        %scan3A_2288 = arith.addi %scan3A_1997, %scan3A_2287 : i32
        %broadcast_in_dim3A_2289 = vector.broadcast %scan3A_2288 : i32 to vector<16xi32>
        %gather3A_2290 = arith.constant 1 : i32
        %gather3A_2291 = arith.constant 0 : i32
        %gather3A_2292 = tpu.memref_slice %arg16[%gather3A_2290, %gather3A_2291] : memref<3x112xf32, #tpu.memory_space<vmem>> -> memref<1x112xf32, #tpu.memory_space<vmem>>
        %gather3A_2293 = tpu.memref_squeeze %gather3A_2292 : memref<1x112xf32, #tpu.memory_space<vmem>> -> memref<112xf32, #tpu.memory_space<vmem>>
        %gather3A_2294 = tpu.vector_load_idx %gather3A_2293[%broadcast_in_dim3A_2289] : memref<112xf32, #tpu.memory_space<vmem>>[vector<16xi32>], vector<16xf32>,
        %get3A_2295 = arith.constant 1 : i32
        %get3A_2296 = arith.index_cast %get3A_2295 : i32 to index
        %get3A_2297 = arith.index_cast %scan3A_2288 : i32 to index
        %get3A_2298 = arith.constant 0 : index
        %get3A_2299 = tpu.vector_load %arg17[%get3A_2296, %get3A_2297, %get3A_2298] {strides = array<i32>} : memref<3x112x128xf32, #tpu.memory_space<vmem>>, vector<16xf32>,
        %mul3A_2300 = arith.mulf %get3A_2299, %gather3A_2294 : vector<16xf32>
        %swap3A_2301 = arith.constant 1 : i32
        %swap3A_2302 = arith.index_cast %swap3A_2301 : i32 to index
        %swap3A_2303 = arith.index_cast %scan3A_2288 : i32 to index
        %swap3A_2304 = arith.constant 0 : index
        %swap3A_2305 = tpu.vector_load %arg17[%swap3A_2302, %swap3A_2303, %swap3A_2304] {strides = array<i32>} : memref<3x112x128xf32, #tpu.memory_space<vmem>>, vector<16xf32>,
        tpu.vector_store %arg17[%swap3A_2302, %swap3A_2303, %swap3A_2304], %mul3A_2300 {strides = array<i32>} : memref<3x112x128xf32, #tpu.memory_space<vmem>>, vector<16xf32>,
        %get3A_2306 = arith.constant 1 : i32
        %get3A_2307 = arith.index_cast %get3A_2306 : i32 to index
        %get3A_2308 = arith.index_cast %scan3A_2288 : i32 to index
        %get3A_2309 = arith.constant 16 : index
        %get3A_2310 = tpu.vector_load %arg17[%get3A_2307, %get3A_2308, %get3A_2309] {strides = array<i32>} : memref<3x112x128xf32, #tpu.memory_space<vmem>>, vector<16xf32>,
        %mul3A_2311 = arith.mulf %get3A_2310, %gather3A_2294 : vector<16xf32>
        %swap3A_2312 = arith.constant 1 : i32
        %swap3A_2313 = arith.index_cast %swap3A_2312 : i32 to index
        %swap3A_2314 = arith.index_cast %scan3A_2288 : i32 to index
        %swap3A_2315 = arith.constant 16 : index
        %swap3A_2316 = tpu.vector_load %arg17[%swap3A_2313, %swap3A_2314, %swap3A_2315] {strides = array<i32>} : memref<3x112x128xf32, #tpu.memory_space<vmem>>, vector<16xf32>,
        tpu.vector_store %arg17[%swap3A_2313, %swap3A_2314, %swap3A_2315], %mul3A_2311 {strides = array<i32>} : memref<3x112x128xf32, #tpu.memory_space<vmem>>, vector<16xf32>,
        %get3A_2317 = arith.constant 1 : i32
        %get3A_2318 = arith.index_cast %get3A_2317 : i32 to index
        %get3A_2319 = arith.index_cast %scan3A_2288 : i32 to index
        %get3A_2320 = arith.constant 32 : index
        %get3A_2321 = tpu.vector_load %arg17[%get3A_2318, %get3A_2319, %get3A_2320] {strides = array<i32>} : memref<3x112x128xf32, #tpu.memory_space<vmem>>, vector<16xf32>,
        %mul3A_2322 = arith.mulf %get3A_2321, %gather3A_2294 : vector<16xf32>
        %swap3A_2323 = arith.constant 1 : i32
        %swap3A_2324 = arith.index_cast %swap3A_2323 : i32 to index
        %swap3A_2325 = arith.index_cast %scan3A_2288 : i32 to index
        %swap3A_2326 = arith.constant 32 : index
        %swap3A_2327 = tpu.vector_load %arg17[%swap3A_2324, %swap3A_2325, %swap3A_2326] {strides = array<i32>} : memref<3x112x128xf32, #tpu.memory_space<vmem>>, vector<16xf32>,
        tpu.vector_store %arg17[%swap3A_2324, %swap3A_2325, %swap3A_2326], %mul3A_2322 {strides = array<i32>} : memref<3x112x128xf32, #tpu.memory_space<vmem>>, vector<16xf32>,
        %get3A_2328 = arith.constant 1 : i32
        %get3A_2329 = arith.index_cast %get3A_2328 : i32 to index
        %get3A_2330 = arith.index_cast %scan3A_2288 : i32 to index
        %get3A_2331 = arith.constant 48 : index
        %get3A_2332 = tpu.vector_load %arg17[%get3A_2329, %get3A_2330, %get3A_2331] {strides = array<i32>} : memref<3x112x128xf32, #tpu.memory_space<vmem>>, vector<16xf32>,
        %mul3A_2333 = arith.mulf %get3A_2332, %gather3A_2294 : vector<16xf32>
        %swap3A_2334 = arith.constant 1 : i32
        %swap3A_2335 = arith.index_cast %swap3A_2334 : i32 to index
        %swap3A_2336 = arith.index_cast %scan3A_2288 : i32 to index
        %swap3A_2337 = arith.constant 48 : index
        %swap3A_2338 = tpu.vector_load %arg17[%swap3A_2335, %swap3A_2336, %swap3A_2337] {strides = array<i32>} : memref<3x112x128xf32, #tpu.memory_space<vmem>>, vector<16xf32>,
        tpu.vector_store %arg17[%swap3A_2335, %swap3A_2336, %swap3A_2337], %mul3A_2333 {strides = array<i32>} : memref<3x112x128xf32, #tpu.memory_space<vmem>>, vector<16xf32>,
        %get3A_2339 = arith.constant 1 : i32
        %get3A_2340 = arith.index_cast %get3A_2339 : i32 to index
        %get3A_2341 = arith.index_cast %scan3A_2288 : i32 to index
        %get3A_2342 = arith.constant 64 : index
        %get3A_2343 = tpu.vector_load %arg17[%get3A_2340, %get3A_2341, %get3A_2342] {strides = array<i32>} : memref<3x112x128xf32, #tpu.memory_space<vmem>>, vector<16xf32>,
        %mul3A_2344 = arith.mulf %get3A_2343, %gather3A_2294 : vector<16xf32>
        %swap3A_2345 = arith.constant 1 : i32
        %swap3A_2346 = arith.index_cast %swap3A_2345 : i32 to index
        %swap3A_2347 = arith.index_cast %scan3A_2288 : i32 to index
        %swap3A_2348 = arith.constant 64 : index
        %swap3A_2349 = tpu.vector_load %arg17[%swap3A_2346, %swap3A_2347, %swap3A_2348] {strides = array<i32>} : memref<3x112x128xf32, #tpu.memory_space<vmem>>, vector<16xf32>,
        tpu.vector_store %arg17[%swap3A_2346, %swap3A_2347, %swap3A_2348], %mul3A_2344 {strides = array<i32>} : memref<3x112x128xf32, #tpu.memory_space<vmem>>, vector<16xf32>,
        %get3A_2350 = arith.constant 1 : i32
        %get3A_2351 = arith.index_cast %get3A_2350 : i32 to index
        %get3A_2352 = arith.index_cast %scan3A_2288 : i32 to index
        %get3A_2353 = arith.constant 80 : index
        %get3A_2354 = tpu.vector_load %arg17[%get3A_2351, %get3A_2352, %get3A_2353] {strides = array<i32>} : memref<3x112x128xf32, #tpu.memory_space<vmem>>, vector<16xf32>,
        %mul3A_2355 = arith.mulf %get3A_2354, %gather3A_2294 : vector<16xf32>
        %swap3A_2356 = arith.constant 1 : i32
        %swap3A_2357 = arith.index_cast %swap3A_2356 : i32 to index
        %swap3A_2358 = arith.index_cast %scan3A_2288 : i32 to index
        %swap3A_2359 = arith.constant 80 : index
        %swap3A_2360 = tpu.vector_load %arg17[%swap3A_2357, %swap3A_2358, %swap3A_2359] {strides = array<i32>} : memref<3x112x128xf32, #tpu.memory_space<vmem>>, vector<16xf32>,
        tpu.vector_store %arg17[%swap3A_2357, %swap3A_2358, %swap3A_2359], %mul3A_2355 {strides = array<i32>} : memref<3x112x128xf32, #tpu.memory_space<vmem>>, vector<16xf32>,
        %get3A_2361 = arith.constant 1 : i32
        %get3A_2362 = arith.index_cast %get3A_2361 : i32 to index
        %get3A_2363 = arith.index_cast %scan3A_2288 : i32 to index
        %get3A_2364 = arith.constant 96 : index
        %get3A_2365 = tpu.vector_load %arg17[%get3A_2362, %get3A_2363, %get3A_2364] {strides = array<i32>} : memref<3x112x128xf32, #tpu.memory_space<vmem>>, vector<16xf32>,
        %mul3A_2366 = arith.mulf %get3A_2365, %gather3A_2294 : vector<16xf32>
        %swap3A_2367 = arith.constant 1 : i32
        %swap3A_2368 = arith.index_cast %swap3A_2367 : i32 to index
        %swap3A_2369 = arith.index_cast %scan3A_2288 : i32 to index
        %swap3A_2370 = arith.constant 96 : index
        %swap3A_2371 = tpu.vector_load %arg17[%swap3A_2368, %swap3A_2369, %swap3A_2370] {strides = array<i32>} : memref<3x112x128xf32, #tpu.memory_space<vmem>>, vector<16xf32>,
        tpu.vector_store %arg17[%swap3A_2368, %swap3A_2369, %swap3A_2370], %mul3A_2366 {strides = array<i32>} : memref<3x112x128xf32, #tpu.memory_space<vmem>>, vector<16xf32>,
        %get3A_2372 = arith.constant 1 : i32
        %get3A_2373 = arith.index_cast %get3A_2372 : i32 to index
        %get3A_2374 = arith.index_cast %scan3A_2288 : i32 to index
        %get3A_2375 = arith.constant 112 : index
        %get3A_2376 = tpu.vector_load %arg17[%get3A_2373, %get3A_2374, %get3A_2375] {strides = array<i32>} : memref<3x112x128xf32, #tpu.memory_space<vmem>>, vector<16xf32>,
        %mul3A_2377 = arith.mulf %get3A_2376, %gather3A_2294 : vector<16xf32>
        %swap3A_2378 = arith.constant 1 : i32
        %swap3A_2379 = arith.index_cast %swap3A_2378 : i32 to index
        %swap3A_2380 = arith.index_cast %scan3A_2288 : i32 to index
        %swap3A_2381 = arith.constant 112 : index
        %swap3A_2382 = tpu.vector_load %arg17[%swap3A_2379, %swap3A_2380, %swap3A_2381] {strides = array<i32>} : memref<3x112x128xf32, #tpu.memory_space<vmem>>, vector<16xf32>,
        tpu.vector_store %arg17[%swap3A_2379, %swap3A_2380, %swap3A_2381], %mul3A_2377 {strides = array<i32>} : memref<3x112x128xf32, #tpu.memory_space<vmem>>, vector<16xf32>,
        %scan3A_2383 = arith.constant 0 : i32
        scf.yield %scan3A_2383 : i32
      }
      %scan3A_1433 = arith.constant 112 : i32
      %dma_start3A_1434 = arith.constant 1 : i32
      %dma_start3A_1435 = arith.constant 1 : i32
      %dma_start3A_1436 = arith.constant 1 : i32
      %dma_start3A_1437 = arith.constant 0 : i32
      %dma_start3A_1438 = arith.constant 0 : i32
      %dma_start3A_1439 = tpu.memref_slice %arg17[%dma_start3A_1434, %dma_start3A_1437, %dma_start3A_1438] : memref<3x112x128xf32, #tpu.memory_space<vmem>> -> memref<1x112x128xf32, #tpu.memory_space<vmem>>
      %dma_start3A_1440 = tpu.memref_squeeze %dma_start3A_1439 : memref<1x112x128xf32, #tpu.memory_space<vmem>> -> memref<112x128xf32, #tpu.memory_space<vmem>>
      %dma_start3A_1441 = arith.constant 0 : i32
      %dma_start3A_1442 = tpu.memref_slice %arg13[%dma_start3A_1435, %dma_start3A_1441] : memref<3x112xi32, #tpu.memory_space<vmem>> -> memref<1x112xi32, #tpu.memory_space<vmem>>
      %dma_start3A_1443 = tpu.memref_squeeze %dma_start3A_1442 : memref<1x112xi32, #tpu.memory_space<vmem>> -> memref<112xi32, #tpu.memory_space<vmem>>
      %dma_start3A_1444 = arith.constant 0 : i32
      %dma_start3A_1445 = arith.constant 0 : i32
      %dma_start3A_1446 = tpu.memref_slice %arg19[%dma_start3A_1444, %dma_start3A_1445] : memref<10000x128xf32, #tpu.memory_space<vmem_shared>> -> memref<10000x128xf32, #tpu.memory_space<vmem_shared>>
      %dma_start3A_1447 = tpu.memref_slice %arg22[%dma_start3A_1436] : memref<3x!tpu.dma_semaphore, #tpu.memory_space<semaphore_mem>> -> memref<1x!tpu.dma_semaphore, #tpu.memory_space<semaphore_mem>>
      %dma_start3A_1448 = tpu.memref_squeeze %dma_start3A_1447 : memref<1x!tpu.dma_semaphore, #tpu.memory_space<semaphore_mem>> -> memref<!tpu.dma_semaphore, #tpu.memory_space<semaphore_mem>>
      tpu.enqueue_indirect_dma source(%dma_start3A_1440 : memref<112x128xf32, #tpu.memory_space<vmem>>) target(%dma_start3A_1446 : memref<10000x128xf32, #tpu.memory_space<vmem_shared>>) offsets(%dma_start3A_1443 : memref<112xi32, #tpu.memory_space<vmem>>) semaphore(%dma_start3A_1448 : memref<!tpu.dma_semaphore, #tpu.memory_space<semaphore_mem>>) {add = true}
      %add3A_1449 = arith.constant 3 : i32
      %add3A_1450 = arith.addi %add3A_1075, %add3A_1449 : i32
      %min3A_1451 = arith.constant 92 : i32
      %min3A_1452 = arith.minsi %add3A_1450, %min3A_1451 : i32
      %mul3A_1453 = arith.constant 112 : i32
      %mul3A_1454 = arith.muli %min3A_1452, %mul3A_1453 : i32
      %add3A_1455 = arith.addi %mul3A_2, %mul3A_1454 : i32
      %dma_start3A_1456 = arith.constant 1 : i32
      %dma_start3A_1457 = arith.constant 1 : i32
      %dma_start3A_1458 = arith.constant 0 : i32
      %dma_start3A_1459 = tpu.memref_slice %arg11[%dma_start3A_1456, %dma_start3A_1458] : memref<3x112xi32, #tpu.memory_space<vmem>> -> memref<1x112xi32, #tpu.memory_space<vmem>>
      %dma_start3A_1460 = tpu.memref_squeeze %dma_start3A_1459 : memref<1x112xi32, #tpu.memory_space<vmem>> -> memref<112xi32, #tpu.memory_space<vmem>>
      %dma_start3A_1461 = tpu.memref_slice %arg2[%add3A_1455] : memref<333312xi32, #tpu.memory_space<hbm>> -> memref<112xi32, #tpu.memory_space<hbm>>
      %dma_start3A_1462 = tpu.memref_slice %arg24[%dma_start3A_1457] : memref<3x!tpu.dma_semaphore, #tpu.memory_space<semaphore_mem>> -> memref<1x!tpu.dma_semaphore, #tpu.memory_space<semaphore_mem>>
      %dma_start3A_1463 = tpu.memref_squeeze %dma_start3A_1462 : memref<1x!tpu.dma_semaphore, #tpu.memory_space<semaphore_mem>> -> memref<!tpu.dma_semaphore, #tpu.memory_space<semaphore_mem>>
      %dma_start3A_1464 = arith.constant 0 : i32
      %dma_start3A_1465 = tpu.memref_slice %arg11[%dma_start3A_1456, %dma_start3A_1464] : memref<3x112xi32, #tpu.memory_space<vmem>> -> memref<1x112xi32, #tpu.memory_space<vmem>>
      %dma_start3A_1466 = tpu.memref_squeeze %dma_start3A_1465 : memref<1x112xi32, #tpu.memory_space<vmem>> -> memref<112xi32, #tpu.memory_space<vmem>>
      %dma_start3A_1467 = tpu.memref_slice %arg2[%add3A_1455] : memref<333312xi32, #tpu.memory_space<hbm>> -> memref<112xi32, #tpu.memory_space<hbm>>
      tpu.enqueue_dma source(%dma_start3A_1467 : memref<112xi32, #tpu.memory_space<hbm>>) target(%dma_start3A_1466 : memref<112xi32, #tpu.memory_space<vmem>>) target_semaphore(%dma_start3A_1463 : memref<!tpu.dma_semaphore, #tpu.memory_space<semaphore_mem>>)
      %dma_start3A_1468 = arith.constant 1 : i32
      %dma_start3A_1469 = arith.constant 1 : i32
      %dma_start3A_1470 = arith.constant 0 : i32
      %dma_start3A_1471 = tpu.memref_slice %arg12[%dma_start3A_1468, %dma_start3A_1470] : memref<3x112xi32, #tpu.memory_space<vmem>> -> memref<1x112xi32, #tpu.memory_space<vmem>>
      %dma_start3A_1472 = tpu.memref_squeeze %dma_start3A_1471 : memref<1x112xi32, #tpu.memory_space<vmem>> -> memref<112xi32, #tpu.memory_space<vmem>>
      %dma_start3A_1473 = tpu.memref_slice %arg3[%add3A_1455] : memref<333312xi32, #tpu.memory_space<hbm>> -> memref<112xi32, #tpu.memory_space<hbm>>
      %dma_start3A_1474 = tpu.memref_slice %arg24[%dma_start3A_1469] : memref<3x!tpu.dma_semaphore, #tpu.memory_space<semaphore_mem>> -> memref<1x!tpu.dma_semaphore, #tpu.memory_space<semaphore_mem>>
      %dma_start3A_1475 = tpu.memref_squeeze %dma_start3A_1474 : memref<1x!tpu.dma_semaphore, #tpu.memory_space<semaphore_mem>> -> memref<!tpu.dma_semaphore, #tpu.memory_space<semaphore_mem>>
      %dma_start3A_1476 = arith.constant 0 : i32
      %dma_start3A_1477 = tpu.memref_slice %arg12[%dma_start3A_1468, %dma_start3A_1476] : memref<3x112xi32, #tpu.memory_space<vmem>> -> memref<1x112xi32, #tpu.memory_space<vmem>>
      %dma_start3A_1478 = tpu.memref_squeeze %dma_start3A_1477 : memref<1x112xi32, #tpu.memory_space<vmem>> -> memref<112xi32, #tpu.memory_space<vmem>>
      %dma_start3A_1479 = tpu.memref_slice %arg3[%add3A_1455] : memref<333312xi32, #tpu.memory_space<hbm>> -> memref<112xi32, #tpu.memory_space<hbm>>
      tpu.enqueue_dma source(%dma_start3A_1479 : memref<112xi32, #tpu.memory_space<hbm>>) target(%dma_start3A_1478 : memref<112xi32, #tpu.memory_space<vmem>>) target_semaphore(%dma_start3A_1475 : memref<!tpu.dma_semaphore, #tpu.memory_space<semaphore_mem>>)
      %dma_wait3A_1480 = arith.constant 1 : i32
      %dma_wait3A_1481 = arith.constant 1 : i32
      %dma_wait3A_1482 = arith.constant 0 : i32
      %dma_wait3A_1483 = tpu.memref_slice %arg11[%dma_wait3A_1480, %dma_wait3A_1482] : memref<3x112xi32, #tpu.memory_space<vmem>> -> memref<1x112xi32, #tpu.memory_space<vmem>>
      %dma_wait3A_1484 = tpu.memref_squeeze %dma_wait3A_1483 : memref<1x112xi32, #tpu.memory_space<vmem>> -> memref<112xi32, #tpu.memory_space<vmem>>
      %dma_wait3A_1485 = arith.constant 0 : i32
      %dma_wait3A_1486 = tpu.memref_slice %arg2[%dma_wait3A_1485] : memref<333312xi32, #tpu.memory_space<hbm>> -> memref<112xi32, #tpu.memory_space<hbm>>
      %dma_wait3A_1487 = tpu.memref_slice %arg24[%dma_wait3A_1481] : memref<3x!tpu.dma_semaphore, #tpu.memory_space<semaphore_mem>> -> memref<1x!tpu.dma_semaphore, #tpu.memory_space<semaphore_mem>>
      %dma_wait3A_1488 = tpu.memref_squeeze %dma_wait3A_1487 : memref<1x!tpu.dma_semaphore, #tpu.memory_space<semaphore_mem>> -> memref<!tpu.dma_semaphore, #tpu.memory_space<semaphore_mem>>
      %dma_wait3A_1489 = arith.constant 0 : i32
      %dma_wait3A_1490 = tpu.memref_slice %arg11[%dma_wait3A_1480, %dma_wait3A_1489] : memref<3x112xi32, #tpu.memory_space<vmem>> -> memref<1x112xi32, #tpu.memory_space<vmem>>
      %dma_wait3A_1491 = tpu.memref_squeeze %dma_wait3A_1490 : memref<1x112xi32, #tpu.memory_space<vmem>> -> memref<112xi32, #tpu.memory_space<vmem>>
      %dma_wait3A_1492 = arith.constant 0 : i32
      %dma_wait3A_1493 = tpu.memref_slice %arg2[%dma_wait3A_1492] : memref<333312xi32, #tpu.memory_space<hbm>> -> memref<112xi32, #tpu.memory_space<hbm>>
      tpu.wait_dma2 semaphore(%dma_wait3A_1488 : memref<!tpu.dma_semaphore, #tpu.memory_space<semaphore_mem>>) src(%dma_wait3A_1493 : memref<112xi32, #tpu.memory_space<hbm>>) dst(%dma_wait3A_1491 : memref<112xi32, #tpu.memory_space<vmem>>)
      %dma_wait3A_1494 = arith.constant 1 : i32
      %dma_wait3A_1495 = arith.constant 1 : i32
      %dma_wait3A_1496 = arith.constant 0 : i32
      %dma_wait3A_1497 = tpu.memref_slice %arg12[%dma_wait3A_1494, %dma_wait3A_1496] : memref<3x112xi32, #tpu.memory_space<vmem>> -> memref<1x112xi32, #tpu.memory_space<vmem>>
      %dma_wait3A_1498 = tpu.memref_squeeze %dma_wait3A_1497 : memref<1x112xi32, #tpu.memory_space<vmem>> -> memref<112xi32, #tpu.memory_space<vmem>>
      %dma_wait3A_1499 = arith.constant 0 : i32
      %dma_wait3A_1500 = tpu.memref_slice %arg3[%dma_wait3A_1499] : memref<333312xi32, #tpu.memory_space<hbm>> -> memref<112xi32, #tpu.memory_space<hbm>>
      %dma_wait3A_1501 = tpu.memref_slice %arg24[%dma_wait3A_1495] : memref<3x!tpu.dma_semaphore, #tpu.memory_space<semaphore_mem>> -> memref<1x!tpu.dma_semaphore, #tpu.memory_space<semaphore_mem>>
      %dma_wait3A_1502 = tpu.memref_squeeze %dma_wait3A_1501 : memref<1x!tpu.dma_semaphore, #tpu.memory_space<semaphore_mem>> -> memref<!tpu.dma_semaphore, #tpu.memory_space<semaphore_mem>>
      %dma_wait3A_1503 = arith.constant 0 : i32
      %dma_wait3A_1504 = tpu.memref_slice %arg12[%dma_wait3A_1494, %dma_wait3A_1503] : memref<3x112xi32, #tpu.memory_space<vmem>> -> memref<1x112xi32, #tpu.memory_space<vmem>>
      %dma_wait3A_1505 = tpu.memref_squeeze %dma_wait3A_1504 : memref<1x112xi32, #tpu.memory_space<vmem>> -> memref<112xi32, #tpu.memory_space<vmem>>
      %dma_wait3A_1506 = arith.constant 0 : i32
      %dma_wait3A_1507 = tpu.memref_slice %arg3[%dma_wait3A_1506] : memref<333312xi32, #tpu.memory_space<hbm>> -> memref<112xi32, #tpu.memory_space<hbm>>
      tpu.wait_dma2 semaphore(%dma_wait3A_1502 : memref<!tpu.dma_semaphore, #tpu.memory_space<semaphore_mem>>) src(%dma_wait3A_1507 : memref<112xi32, #tpu.memory_space<hbm>>) dst(%dma_wait3A_1505 : memref<112xi32, #tpu.memory_space<vmem>>)
      %dma_start3A_1508 = arith.constant 1 : i32
      %dma_start3A_1509 = arith.constant 1 : i32
      %dma_start3A_1510 = arith.constant 1 : i32
      %dma_start3A_1511 = arith.constant 0 : i32
      %dma_start3A_1512 = tpu.memref_slice %arg14[%dma_start3A_1509, %dma_start3A_1511] : memref<3x112xf32, #tpu.memory_space<vmem>> -> memref<1x112xf32, #tpu.memory_space<vmem>>
      %dma_start3A_1513 = tpu.memref_squeeze %dma_start3A_1512 : memref<1x112xf32, #tpu.memory_space<vmem>> -> memref<112xf32, #tpu.memory_space<vmem>>
      %dma_start3A_1514 = arith.constant 0 : i32
      %dma_start3A_1515 = tpu.memref_slice %arg11[%dma_start3A_1508, %dma_start3A_1514] : memref<3x112xi32, #tpu.memory_space<vmem>> -> memref<1x112xi32, #tpu.memory_space<vmem>>
      %dma_start3A_1516 = tpu.memref_squeeze %dma_start3A_1515 : memref<1x112xi32, #tpu.memory_space<vmem>> -> memref<112xi32, #tpu.memory_space<vmem>>
      %dma_start3A_1517 = arith.constant 0 : i32
      %dma_start3A_1518 = tpu.memref_slice %arg4[%dma_start3A_1517] : memref<10000xf32, #tpu.memory_space<hbm>> -> memref<10000xf32, #tpu.memory_space<hbm>>
      %dma_start3A_1519 = tpu.memref_slice %arg25[%dma_start3A_1510] : memref<3x!tpu.dma_semaphore, #tpu.memory_space<semaphore_mem>> -> memref<1x!tpu.dma_semaphore, #tpu.memory_space<semaphore_mem>>
      %dma_start3A_1520 = tpu.memref_squeeze %dma_start3A_1519 : memref<1x!tpu.dma_semaphore, #tpu.memory_space<semaphore_mem>> -> memref<!tpu.dma_semaphore, #tpu.memory_space<semaphore_mem>>
      tpu.enqueue_indirect_dma source(%dma_start3A_1518 : memref<10000xf32, #tpu.memory_space<hbm>>) target(%dma_start3A_1513 : memref<112xf32, #tpu.memory_space<vmem>>) offsets(%dma_start3A_1516 : memref<112xi32, #tpu.memory_space<vmem>>) semaphore(%dma_start3A_1520 : memref<!tpu.dma_semaphore, #tpu.memory_space<semaphore_mem>>)
      %dma_start3A_1521 = arith.constant 1 : i32
      %dma_start3A_1522 = arith.constant 1 : i32
      %dma_start3A_1523 = arith.constant 1 : i32
      %dma_start3A_1524 = arith.constant 0 : i32
      %dma_start3A_1525 = tpu.memref_slice %arg15[%dma_start3A_1522, %dma_start3A_1524] : memref<3x112xf32, #tpu.memory_space<vmem>> -> memref<1x112xf32, #tpu.memory_space<vmem>>
      %dma_start3A_1526 = tpu.memref_squeeze %dma_start3A_1525 : memref<1x112xf32, #tpu.memory_space<vmem>> -> memref<112xf32, #tpu.memory_space<vmem>>
      %dma_start3A_1527 = arith.constant 0 : i32
      %dma_start3A_1528 = tpu.memref_slice %arg12[%dma_start3A_1521, %dma_start3A_1527] : memref<3x112xi32, #tpu.memory_space<vmem>> -> memref<1x112xi32, #tpu.memory_space<vmem>>
      %dma_start3A_1529 = tpu.memref_squeeze %dma_start3A_1528 : memref<1x112xi32, #tpu.memory_space<vmem>> -> memref<112xi32, #tpu.memory_space<vmem>>
      %dma_start3A_1530 = arith.constant 0 : i32
      %dma_start3A_1531 = tpu.memref_slice %arg5[%dma_start3A_1530] : memref<10000xf32, #tpu.memory_space<hbm>> -> memref<10000xf32, #tpu.memory_space<hbm>>
      %dma_start3A_1532 = tpu.memref_slice %arg25[%dma_start3A_1523] : memref<3x!tpu.dma_semaphore, #tpu.memory_space<semaphore_mem>> -> memref<1x!tpu.dma_semaphore, #tpu.memory_space<semaphore_mem>>
      %dma_start3A_1533 = tpu.memref_squeeze %dma_start3A_1532 : memref<1x!tpu.dma_semaphore, #tpu.memory_space<semaphore_mem>> -> memref<!tpu.dma_semaphore, #tpu.memory_space<semaphore_mem>>
      tpu.enqueue_indirect_dma source(%dma_start3A_1531 : memref<10000xf32, #tpu.memory_space<hbm>>) target(%dma_start3A_1526 : memref<112xf32, #tpu.memory_space<vmem>>) offsets(%dma_start3A_1529 : memref<112xi32, #tpu.memory_space<vmem>>) semaphore(%dma_start3A_1533 : memref<!tpu.dma_semaphore, #tpu.memory_space<semaphore_mem>>)
      %mul3A_1534 = arith.constant 3 : i32
      %mul3A_1535 = arith.muli %mul3A_1534, %scan3A_619 : i32
      %add3A_1536 = arith.constant 2 : i32
      %add3A_1537 = arith.addi %mul3A_1535, %add3A_1536 : i32
      %mul3A_1538 = arith.constant 112 : i32
      %mul3A_1539 = arith.muli %add3A_1537, %mul3A_1538 : i32
      %add3A_1540 = arith.addi %mul3A_2, %mul3A_1539 : i32
      %dma_wait3A_1541 = arith.constant 2 : i32
      %dma_wait3A_1542 = arith.constant 2 : i32
      %dma_wait3A_1543 = arith.constant 2 : i32
      %dma_wait3A_1544 = arith.constant 0 : i32
      %dma_wait3A_1545 = tpu.memref_slice %arg14[%dma_wait3A_1542, %dma_wait3A_1544] : memref<3x112xf32, #tpu.memory_space<vmem>> -> memref<1x112xf32, #tpu.memory_space<vmem>>
      %dma_wait3A_1546 = tpu.memref_squeeze %dma_wait3A_1545 : memref<1x112xf32, #tpu.memory_space<vmem>> -> memref<112xf32, #tpu.memory_space<vmem>>
      %dma_wait3A_1547 = arith.constant 0 : i32
      %dma_wait3A_1548 = tpu.memref_slice %arg11[%dma_wait3A_1541, %dma_wait3A_1547] : memref<3x112xi32, #tpu.memory_space<vmem>> -> memref<1x112xi32, #tpu.memory_space<vmem>>
      %dma_wait3A_1549 = tpu.memref_squeeze %dma_wait3A_1548 : memref<1x112xi32, #tpu.memory_space<vmem>> -> memref<112xi32, #tpu.memory_space<vmem>>
      %dma_wait3A_1550 = arith.constant 0 : i32
      %dma_wait3A_1551 = tpu.memref_slice %arg4[%dma_wait3A_1550] : memref<10000xf32, #tpu.memory_space<hbm>> -> memref<10000xf32, #tpu.memory_space<hbm>>
      %dma_wait3A_1552 = tpu.memref_slice %arg25[%dma_wait3A_1543] : memref<3x!tpu.dma_semaphore, #tpu.memory_space<semaphore_mem>> -> memref<1x!tpu.dma_semaphore, #tpu.memory_space<semaphore_mem>>
      %dma_wait3A_1553 = tpu.memref_squeeze %dma_wait3A_1552 : memref<1x!tpu.dma_semaphore, #tpu.memory_space<semaphore_mem>> -> memref<!tpu.dma_semaphore, #tpu.memory_space<semaphore_mem>>
      tpu.wait_indirect_dma semaphore(%dma_wait3A_1553 : memref<!tpu.dma_semaphore, #tpu.memory_space<semaphore_mem>>) src(%dma_wait3A_1551 : memref<10000xf32, #tpu.memory_space<hbm>>) dst(%dma_wait3A_1546 : memref<112xf32, #tpu.memory_space<vmem>>)
      %dma_wait3A_1554 = arith.constant 2 : i32
      %dma_wait3A_1555 = arith.constant 2 : i32
      %dma_wait3A_1556 = arith.constant 2 : i32
      %dma_wait3A_1557 = arith.constant 0 : i32
      %dma_wait3A_1558 = tpu.memref_slice %arg15[%dma_wait3A_1555, %dma_wait3A_1557] : memref<3x112xf32, #tpu.memory_space<vmem>> -> memref<1x112xf32, #tpu.memory_space<vmem>>
      %dma_wait3A_1559 = tpu.memref_squeeze %dma_wait3A_1558 : memref<1x112xf32, #tpu.memory_space<vmem>> -> memref<112xf32, #tpu.memory_space<vmem>>
      %dma_wait3A_1560 = arith.constant 0 : i32
      %dma_wait3A_1561 = tpu.memref_slice %arg12[%dma_wait3A_1554, %dma_wait3A_1560] : memref<3x112xi32, #tpu.memory_space<vmem>> -> memref<1x112xi32, #tpu.memory_space<vmem>>
      %dma_wait3A_1562 = tpu.memref_squeeze %dma_wait3A_1561 : memref<1x112xi32, #tpu.memory_space<vmem>> -> memref<112xi32, #tpu.memory_space<vmem>>
      %dma_wait3A_1563 = arith.constant 0 : i32
      %dma_wait3A_1564 = tpu.memref_slice %arg5[%dma_wait3A_1563] : memref<10000xf32, #tpu.memory_space<hbm>> -> memref<10000xf32, #tpu.memory_space<hbm>>
      %dma_wait3A_1565 = tpu.memref_slice %arg25[%dma_wait3A_1556] : memref<3x!tpu.dma_semaphore, #tpu.memory_space<semaphore_mem>> -> memref<1x!tpu.dma_semaphore, #tpu.memory_space<semaphore_mem>>
      %dma_wait3A_1566 = tpu.memref_squeeze %dma_wait3A_1565 : memref<1x!tpu.dma_semaphore, #tpu.memory_space<semaphore_mem>> -> memref<!tpu.dma_semaphore, #tpu.memory_space<semaphore_mem>>
      tpu.wait_indirect_dma semaphore(%dma_wait3A_1566 : memref<!tpu.dma_semaphore, #tpu.memory_space<semaphore_mem>>) src(%dma_wait3A_1564 : memref<10000xf32, #tpu.memory_space<hbm>>) dst(%dma_wait3A_1559 : memref<112xf32, #tpu.memory_space<vmem>>)
      %get3A_1567 = arith.constant 2 : i32
      %get3A_1568 = arith.index_cast %get3A_1567 : i32 to index
      %get3A_1569 = arith.constant 0 : index
      %get3A_1570 = tpu.vector_load %arg14[%get3A_1568, %get3A_1569] {strides = array<i32>} : memref<3x112xf32, #tpu.memory_space<vmem>>, vector<16xf32>,
      %get3A_1571 = arith.constant 2 : i32
      %get3A_1572 = arith.index_cast %get3A_1571 : i32 to index
      %get3A_1573 = arith.constant 0 : index
      %get3A_1574 = tpu.vector_load %arg15[%get3A_1572, %get3A_1573] {strides = array<i32>} : memref<3x112xf32, #tpu.memory_space<vmem>>, vector<16xf32>,
      %add3A_1575 = arith.addf %get3A_1570, %get3A_1574 : vector<16xf32>
      %ge3A_1576 = arith.constant 0.000000e+00 : f32
      %ge3A_1577 = vector.broadcast %ge3A_1576 : f32 to vector<16xf32>
      %ge3A_1578 = arith.cmpf oge, %add3A_1575, %ge3A_1577 : vector<16xf32>
      %mul3A_1579 = arith.constant 2.000000e-01 : f32
      %mul3A_1580 = vector.broadcast %mul3A_1579 : f32 to vector<16xf32>
      %mul3A_1581 = arith.mulf %mul3A_1580, %add3A_1575 : vector<16xf32>
      %select_n3A_1582 = arith.select %ge3A_1578, %add3A_1575, %mul3A_1581 : vector<16xi1>, vector<16xf32>
      %sub3A_1583 = arith.subf %select_n3A_1582, %get3A_5 : vector<16xf32>
      %exp3A_1584 = math.exp %sub3A_1583 : vector<16xf32>
      %add3A_1585 = arith.constant 0 : i32
      %add3A_1586 = arith.addi %add3A_1540, %add3A_1585 : i32
      %broadcast_in_dim3A_1587 = vector.broadcast %add3A_1586 : i32 to vector<16xi32>
      %iota3A_1588 = tpu.iota {dimensions = array<i32: 0>} : vector<16xi32>
      %add3A_1589 = arith.addi %broadcast_in_dim3A_1587, %iota3A_1588 : vector<16xi32>
      %lt3A_1590 = arith.constant 330000 : i32
      %lt3A_1591 = vector.broadcast %lt3A_1590 : i32 to vector<16xi32>
      %lt3A_1592 = arith.cmpi slt, %add3A_1589, %lt3A_1591 : vector<16xi32>
      %jit3A_1593 = arith.constant 0.000000e+00 : f32
      %broadcast_in_dim3A_1594 = vector.broadcast %jit3A_1593 : f32 to vector<16xf32>
      %select_n3A_1595 = arith.select %lt3A_1592, %exp3A_1584, %broadcast_in_dim3A_1594 : vector<16xi1>, vector<16xf32>
      %swap3A_1596 = arith.constant 2 : i32
      %swap3A_1597 = arith.index_cast %swap3A_1596 : i32 to index
      %swap3A_1598 = arith.constant 0 : index
      %swap3A_1599 = tpu.vector_load %arg16[%swap3A_1597, %swap3A_1598] {strides = array<i32>} : memref<3x112xf32, #tpu.memory_space<vmem>>, vector<16xf32>,
      tpu.vector_store %arg16[%swap3A_1597, %swap3A_1598], %select_n3A_1595 {strides = array<i32>} : memref<3x112xf32, #tpu.memory_space<vmem>>, vector<16xf32>,
      %get3A_1600 = arith.constant 2 : i32
      %get3A_1601 = arith.index_cast %get3A_1600 : i32 to index
      %get3A_1602 = arith.constant 0 : index
      %get3A_1603 = tpu.vector_load %arg11[%get3A_1601, %get3A_1602] {strides = array<i32>} : memref<3x112xi32, #tpu.memory_space<vmem>>, vector<16xi32>,
      %swap3A_1604 = arith.constant 2 : i32
      %swap3A_1605 = arith.index_cast %swap3A_1604 : i32 to index
      %swap3A_1606 = arith.constant 0 : index
      %swap3A_1607 = tpu.vector_load %arg13[%swap3A_1605, %swap3A_1606] {strides = array<i32>} : memref<3x112xi32, #tpu.memory_space<vmem>>, vector<16xi32>,
      tpu.vector_store %arg13[%swap3A_1605, %swap3A_1606], %get3A_1603 {strides = array<i32>} : memref<3x112xi32, #tpu.memory_space<vmem>>, vector<16xi32>,
      %get3A_1608 = arith.constant 2 : i32
      %get3A_1609 = arith.index_cast %get3A_1608 : i32 to index
      %get3A_1610 = arith.constant 16 : index
      %get3A_1611 = tpu.vector_load %arg14[%get3A_1609, %get3A_1610] {strides = array<i32>} : memref<3x112xf32, #tpu.memory_space<vmem>>, vector<16xf32>,
      %get3A_1612 = arith.constant 2 : i32
      %get3A_1613 = arith.index_cast %get3A_1612 : i32 to index
      %get3A_1614 = arith.constant 16 : index
      %get3A_1615 = tpu.vector_load %arg15[%get3A_1613, %get3A_1614] {strides = array<i32>} : memref<3x112xf32, #tpu.memory_space<vmem>>, vector<16xf32>,
      %add3A_1616 = arith.addf %get3A_1611, %get3A_1615 : vector<16xf32>
      %ge3A_1617 = arith.constant 0.000000e+00 : f32
      %ge3A_1618 = vector.broadcast %ge3A_1617 : f32 to vector<16xf32>
      %ge3A_1619 = arith.cmpf oge, %add3A_1616, %ge3A_1618 : vector<16xf32>
      %mul3A_1620 = arith.constant 2.000000e-01 : f32
      %mul3A_1621 = vector.broadcast %mul3A_1620 : f32 to vector<16xf32>
      %mul3A_1622 = arith.mulf %mul3A_1621, %add3A_1616 : vector<16xf32>
      %select_n3A_1623 = arith.select %ge3A_1619, %add3A_1616, %mul3A_1622 : vector<16xi1>, vector<16xf32>
      %sub3A_1624 = arith.subf %select_n3A_1623, %get3A_5 : vector<16xf32>
      %exp3A_1625 = math.exp %sub3A_1624 : vector<16xf32>
      %add3A_1626 = arith.constant 16 : i32
      %add3A_1627 = arith.addi %add3A_1540, %add3A_1626 : i32
      %broadcast_in_dim3A_1628 = vector.broadcast %add3A_1627 : i32 to vector<16xi32>
      %iota3A_1629 = tpu.iota {dimensions = array<i32: 0>} : vector<16xi32>
      %add3A_1630 = arith.addi %broadcast_in_dim3A_1628, %iota3A_1629 : vector<16xi32>
      %lt3A_1631 = arith.constant 330000 : i32
      %lt3A_1632 = vector.broadcast %lt3A_1631 : i32 to vector<16xi32>
      %lt3A_1633 = arith.cmpi slt, %add3A_1630, %lt3A_1632 : vector<16xi32>
      %jit3A_1634 = arith.constant 0.000000e+00 : f32
      %broadcast_in_dim3A_1635 = vector.broadcast %jit3A_1634 : f32 to vector<16xf32>
      %select_n3A_1636 = arith.select %lt3A_1633, %exp3A_1625, %broadcast_in_dim3A_1635 : vector<16xi1>, vector<16xf32>
      %swap3A_1637 = arith.constant 2 : i32
      %swap3A_1638 = arith.index_cast %swap3A_1637 : i32 to index
      %swap3A_1639 = arith.constant 16 : index
      %swap3A_1640 = tpu.vector_load %arg16[%swap3A_1638, %swap3A_1639] {strides = array<i32>} : memref<3x112xf32, #tpu.memory_space<vmem>>, vector<16xf32>,
      tpu.vector_store %arg16[%swap3A_1638, %swap3A_1639], %select_n3A_1636 {strides = array<i32>} : memref<3x112xf32, #tpu.memory_space<vmem>>, vector<16xf32>,
      %get3A_1641 = arith.constant 2 : i32
      %get3A_1642 = arith.index_cast %get3A_1641 : i32 to index
      %get3A_1643 = arith.constant 16 : index
      %get3A_1644 = tpu.vector_load %arg11[%get3A_1642, %get3A_1643] {strides = array<i32>} : memref<3x112xi32, #tpu.memory_space<vmem>>, vector<16xi32>,
      %swap3A_1645 = arith.constant 2 : i32
      %swap3A_1646 = arith.index_cast %swap3A_1645 : i32 to index
      %swap3A_1647 = arith.constant 16 : index
      %swap3A_1648 = tpu.vector_load %arg13[%swap3A_1646, %swap3A_1647] {strides = array<i32>} : memref<3x112xi32, #tpu.memory_space<vmem>>, vector<16xi32>,
      tpu.vector_store %arg13[%swap3A_1646, %swap3A_1647], %get3A_1644 {strides = array<i32>} : memref<3x112xi32, #tpu.memory_space<vmem>>, vector<16xi32>,
      %get3A_1649 = arith.constant 2 : i32
      %get3A_1650 = arith.index_cast %get3A_1649 : i32 to index
      %get3A_1651 = arith.constant 32 : index
      %get3A_1652 = tpu.vector_load %arg14[%get3A_1650, %get3A_1651] {strides = array<i32>} : memref<3x112xf32, #tpu.memory_space<vmem>>, vector<16xf32>,
      %get3A_1653 = arith.constant 2 : i32
      %get3A_1654 = arith.index_cast %get3A_1653 : i32 to index
      %get3A_1655 = arith.constant 32 : index
      %get3A_1656 = tpu.vector_load %arg15[%get3A_1654, %get3A_1655] {strides = array<i32>} : memref<3x112xf32, #tpu.memory_space<vmem>>, vector<16xf32>,
      %add3A_1657 = arith.addf %get3A_1652, %get3A_1656 : vector<16xf32>
      %ge3A_1658 = arith.constant 0.000000e+00 : f32
      %ge3A_1659 = vector.broadcast %ge3A_1658 : f32 to vector<16xf32>
      %ge3A_1660 = arith.cmpf oge, %add3A_1657, %ge3A_1659 : vector<16xf32>
      %mul3A_1661 = arith.constant 2.000000e-01 : f32
      %mul3A_1662 = vector.broadcast %mul3A_1661 : f32 to vector<16xf32>
      %mul3A_1663 = arith.mulf %mul3A_1662, %add3A_1657 : vector<16xf32>
      %select_n3A_1664 = arith.select %ge3A_1660, %add3A_1657, %mul3A_1663 : vector<16xi1>, vector<16xf32>
      %sub3A_1665 = arith.subf %select_n3A_1664, %get3A_5 : vector<16xf32>
      %exp3A_1666 = math.exp %sub3A_1665 : vector<16xf32>
      %add3A_1667 = arith.constant 32 : i32
      %add3A_1668 = arith.addi %add3A_1540, %add3A_1667 : i32
      %broadcast_in_dim3A_1669 = vector.broadcast %add3A_1668 : i32 to vector<16xi32>
      %iota3A_1670 = tpu.iota {dimensions = array<i32: 0>} : vector<16xi32>
      %add3A_1671 = arith.addi %broadcast_in_dim3A_1669, %iota3A_1670 : vector<16xi32>
      %lt3A_1672 = arith.constant 330000 : i32
      %lt3A_1673 = vector.broadcast %lt3A_1672 : i32 to vector<16xi32>
      %lt3A_1674 = arith.cmpi slt, %add3A_1671, %lt3A_1673 : vector<16xi32>
      %jit3A_1675 = arith.constant 0.000000e+00 : f32
      %broadcast_in_dim3A_1676 = vector.broadcast %jit3A_1675 : f32 to vector<16xf32>
      %select_n3A_1677 = arith.select %lt3A_1674, %exp3A_1666, %broadcast_in_dim3A_1676 : vector<16xi1>, vector<16xf32>
      %swap3A_1678 = arith.constant 2 : i32
      %swap3A_1679 = arith.index_cast %swap3A_1678 : i32 to index
      %swap3A_1680 = arith.constant 32 : index
      %swap3A_1681 = tpu.vector_load %arg16[%swap3A_1679, %swap3A_1680] {strides = array<i32>} : memref<3x112xf32, #tpu.memory_space<vmem>>, vector<16xf32>,
      tpu.vector_store %arg16[%swap3A_1679, %swap3A_1680], %select_n3A_1677 {strides = array<i32>} : memref<3x112xf32, #tpu.memory_space<vmem>>, vector<16xf32>,
      %get3A_1682 = arith.constant 2 : i32
      %get3A_1683 = arith.index_cast %get3A_1682 : i32 to index
      %get3A_1684 = arith.constant 32 : index
      %get3A_1685 = tpu.vector_load %arg11[%get3A_1683, %get3A_1684] {strides = array<i32>} : memref<3x112xi32, #tpu.memory_space<vmem>>, vector<16xi32>,
      %swap3A_1686 = arith.constant 2 : i32
      %swap3A_1687 = arith.index_cast %swap3A_1686 : i32 to index
      %swap3A_1688 = arith.constant 32 : index
      %swap3A_1689 = tpu.vector_load %arg13[%swap3A_1687, %swap3A_1688] {strides = array<i32>} : memref<3x112xi32, #tpu.memory_space<vmem>>, vector<16xi32>,
      tpu.vector_store %arg13[%swap3A_1687, %swap3A_1688], %get3A_1685 {strides = array<i32>} : memref<3x112xi32, #tpu.memory_space<vmem>>, vector<16xi32>,
      %get3A_1690 = arith.constant 2 : i32
      %get3A_1691 = arith.index_cast %get3A_1690 : i32 to index
      %get3A_1692 = arith.constant 48 : index
      %get3A_1693 = tpu.vector_load %arg14[%get3A_1691, %get3A_1692] {strides = array<i32>} : memref<3x112xf32, #tpu.memory_space<vmem>>, vector<16xf32>,
      %get3A_1694 = arith.constant 2 : i32
      %get3A_1695 = arith.index_cast %get3A_1694 : i32 to index
      %get3A_1696 = arith.constant 48 : index
      %get3A_1697 = tpu.vector_load %arg15[%get3A_1695, %get3A_1696] {strides = array<i32>} : memref<3x112xf32, #tpu.memory_space<vmem>>, vector<16xf32>,
      %add3A_1698 = arith.addf %get3A_1693, %get3A_1697 : vector<16xf32>
      %ge3A_1699 = arith.constant 0.000000e+00 : f32
      %ge3A_1700 = vector.broadcast %ge3A_1699 : f32 to vector<16xf32>
      %ge3A_1701 = arith.cmpf oge, %add3A_1698, %ge3A_1700 : vector<16xf32>
      %mul3A_1702 = arith.constant 2.000000e-01 : f32
      %mul3A_1703 = vector.broadcast %mul3A_1702 : f32 to vector<16xf32>
      %mul3A_1704 = arith.mulf %mul3A_1703, %add3A_1698 : vector<16xf32>
      %select_n3A_1705 = arith.select %ge3A_1701, %add3A_1698, %mul3A_1704 : vector<16xi1>, vector<16xf32>
      %sub3A_1706 = arith.subf %select_n3A_1705, %get3A_5 : vector<16xf32>
      %exp3A_1707 = math.exp %sub3A_1706 : vector<16xf32>
      %add3A_1708 = arith.constant 48 : i32
      %add3A_1709 = arith.addi %add3A_1540, %add3A_1708 : i32
      %broadcast_in_dim3A_1710 = vector.broadcast %add3A_1709 : i32 to vector<16xi32>
      %iota3A_1711 = tpu.iota {dimensions = array<i32: 0>} : vector<16xi32>
      %add3A_1712 = arith.addi %broadcast_in_dim3A_1710, %iota3A_1711 : vector<16xi32>
      %lt3A_1713 = arith.constant 330000 : i32
      %lt3A_1714 = vector.broadcast %lt3A_1713 : i32 to vector<16xi32>
      %lt3A_1715 = arith.cmpi slt, %add3A_1712, %lt3A_1714 : vector<16xi32>
      %jit3A_1716 = arith.constant 0.000000e+00 : f32
      %broadcast_in_dim3A_1717 = vector.broadcast %jit3A_1716 : f32 to vector<16xf32>
      %select_n3A_1718 = arith.select %lt3A_1715, %exp3A_1707, %broadcast_in_dim3A_1717 : vector<16xi1>, vector<16xf32>
      %swap3A_1719 = arith.constant 2 : i32
      %swap3A_1720 = arith.index_cast %swap3A_1719 : i32 to index
      %swap3A_1721 = arith.constant 48 : index
      %swap3A_1722 = tpu.vector_load %arg16[%swap3A_1720, %swap3A_1721] {strides = array<i32>} : memref<3x112xf32, #tpu.memory_space<vmem>>, vector<16xf32>,
      tpu.vector_store %arg16[%swap3A_1720, %swap3A_1721], %select_n3A_1718 {strides = array<i32>} : memref<3x112xf32, #tpu.memory_space<vmem>>, vector<16xf32>,
      %get3A_1723 = arith.constant 2 : i32
      %get3A_1724 = arith.index_cast %get3A_1723 : i32 to index
      %get3A_1725 = arith.constant 48 : index
      %get3A_1726 = tpu.vector_load %arg11[%get3A_1724, %get3A_1725] {strides = array<i32>} : memref<3x112xi32, #tpu.memory_space<vmem>>, vector<16xi32>,
      %swap3A_1727 = arith.constant 2 : i32
      %swap3A_1728 = arith.index_cast %swap3A_1727 : i32 to index
      %swap3A_1729 = arith.constant 48 : index
      %swap3A_1730 = tpu.vector_load %arg13[%swap3A_1728, %swap3A_1729] {strides = array<i32>} : memref<3x112xi32, #tpu.memory_space<vmem>>, vector<16xi32>,
      tpu.vector_store %arg13[%swap3A_1728, %swap3A_1729], %get3A_1726 {strides = array<i32>} : memref<3x112xi32, #tpu.memory_space<vmem>>, vector<16xi32>,
      %get3A_1731 = arith.constant 2 : i32
      %get3A_1732 = arith.index_cast %get3A_1731 : i32 to index
      %get3A_1733 = arith.constant 64 : index
      %get3A_1734 = tpu.vector_load %arg14[%get3A_1732, %get3A_1733] {strides = array<i32>} : memref<3x112xf32, #tpu.memory_space<vmem>>, vector<16xf32>,
      %get3A_1735 = arith.constant 2 : i32
      %get3A_1736 = arith.index_cast %get3A_1735 : i32 to index
      %get3A_1737 = arith.constant 64 : index
      %get3A_1738 = tpu.vector_load %arg15[%get3A_1736, %get3A_1737] {strides = array<i32>} : memref<3x112xf32, #tpu.memory_space<vmem>>, vector<16xf32>,
      %add3A_1739 = arith.addf %get3A_1734, %get3A_1738 : vector<16xf32>
      %ge3A_1740 = arith.constant 0.000000e+00 : f32
      %ge3A_1741 = vector.broadcast %ge3A_1740 : f32 to vector<16xf32>
      %ge3A_1742 = arith.cmpf oge, %add3A_1739, %ge3A_1741 : vector<16xf32>
      %mul3A_1743 = arith.constant 2.000000e-01 : f32
      %mul3A_1744 = vector.broadcast %mul3A_1743 : f32 to vector<16xf32>
      %mul3A_1745 = arith.mulf %mul3A_1744, %add3A_1739 : vector<16xf32>
      %select_n3A_1746 = arith.select %ge3A_1742, %add3A_1739, %mul3A_1745 : vector<16xi1>, vector<16xf32>
      %sub3A_1747 = arith.subf %select_n3A_1746, %get3A_5 : vector<16xf32>
      %exp3A_1748 = math.exp %sub3A_1747 : vector<16xf32>
      %add3A_1749 = arith.constant 64 : i32
      %add3A_1750 = arith.addi %add3A_1540, %add3A_1749 : i32
      %broadcast_in_dim3A_1751 = vector.broadcast %add3A_1750 : i32 to vector<16xi32>
      %iota3A_1752 = tpu.iota {dimensions = array<i32: 0>} : vector<16xi32>
      %add3A_1753 = arith.addi %broadcast_in_dim3A_1751, %iota3A_1752 : vector<16xi32>
      %lt3A_1754 = arith.constant 330000 : i32
      %lt3A_1755 = vector.broadcast %lt3A_1754 : i32 to vector<16xi32>
      %lt3A_1756 = arith.cmpi slt, %add3A_1753, %lt3A_1755 : vector<16xi32>
      %jit3A_1757 = arith.constant 0.000000e+00 : f32
      %broadcast_in_dim3A_1758 = vector.broadcast %jit3A_1757 : f32 to vector<16xf32>
      %select_n3A_1759 = arith.select %lt3A_1756, %exp3A_1748, %broadcast_in_dim3A_1758 : vector<16xi1>, vector<16xf32>
      %swap3A_1760 = arith.constant 2 : i32
      %swap3A_1761 = arith.index_cast %swap3A_1760 : i32 to index
      %swap3A_1762 = arith.constant 64 : index
      %swap3A_1763 = tpu.vector_load %arg16[%swap3A_1761, %swap3A_1762] {strides = array<i32>} : memref<3x112xf32, #tpu.memory_space<vmem>>, vector<16xf32>,
      tpu.vector_store %arg16[%swap3A_1761, %swap3A_1762], %select_n3A_1759 {strides = array<i32>} : memref<3x112xf32, #tpu.memory_space<vmem>>, vector<16xf32>,
      %get3A_1764 = arith.constant 2 : i32
      %get3A_1765 = arith.index_cast %get3A_1764 : i32 to index
      %get3A_1766 = arith.constant 64 : index
      %get3A_1767 = tpu.vector_load %arg11[%get3A_1765, %get3A_1766] {strides = array<i32>} : memref<3x112xi32, #tpu.memory_space<vmem>>, vector<16xi32>,
      %swap3A_1768 = arith.constant 2 : i32
      %swap3A_1769 = arith.index_cast %swap3A_1768 : i32 to index
      %swap3A_1770 = arith.constant 64 : index
      %swap3A_1771 = tpu.vector_load %arg13[%swap3A_1769, %swap3A_1770] {strides = array<i32>} : memref<3x112xi32, #tpu.memory_space<vmem>>, vector<16xi32>,
      tpu.vector_store %arg13[%swap3A_1769, %swap3A_1770], %get3A_1767 {strides = array<i32>} : memref<3x112xi32, #tpu.memory_space<vmem>>, vector<16xi32>,
      %get3A_1772 = arith.constant 2 : i32
      %get3A_1773 = arith.index_cast %get3A_1772 : i32 to index
      %get3A_1774 = arith.constant 80 : index
      %get3A_1775 = tpu.vector_load %arg14[%get3A_1773, %get3A_1774] {strides = array<i32>} : memref<3x112xf32, #tpu.memory_space<vmem>>, vector<16xf32>,
      %get3A_1776 = arith.constant 2 : i32
      %get3A_1777 = arith.index_cast %get3A_1776 : i32 to index
      %get3A_1778 = arith.constant 80 : index
      %get3A_1779 = tpu.vector_load %arg15[%get3A_1777, %get3A_1778] {strides = array<i32>} : memref<3x112xf32, #tpu.memory_space<vmem>>, vector<16xf32>,
      %add3A_1780 = arith.addf %get3A_1775, %get3A_1779 : vector<16xf32>
      %ge3A_1781 = arith.constant 0.000000e+00 : f32
      %ge3A_1782 = vector.broadcast %ge3A_1781 : f32 to vector<16xf32>
      %ge3A_1783 = arith.cmpf oge, %add3A_1780, %ge3A_1782 : vector<16xf32>
      %mul3A_1784 = arith.constant 2.000000e-01 : f32
      %mul3A_1785 = vector.broadcast %mul3A_1784 : f32 to vector<16xf32>
      %mul3A_1786 = arith.mulf %mul3A_1785, %add3A_1780 : vector<16xf32>
      %select_n3A_1787 = arith.select %ge3A_1783, %add3A_1780, %mul3A_1786 : vector<16xi1>, vector<16xf32>
      %sub3A_1788 = arith.subf %select_n3A_1787, %get3A_5 : vector<16xf32>
      %exp3A_1789 = math.exp %sub3A_1788 : vector<16xf32>
      %add3A_1790 = arith.constant 80 : i32
      %add3A_1791 = arith.addi %add3A_1540, %add3A_1790 : i32
      %broadcast_in_dim3A_1792 = vector.broadcast %add3A_1791 : i32 to vector<16xi32>
      %iota3A_1793 = tpu.iota {dimensions = array<i32: 0>} : vector<16xi32>
      %add3A_1794 = arith.addi %broadcast_in_dim3A_1792, %iota3A_1793 : vector<16xi32>
      %lt3A_1795 = arith.constant 330000 : i32
      %lt3A_1796 = vector.broadcast %lt3A_1795 : i32 to vector<16xi32>
      %lt3A_1797 = arith.cmpi slt, %add3A_1794, %lt3A_1796 : vector<16xi32>
      %jit3A_1798 = arith.constant 0.000000e+00 : f32
      %broadcast_in_dim3A_1799 = vector.broadcast %jit3A_1798 : f32 to vector<16xf32>
      %select_n3A_1800 = arith.select %lt3A_1797, %exp3A_1789, %broadcast_in_dim3A_1799 : vector<16xi1>, vector<16xf32>
      %swap3A_1801 = arith.constant 2 : i32
      %swap3A_1802 = arith.index_cast %swap3A_1801 : i32 to index
      %swap3A_1803 = arith.constant 80 : index
      %swap3A_1804 = tpu.vector_load %arg16[%swap3A_1802, %swap3A_1803] {strides = array<i32>} : memref<3x112xf32, #tpu.memory_space<vmem>>, vector<16xf32>,
      tpu.vector_store %arg16[%swap3A_1802, %swap3A_1803], %select_n3A_1800 {strides = array<i32>} : memref<3x112xf32, #tpu.memory_space<vmem>>, vector<16xf32>,
      %get3A_1805 = arith.constant 2 : i32
      %get3A_1806 = arith.index_cast %get3A_1805 : i32 to index
      %get3A_1807 = arith.constant 80 : index
      %get3A_1808 = tpu.vector_load %arg11[%get3A_1806, %get3A_1807] {strides = array<i32>} : memref<3x112xi32, #tpu.memory_space<vmem>>, vector<16xi32>,
      %swap3A_1809 = arith.constant 2 : i32
      %swap3A_1810 = arith.index_cast %swap3A_1809 : i32 to index
      %swap3A_1811 = arith.constant 80 : index
      %swap3A_1812 = tpu.vector_load %arg13[%swap3A_1810, %swap3A_1811] {strides = array<i32>} : memref<3x112xi32, #tpu.memory_space<vmem>>, vector<16xi32>,
      tpu.vector_store %arg13[%swap3A_1810, %swap3A_1811], %get3A_1808 {strides = array<i32>} : memref<3x112xi32, #tpu.memory_space<vmem>>, vector<16xi32>,
      %get3A_1813 = arith.constant 2 : i32
      %get3A_1814 = arith.index_cast %get3A_1813 : i32 to index
      %get3A_1815 = arith.constant 96 : index
      %get3A_1816 = tpu.vector_load %arg14[%get3A_1814, %get3A_1815] {strides = array<i32>} : memref<3x112xf32, #tpu.memory_space<vmem>>, vector<16xf32>,
      %get3A_1817 = arith.constant 2 : i32
      %get3A_1818 = arith.index_cast %get3A_1817 : i32 to index
      %get3A_1819 = arith.constant 96 : index
      %get3A_1820 = tpu.vector_load %arg15[%get3A_1818, %get3A_1819] {strides = array<i32>} : memref<3x112xf32, #tpu.memory_space<vmem>>, vector<16xf32>,
      %add3A_1821 = arith.addf %get3A_1816, %get3A_1820 : vector<16xf32>
      %ge3A_1822 = arith.constant 0.000000e+00 : f32
      %ge3A_1823 = vector.broadcast %ge3A_1822 : f32 to vector<16xf32>
      %ge3A_1824 = arith.cmpf oge, %add3A_1821, %ge3A_1823 : vector<16xf32>
      %mul3A_1825 = arith.constant 2.000000e-01 : f32
      %mul3A_1826 = vector.broadcast %mul3A_1825 : f32 to vector<16xf32>
      %mul3A_1827 = arith.mulf %mul3A_1826, %add3A_1821 : vector<16xf32>
      %select_n3A_1828 = arith.select %ge3A_1824, %add3A_1821, %mul3A_1827 : vector<16xi1>, vector<16xf32>
      %sub3A_1829 = arith.subf %select_n3A_1828, %get3A_5 : vector<16xf32>
      %exp3A_1830 = math.exp %sub3A_1829 : vector<16xf32>
      %add3A_1831 = arith.constant 96 : i32
      %add3A_1832 = arith.addi %add3A_1540, %add3A_1831 : i32
      %broadcast_in_dim3A_1833 = vector.broadcast %add3A_1832 : i32 to vector<16xi32>
      %iota3A_1834 = tpu.iota {dimensions = array<i32: 0>} : vector<16xi32>
      %add3A_1835 = arith.addi %broadcast_in_dim3A_1833, %iota3A_1834 : vector<16xi32>
      %lt3A_1836 = arith.constant 330000 : i32
      %lt3A_1837 = vector.broadcast %lt3A_1836 : i32 to vector<16xi32>
      %lt3A_1838 = arith.cmpi slt, %add3A_1835, %lt3A_1837 : vector<16xi32>
      %jit3A_1839 = arith.constant 0.000000e+00 : f32
      %broadcast_in_dim3A_1840 = vector.broadcast %jit3A_1839 : f32 to vector<16xf32>
      %select_n3A_1841 = arith.select %lt3A_1838, %exp3A_1830, %broadcast_in_dim3A_1840 : vector<16xi1>, vector<16xf32>
      %swap3A_1842 = arith.constant 2 : i32
      %swap3A_1843 = arith.index_cast %swap3A_1842 : i32 to index
      %swap3A_1844 = arith.constant 96 : index
      %swap3A_1845 = tpu.vector_load %arg16[%swap3A_1843, %swap3A_1844] {strides = array<i32>} : memref<3x112xf32, #tpu.memory_space<vmem>>, vector<16xf32>,
      tpu.vector_store %arg16[%swap3A_1843, %swap3A_1844], %select_n3A_1841 {strides = array<i32>} : memref<3x112xf32, #tpu.memory_space<vmem>>, vector<16xf32>,
      %get3A_1846 = arith.constant 2 : i32
      %get3A_1847 = arith.index_cast %get3A_1846 : i32 to index
      %get3A_1848 = arith.constant 96 : index
      %get3A_1849 = tpu.vector_load %arg11[%get3A_1847, %get3A_1848] {strides = array<i32>} : memref<3x112xi32, #tpu.memory_space<vmem>>, vector<16xi32>,
      %swap3A_1850 = arith.constant 2 : i32
      %swap3A_1851 = arith.index_cast %swap3A_1850 : i32 to index
      %swap3A_1852 = arith.constant 96 : index
      %swap3A_1853 = tpu.vector_load %arg13[%swap3A_1851, %swap3A_1852] {strides = array<i32>} : memref<3x112xi32, #tpu.memory_space<vmem>>, vector<16xi32>,
      tpu.vector_store %arg13[%swap3A_1851, %swap3A_1852], %get3A_1849 {strides = array<i32>} : memref<3x112xi32, #tpu.memory_space<vmem>>, vector<16xi32>,
      %ge3A_1854 = arith.constant 1 : i32
      %ge3A_1855 = arith.cmpi sge, %add3A_1537, %ge3A_1854 : i32
      %convert_element_type3A_1856 = arith.extui %ge3A_1855 : i1 to i32
      %cond3A_1857 = arith.constant 0 : i32
      %cond3A_1858 = arith.cmpi ne, %convert_element_type3A_1856, %cond3A_1857 : i32
      scf.if %cond3A_1858 {
        %dma_wait3A_1997 = arith.constant 1 : i32
        %dma_wait3A_1998 = arith.constant 1 : i32
        %dma_wait3A_1999 = arith.constant 1 : i32
        %dma_wait3A_2000 = arith.constant 0 : i32
        %dma_wait3A_2001 = arith.constant 0 : i32
        %dma_wait3A_2002 = tpu.memref_slice %arg17[%dma_wait3A_1997, %dma_wait3A_2000, %dma_wait3A_2001] : memref<3x112x128xf32, #tpu.memory_space<vmem>> -> memref<1x112x128xf32, #tpu.memory_space<vmem>>
        %dma_wait3A_2003 = tpu.memref_squeeze %dma_wait3A_2002 : memref<1x112x128xf32, #tpu.memory_space<vmem>> -> memref<112x128xf32, #tpu.memory_space<vmem>>
        %dma_wait3A_2004 = arith.constant 0 : i32
        %dma_wait3A_2005 = tpu.memref_slice %arg13[%dma_wait3A_1998, %dma_wait3A_2004] : memref<3x112xi32, #tpu.memory_space<vmem>> -> memref<1x112xi32, #tpu.memory_space<vmem>>
        %dma_wait3A_2006 = tpu.memref_squeeze %dma_wait3A_2005 : memref<1x112xi32, #tpu.memory_space<vmem>> -> memref<112xi32, #tpu.memory_space<vmem>>
        %dma_wait3A_2007 = arith.constant 0 : i32
        %dma_wait3A_2008 = arith.constant 0 : i32
        %dma_wait3A_2009 = tpu.memref_slice %arg19[%dma_wait3A_2007, %dma_wait3A_2008] : memref<10000x128xf32, #tpu.memory_space<vmem_shared>> -> memref<10000x128xf32, #tpu.memory_space<vmem_shared>>
        %dma_wait3A_2010 = tpu.memref_slice %arg22[%dma_wait3A_1999] : memref<3x!tpu.dma_semaphore, #tpu.memory_space<semaphore_mem>> -> memref<1x!tpu.dma_semaphore, #tpu.memory_space<semaphore_mem>>
        %dma_wait3A_2011 = tpu.memref_squeeze %dma_wait3A_2010 : memref<1x!tpu.dma_semaphore, #tpu.memory_space<semaphore_mem>> -> memref<!tpu.dma_semaphore, #tpu.memory_space<semaphore_mem>>
        tpu.wait_indirect_dma semaphore(%dma_wait3A_2011 : memref<!tpu.dma_semaphore, #tpu.memory_space<semaphore_mem>>) src(%dma_wait3A_2003 : memref<112x128xf32, #tpu.memory_space<vmem>>) dst(%dma_wait3A_2009 : memref<10000x128xf32, #tpu.memory_space<vmem_shared>>)
      } else {
      }
      %dma_start3A_1859 = arith.constant 1 : i32
      %dma_start3A_1860 = arith.constant 1 : i32
      %dma_start3A_1861 = arith.constant 1 : i32
      %dma_start3A_1862 = arith.constant 0 : i32
      %dma_start3A_1863 = arith.constant 0 : i32
      %dma_start3A_1864 = tpu.memref_slice %arg17[%dma_start3A_1860, %dma_start3A_1862, %dma_start3A_1863] : memref<3x112x128xf32, #tpu.memory_space<vmem>> -> memref<1x112x128xf32, #tpu.memory_space<vmem>>
      %dma_start3A_1865 = tpu.memref_squeeze %dma_start3A_1864 : memref<1x112x128xf32, #tpu.memory_space<vmem>> -> memref<112x128xf32, #tpu.memory_space<vmem>>
      %dma_start3A_1866 = arith.constant 0 : i32
      %dma_start3A_1867 = tpu.memref_slice %arg12[%dma_start3A_1859, %dma_start3A_1866] : memref<3x112xi32, #tpu.memory_space<vmem>> -> memref<1x112xi32, #tpu.memory_space<vmem>>
      %dma_start3A_1868 = tpu.memref_squeeze %dma_start3A_1867 : memref<1x112xi32, #tpu.memory_space<vmem>> -> memref<112xi32, #tpu.memory_space<vmem>>
      %dma_start3A_1869 = arith.constant 0 : i32
      %dma_start3A_1870 = arith.constant 0 : i32
      %dma_start3A_1871 = tpu.memref_slice %arg7[%dma_start3A_1869, %dma_start3A_1870] : memref<10000x128xf32, #tpu.memory_space<hbm>> -> memref<10000x128xf32, #tpu.memory_space<hbm>>
      %dma_start3A_1872 = tpu.memref_slice %arg21[%dma_start3A_1861] : memref<3x!tpu.dma_semaphore, #tpu.memory_space<semaphore_mem>> -> memref<1x!tpu.dma_semaphore, #tpu.memory_space<semaphore_mem>>
      %dma_start3A_1873 = tpu.memref_squeeze %dma_start3A_1872 : memref<1x!tpu.dma_semaphore, #tpu.memory_space<semaphore_mem>> -> memref<!tpu.dma_semaphore, #tpu.memory_space<semaphore_mem>>
      tpu.enqueue_indirect_dma source(%dma_start3A_1871 : memref<10000x128xf32, #tpu.memory_space<hbm>>) target(%dma_start3A_1865 : memref<112x128xf32, #tpu.memory_space<vmem>>) offsets(%dma_start3A_1868 : memref<112xi32, #tpu.memory_space<vmem>>) semaphore(%dma_start3A_1873 : memref<!tpu.dma_semaphore, #tpu.memory_space<semaphore_mem>>)
      %dma_wait3A_1874 = arith.constant 2 : i32
      %dma_wait3A_1875 = arith.constant 2 : i32
      %dma_wait3A_1876 = arith.constant 2 : i32
      %dma_wait3A_1877 = arith.constant 0 : i32
      %dma_wait3A_1878 = arith.constant 0 : i32
      %dma_wait3A_1879 = tpu.memref_slice %arg17[%dma_wait3A_1875, %dma_wait3A_1877, %dma_wait3A_1878] : memref<3x112x128xf32, #tpu.memory_space<vmem>> -> memref<1x112x128xf32, #tpu.memory_space<vmem>>
      %dma_wait3A_1880 = tpu.memref_squeeze %dma_wait3A_1879 : memref<1x112x128xf32, #tpu.memory_space<vmem>> -> memref<112x128xf32, #tpu.memory_space<vmem>>
      %dma_wait3A_1881 = arith.constant 0 : i32
      %dma_wait3A_1882 = tpu.memref_slice %arg12[%dma_wait3A_1874, %dma_wait3A_1881] : memref<3x112xi32, #tpu.memory_space<vmem>> -> memref<1x112xi32, #tpu.memory_space<vmem>>
      %dma_wait3A_1883 = tpu.memref_squeeze %dma_wait3A_1882 : memref<1x112xi32, #tpu.memory_space<vmem>> -> memref<112xi32, #tpu.memory_space<vmem>>
      %dma_wait3A_1884 = arith.constant 0 : i32
      %dma_wait3A_1885 = arith.constant 0 : i32
      %dma_wait3A_1886 = tpu.memref_slice %arg7[%dma_wait3A_1884, %dma_wait3A_1885] : memref<10000x128xf32, #tpu.memory_space<hbm>> -> memref<10000x128xf32, #tpu.memory_space<hbm>>
      %dma_wait3A_1887 = tpu.memref_slice %arg21[%dma_wait3A_1876] : memref<3x!tpu.dma_semaphore, #tpu.memory_space<semaphore_mem>> -> memref<1x!tpu.dma_semaphore, #tpu.memory_space<semaphore_mem>>
      %dma_wait3A_1888 = tpu.memref_squeeze %dma_wait3A_1887 : memref<1x!tpu.dma_semaphore, #tpu.memory_space<semaphore_mem>> -> memref<!tpu.dma_semaphore, #tpu.memory_space<semaphore_mem>>
      tpu.wait_indirect_dma semaphore(%dma_wait3A_1888 : memref<!tpu.dma_semaphore, #tpu.memory_space<semaphore_mem>>) src(%dma_wait3A_1886 : memref<10000x128xf32, #tpu.memory_space<hbm>>) dst(%dma_wait3A_1880 : memref<112x128xf32, #tpu.memory_space<vmem>>)
      %scan3A_1889 = arith.constant 0 : i32
      %scan3A_1890 = arith.constant 0 : i32
      %scan3A_1891 = arith.constant 112 : i32
      %scan3A_1892 = arith.addi %scan3A_1890, %scan3A_1891 : i32
      %scan3A_1893 = arith.constant 4 : i32
      %scan3A_1894 = scf.for %scan3A_1997 = %scan3A_1890 to %scan3A_1892 step %scan3A_1893 iter_args(%scan3A_1998 = %scan3A_1889) -> (i32)  : i32 {
        %broadcast_in_dim3A_1999 = vector.broadcast %scan3A_1997 : i32 to vector<16xi32>
        %gather3A = arith.constant 2 : i32
        %gather3A_2000 = arith.constant 0 : i32
        %gather3A_2001 = tpu.memref_slice %arg16[%gather3A, %gather3A_2000] : memref<3x112xf32, #tpu.memory_space<vmem>> -> memref<1x112xf32, #tpu.memory_space<vmem>>
        %gather3A_2002 = tpu.memref_squeeze %gather3A_2001 : memref<1x112xf32, #tpu.memory_space<vmem>> -> memref<112xf32, #tpu.memory_space<vmem>>
        %gather3A_2003 = tpu.vector_load_idx %gather3A_2002[%broadcast_in_dim3A_1999] : memref<112xf32, #tpu.memory_space<vmem>>[vector<16xi32>], vector<16xf32>,
        %get3A_2004 = arith.constant 2 : i32
        %get3A_2005 = arith.index_cast %get3A_2004 : i32 to index
        %get3A_2006 = arith.index_cast %scan3A_1997 : i32 to index
        %get3A_2007 = arith.constant 0 : index
        %get3A_2008 = tpu.vector_load %arg17[%get3A_2005, %get3A_2006, %get3A_2007] {strides = array<i32>} : memref<3x112x128xf32, #tpu.memory_space<vmem>>, vector<16xf32>,
        %mul3A_2009 = arith.mulf %get3A_2008, %gather3A_2003 : vector<16xf32>
        %swap3A_2010 = arith.constant 2 : i32
        %swap3A_2011 = arith.index_cast %swap3A_2010 : i32 to index
        %swap3A_2012 = arith.index_cast %scan3A_1997 : i32 to index
        %swap3A_2013 = arith.constant 0 : index
        %swap3A_2014 = tpu.vector_load %arg17[%swap3A_2011, %swap3A_2012, %swap3A_2013] {strides = array<i32>} : memref<3x112x128xf32, #tpu.memory_space<vmem>>, vector<16xf32>,
        tpu.vector_store %arg17[%swap3A_2011, %swap3A_2012, %swap3A_2013], %mul3A_2009 {strides = array<i32>} : memref<3x112x128xf32, #tpu.memory_space<vmem>>, vector<16xf32>,
        %get3A_2015 = arith.constant 2 : i32
        %get3A_2016 = arith.index_cast %get3A_2015 : i32 to index
        %get3A_2017 = arith.index_cast %scan3A_1997 : i32 to index
        %get3A_2018 = arith.constant 16 : index
        %get3A_2019 = tpu.vector_load %arg17[%get3A_2016, %get3A_2017, %get3A_2018] {strides = array<i32>} : memref<3x112x128xf32, #tpu.memory_space<vmem>>, vector<16xf32>,
        %mul3A_2020 = arith.mulf %get3A_2019, %gather3A_2003 : vector<16xf32>
        %swap3A_2021 = arith.constant 2 : i32
        %swap3A_2022 = arith.index_cast %swap3A_2021 : i32 to index
        %swap3A_2023 = arith.index_cast %scan3A_1997 : i32 to index
        %swap3A_2024 = arith.constant 16 : index
        %swap3A_2025 = tpu.vector_load %arg17[%swap3A_2022, %swap3A_2023, %swap3A_2024] {strides = array<i32>} : memref<3x112x128xf32, #tpu.memory_space<vmem>>, vector<16xf32>,
        tpu.vector_store %arg17[%swap3A_2022, %swap3A_2023, %swap3A_2024], %mul3A_2020 {strides = array<i32>} : memref<3x112x128xf32, #tpu.memory_space<vmem>>, vector<16xf32>,
        %get3A_2026 = arith.constant 2 : i32
        %get3A_2027 = arith.index_cast %get3A_2026 : i32 to index
        %get3A_2028 = arith.index_cast %scan3A_1997 : i32 to index
        %get3A_2029 = arith.constant 32 : index
        %get3A_2030 = tpu.vector_load %arg17[%get3A_2027, %get3A_2028, %get3A_2029] {strides = array<i32>} : memref<3x112x128xf32, #tpu.memory_space<vmem>>, vector<16xf32>,
        %mul3A_2031 = arith.mulf %get3A_2030, %gather3A_2003 : vector<16xf32>
        %swap3A_2032 = arith.constant 2 : i32
        %swap3A_2033 = arith.index_cast %swap3A_2032 : i32 to index
        %swap3A_2034 = arith.index_cast %scan3A_1997 : i32 to index
        %swap3A_2035 = arith.constant 32 : index
        %swap3A_2036 = tpu.vector_load %arg17[%swap3A_2033, %swap3A_2034, %swap3A_2035] {strides = array<i32>} : memref<3x112x128xf32, #tpu.memory_space<vmem>>, vector<16xf32>,
        tpu.vector_store %arg17[%swap3A_2033, %swap3A_2034, %swap3A_2035], %mul3A_2031 {strides = array<i32>} : memref<3x112x128xf32, #tpu.memory_space<vmem>>, vector<16xf32>,
        %get3A_2037 = arith.constant 2 : i32
        %get3A_2038 = arith.index_cast %get3A_2037 : i32 to index
        %get3A_2039 = arith.index_cast %scan3A_1997 : i32 to index
        %get3A_2040 = arith.constant 48 : index
        %get3A_2041 = tpu.vector_load %arg17[%get3A_2038, %get3A_2039, %get3A_2040] {strides = array<i32>} : memref<3x112x128xf32, #tpu.memory_space<vmem>>, vector<16xf32>,
        %mul3A_2042 = arith.mulf %get3A_2041, %gather3A_2003 : vector<16xf32>
        %swap3A_2043 = arith.constant 2 : i32
        %swap3A_2044 = arith.index_cast %swap3A_2043 : i32 to index
        %swap3A_2045 = arith.index_cast %scan3A_1997 : i32 to index
        %swap3A_2046 = arith.constant 48 : index
        %swap3A_2047 = tpu.vector_load %arg17[%swap3A_2044, %swap3A_2045, %swap3A_2046] {strides = array<i32>} : memref<3x112x128xf32, #tpu.memory_space<vmem>>, vector<16xf32>,
        tpu.vector_store %arg17[%swap3A_2044, %swap3A_2045, %swap3A_2046], %mul3A_2042 {strides = array<i32>} : memref<3x112x128xf32, #tpu.memory_space<vmem>>, vector<16xf32>,
        %get3A_2048 = arith.constant 2 : i32
        %get3A_2049 = arith.index_cast %get3A_2048 : i32 to index
        %get3A_2050 = arith.index_cast %scan3A_1997 : i32 to index
        %get3A_2051 = arith.constant 64 : index
        %get3A_2052 = tpu.vector_load %arg17[%get3A_2049, %get3A_2050, %get3A_2051] {strides = array<i32>} : memref<3x112x128xf32, #tpu.memory_space<vmem>>, vector<16xf32>,
        %mul3A_2053 = arith.mulf %get3A_2052, %gather3A_2003 : vector<16xf32>
        %swap3A_2054 = arith.constant 2 : i32
        %swap3A_2055 = arith.index_cast %swap3A_2054 : i32 to index
        %swap3A_2056 = arith.index_cast %scan3A_1997 : i32 to index
        %swap3A_2057 = arith.constant 64 : index
        %swap3A_2058 = tpu.vector_load %arg17[%swap3A_2055, %swap3A_2056, %swap3A_2057] {strides = array<i32>} : memref<3x112x128xf32, #tpu.memory_space<vmem>>, vector<16xf32>,
        tpu.vector_store %arg17[%swap3A_2055, %swap3A_2056, %swap3A_2057], %mul3A_2053 {strides = array<i32>} : memref<3x112x128xf32, #tpu.memory_space<vmem>>, vector<16xf32>,
        %get3A_2059 = arith.constant 2 : i32
        %get3A_2060 = arith.index_cast %get3A_2059 : i32 to index
        %get3A_2061 = arith.index_cast %scan3A_1997 : i32 to index
        %get3A_2062 = arith.constant 80 : index
        %get3A_2063 = tpu.vector_load %arg17[%get3A_2060, %get3A_2061, %get3A_2062] {strides = array<i32>} : memref<3x112x128xf32, #tpu.memory_space<vmem>>, vector<16xf32>,
        %mul3A_2064 = arith.mulf %get3A_2063, %gather3A_2003 : vector<16xf32>
        %swap3A_2065 = arith.constant 2 : i32
        %swap3A_2066 = arith.index_cast %swap3A_2065 : i32 to index
        %swap3A_2067 = arith.index_cast %scan3A_1997 : i32 to index
        %swap3A_2068 = arith.constant 80 : index
        %swap3A_2069 = tpu.vector_load %arg17[%swap3A_2066, %swap3A_2067, %swap3A_2068] {strides = array<i32>} : memref<3x112x128xf32, #tpu.memory_space<vmem>>, vector<16xf32>,
        tpu.vector_store %arg17[%swap3A_2066, %swap3A_2067, %swap3A_2068], %mul3A_2064 {strides = array<i32>} : memref<3x112x128xf32, #tpu.memory_space<vmem>>, vector<16xf32>,
        %get3A_2070 = arith.constant 2 : i32
        %get3A_2071 = arith.index_cast %get3A_2070 : i32 to index
        %get3A_2072 = arith.index_cast %scan3A_1997 : i32 to index
        %get3A_2073 = arith.constant 96 : index
        %get3A_2074 = tpu.vector_load %arg17[%get3A_2071, %get3A_2072, %get3A_2073] {strides = array<i32>} : memref<3x112x128xf32, #tpu.memory_space<vmem>>, vector<16xf32>,
        %mul3A_2075 = arith.mulf %get3A_2074, %gather3A_2003 : vector<16xf32>
        %swap3A_2076 = arith.constant 2 : i32
        %swap3A_2077 = arith.index_cast %swap3A_2076 : i32 to index
        %swap3A_2078 = arith.index_cast %scan3A_1997 : i32 to index
        %swap3A_2079 = arith.constant 96 : index
        %swap3A_2080 = tpu.vector_load %arg17[%swap3A_2077, %swap3A_2078, %swap3A_2079] {strides = array<i32>} : memref<3x112x128xf32, #tpu.memory_space<vmem>>, vector<16xf32>,
        tpu.vector_store %arg17[%swap3A_2077, %swap3A_2078, %swap3A_2079], %mul3A_2075 {strides = array<i32>} : memref<3x112x128xf32, #tpu.memory_space<vmem>>, vector<16xf32>,
        %get3A_2081 = arith.constant 2 : i32
        %get3A_2082 = arith.index_cast %get3A_2081 : i32 to index
        %get3A_2083 = arith.index_cast %scan3A_1997 : i32 to index
        %get3A_2084 = arith.constant 112 : index
        %get3A_2085 = tpu.vector_load %arg17[%get3A_2082, %get3A_2083, %get3A_2084] {strides = array<i32>} : memref<3x112x128xf32, #tpu.memory_space<vmem>>, vector<16xf32>,
        %mul3A_2086 = arith.mulf %get3A_2085, %gather3A_2003 : vector<16xf32>
        %swap3A_2087 = arith.constant 2 : i32
        %swap3A_2088 = arith.index_cast %swap3A_2087 : i32 to index
        %swap3A_2089 = arith.index_cast %scan3A_1997 : i32 to index
        %swap3A_2090 = arith.constant 112 : index
        %swap3A_2091 = tpu.vector_load %arg17[%swap3A_2088, %swap3A_2089, %swap3A_2090] {strides = array<i32>} : memref<3x112x128xf32, #tpu.memory_space<vmem>>, vector<16xf32>,
        tpu.vector_store %arg17[%swap3A_2088, %swap3A_2089, %swap3A_2090], %mul3A_2086 {strides = array<i32>} : memref<3x112x128xf32, #tpu.memory_space<vmem>>, vector<16xf32>,
        %scan3A_2092 = arith.constant 0 : i32
        %scan3A_2093 = arith.constant 1 : i32
        %scan3A_2094 = arith.addi %scan3A_1997, %scan3A_2093 : i32
        %broadcast_in_dim3A_2095 = vector.broadcast %scan3A_2094 : i32 to vector<16xi32>
        %gather3A_2096 = arith.constant 2 : i32
        %gather3A_2097 = arith.constant 0 : i32
        %gather3A_2098 = tpu.memref_slice %arg16[%gather3A_2096, %gather3A_2097] : memref<3x112xf32, #tpu.memory_space<vmem>> -> memref<1x112xf32, #tpu.memory_space<vmem>>
        %gather3A_2099 = tpu.memref_squeeze %gather3A_2098 : memref<1x112xf32, #tpu.memory_space<vmem>> -> memref<112xf32, #tpu.memory_space<vmem>>
        %gather3A_2100 = tpu.vector_load_idx %gather3A_2099[%broadcast_in_dim3A_2095] : memref<112xf32, #tpu.memory_space<vmem>>[vector<16xi32>], vector<16xf32>,
        %get3A_2101 = arith.constant 2 : i32
        %get3A_2102 = arith.index_cast %get3A_2101 : i32 to index
        %get3A_2103 = arith.index_cast %scan3A_2094 : i32 to index
        %get3A_2104 = arith.constant 0 : index
        %get3A_2105 = tpu.vector_load %arg17[%get3A_2102, %get3A_2103, %get3A_2104] {strides = array<i32>} : memref<3x112x128xf32, #tpu.memory_space<vmem>>, vector<16xf32>,
        %mul3A_2106 = arith.mulf %get3A_2105, %gather3A_2100 : vector<16xf32>
        %swap3A_2107 = arith.constant 2 : i32
        %swap3A_2108 = arith.index_cast %swap3A_2107 : i32 to index
        %swap3A_2109 = arith.index_cast %scan3A_2094 : i32 to index
        %swap3A_2110 = arith.constant 0 : index
        %swap3A_2111 = tpu.vector_load %arg17[%swap3A_2108, %swap3A_2109, %swap3A_2110] {strides = array<i32>} : memref<3x112x128xf32, #tpu.memory_space<vmem>>, vector<16xf32>,
        tpu.vector_store %arg17[%swap3A_2108, %swap3A_2109, %swap3A_2110], %mul3A_2106 {strides = array<i32>} : memref<3x112x128xf32, #tpu.memory_space<vmem>>, vector<16xf32>,
        %get3A_2112 = arith.constant 2 : i32
        %get3A_2113 = arith.index_cast %get3A_2112 : i32 to index
        %get3A_2114 = arith.index_cast %scan3A_2094 : i32 to index
        %get3A_2115 = arith.constant 16 : index
        %get3A_2116 = tpu.vector_load %arg17[%get3A_2113, %get3A_2114, %get3A_2115] {strides = array<i32>} : memref<3x112x128xf32, #tpu.memory_space<vmem>>, vector<16xf32>,
        %mul3A_2117 = arith.mulf %get3A_2116, %gather3A_2100 : vector<16xf32>
        %swap3A_2118 = arith.constant 2 : i32
        %swap3A_2119 = arith.index_cast %swap3A_2118 : i32 to index
        %swap3A_2120 = arith.index_cast %scan3A_2094 : i32 to index
        %swap3A_2121 = arith.constant 16 : index
        %swap3A_2122 = tpu.vector_load %arg17[%swap3A_2119, %swap3A_2120, %swap3A_2121] {strides = array<i32>} : memref<3x112x128xf32, #tpu.memory_space<vmem>>, vector<16xf32>,
        tpu.vector_store %arg17[%swap3A_2119, %swap3A_2120, %swap3A_2121], %mul3A_2117 {strides = array<i32>} : memref<3x112x128xf32, #tpu.memory_space<vmem>>, vector<16xf32>,
        %get3A_2123 = arith.constant 2 : i32
        %get3A_2124 = arith.index_cast %get3A_2123 : i32 to index
        %get3A_2125 = arith.index_cast %scan3A_2094 : i32 to index
        %get3A_2126 = arith.constant 32 : index
        %get3A_2127 = tpu.vector_load %arg17[%get3A_2124, %get3A_2125, %get3A_2126] {strides = array<i32>} : memref<3x112x128xf32, #tpu.memory_space<vmem>>, vector<16xf32>,
        %mul3A_2128 = arith.mulf %get3A_2127, %gather3A_2100 : vector<16xf32>
        %swap3A_2129 = arith.constant 2 : i32
        %swap3A_2130 = arith.index_cast %swap3A_2129 : i32 to index
        %swap3A_2131 = arith.index_cast %scan3A_2094 : i32 to index
        %swap3A_2132 = arith.constant 32 : index
        %swap3A_2133 = tpu.vector_load %arg17[%swap3A_2130, %swap3A_2131, %swap3A_2132] {strides = array<i32>} : memref<3x112x128xf32, #tpu.memory_space<vmem>>, vector<16xf32>,
        tpu.vector_store %arg17[%swap3A_2130, %swap3A_2131, %swap3A_2132], %mul3A_2128 {strides = array<i32>} : memref<3x112x128xf32, #tpu.memory_space<vmem>>, vector<16xf32>,
        %get3A_2134 = arith.constant 2 : i32
        %get3A_2135 = arith.index_cast %get3A_2134 : i32 to index
        %get3A_2136 = arith.index_cast %scan3A_2094 : i32 to index
        %get3A_2137 = arith.constant 48 : index
        %get3A_2138 = tpu.vector_load %arg17[%get3A_2135, %get3A_2136, %get3A_2137] {strides = array<i32>} : memref<3x112x128xf32, #tpu.memory_space<vmem>>, vector<16xf32>,
        %mul3A_2139 = arith.mulf %get3A_2138, %gather3A_2100 : vector<16xf32>
        %swap3A_2140 = arith.constant 2 : i32
        %swap3A_2141 = arith.index_cast %swap3A_2140 : i32 to index
        %swap3A_2142 = arith.index_cast %scan3A_2094 : i32 to index
        %swap3A_2143 = arith.constant 48 : index
        %swap3A_2144 = tpu.vector_load %arg17[%swap3A_2141, %swap3A_2142, %swap3A_2143] {strides = array<i32>} : memref<3x112x128xf32, #tpu.memory_space<vmem>>, vector<16xf32>,
        tpu.vector_store %arg17[%swap3A_2141, %swap3A_2142, %swap3A_2143], %mul3A_2139 {strides = array<i32>} : memref<3x112x128xf32, #tpu.memory_space<vmem>>, vector<16xf32>,
        %get3A_2145 = arith.constant 2 : i32
        %get3A_2146 = arith.index_cast %get3A_2145 : i32 to index
        %get3A_2147 = arith.index_cast %scan3A_2094 : i32 to index
        %get3A_2148 = arith.constant 64 : index
        %get3A_2149 = tpu.vector_load %arg17[%get3A_2146, %get3A_2147, %get3A_2148] {strides = array<i32>} : memref<3x112x128xf32, #tpu.memory_space<vmem>>, vector<16xf32>,
        %mul3A_2150 = arith.mulf %get3A_2149, %gather3A_2100 : vector<16xf32>
        %swap3A_2151 = arith.constant 2 : i32
        %swap3A_2152 = arith.index_cast %swap3A_2151 : i32 to index
        %swap3A_2153 = arith.index_cast %scan3A_2094 : i32 to index
        %swap3A_2154 = arith.constant 64 : index
        %swap3A_2155 = tpu.vector_load %arg17[%swap3A_2152, %swap3A_2153, %swap3A_2154] {strides = array<i32>} : memref<3x112x128xf32, #tpu.memory_space<vmem>>, vector<16xf32>,
        tpu.vector_store %arg17[%swap3A_2152, %swap3A_2153, %swap3A_2154], %mul3A_2150 {strides = array<i32>} : memref<3x112x128xf32, #tpu.memory_space<vmem>>, vector<16xf32>,
        %get3A_2156 = arith.constant 2 : i32
        %get3A_2157 = arith.index_cast %get3A_2156 : i32 to index
        %get3A_2158 = arith.index_cast %scan3A_2094 : i32 to index
        %get3A_2159 = arith.constant 80 : index
        %get3A_2160 = tpu.vector_load %arg17[%get3A_2157, %get3A_2158, %get3A_2159] {strides = array<i32>} : memref<3x112x128xf32, #tpu.memory_space<vmem>>, vector<16xf32>,
        %mul3A_2161 = arith.mulf %get3A_2160, %gather3A_2100 : vector<16xf32>
        %swap3A_2162 = arith.constant 2 : i32
        %swap3A_2163 = arith.index_cast %swap3A_2162 : i32 to index
        %swap3A_2164 = arith.index_cast %scan3A_2094 : i32 to index
        %swap3A_2165 = arith.constant 80 : index
        %swap3A_2166 = tpu.vector_load %arg17[%swap3A_2163, %swap3A_2164, %swap3A_2165] {strides = array<i32>} : memref<3x112x128xf32, #tpu.memory_space<vmem>>, vector<16xf32>,
        tpu.vector_store %arg17[%swap3A_2163, %swap3A_2164, %swap3A_2165], %mul3A_2161 {strides = array<i32>} : memref<3x112x128xf32, #tpu.memory_space<vmem>>, vector<16xf32>,
        %get3A_2167 = arith.constant 2 : i32
        %get3A_2168 = arith.index_cast %get3A_2167 : i32 to index
        %get3A_2169 = arith.index_cast %scan3A_2094 : i32 to index
        %get3A_2170 = arith.constant 96 : index
        %get3A_2171 = tpu.vector_load %arg17[%get3A_2168, %get3A_2169, %get3A_2170] {strides = array<i32>} : memref<3x112x128xf32, #tpu.memory_space<vmem>>, vector<16xf32>,
        %mul3A_2172 = arith.mulf %get3A_2171, %gather3A_2100 : vector<16xf32>
        %swap3A_2173 = arith.constant 2 : i32
        %swap3A_2174 = arith.index_cast %swap3A_2173 : i32 to index
        %swap3A_2175 = arith.index_cast %scan3A_2094 : i32 to index
        %swap3A_2176 = arith.constant 96 : index
        %swap3A_2177 = tpu.vector_load %arg17[%swap3A_2174, %swap3A_2175, %swap3A_2176] {strides = array<i32>} : memref<3x112x128xf32, #tpu.memory_space<vmem>>, vector<16xf32>,
        tpu.vector_store %arg17[%swap3A_2174, %swap3A_2175, %swap3A_2176], %mul3A_2172 {strides = array<i32>} : memref<3x112x128xf32, #tpu.memory_space<vmem>>, vector<16xf32>,
        %get3A_2178 = arith.constant 2 : i32
        %get3A_2179 = arith.index_cast %get3A_2178 : i32 to index
        %get3A_2180 = arith.index_cast %scan3A_2094 : i32 to index
        %get3A_2181 = arith.constant 112 : index
        %get3A_2182 = tpu.vector_load %arg17[%get3A_2179, %get3A_2180, %get3A_2181] {strides = array<i32>} : memref<3x112x128xf32, #tpu.memory_space<vmem>>, vector<16xf32>,
        %mul3A_2183 = arith.mulf %get3A_2182, %gather3A_2100 : vector<16xf32>
        %swap3A_2184 = arith.constant 2 : i32
        %swap3A_2185 = arith.index_cast %swap3A_2184 : i32 to index
        %swap3A_2186 = arith.index_cast %scan3A_2094 : i32 to index
        %swap3A_2187 = arith.constant 112 : index
        %swap3A_2188 = tpu.vector_load %arg17[%swap3A_2185, %swap3A_2186, %swap3A_2187] {strides = array<i32>} : memref<3x112x128xf32, #tpu.memory_space<vmem>>, vector<16xf32>,
        tpu.vector_store %arg17[%swap3A_2185, %swap3A_2186, %swap3A_2187], %mul3A_2183 {strides = array<i32>} : memref<3x112x128xf32, #tpu.memory_space<vmem>>, vector<16xf32>,
        %scan3A_2189 = arith.constant 0 : i32
        %scan3A_2190 = arith.constant 2 : i32
        %scan3A_2191 = arith.addi %scan3A_1997, %scan3A_2190 : i32
        %broadcast_in_dim3A_2192 = vector.broadcast %scan3A_2191 : i32 to vector<16xi32>
        %gather3A_2193 = arith.constant 2 : i32
        %gather3A_2194 = arith.constant 0 : i32
        %gather3A_2195 = tpu.memref_slice %arg16[%gather3A_2193, %gather3A_2194] : memref<3x112xf32, #tpu.memory_space<vmem>> -> memref<1x112xf32, #tpu.memory_space<vmem>>
        %gather3A_2196 = tpu.memref_squeeze %gather3A_2195 : memref<1x112xf32, #tpu.memory_space<vmem>> -> memref<112xf32, #tpu.memory_space<vmem>>
        %gather3A_2197 = tpu.vector_load_idx %gather3A_2196[%broadcast_in_dim3A_2192] : memref<112xf32, #tpu.memory_space<vmem>>[vector<16xi32>], vector<16xf32>,
        %get3A_2198 = arith.constant 2 : i32
        %get3A_2199 = arith.index_cast %get3A_2198 : i32 to index
        %get3A_2200 = arith.index_cast %scan3A_2191 : i32 to index
        %get3A_2201 = arith.constant 0 : index
        %get3A_2202 = tpu.vector_load %arg17[%get3A_2199, %get3A_2200, %get3A_2201] {strides = array<i32>} : memref<3x112x128xf32, #tpu.memory_space<vmem>>, vector<16xf32>,
        %mul3A_2203 = arith.mulf %get3A_2202, %gather3A_2197 : vector<16xf32>
        %swap3A_2204 = arith.constant 2 : i32
        %swap3A_2205 = arith.index_cast %swap3A_2204 : i32 to index
        %swap3A_2206 = arith.index_cast %scan3A_2191 : i32 to index
        %swap3A_2207 = arith.constant 0 : index
        %swap3A_2208 = tpu.vector_load %arg17[%swap3A_2205, %swap3A_2206, %swap3A_2207] {strides = array<i32>} : memref<3x112x128xf32, #tpu.memory_space<vmem>>, vector<16xf32>,
        tpu.vector_store %arg17[%swap3A_2205, %swap3A_2206, %swap3A_2207], %mul3A_2203 {strides = array<i32>} : memref<3x112x128xf32, #tpu.memory_space<vmem>>, vector<16xf32>,
        %get3A_2209 = arith.constant 2 : i32
        %get3A_2210 = arith.index_cast %get3A_2209 : i32 to index
        %get3A_2211 = arith.index_cast %scan3A_2191 : i32 to index
        %get3A_2212 = arith.constant 16 : index
        %get3A_2213 = tpu.vector_load %arg17[%get3A_2210, %get3A_2211, %get3A_2212] {strides = array<i32>} : memref<3x112x128xf32, #tpu.memory_space<vmem>>, vector<16xf32>,
        %mul3A_2214 = arith.mulf %get3A_2213, %gather3A_2197 : vector<16xf32>
        %swap3A_2215 = arith.constant 2 : i32
        %swap3A_2216 = arith.index_cast %swap3A_2215 : i32 to index
        %swap3A_2217 = arith.index_cast %scan3A_2191 : i32 to index
        %swap3A_2218 = arith.constant 16 : index
        %swap3A_2219 = tpu.vector_load %arg17[%swap3A_2216, %swap3A_2217, %swap3A_2218] {strides = array<i32>} : memref<3x112x128xf32, #tpu.memory_space<vmem>>, vector<16xf32>,
        tpu.vector_store %arg17[%swap3A_2216, %swap3A_2217, %swap3A_2218], %mul3A_2214 {strides = array<i32>} : memref<3x112x128xf32, #tpu.memory_space<vmem>>, vector<16xf32>,
        %get3A_2220 = arith.constant 2 : i32
        %get3A_2221 = arith.index_cast %get3A_2220 : i32 to index
        %get3A_2222 = arith.index_cast %scan3A_2191 : i32 to index
        %get3A_2223 = arith.constant 32 : index
        %get3A_2224 = tpu.vector_load %arg17[%get3A_2221, %get3A_2222, %get3A_2223] {strides = array<i32>} : memref<3x112x128xf32, #tpu.memory_space<vmem>>, vector<16xf32>,
        %mul3A_2225 = arith.mulf %get3A_2224, %gather3A_2197 : vector<16xf32>
        %swap3A_2226 = arith.constant 2 : i32
        %swap3A_2227 = arith.index_cast %swap3A_2226 : i32 to index
        %swap3A_2228 = arith.index_cast %scan3A_2191 : i32 to index
        %swap3A_2229 = arith.constant 32 : index
        %swap3A_2230 = tpu.vector_load %arg17[%swap3A_2227, %swap3A_2228, %swap3A_2229] {strides = array<i32>} : memref<3x112x128xf32, #tpu.memory_space<vmem>>, vector<16xf32>,
        tpu.vector_store %arg17[%swap3A_2227, %swap3A_2228, %swap3A_2229], %mul3A_2225 {strides = array<i32>} : memref<3x112x128xf32, #tpu.memory_space<vmem>>, vector<16xf32>,
        %get3A_2231 = arith.constant 2 : i32
        %get3A_2232 = arith.index_cast %get3A_2231 : i32 to index
        %get3A_2233 = arith.index_cast %scan3A_2191 : i32 to index
        %get3A_2234 = arith.constant 48 : index
        %get3A_2235 = tpu.vector_load %arg17[%get3A_2232, %get3A_2233, %get3A_2234] {strides = array<i32>} : memref<3x112x128xf32, #tpu.memory_space<vmem>>, vector<16xf32>,
        %mul3A_2236 = arith.mulf %get3A_2235, %gather3A_2197 : vector<16xf32>
        %swap3A_2237 = arith.constant 2 : i32
        %swap3A_2238 = arith.index_cast %swap3A_2237 : i32 to index
        %swap3A_2239 = arith.index_cast %scan3A_2191 : i32 to index
        %swap3A_2240 = arith.constant 48 : index
        %swap3A_2241 = tpu.vector_load %arg17[%swap3A_2238, %swap3A_2239, %swap3A_2240] {strides = array<i32>} : memref<3x112x128xf32, #tpu.memory_space<vmem>>, vector<16xf32>,
        tpu.vector_store %arg17[%swap3A_2238, %swap3A_2239, %swap3A_2240], %mul3A_2236 {strides = array<i32>} : memref<3x112x128xf32, #tpu.memory_space<vmem>>, vector<16xf32>,
        %get3A_2242 = arith.constant 2 : i32
        %get3A_2243 = arith.index_cast %get3A_2242 : i32 to index
        %get3A_2244 = arith.index_cast %scan3A_2191 : i32 to index
        %get3A_2245 = arith.constant 64 : index
        %get3A_2246 = tpu.vector_load %arg17[%get3A_2243, %get3A_2244, %get3A_2245] {strides = array<i32>} : memref<3x112x128xf32, #tpu.memory_space<vmem>>, vector<16xf32>,
        %mul3A_2247 = arith.mulf %get3A_2246, %gather3A_2197 : vector<16xf32>
        %swap3A_2248 = arith.constant 2 : i32
        %swap3A_2249 = arith.index_cast %swap3A_2248 : i32 to index
        %swap3A_2250 = arith.index_cast %scan3A_2191 : i32 to index
        %swap3A_2251 = arith.constant 64 : index
        %swap3A_2252 = tpu.vector_load %arg17[%swap3A_2249, %swap3A_2250, %swap3A_2251] {strides = array<i32>} : memref<3x112x128xf32, #tpu.memory_space<vmem>>, vector<16xf32>,
        tpu.vector_store %arg17[%swap3A_2249, %swap3A_2250, %swap3A_2251], %mul3A_2247 {strides = array<i32>} : memref<3x112x128xf32, #tpu.memory_space<vmem>>, vector<16xf32>,
        %get3A_2253 = arith.constant 2 : i32
        %get3A_2254 = arith.index_cast %get3A_2253 : i32 to index
        %get3A_2255 = arith.index_cast %scan3A_2191 : i32 to index
        %get3A_2256 = arith.constant 80 : index
        %get3A_2257 = tpu.vector_load %arg17[%get3A_2254, %get3A_2255, %get3A_2256] {strides = array<i32>} : memref<3x112x128xf32, #tpu.memory_space<vmem>>, vector<16xf32>,
        %mul3A_2258 = arith.mulf %get3A_2257, %gather3A_2197 : vector<16xf32>
        %swap3A_2259 = arith.constant 2 : i32
        %swap3A_2260 = arith.index_cast %swap3A_2259 : i32 to index
        %swap3A_2261 = arith.index_cast %scan3A_2191 : i32 to index
        %swap3A_2262 = arith.constant 80 : index
        %swap3A_2263 = tpu.vector_load %arg17[%swap3A_2260, %swap3A_2261, %swap3A_2262] {strides = array<i32>} : memref<3x112x128xf32, #tpu.memory_space<vmem>>, vector<16xf32>,
        tpu.vector_store %arg17[%swap3A_2260, %swap3A_2261, %swap3A_2262], %mul3A_2258 {strides = array<i32>} : memref<3x112x128xf32, #tpu.memory_space<vmem>>, vector<16xf32>,
        %get3A_2264 = arith.constant 2 : i32
        %get3A_2265 = arith.index_cast %get3A_2264 : i32 to index
        %get3A_2266 = arith.index_cast %scan3A_2191 : i32 to index
        %get3A_2267 = arith.constant 96 : index
        %get3A_2268 = tpu.vector_load %arg17[%get3A_2265, %get3A_2266, %get3A_2267] {strides = array<i32>} : memref<3x112x128xf32, #tpu.memory_space<vmem>>, vector<16xf32>,
        %mul3A_2269 = arith.mulf %get3A_2268, %gather3A_2197 : vector<16xf32>
        %swap3A_2270 = arith.constant 2 : i32
        %swap3A_2271 = arith.index_cast %swap3A_2270 : i32 to index
        %swap3A_2272 = arith.index_cast %scan3A_2191 : i32 to index
        %swap3A_2273 = arith.constant 96 : index
        %swap3A_2274 = tpu.vector_load %arg17[%swap3A_2271, %swap3A_2272, %swap3A_2273] {strides = array<i32>} : memref<3x112x128xf32, #tpu.memory_space<vmem>>, vector<16xf32>,
        tpu.vector_store %arg17[%swap3A_2271, %swap3A_2272, %swap3A_2273], %mul3A_2269 {strides = array<i32>} : memref<3x112x128xf32, #tpu.memory_space<vmem>>, vector<16xf32>,
        %get3A_2275 = arith.constant 2 : i32
        %get3A_2276 = arith.index_cast %get3A_2275 : i32 to index
        %get3A_2277 = arith.index_cast %scan3A_2191 : i32 to index
        %get3A_2278 = arith.constant 112 : index
        %get3A_2279 = tpu.vector_load %arg17[%get3A_2276, %get3A_2277, %get3A_2278] {strides = array<i32>} : memref<3x112x128xf32, #tpu.memory_space<vmem>>, vector<16xf32>,
        %mul3A_2280 = arith.mulf %get3A_2279, %gather3A_2197 : vector<16xf32>
        %swap3A_2281 = arith.constant 2 : i32
        %swap3A_2282 = arith.index_cast %swap3A_2281 : i32 to index
        %swap3A_2283 = arith.index_cast %scan3A_2191 : i32 to index
        %swap3A_2284 = arith.constant 112 : index
        %swap3A_2285 = tpu.vector_load %arg17[%swap3A_2282, %swap3A_2283, %swap3A_2284] {strides = array<i32>} : memref<3x112x128xf32, #tpu.memory_space<vmem>>, vector<16xf32>,
        tpu.vector_store %arg17[%swap3A_2282, %swap3A_2283, %swap3A_2284], %mul3A_2280 {strides = array<i32>} : memref<3x112x128xf32, #tpu.memory_space<vmem>>, vector<16xf32>,
        %scan3A_2286 = arith.constant 0 : i32
        %scan3A_2287 = arith.constant 3 : i32
        %scan3A_2288 = arith.addi %scan3A_1997, %scan3A_2287 : i32
        %broadcast_in_dim3A_2289 = vector.broadcast %scan3A_2288 : i32 to vector<16xi32>
        %gather3A_2290 = arith.constant 2 : i32
        %gather3A_2291 = arith.constant 0 : i32
        %gather3A_2292 = tpu.memref_slice %arg16[%gather3A_2290, %gather3A_2291] : memref<3x112xf32, #tpu.memory_space<vmem>> -> memref<1x112xf32, #tpu.memory_space<vmem>>
        %gather3A_2293 = tpu.memref_squeeze %gather3A_2292 : memref<1x112xf32, #tpu.memory_space<vmem>> -> memref<112xf32, #tpu.memory_space<vmem>>
        %gather3A_2294 = tpu.vector_load_idx %gather3A_2293[%broadcast_in_dim3A_2289] : memref<112xf32, #tpu.memory_space<vmem>>[vector<16xi32>], vector<16xf32>,
        %get3A_2295 = arith.constant 2 : i32
        %get3A_2296 = arith.index_cast %get3A_2295 : i32 to index
        %get3A_2297 = arith.index_cast %scan3A_2288 : i32 to index
        %get3A_2298 = arith.constant 0 : index
        %get3A_2299 = tpu.vector_load %arg17[%get3A_2296, %get3A_2297, %get3A_2298] {strides = array<i32>} : memref<3x112x128xf32, #tpu.memory_space<vmem>>, vector<16xf32>,
        %mul3A_2300 = arith.mulf %get3A_2299, %gather3A_2294 : vector<16xf32>
        %swap3A_2301 = arith.constant 2 : i32
        %swap3A_2302 = arith.index_cast %swap3A_2301 : i32 to index
        %swap3A_2303 = arith.index_cast %scan3A_2288 : i32 to index
        %swap3A_2304 = arith.constant 0 : index
        %swap3A_2305 = tpu.vector_load %arg17[%swap3A_2302, %swap3A_2303, %swap3A_2304] {strides = array<i32>} : memref<3x112x128xf32, #tpu.memory_space<vmem>>, vector<16xf32>,
        tpu.vector_store %arg17[%swap3A_2302, %swap3A_2303, %swap3A_2304], %mul3A_2300 {strides = array<i32>} : memref<3x112x128xf32, #tpu.memory_space<vmem>>, vector<16xf32>,
        %get3A_2306 = arith.constant 2 : i32
        %get3A_2307 = arith.index_cast %get3A_2306 : i32 to index
        %get3A_2308 = arith.index_cast %scan3A_2288 : i32 to index
        %get3A_2309 = arith.constant 16 : index
        %get3A_2310 = tpu.vector_load %arg17[%get3A_2307, %get3A_2308, %get3A_2309] {strides = array<i32>} : memref<3x112x128xf32, #tpu.memory_space<vmem>>, vector<16xf32>,
        %mul3A_2311 = arith.mulf %get3A_2310, %gather3A_2294 : vector<16xf32>
        %swap3A_2312 = arith.constant 2 : i32
        %swap3A_2313 = arith.index_cast %swap3A_2312 : i32 to index
        %swap3A_2314 = arith.index_cast %scan3A_2288 : i32 to index
        %swap3A_2315 = arith.constant 16 : index
        %swap3A_2316 = tpu.vector_load %arg17[%swap3A_2313, %swap3A_2314, %swap3A_2315] {strides = array<i32>} : memref<3x112x128xf32, #tpu.memory_space<vmem>>, vector<16xf32>,
        tpu.vector_store %arg17[%swap3A_2313, %swap3A_2314, %swap3A_2315], %mul3A_2311 {strides = array<i32>} : memref<3x112x128xf32, #tpu.memory_space<vmem>>, vector<16xf32>,
        %get3A_2317 = arith.constant 2 : i32
        %get3A_2318 = arith.index_cast %get3A_2317 : i32 to index
        %get3A_2319 = arith.index_cast %scan3A_2288 : i32 to index
        %get3A_2320 = arith.constant 32 : index
        %get3A_2321 = tpu.vector_load %arg17[%get3A_2318, %get3A_2319, %get3A_2320] {strides = array<i32>} : memref<3x112x128xf32, #tpu.memory_space<vmem>>, vector<16xf32>,
        %mul3A_2322 = arith.mulf %get3A_2321, %gather3A_2294 : vector<16xf32>
        %swap3A_2323 = arith.constant 2 : i32
        %swap3A_2324 = arith.index_cast %swap3A_2323 : i32 to index
        %swap3A_2325 = arith.index_cast %scan3A_2288 : i32 to index
        %swap3A_2326 = arith.constant 32 : index
        %swap3A_2327 = tpu.vector_load %arg17[%swap3A_2324, %swap3A_2325, %swap3A_2326] {strides = array<i32>} : memref<3x112x128xf32, #tpu.memory_space<vmem>>, vector<16xf32>,
        tpu.vector_store %arg17[%swap3A_2324, %swap3A_2325, %swap3A_2326], %mul3A_2322 {strides = array<i32>} : memref<3x112x128xf32, #tpu.memory_space<vmem>>, vector<16xf32>,
        %get3A_2328 = arith.constant 2 : i32
        %get3A_2329 = arith.index_cast %get3A_2328 : i32 to index
        %get3A_2330 = arith.index_cast %scan3A_2288 : i32 to index
        %get3A_2331 = arith.constant 48 : index
        %get3A_2332 = tpu.vector_load %arg17[%get3A_2329, %get3A_2330, %get3A_2331] {strides = array<i32>} : memref<3x112x128xf32, #tpu.memory_space<vmem>>, vector<16xf32>,
        %mul3A_2333 = arith.mulf %get3A_2332, %gather3A_2294 : vector<16xf32>
        %swap3A_2334 = arith.constant 2 : i32
        %swap3A_2335 = arith.index_cast %swap3A_2334 : i32 to index
        %swap3A_2336 = arith.index_cast %scan3A_2288 : i32 to index
        %swap3A_2337 = arith.constant 48 : index
        %swap3A_2338 = tpu.vector_load %arg17[%swap3A_2335, %swap3A_2336, %swap3A_2337] {strides = array<i32>} : memref<3x112x128xf32, #tpu.memory_space<vmem>>, vector<16xf32>,
        tpu.vector_store %arg17[%swap3A_2335, %swap3A_2336, %swap3A_2337], %mul3A_2333 {strides = array<i32>} : memref<3x112x128xf32, #tpu.memory_space<vmem>>, vector<16xf32>,
        %get3A_2339 = arith.constant 2 : i32
        %get3A_2340 = arith.index_cast %get3A_2339 : i32 to index
        %get3A_2341 = arith.index_cast %scan3A_2288 : i32 to index
        %get3A_2342 = arith.constant 64 : index
        %get3A_2343 = tpu.vector_load %arg17[%get3A_2340, %get3A_2341, %get3A_2342] {strides = array<i32>} : memref<3x112x128xf32, #tpu.memory_space<vmem>>, vector<16xf32>,
        %mul3A_2344 = arith.mulf %get3A_2343, %gather3A_2294 : vector<16xf32>
        %swap3A_2345 = arith.constant 2 : i32
        %swap3A_2346 = arith.index_cast %swap3A_2345 : i32 to index
        %swap3A_2347 = arith.index_cast %scan3A_2288 : i32 to index
        %swap3A_2348 = arith.constant 64 : index
        %swap3A_2349 = tpu.vector_load %arg17[%swap3A_2346, %swap3A_2347, %swap3A_2348] {strides = array<i32>} : memref<3x112x128xf32, #tpu.memory_space<vmem>>, vector<16xf32>,
        tpu.vector_store %arg17[%swap3A_2346, %swap3A_2347, %swap3A_2348], %mul3A_2344 {strides = array<i32>} : memref<3x112x128xf32, #tpu.memory_space<vmem>>, vector<16xf32>,
        %get3A_2350 = arith.constant 2 : i32
        %get3A_2351 = arith.index_cast %get3A_2350 : i32 to index
        %get3A_2352 = arith.index_cast %scan3A_2288 : i32 to index
        %get3A_2353 = arith.constant 80 : index
        %get3A_2354 = tpu.vector_load %arg17[%get3A_2351, %get3A_2352, %get3A_2353] {strides = array<i32>} : memref<3x112x128xf32, #tpu.memory_space<vmem>>, vector<16xf32>,
        %mul3A_2355 = arith.mulf %get3A_2354, %gather3A_2294 : vector<16xf32>
        %swap3A_2356 = arith.constant 2 : i32
        %swap3A_2357 = arith.index_cast %swap3A_2356 : i32 to index
        %swap3A_2358 = arith.index_cast %scan3A_2288 : i32 to index
        %swap3A_2359 = arith.constant 80 : index
        %swap3A_2360 = tpu.vector_load %arg17[%swap3A_2357, %swap3A_2358, %swap3A_2359] {strides = array<i32>} : memref<3x112x128xf32, #tpu.memory_space<vmem>>, vector<16xf32>,
        tpu.vector_store %arg17[%swap3A_2357, %swap3A_2358, %swap3A_2359], %mul3A_2355 {strides = array<i32>} : memref<3x112x128xf32, #tpu.memory_space<vmem>>, vector<16xf32>,
        %get3A_2361 = arith.constant 2 : i32
        %get3A_2362 = arith.index_cast %get3A_2361 : i32 to index
        %get3A_2363 = arith.index_cast %scan3A_2288 : i32 to index
        %get3A_2364 = arith.constant 96 : index
        %get3A_2365 = tpu.vector_load %arg17[%get3A_2362, %get3A_2363, %get3A_2364] {strides = array<i32>} : memref<3x112x128xf32, #tpu.memory_space<vmem>>, vector<16xf32>,
        %mul3A_2366 = arith.mulf %get3A_2365, %gather3A_2294 : vector<16xf32>
        %swap3A_2367 = arith.constant 2 : i32
        %swap3A_2368 = arith.index_cast %swap3A_2367 : i32 to index
        %swap3A_2369 = arith.index_cast %scan3A_2288 : i32 to index
        %swap3A_2370 = arith.constant 96 : index
        %swap3A_2371 = tpu.vector_load %arg17[%swap3A_2368, %swap3A_2369, %swap3A_2370] {strides = array<i32>} : memref<3x112x128xf32, #tpu.memory_space<vmem>>, vector<16xf32>,
        tpu.vector_store %arg17[%swap3A_2368, %swap3A_2369, %swap3A_2370], %mul3A_2366 {strides = array<i32>} : memref<3x112x128xf32, #tpu.memory_space<vmem>>, vector<16xf32>,
        %get3A_2372 = arith.constant 2 : i32
        %get3A_2373 = arith.index_cast %get3A_2372 : i32 to index
        %get3A_2374 = arith.index_cast %scan3A_2288 : i32 to index
        %get3A_2375 = arith.constant 112 : index
        %get3A_2376 = tpu.vector_load %arg17[%get3A_2373, %get3A_2374, %get3A_2375] {strides = array<i32>} : memref<3x112x128xf32, #tpu.memory_space<vmem>>, vector<16xf32>,
        %mul3A_2377 = arith.mulf %get3A_2376, %gather3A_2294 : vector<16xf32>
        %swap3A_2378 = arith.constant 2 : i32
        %swap3A_2379 = arith.index_cast %swap3A_2378 : i32 to index
        %swap3A_2380 = arith.index_cast %scan3A_2288 : i32 to index
        %swap3A_2381 = arith.constant 112 : index
        %swap3A_2382 = tpu.vector_load %arg17[%swap3A_2379, %swap3A_2380, %swap3A_2381] {strides = array<i32>} : memref<3x112x128xf32, #tpu.memory_space<vmem>>, vector<16xf32>,
        tpu.vector_store %arg17[%swap3A_2379, %swap3A_2380, %swap3A_2381], %mul3A_2377 {strides = array<i32>} : memref<3x112x128xf32, #tpu.memory_space<vmem>>, vector<16xf32>,
        %scan3A_2383 = arith.constant 0 : i32
        scf.yield %scan3A_2383 : i32
      }
      %scan3A_1895 = arith.constant 112 : i32
      %dma_start3A_1896 = arith.constant 2 : i32
      %dma_start3A_1897 = arith.constant 2 : i32
      %dma_start3A_1898 = arith.constant 2 : i32
      %dma_start3A_1899 = arith.constant 0 : i32
      %dma_start3A_1900 = arith.constant 0 : i32
      %dma_start3A_1901 = tpu.memref_slice %arg17[%dma_start3A_1896, %dma_start3A_1899, %dma_start3A_1900] : memref<3x112x128xf32, #tpu.memory_space<vmem>> -> memref<1x112x128xf32, #tpu.memory_space<vmem>>
      %dma_start3A_1902 = tpu.memref_squeeze %dma_start3A_1901 : memref<1x112x128xf32, #tpu.memory_space<vmem>> -> memref<112x128xf32, #tpu.memory_space<vmem>>
      %dma_start3A_1903 = arith.constant 0 : i32
      %dma_start3A_1904 = tpu.memref_slice %arg13[%dma_start3A_1897, %dma_start3A_1903] : memref<3x112xi32, #tpu.memory_space<vmem>> -> memref<1x112xi32, #tpu.memory_space<vmem>>
      %dma_start3A_1905 = tpu.memref_squeeze %dma_start3A_1904 : memref<1x112xi32, #tpu.memory_space<vmem>> -> memref<112xi32, #tpu.memory_space<vmem>>
      %dma_start3A_1906 = arith.constant 0 : i32
      %dma_start3A_1907 = arith.constant 0 : i32
      %dma_start3A_1908 = tpu.memref_slice %arg19[%dma_start3A_1906, %dma_start3A_1907] : memref<10000x128xf32, #tpu.memory_space<vmem_shared>> -> memref<10000x128xf32, #tpu.memory_space<vmem_shared>>
      %dma_start3A_1909 = tpu.memref_slice %arg22[%dma_start3A_1898] : memref<3x!tpu.dma_semaphore, #tpu.memory_space<semaphore_mem>> -> memref<1x!tpu.dma_semaphore, #tpu.memory_space<semaphore_mem>>
      %dma_start3A_1910 = tpu.memref_squeeze %dma_start3A_1909 : memref<1x!tpu.dma_semaphore, #tpu.memory_space<semaphore_mem>> -> memref<!tpu.dma_semaphore, #tpu.memory_space<semaphore_mem>>
      tpu.enqueue_indirect_dma source(%dma_start3A_1902 : memref<112x128xf32, #tpu.memory_space<vmem>>) target(%dma_start3A_1908 : memref<10000x128xf32, #tpu.memory_space<vmem_shared>>) offsets(%dma_start3A_1905 : memref<112xi32, #tpu.memory_space<vmem>>) semaphore(%dma_start3A_1910 : memref<!tpu.dma_semaphore, #tpu.memory_space<semaphore_mem>>) {add = true}
      %add3A_1911 = arith.constant 3 : i32
      %add3A_1912 = arith.addi %add3A_1537, %add3A_1911 : i32
      %min3A_1913 = arith.constant 92 : i32
      %min3A_1914 = arith.minsi %add3A_1912, %min3A_1913 : i32
      %mul3A_1915 = arith.constant 112 : i32
      %mul3A_1916 = arith.muli %min3A_1914, %mul3A_1915 : i32
      %add3A_1917 = arith.addi %mul3A_2, %mul3A_1916 : i32
      %dma_start3A_1918 = arith.constant 2 : i32
      %dma_start3A_1919 = arith.constant 2 : i32
      %dma_start3A_1920 = arith.constant 0 : i32
      %dma_start3A_1921 = tpu.memref_slice %arg11[%dma_start3A_1918, %dma_start3A_1920] : memref<3x112xi32, #tpu.memory_space<vmem>> -> memref<1x112xi32, #tpu.memory_space<vmem>>
      %dma_start3A_1922 = tpu.memref_squeeze %dma_start3A_1921 : memref<1x112xi32, #tpu.memory_space<vmem>> -> memref<112xi32, #tpu.memory_space<vmem>>
      %dma_start3A_1923 = tpu.memref_slice %arg2[%add3A_1917] : memref<333312xi32, #tpu.memory_space<hbm>> -> memref<112xi32, #tpu.memory_space<hbm>>
      %dma_start3A_1924 = tpu.memref_slice %arg24[%dma_start3A_1919] : memref<3x!tpu.dma_semaphore, #tpu.memory_space<semaphore_mem>> -> memref<1x!tpu.dma_semaphore, #tpu.memory_space<semaphore_mem>>
      %dma_start3A_1925 = tpu.memref_squeeze %dma_start3A_1924 : memref<1x!tpu.dma_semaphore, #tpu.memory_space<semaphore_mem>> -> memref<!tpu.dma_semaphore, #tpu.memory_space<semaphore_mem>>
      %dma_start3A_1926 = arith.constant 0 : i32
      %dma_start3A_1927 = tpu.memref_slice %arg11[%dma_start3A_1918, %dma_start3A_1926] : memref<3x112xi32, #tpu.memory_space<vmem>> -> memref<1x112xi32, #tpu.memory_space<vmem>>
      %dma_start3A_1928 = tpu.memref_squeeze %dma_start3A_1927 : memref<1x112xi32, #tpu.memory_space<vmem>> -> memref<112xi32, #tpu.memory_space<vmem>>
      %dma_start3A_1929 = tpu.memref_slice %arg2[%add3A_1917] : memref<333312xi32, #tpu.memory_space<hbm>> -> memref<112xi32, #tpu.memory_space<hbm>>
      tpu.enqueue_dma source(%dma_start3A_1929 : memref<112xi32, #tpu.memory_space<hbm>>) target(%dma_start3A_1928 : memref<112xi32, #tpu.memory_space<vmem>>) target_semaphore(%dma_start3A_1925 : memref<!tpu.dma_semaphore, #tpu.memory_space<semaphore_mem>>)
      %dma_start3A_1930 = arith.constant 2 : i32
      %dma_start3A_1931 = arith.constant 2 : i32
      %dma_start3A_1932 = arith.constant 0 : i32
      %dma_start3A_1933 = tpu.memref_slice %arg12[%dma_start3A_1930, %dma_start3A_1932] : memref<3x112xi32, #tpu.memory_space<vmem>> -> memref<1x112xi32, #tpu.memory_space<vmem>>
      %dma_start3A_1934 = tpu.memref_squeeze %dma_start3A_1933 : memref<1x112xi32, #tpu.memory_space<vmem>> -> memref<112xi32, #tpu.memory_space<vmem>>
      %dma_start3A_1935 = tpu.memref_slice %arg3[%add3A_1917] : memref<333312xi32, #tpu.memory_space<hbm>> -> memref<112xi32, #tpu.memory_space<hbm>>
      %dma_start3A_1936 = tpu.memref_slice %arg24[%dma_start3A_1931] : memref<3x!tpu.dma_semaphore, #tpu.memory_space<semaphore_mem>> -> memref<1x!tpu.dma_semaphore, #tpu.memory_space<semaphore_mem>>
      %dma_start3A_1937 = tpu.memref_squeeze %dma_start3A_1936 : memref<1x!tpu.dma_semaphore, #tpu.memory_space<semaphore_mem>> -> memref<!tpu.dma_semaphore, #tpu.memory_space<semaphore_mem>>
      %dma_start3A_1938 = arith.constant 0 : i32
      %dma_start3A_1939 = tpu.memref_slice %arg12[%dma_start3A_1930, %dma_start3A_1938] : memref<3x112xi32, #tpu.memory_space<vmem>> -> memref<1x112xi32, #tpu.memory_space<vmem>>
      %dma_start3A_1940 = tpu.memref_squeeze %dma_start3A_1939 : memref<1x112xi32, #tpu.memory_space<vmem>> -> memref<112xi32, #tpu.memory_space<vmem>>
      %dma_start3A_1941 = tpu.memref_slice %arg3[%add3A_1917] : memref<333312xi32, #tpu.memory_space<hbm>> -> memref<112xi32, #tpu.memory_space<hbm>>
      tpu.enqueue_dma source(%dma_start3A_1941 : memref<112xi32, #tpu.memory_space<hbm>>) target(%dma_start3A_1940 : memref<112xi32, #tpu.memory_space<vmem>>) target_semaphore(%dma_start3A_1937 : memref<!tpu.dma_semaphore, #tpu.memory_space<semaphore_mem>>)
      %dma_wait3A_1942 = arith.constant 2 : i32
      %dma_wait3A_1943 = arith.constant 2 : i32
      %dma_wait3A_1944 = arith.constant 0 : i32
      %dma_wait3A_1945 = tpu.memref_slice %arg11[%dma_wait3A_1942, %dma_wait3A_1944] : memref<3x112xi32, #tpu.memory_space<vmem>> -> memref<1x112xi32, #tpu.memory_space<vmem>>
      %dma_wait3A_1946 = tpu.memref_squeeze %dma_wait3A_1945 : memref<1x112xi32, #tpu.memory_space<vmem>> -> memref<112xi32, #tpu.memory_space<vmem>>
      %dma_wait3A_1947 = arith.constant 0 : i32
      %dma_wait3A_1948 = tpu.memref_slice %arg2[%dma_wait3A_1947] : memref<333312xi32, #tpu.memory_space<hbm>> -> memref<112xi32, #tpu.memory_space<hbm>>
      %dma_wait3A_1949 = tpu.memref_slice %arg24[%dma_wait3A_1943] : memref<3x!tpu.dma_semaphore, #tpu.memory_space<semaphore_mem>> -> memref<1x!tpu.dma_semaphore, #tpu.memory_space<semaphore_mem>>
      %dma_wait3A_1950 = tpu.memref_squeeze %dma_wait3A_1949 : memref<1x!tpu.dma_semaphore, #tpu.memory_space<semaphore_mem>> -> memref<!tpu.dma_semaphore, #tpu.memory_space<semaphore_mem>>
      %dma_wait3A_1951 = arith.constant 0 : i32
      %dma_wait3A_1952 = tpu.memref_slice %arg11[%dma_wait3A_1942, %dma_wait3A_1951] : memref<3x112xi32, #tpu.memory_space<vmem>> -> memref<1x112xi32, #tpu.memory_space<vmem>>
      %dma_wait3A_1953 = tpu.memref_squeeze %dma_wait3A_1952 : memref<1x112xi32, #tpu.memory_space<vmem>> -> memref<112xi32, #tpu.memory_space<vmem>>
      %dma_wait3A_1954 = arith.constant 0 : i32
      %dma_wait3A_1955 = tpu.memref_slice %arg2[%dma_wait3A_1954] : memref<333312xi32, #tpu.memory_space<hbm>> -> memref<112xi32, #tpu.memory_space<hbm>>
      tpu.wait_dma2 semaphore(%dma_wait3A_1950 : memref<!tpu.dma_semaphore, #tpu.memory_space<semaphore_mem>>) src(%dma_wait3A_1955 : memref<112xi32, #tpu.memory_space<hbm>>) dst(%dma_wait3A_1953 : memref<112xi32, #tpu.memory_space<vmem>>)
      %dma_wait3A_1956 = arith.constant 2 : i32
      %dma_wait3A_1957 = arith.constant 2 : i32
      %dma_wait3A_1958 = arith.constant 0 : i32
      %dma_wait3A_1959 = tpu.memref_slice %arg12[%dma_wait3A_1956, %dma_wait3A_1958] : memref<3x112xi32, #tpu.memory_space<vmem>> -> memref<1x112xi32, #tpu.memory_space<vmem>>
      %dma_wait3A_1960 = tpu.memref_squeeze %dma_wait3A_1959 : memref<1x112xi32, #tpu.memory_space<vmem>> -> memref<112xi32, #tpu.memory_space<vmem>>
      %dma_wait3A_1961 = arith.constant 0 : i32
      %dma_wait3A_1962 = tpu.memref_slice %arg3[%dma_wait3A_1961] : memref<333312xi32, #tpu.memory_space<hbm>> -> memref<112xi32, #tpu.memory_space<hbm>>
      %dma_wait3A_1963 = tpu.memref_slice %arg24[%dma_wait3A_1957] : memref<3x!tpu.dma_semaphore, #tpu.memory_space<semaphore_mem>> -> memref<1x!tpu.dma_semaphore, #tpu.memory_space<semaphore_mem>>
      %dma_wait3A_1964 = tpu.memref_squeeze %dma_wait3A_1963 : memref<1x!tpu.dma_semaphore, #tpu.memory_space<semaphore_mem>> -> memref<!tpu.dma_semaphore, #tpu.memory_space<semaphore_mem>>
      %dma_wait3A_1965 = arith.constant 0 : i32
      %dma_wait3A_1966 = tpu.memref_slice %arg12[%dma_wait3A_1956, %dma_wait3A_1965] : memref<3x112xi32, #tpu.memory_space<vmem>> -> memref<1x112xi32, #tpu.memory_space<vmem>>
      %dma_wait3A_1967 = tpu.memref_squeeze %dma_wait3A_1966 : memref<1x112xi32, #tpu.memory_space<vmem>> -> memref<112xi32, #tpu.memory_space<vmem>>
      %dma_wait3A_1968 = arith.constant 0 : i32
      %dma_wait3A_1969 = tpu.memref_slice %arg3[%dma_wait3A_1968] : memref<333312xi32, #tpu.memory_space<hbm>> -> memref<112xi32, #tpu.memory_space<hbm>>
      tpu.wait_dma2 semaphore(%dma_wait3A_1964 : memref<!tpu.dma_semaphore, #tpu.memory_space<semaphore_mem>>) src(%dma_wait3A_1969 : memref<112xi32, #tpu.memory_space<hbm>>) dst(%dma_wait3A_1967 : memref<112xi32, #tpu.memory_space<vmem>>)
      %dma_start3A_1970 = arith.constant 2 : i32
      %dma_start3A_1971 = arith.constant 2 : i32
      %dma_start3A_1972 = arith.constant 2 : i32
      %dma_start3A_1973 = arith.constant 0 : i32
      %dma_start3A_1974 = tpu.memref_slice %arg14[%dma_start3A_1971, %dma_start3A_1973] : memref<3x112xf32, #tpu.memory_space<vmem>> -> memref<1x112xf32, #tpu.memory_space<vmem>>
      %dma_start3A_1975 = tpu.memref_squeeze %dma_start3A_1974 : memref<1x112xf32, #tpu.memory_space<vmem>> -> memref<112xf32, #tpu.memory_space<vmem>>
      %dma_start3A_1976 = arith.constant 0 : i32
      %dma_start3A_1977 = tpu.memref_slice %arg11[%dma_start3A_1970, %dma_start3A_1976] : memref<3x112xi32, #tpu.memory_space<vmem>> -> memref<1x112xi32, #tpu.memory_space<vmem>>
      %dma_start3A_1978 = tpu.memref_squeeze %dma_start3A_1977 : memref<1x112xi32, #tpu.memory_space<vmem>> -> memref<112xi32, #tpu.memory_space<vmem>>
      %dma_start3A_1979 = arith.constant 0 : i32
      %dma_start3A_1980 = tpu.memref_slice %arg4[%dma_start3A_1979] : memref<10000xf32, #tpu.memory_space<hbm>> -> memref<10000xf32, #tpu.memory_space<hbm>>
      %dma_start3A_1981 = tpu.memref_slice %arg25[%dma_start3A_1972] : memref<3x!tpu.dma_semaphore, #tpu.memory_space<semaphore_mem>> -> memref<1x!tpu.dma_semaphore, #tpu.memory_space<semaphore_mem>>
      %dma_start3A_1982 = tpu.memref_squeeze %dma_start3A_1981 : memref<1x!tpu.dma_semaphore, #tpu.memory_space<semaphore_mem>> -> memref<!tpu.dma_semaphore, #tpu.memory_space<semaphore_mem>>
      tpu.enqueue_indirect_dma source(%dma_start3A_1980 : memref<10000xf32, #tpu.memory_space<hbm>>) target(%dma_start3A_1975 : memref<112xf32, #tpu.memory_space<vmem>>) offsets(%dma_start3A_1978 : memref<112xi32, #tpu.memory_space<vmem>>) semaphore(%dma_start3A_1982 : memref<!tpu.dma_semaphore, #tpu.memory_space<semaphore_mem>>)
      %dma_start3A_1983 = arith.constant 2 : i32
      %dma_start3A_1984 = arith.constant 2 : i32
      %dma_start3A_1985 = arith.constant 2 : i32
      %dma_start3A_1986 = arith.constant 0 : i32
      %dma_start3A_1987 = tpu.memref_slice %arg15[%dma_start3A_1984, %dma_start3A_1986] : memref<3x112xf32, #tpu.memory_space<vmem>> -> memref<1x112xf32, #tpu.memory_space<vmem>>
      %dma_start3A_1988 = tpu.memref_squeeze %dma_start3A_1987 : memref<1x112xf32, #tpu.memory_space<vmem>> -> memref<112xf32, #tpu.memory_space<vmem>>
      %dma_start3A_1989 = arith.constant 0 : i32
      %dma_start3A_1990 = tpu.memref_slice %arg12[%dma_start3A_1983, %dma_start3A_1989] : memref<3x112xi32, #tpu.memory_space<vmem>> -> memref<1x112xi32, #tpu.memory_space<vmem>>
      %dma_start3A_1991 = tpu.memref_squeeze %dma_start3A_1990 : memref<1x112xi32, #tpu.memory_space<vmem>> -> memref<112xi32, #tpu.memory_space<vmem>>
      %dma_start3A_1992 = arith.constant 0 : i32
      %dma_start3A_1993 = tpu.memref_slice %arg5[%dma_start3A_1992] : memref<10000xf32, #tpu.memory_space<hbm>> -> memref<10000xf32, #tpu.memory_space<hbm>>
      %dma_start3A_1994 = tpu.memref_slice %arg25[%dma_start3A_1985] : memref<3x!tpu.dma_semaphore, #tpu.memory_space<semaphore_mem>> -> memref<1x!tpu.dma_semaphore, #tpu.memory_space<semaphore_mem>>
      %dma_start3A_1995 = tpu.memref_squeeze %dma_start3A_1994 : memref<1x!tpu.dma_semaphore, #tpu.memory_space<semaphore_mem>> -> memref<!tpu.dma_semaphore, #tpu.memory_space<semaphore_mem>>
      tpu.enqueue_indirect_dma source(%dma_start3A_1993 : memref<10000xf32, #tpu.memory_space<hbm>>) target(%dma_start3A_1988 : memref<112xf32, #tpu.memory_space<vmem>>) offsets(%dma_start3A_1991 : memref<112xi32, #tpu.memory_space<vmem>>) semaphore(%dma_start3A_1995 : memref<!tpu.dma_semaphore, #tpu.memory_space<semaphore_mem>>)
      %scan3A_1996 = arith.constant 0 : i32
      scf.yield %scan3A_1996 : i32
    }
    %scan3A_488 = arith.constant 31 : i32
    %dma_wait3A_489 = arith.constant 0 : i32
    %dma_wait3A_490 = arith.constant 0 : i32
    %dma_wait3A_491 = arith.constant 0 : i32
    %dma_wait3A_492 = arith.constant 0 : i32
    %dma_wait3A_493 = tpu.memref_slice %arg14[%dma_wait3A_490, %dma_wait3A_492] : memref<3x112xf32, #tpu.memory_space<vmem>> -> memref<1x112xf32, #tpu.memory_space<vmem>>
    %dma_wait3A_494 = tpu.memref_squeeze %dma_wait3A_493 : memref<1x112xf32, #tpu.memory_space<vmem>> -> memref<112xf32, #tpu.memory_space<vmem>>
    %dma_wait3A_495 = arith.constant 0 : i32
    %dma_wait3A_496 = tpu.memref_slice %arg11[%dma_wait3A_489, %dma_wait3A_495] : memref<3x112xi32, #tpu.memory_space<vmem>> -> memref<1x112xi32, #tpu.memory_space<vmem>>
    %dma_wait3A_497 = tpu.memref_squeeze %dma_wait3A_496 : memref<1x112xi32, #tpu.memory_space<vmem>> -> memref<112xi32, #tpu.memory_space<vmem>>
    %dma_wait3A_498 = arith.constant 0 : i32
    %dma_wait3A_499 = tpu.memref_slice %arg4[%dma_wait3A_498] : memref<10000xf32, #tpu.memory_space<hbm>> -> memref<10000xf32, #tpu.memory_space<hbm>>
    %dma_wait3A_500 = tpu.memref_slice %arg25[%dma_wait3A_491] : memref<3x!tpu.dma_semaphore, #tpu.memory_space<semaphore_mem>> -> memref<1x!tpu.dma_semaphore, #tpu.memory_space<semaphore_mem>>
    %dma_wait3A_501 = tpu.memref_squeeze %dma_wait3A_500 : memref<1x!tpu.dma_semaphore, #tpu.memory_space<semaphore_mem>> -> memref<!tpu.dma_semaphore, #tpu.memory_space<semaphore_mem>>
    tpu.wait_indirect_dma semaphore(%dma_wait3A_501 : memref<!tpu.dma_semaphore, #tpu.memory_space<semaphore_mem>>) src(%dma_wait3A_499 : memref<10000xf32, #tpu.memory_space<hbm>>) dst(%dma_wait3A_494 : memref<112xf32, #tpu.memory_space<vmem>>)
    %dma_wait3A_502 = arith.constant 0 : i32
    %dma_wait3A_503 = arith.constant 0 : i32
    %dma_wait3A_504 = arith.constant 0 : i32
    %dma_wait3A_505 = arith.constant 0 : i32
    %dma_wait3A_506 = tpu.memref_slice %arg15[%dma_wait3A_503, %dma_wait3A_505] : memref<3x112xf32, #tpu.memory_space<vmem>> -> memref<1x112xf32, #tpu.memory_space<vmem>>
    %dma_wait3A_507 = tpu.memref_squeeze %dma_wait3A_506 : memref<1x112xf32, #tpu.memory_space<vmem>> -> memref<112xf32, #tpu.memory_space<vmem>>
    %dma_wait3A_508 = arith.constant 0 : i32
    %dma_wait3A_509 = tpu.memref_slice %arg12[%dma_wait3A_502, %dma_wait3A_508] : memref<3x112xi32, #tpu.memory_space<vmem>> -> memref<1x112xi32, #tpu.memory_space<vmem>>
    %dma_wait3A_510 = tpu.memref_squeeze %dma_wait3A_509 : memref<1x112xi32, #tpu.memory_space<vmem>> -> memref<112xi32, #tpu.memory_space<vmem>>
    %dma_wait3A_511 = arith.constant 0 : i32
    %dma_wait3A_512 = tpu.memref_slice %arg5[%dma_wait3A_511] : memref<10000xf32, #tpu.memory_space<hbm>> -> memref<10000xf32, #tpu.memory_space<hbm>>
    %dma_wait3A_513 = tpu.memref_slice %arg25[%dma_wait3A_504] : memref<3x!tpu.dma_semaphore, #tpu.memory_space<semaphore_mem>> -> memref<1x!tpu.dma_semaphore, #tpu.memory_space<semaphore_mem>>
    %dma_wait3A_514 = tpu.memref_squeeze %dma_wait3A_513 : memref<1x!tpu.dma_semaphore, #tpu.memory_space<semaphore_mem>> -> memref<!tpu.dma_semaphore, #tpu.memory_space<semaphore_mem>>
    tpu.wait_indirect_dma semaphore(%dma_wait3A_514 : memref<!tpu.dma_semaphore, #tpu.memory_space<semaphore_mem>>) src(%dma_wait3A_512 : memref<10000xf32, #tpu.memory_space<hbm>>) dst(%dma_wait3A_507 : memref<112xf32, #tpu.memory_space<vmem>>)
    %dma_wait3A_515 = arith.constant 1 : i32
    %dma_wait3A_516 = arith.constant 1 : i32
    %dma_wait3A_517 = arith.constant 1 : i32
    %dma_wait3A_518 = arith.constant 0 : i32
    %dma_wait3A_519 = tpu.memref_slice %arg14[%dma_wait3A_516, %dma_wait3A_518] : memref<3x112xf32, #tpu.memory_space<vmem>> -> memref<1x112xf32, #tpu.memory_space<vmem>>
    %dma_wait3A_520 = tpu.memref_squeeze %dma_wait3A_519 : memref<1x112xf32, #tpu.memory_space<vmem>> -> memref<112xf32, #tpu.memory_space<vmem>>
    %dma_wait3A_521 = arith.constant 0 : i32
    %dma_wait3A_522 = tpu.memref_slice %arg11[%dma_wait3A_515, %dma_wait3A_521] : memref<3x112xi32, #tpu.memory_space<vmem>> -> memref<1x112xi32, #tpu.memory_space<vmem>>
    %dma_wait3A_523 = tpu.memref_squeeze %dma_wait3A_522 : memref<1x112xi32, #tpu.memory_space<vmem>> -> memref<112xi32, #tpu.memory_space<vmem>>
    %dma_wait3A_524 = arith.constant 0 : i32
    %dma_wait3A_525 = tpu.memref_slice %arg4[%dma_wait3A_524] : memref<10000xf32, #tpu.memory_space<hbm>> -> memref<10000xf32, #tpu.memory_space<hbm>>
    %dma_wait3A_526 = tpu.memref_slice %arg25[%dma_wait3A_517] : memref<3x!tpu.dma_semaphore, #tpu.memory_space<semaphore_mem>> -> memref<1x!tpu.dma_semaphore, #tpu.memory_space<semaphore_mem>>
    %dma_wait3A_527 = tpu.memref_squeeze %dma_wait3A_526 : memref<1x!tpu.dma_semaphore, #tpu.memory_space<semaphore_mem>> -> memref<!tpu.dma_semaphore, #tpu.memory_space<semaphore_mem>>
    tpu.wait_indirect_dma semaphore(%dma_wait3A_527 : memref<!tpu.dma_semaphore, #tpu.memory_space<semaphore_mem>>) src(%dma_wait3A_525 : memref<10000xf32, #tpu.memory_space<hbm>>) dst(%dma_wait3A_520 : memref<112xf32, #tpu.memory_space<vmem>>)
    %dma_wait3A_528 = arith.constant 1 : i32
    %dma_wait3A_529 = arith.constant 1 : i32
    %dma_wait3A_530 = arith.constant 1 : i32
    %dma_wait3A_531 = arith.constant 0 : i32
    %dma_wait3A_532 = tpu.memref_slice %arg15[%dma_wait3A_529, %dma_wait3A_531] : memref<3x112xf32, #tpu.memory_space<vmem>> -> memref<1x112xf32, #tpu.memory_space<vmem>>
    %dma_wait3A_533 = tpu.memref_squeeze %dma_wait3A_532 : memref<1x112xf32, #tpu.memory_space<vmem>> -> memref<112xf32, #tpu.memory_space<vmem>>
    %dma_wait3A_534 = arith.constant 0 : i32
    %dma_wait3A_535 = tpu.memref_slice %arg12[%dma_wait3A_528, %dma_wait3A_534] : memref<3x112xi32, #tpu.memory_space<vmem>> -> memref<1x112xi32, #tpu.memory_space<vmem>>
    %dma_wait3A_536 = tpu.memref_squeeze %dma_wait3A_535 : memref<1x112xi32, #tpu.memory_space<vmem>> -> memref<112xi32, #tpu.memory_space<vmem>>
    %dma_wait3A_537 = arith.constant 0 : i32
    %dma_wait3A_538 = tpu.memref_slice %arg5[%dma_wait3A_537] : memref<10000xf32, #tpu.memory_space<hbm>> -> memref<10000xf32, #tpu.memory_space<hbm>>
    %dma_wait3A_539 = tpu.memref_slice %arg25[%dma_wait3A_530] : memref<3x!tpu.dma_semaphore, #tpu.memory_space<semaphore_mem>> -> memref<1x!tpu.dma_semaphore, #tpu.memory_space<semaphore_mem>>
    %dma_wait3A_540 = tpu.memref_squeeze %dma_wait3A_539 : memref<1x!tpu.dma_semaphore, #tpu.memory_space<semaphore_mem>> -> memref<!tpu.dma_semaphore, #tpu.memory_space<semaphore_mem>>
    tpu.wait_indirect_dma semaphore(%dma_wait3A_540 : memref<!tpu.dma_semaphore, #tpu.memory_space<semaphore_mem>>) src(%dma_wait3A_538 : memref<10000xf32, #tpu.memory_space<hbm>>) dst(%dma_wait3A_533 : memref<112xf32, #tpu.memory_space<vmem>>)
    %dma_wait3A_541 = arith.constant 2 : i32
    %dma_wait3A_542 = arith.constant 2 : i32
    %dma_wait3A_543 = arith.constant 2 : i32
    %dma_wait3A_544 = arith.constant 0 : i32
    %dma_wait3A_545 = tpu.memref_slice %arg14[%dma_wait3A_542, %dma_wait3A_544] : memref<3x112xf32, #tpu.memory_space<vmem>> -> memref<1x112xf32, #tpu.memory_space<vmem>>
    %dma_wait3A_546 = tpu.memref_squeeze %dma_wait3A_545 : memref<1x112xf32, #tpu.memory_space<vmem>> -> memref<112xf32, #tpu.memory_space<vmem>>
    %dma_wait3A_547 = arith.constant 0 : i32
    %dma_wait3A_548 = tpu.memref_slice %arg11[%dma_wait3A_541, %dma_wait3A_547] : memref<3x112xi32, #tpu.memory_space<vmem>> -> memref<1x112xi32, #tpu.memory_space<vmem>>
    %dma_wait3A_549 = tpu.memref_squeeze %dma_wait3A_548 : memref<1x112xi32, #tpu.memory_space<vmem>> -> memref<112xi32, #tpu.memory_space<vmem>>
    %dma_wait3A_550 = arith.constant 0 : i32
    %dma_wait3A_551 = tpu.memref_slice %arg4[%dma_wait3A_550] : memref<10000xf32, #tpu.memory_space<hbm>> -> memref<10000xf32, #tpu.memory_space<hbm>>
    %dma_wait3A_552 = tpu.memref_slice %arg25[%dma_wait3A_543] : memref<3x!tpu.dma_semaphore, #tpu.memory_space<semaphore_mem>> -> memref<1x!tpu.dma_semaphore, #tpu.memory_space<semaphore_mem>>
    %dma_wait3A_553 = tpu.memref_squeeze %dma_wait3A_552 : memref<1x!tpu.dma_semaphore, #tpu.memory_space<semaphore_mem>> -> memref<!tpu.dma_semaphore, #tpu.memory_space<semaphore_mem>>
    tpu.wait_indirect_dma semaphore(%dma_wait3A_553 : memref<!tpu.dma_semaphore, #tpu.memory_space<semaphore_mem>>) src(%dma_wait3A_551 : memref<10000xf32, #tpu.memory_space<hbm>>) dst(%dma_wait3A_546 : memref<112xf32, #tpu.memory_space<vmem>>)
    %dma_wait3A_554 = arith.constant 2 : i32
    %dma_wait3A_555 = arith.constant 2 : i32
    %dma_wait3A_556 = arith.constant 2 : i32
    %dma_wait3A_557 = arith.constant 0 : i32
    %dma_wait3A_558 = tpu.memref_slice %arg15[%dma_wait3A_555, %dma_wait3A_557] : memref<3x112xf32, #tpu.memory_space<vmem>> -> memref<1x112xf32, #tpu.memory_space<vmem>>
    %dma_wait3A_559 = tpu.memref_squeeze %dma_wait3A_558 : memref<1x112xf32, #tpu.memory_space<vmem>> -> memref<112xf32, #tpu.memory_space<vmem>>
    %dma_wait3A_560 = arith.constant 0 : i32
    %dma_wait3A_561 = tpu.memref_slice %arg12[%dma_wait3A_554, %dma_wait3A_560] : memref<3x112xi32, #tpu.memory_space<vmem>> -> memref<1x112xi32, #tpu.memory_space<vmem>>
    %dma_wait3A_562 = tpu.memref_squeeze %dma_wait3A_561 : memref<1x112xi32, #tpu.memory_space<vmem>> -> memref<112xi32, #tpu.memory_space<vmem>>
    %dma_wait3A_563 = arith.constant 0 : i32
    %dma_wait3A_564 = tpu.memref_slice %arg5[%dma_wait3A_563] : memref<10000xf32, #tpu.memory_space<hbm>> -> memref<10000xf32, #tpu.memory_space<hbm>>
    %dma_wait3A_565 = tpu.memref_slice %arg25[%dma_wait3A_556] : memref<3x!tpu.dma_semaphore, #tpu.memory_space<semaphore_mem>> -> memref<1x!tpu.dma_semaphore, #tpu.memory_space<semaphore_mem>>
    %dma_wait3A_566 = tpu.memref_squeeze %dma_wait3A_565 : memref<1x!tpu.dma_semaphore, #tpu.memory_space<semaphore_mem>> -> memref<!tpu.dma_semaphore, #tpu.memory_space<semaphore_mem>>
    tpu.wait_indirect_dma semaphore(%dma_wait3A_566 : memref<!tpu.dma_semaphore, #tpu.memory_space<semaphore_mem>>) src(%dma_wait3A_564 : memref<10000xf32, #tpu.memory_space<hbm>>) dst(%dma_wait3A_559 : memref<112xf32, #tpu.memory_space<vmem>>)
    %dma_wait3A_567 = arith.constant 0 : i32
    %dma_wait3A_568 = arith.constant 0 : i32
    %dma_wait3A_569 = arith.constant 0 : i32
    %dma_wait3A_570 = arith.constant 0 : i32
    %dma_wait3A_571 = arith.constant 0 : i32
    %dma_wait3A_572 = tpu.memref_slice %arg17[%dma_wait3A_568, %dma_wait3A_570, %dma_wait3A_571] : memref<3x112x128xf32, #tpu.memory_space<vmem>> -> memref<1x112x128xf32, #tpu.memory_space<vmem>>
    %dma_wait3A_573 = tpu.memref_squeeze %dma_wait3A_572 : memref<1x112x128xf32, #tpu.memory_space<vmem>> -> memref<112x128xf32, #tpu.memory_space<vmem>>
    %dma_wait3A_574 = arith.constant 0 : i32
    %dma_wait3A_575 = tpu.memref_slice %arg12[%dma_wait3A_567, %dma_wait3A_574] : memref<3x112xi32, #tpu.memory_space<vmem>> -> memref<1x112xi32, #tpu.memory_space<vmem>>
    %dma_wait3A_576 = tpu.memref_squeeze %dma_wait3A_575 : memref<1x112xi32, #tpu.memory_space<vmem>> -> memref<112xi32, #tpu.memory_space<vmem>>
    %dma_wait3A_577 = arith.constant 0 : i32
    %dma_wait3A_578 = arith.constant 0 : i32
    %dma_wait3A_579 = tpu.memref_slice %arg7[%dma_wait3A_577, %dma_wait3A_578] : memref<10000x128xf32, #tpu.memory_space<hbm>> -> memref<10000x128xf32, #tpu.memory_space<hbm>>
    %dma_wait3A_580 = tpu.memref_slice %arg21[%dma_wait3A_569] : memref<3x!tpu.dma_semaphore, #tpu.memory_space<semaphore_mem>> -> memref<1x!tpu.dma_semaphore, #tpu.memory_space<semaphore_mem>>
    %dma_wait3A_581 = tpu.memref_squeeze %dma_wait3A_580 : memref<1x!tpu.dma_semaphore, #tpu.memory_space<semaphore_mem>> -> memref<!tpu.dma_semaphore, #tpu.memory_space<semaphore_mem>>
    tpu.wait_indirect_dma semaphore(%dma_wait3A_581 : memref<!tpu.dma_semaphore, #tpu.memory_space<semaphore_mem>>) src(%dma_wait3A_579 : memref<10000x128xf32, #tpu.memory_space<hbm>>) dst(%dma_wait3A_573 : memref<112x128xf32, #tpu.memory_space<vmem>>)
    %dma_wait3A_582 = arith.constant 1 : i32
    %dma_wait3A_583 = arith.constant 1 : i32
    %dma_wait3A_584 = arith.constant 1 : i32
    %dma_wait3A_585 = arith.constant 0 : i32
    %dma_wait3A_586 = arith.constant 0 : i32
    %dma_wait3A_587 = tpu.memref_slice %arg17[%dma_wait3A_583, %dma_wait3A_585, %dma_wait3A_586] : memref<3x112x128xf32, #tpu.memory_space<vmem>> -> memref<1x112x128xf32, #tpu.memory_space<vmem>>
    %dma_wait3A_588 = tpu.memref_squeeze %dma_wait3A_587 : memref<1x112x128xf32, #tpu.memory_space<vmem>> -> memref<112x128xf32, #tpu.memory_space<vmem>>
    %dma_wait3A_589 = arith.constant 0 : i32
    %dma_wait3A_590 = tpu.memref_slice %arg12[%dma_wait3A_582, %dma_wait3A_589] : memref<3x112xi32, #tpu.memory_space<vmem>> -> memref<1x112xi32, #tpu.memory_space<vmem>>
    %dma_wait3A_591 = tpu.memref_squeeze %dma_wait3A_590 : memref<1x112xi32, #tpu.memory_space<vmem>> -> memref<112xi32, #tpu.memory_space<vmem>>
    %dma_wait3A_592 = arith.constant 0 : i32
    %dma_wait3A_593 = arith.constant 0 : i32
    %dma_wait3A_594 = tpu.memref_slice %arg7[%dma_wait3A_592, %dma_wait3A_593] : memref<10000x128xf32, #tpu.memory_space<hbm>> -> memref<10000x128xf32, #tpu.memory_space<hbm>>
    %dma_wait3A_595 = tpu.memref_slice %arg21[%dma_wait3A_584] : memref<3x!tpu.dma_semaphore, #tpu.memory_space<semaphore_mem>> -> memref<1x!tpu.dma_semaphore, #tpu.memory_space<semaphore_mem>>
    %dma_wait3A_596 = tpu.memref_squeeze %dma_wait3A_595 : memref<1x!tpu.dma_semaphore, #tpu.memory_space<semaphore_mem>> -> memref<!tpu.dma_semaphore, #tpu.memory_space<semaphore_mem>>
    tpu.wait_indirect_dma semaphore(%dma_wait3A_596 : memref<!tpu.dma_semaphore, #tpu.memory_space<semaphore_mem>>) src(%dma_wait3A_594 : memref<10000x128xf32, #tpu.memory_space<hbm>>) dst(%dma_wait3A_588 : memref<112x128xf32, #tpu.memory_space<vmem>>)
    %dma_wait3A_597 = arith.constant 2 : i32
    %dma_wait3A_598 = arith.constant 2 : i32
    %dma_wait3A_599 = arith.constant 2 : i32
    %dma_wait3A_600 = arith.constant 0 : i32
    %dma_wait3A_601 = arith.constant 0 : i32
    %dma_wait3A_602 = tpu.memref_slice %arg17[%dma_wait3A_597, %dma_wait3A_600, %dma_wait3A_601] : memref<3x112x128xf32, #tpu.memory_space<vmem>> -> memref<1x112x128xf32, #tpu.memory_space<vmem>>
    %dma_wait3A_603 = tpu.memref_squeeze %dma_wait3A_602 : memref<1x112x128xf32, #tpu.memory_space<vmem>> -> memref<112x128xf32, #tpu.memory_space<vmem>>
    %dma_wait3A_604 = arith.constant 0 : i32
    %dma_wait3A_605 = tpu.memref_slice %arg13[%dma_wait3A_598, %dma_wait3A_604] : memref<3x112xi32, #tpu.memory_space<vmem>> -> memref<1x112xi32, #tpu.memory_space<vmem>>
    %dma_wait3A_606 = tpu.memref_squeeze %dma_wait3A_605 : memref<1x112xi32, #tpu.memory_space<vmem>> -> memref<112xi32, #tpu.memory_space<vmem>>
    %dma_wait3A_607 = arith.constant 0 : i32
    %dma_wait3A_608 = arith.constant 0 : i32
    %dma_wait3A_609 = tpu.memref_slice %arg19[%dma_wait3A_607, %dma_wait3A_608] : memref<10000x128xf32, #tpu.memory_space<vmem_shared>> -> memref<10000x128xf32, #tpu.memory_space<vmem_shared>>
    %dma_wait3A_610 = tpu.memref_slice %arg22[%dma_wait3A_599] : memref<3x!tpu.dma_semaphore, #tpu.memory_space<semaphore_mem>> -> memref<1x!tpu.dma_semaphore, #tpu.memory_space<semaphore_mem>>
    %dma_wait3A_611 = tpu.memref_squeeze %dma_wait3A_610 : memref<1x!tpu.dma_semaphore, #tpu.memory_space<semaphore_mem>> -> memref<!tpu.dma_semaphore, #tpu.memory_space<semaphore_mem>>
    tpu.wait_indirect_dma semaphore(%dma_wait3A_611 : memref<!tpu.dma_semaphore, #tpu.memory_space<semaphore_mem>>) src(%dma_wait3A_603 : memref<112x128xf32, #tpu.memory_space<vmem>>) dst(%dma_wait3A_609 : memref<10000x128xf32, #tpu.memory_space<vmem_shared>>)
    %barrier3A_612 = arith.constant 0 : index
    tpu.barrier barrier_id(%barrier3A_612)
    %min3A_613 = arith.constant 9368 : i32
    %min3A_614 = arith.minsi %mul3A_171, %min3A_613 : i32
    "tpu.region"() ({
      %run_scoped3A_619 = tpu.sem_alloc : memref<!tpu.dma_semaphore, #tpu.memory_space<semaphore_mem>>
      %dma_start3A_620 = arith.constant 0 : i32
      %dma_start3A_621 = arith.constant 0 : i32
      %dma_start3A_622 = tpu.memref_slice %arg8[%arg0, %dma_start3A_620, %dma_start3A_621] : memref<2x10000x128xf32, #tpu.memory_space<hbm>> -> memref<1x10000x128xf32, #tpu.memory_space<hbm>>
      %dma_start3A_623 = tpu.memref_squeeze %dma_start3A_622 : memref<1x10000x128xf32, #tpu.memory_space<hbm>> -> memref<10000x128xf32, #tpu.memory_space<hbm>>
      %dma_start3A_624 = arith.constant 0 : i32
      %dma_start3A_625 = tpu.memref_slice %dma_start3A_623[%min3A_614, %dma_start3A_624] : memref<10000x128xf32, #tpu.memory_space<hbm>> -> memref<632x128xf32, #tpu.memory_space<hbm>>
      %dma_start3A_626 = arith.constant 0 : i32
      %dma_start3A_627 = tpu.memref_slice %arg19[%min3A_614, %dma_start3A_626] : memref<10000x128xf32, #tpu.memory_space<vmem_shared>> -> memref<632x128xf32, #tpu.memory_space<vmem_shared>>
      tpu.enqueue_dma source(%dma_start3A_627 : memref<632x128xf32, #tpu.memory_space<vmem_shared>>) target(%dma_start3A_625 : memref<632x128xf32, #tpu.memory_space<hbm>>) target_semaphore(%run_scoped3A_619 : memref<!tpu.dma_semaphore, #tpu.memory_space<semaphore_mem>>)
      %dma_wait3A_628 = arith.constant 0 : i32
      %dma_wait3A_629 = arith.constant 0 : i32
      %dma_wait3A_630 = tpu.memref_slice %arg8[%arg0, %dma_wait3A_628, %dma_wait3A_629] : memref<2x10000x128xf32, #tpu.memory_space<hbm>> -> memref<1x10000x128xf32, #tpu.memory_space<hbm>>
      %dma_wait3A_631 = tpu.memref_squeeze %dma_wait3A_630 : memref<1x10000x128xf32, #tpu.memory_space<hbm>> -> memref<10000x128xf32, #tpu.memory_space<hbm>>
      %dma_wait3A_632 = arith.constant 0 : i32
      %dma_wait3A_633 = tpu.memref_slice %dma_wait3A_631[%min3A_614, %dma_wait3A_632] : memref<10000x128xf32, #tpu.memory_space<hbm>> -> memref<632x128xf32, #tpu.memory_space<hbm>>
      %dma_wait3A_634 = arith.constant 0 : i32
      %dma_wait3A_635 = tpu.memref_slice %arg19[%min3A_614, %dma_wait3A_634] : memref<10000x128xf32, #tpu.memory_space<vmem_shared>> -> memref<632x128xf32, #tpu.memory_space<vmem_shared>>
      tpu.wait_dma2 semaphore(%run_scoped3A_619 : memref<!tpu.dma_semaphore, #tpu.memory_space<semaphore_mem>>) src(%dma_wait3A_635 : memref<632x128xf32, #tpu.memory_space<vmem_shared>>) dst(%dma_wait3A_633 : memref<632x128xf32, #tpu.memory_space<hbm>>)
      tpu.yield
    }) : () -> ()
    %mul3A_615 = arith.constant 640 : i32
    %mul3A_616 = arith.muli %arg1, %mul3A_615 : i32
    %mul3A_617 = arith.constant 640 : i32
    %mul3A_618 = arith.muli %arg1, %mul3A_617 : i32
    "tpu.region"() ({
      %run_scoped3A_619 = tpu.sem_alloc : memref<!tpu.dma_semaphore, #tpu.memory_space<semaphore_mem>>
      %dma_start3A_620 = arith.constant 0 : i32
      %dma_start3A_621 = tpu.memref_slice %arg9[%arg0, %dma_start3A_620] : memref<2x10240xf32, #tpu.memory_space<hbm>> -> memref<1x10240xf32, #tpu.memory_space<hbm>>
      %dma_start3A_622 = tpu.memref_squeeze %dma_start3A_621 : memref<1x10240xf32, #tpu.memory_space<hbm>> -> memref<10240xf32, #tpu.memory_space<hbm>>
      %dma_start3A_623 = tpu.memref_slice %dma_start3A_622[%mul3A_618] : memref<10240xf32, #tpu.memory_space<hbm>> -> memref<640xf32, #tpu.memory_space<hbm>>
      %dma_start3A_624 = tpu.memref_slice %arg20[%mul3A_616] : memref<10240xf32, #tpu.memory_space<vmem_shared>> -> memref<640xf32, #tpu.memory_space<vmem_shared>>
      tpu.enqueue_dma source(%dma_start3A_624 : memref<640xf32, #tpu.memory_space<vmem_shared>>) target(%dma_start3A_623 : memref<640xf32, #tpu.memory_space<hbm>>) target_semaphore(%run_scoped3A_619 : memref<!tpu.dma_semaphore, #tpu.memory_space<semaphore_mem>>)
      %dma_wait3A_625 = arith.constant 0 : i32
      %dma_wait3A_626 = tpu.memref_slice %arg9[%arg0, %dma_wait3A_625] : memref<2x10240xf32, #tpu.memory_space<hbm>> -> memref<1x10240xf32, #tpu.memory_space<hbm>>
      %dma_wait3A_627 = tpu.memref_squeeze %dma_wait3A_626 : memref<1x10240xf32, #tpu.memory_space<hbm>> -> memref<10240xf32, #tpu.memory_space<hbm>>
      %dma_wait3A_628 = tpu.memref_slice %dma_wait3A_627[%mul3A_618] : memref<10240xf32, #tpu.memory_space<hbm>> -> memref<640xf32, #tpu.memory_space<hbm>>
      %dma_wait3A_629 = tpu.memref_slice %arg20[%mul3A_616] : memref<10240xf32, #tpu.memory_space<vmem_shared>> -> memref<640xf32, #tpu.memory_space<vmem_shared>>
      tpu.wait_dma2 semaphore(%run_scoped3A_619 : memref<!tpu.dma_semaphore, #tpu.memory_space<semaphore_mem>>) src(%dma_wait3A_629 : memref<640xf32, #tpu.memory_space<vmem_shared>>) dst(%dma_wait3A_628 : memref<640xf32, #tpu.memory_space<hbm>>)
      tpu.yield
    }) : () -> ()
    return
  }
}

module attributes {stable_mosaic.version = 14 : i64} {
  func.func @_proj_body(%arg0: memref<10000x128xf32, #tpu.memory_space<vmem>>, %arg1: memref<128x128xf32, #tpu.memory_space<vmem>>, %arg2: memref<1x256xf32, #tpu.memory_space<vmem>>, %arg3: memref<10000x128xf32, #tpu.memory_space<vmem>>, %arg4: memref<10000x1xf32, #tpu.memory_space<vmem>>, %arg5: memref<10000x1xf32, #tpu.memory_space<vmem>>, %arg6: memref<1x128xf32, #tpu.memory_space<vmem>>) attributes {dimension_semantics = [], scalar_prefetch = 0 : i64, scratch_operands = 0 : i64, tpu.core_type = #tpu.core_type<tc>} {
    %get3A = arith.constant 0 : index
    %get3A_0 = arith.constant 0 : index
    %get3A_1 = vector.load %arg0[%get3A, %get3A_0] : memref<10000x128xf32, #tpu.memory_space<vmem>>, vector<10000x128xf32>
    %get3A_2 = arith.constant 0 : index
    %get3A_3 = arith.constant 0 : index
    %get3A_4 = vector.load %arg1[%get3A_2, %get3A_3] : memref<128x128xf32, #tpu.memory_space<vmem>>, vector<128x128xf32>
    %dot_general3A = arith.constant dense<0.000000e+00> : vector<10000x128xf32>
    %dot_general3A_5 = tpu.matmul %get3A_1, %get3A_4, %dot_general3A {dimension_numbers = #tpu.dot_dimension_numbers<[1], [0], [0], [1], [0, 0, 1, 1], [], []>, transpose_lhs_hint = false} : vector<10000x128xf32>, vector<128x128xf32>, vector<10000x128xf32> -> vector<10000x128xf32>
    %swap3A = arith.constant 0 : index
    %swap3A_6 = arith.constant 0 : index
    %swap3A_7 = vector.load %arg3[%swap3A, %swap3A_6] : memref<10000x128xf32, #tpu.memory_space<vmem>>, vector<10000x128xf32>
    tpu.vector_store %arg3[%swap3A, %swap3A_6], %dot_general3A_5 {strides = array<i32>} : memref<10000x128xf32, #tpu.memory_space<vmem>>, vector<10000x128xf32>,
    %get3A_8 = arith.constant 0 : index
    %get3A_9 = arith.constant 0 : index
    %get3A_10 = vector.load %arg2[%get3A_8, %get3A_9] : memref<1x256xf32, #tpu.memory_space<vmem>>, vector<1x128xf32>
    %get3A_11 = arith.constant 0 : index
    %get3A_12 = arith.constant 128 : index
    %get3A_13 = vector.load %arg2[%get3A_11, %get3A_12] : memref<1x256xf32, #tpu.memory_space<vmem>>, vector<1x128xf32>
    %mul3A = vector.broadcast %get3A_10 : vector<1x128xf32> to vector<10000x128xf32>
    %mul3A_14 = arith.mulf %dot_general3A_5, %mul3A : vector<10000x128xf32>
    %reduce_sum3A = arith.constant dense<0.000000e+00> : vector<10000xf32>
    %reduce_sum3A_15 = vector.multi_reduction <add>, %mul3A_14, %reduce_sum3A [1] : vector<10000x128xf32> to vector<10000xf32>
    %broadcast_in_dim3A = vector.shape_cast %reduce_sum3A_15 : vector<10000xf32> to vector<10000x1xf32>
    %mul3A_16 = vector.broadcast %get3A_13 : vector<1x128xf32> to vector<10000x128xf32>
    %mul3A_17 = arith.mulf %dot_general3A_5, %mul3A_16 : vector<10000x128xf32>
    %reduce_sum3A_18 = arith.constant dense<0.000000e+00> : vector<10000xf32>
    %reduce_sum3A_19 = vector.multi_reduction <add>, %mul3A_17, %reduce_sum3A_18 [1] : vector<10000x128xf32> to vector<10000xf32>
    %broadcast_in_dim3A_20 = vector.shape_cast %reduce_sum3A_19 : vector<10000xf32> to vector<10000x1xf32>
    %swap3A_21 = arith.constant 0 : index
    %swap3A_22 = arith.constant 0 : index
    %swap3A_23 = vector.load %arg4[%swap3A_21, %swap3A_22] : memref<10000x1xf32, #tpu.memory_space<vmem>>, vector<10000x1xf32>
    tpu.vector_store %arg4[%swap3A_21, %swap3A_22], %broadcast_in_dim3A {strides = array<i32>} : memref<10000x1xf32, #tpu.memory_space<vmem>>, vector<10000x1xf32>,
    %swap3A_24 = arith.constant 0 : index
    %swap3A_25 = arith.constant 0 : index
    %swap3A_26 = vector.load %arg5[%swap3A_24, %swap3A_25] : memref<10000x1xf32, #tpu.memory_space<vmem>>, vector<10000x1xf32>
    tpu.vector_store %arg5[%swap3A_24, %swap3A_25], %broadcast_in_dim3A_20 {strides = array<i32>} : memref<10000x1xf32, #tpu.memory_space<vmem>>, vector<10000x1xf32>,
    %reduce_max3A = vector.shape_cast %broadcast_in_dim3A : vector<10000x1xf32> to vector<1x10000x1xf32>
    %reduce_max3A_27 = arith.constant dense<0xFF800000> : vector<1xf32>
    %reduce_max3A_28 = vector.multi_reduction <maximumf>, %reduce_max3A, %reduce_max3A_27 [1, 2] : vector<1x10000x1xf32> to vector<1xf32>
    %reduce_max3A_29 = vector.shape_cast %reduce_max3A_28 : vector<1xf32> to vector<1x1x1xf32>
    %reduce_max3A_30 = vector.extract %reduce_max3A_29[0, 0, 0] : f32 from vector<1x1x1xf32>
    %reduce_max3A_31 = vector.shape_cast %broadcast_in_dim3A_20 : vector<10000x1xf32> to vector<1x10000x1xf32>
    %reduce_max3A_32 = arith.constant dense<0xFF800000> : vector<1xf32>
    %reduce_max3A_33 = vector.multi_reduction <maximumf>, %reduce_max3A_31, %reduce_max3A_32 [1, 2] : vector<1x10000x1xf32> to vector<1xf32>
    %reduce_max3A_34 = vector.shape_cast %reduce_max3A_33 : vector<1xf32> to vector<1x1x1xf32>
    %reduce_max3A_35 = vector.extract %reduce_max3A_34[0, 0, 0] : f32 from vector<1x1x1xf32>
    %add3A = arith.addf %reduce_max3A_30, %reduce_max3A_35 : f32
    %ge3A = arith.constant 0.000000e+00 : f32
    %ge3A_36 = arith.cmpf oge, %add3A, %ge3A : f32
    %mul3A_37 = arith.constant 2.000000e-01 : f32
    %mul3A_38 = arith.mulf %mul3A_37, %add3A : f32
    %select_n3A = arith.select %ge3A_36, %add3A, %mul3A_38 : f32
    %broadcast_in_dim3A_39 = vector.broadcast %select_n3A : f32 to vector<1x128xf32>
    %swap3A_40 = arith.constant 0 : index
    %swap3A_41 = arith.constant 0 : index
    %swap3A_42 = vector.load %arg6[%swap3A_40, %swap3A_41] : memref<1x128xf32, #tpu.memory_space<vmem>>, vector<1x128xf32>
    tpu.vector_store %arg6[%swap3A_40, %swap3A_41], %broadcast_in_dim3A_39 {strides = array<i32>} : memref<1x128xf32, #tpu.memory_space<vmem>>, vector<1x128xf32>,
    return
  }
}

module attributes {stable_mosaic.version = 14 : i64} {
  func.func @_combine_body(%arg0: memref<2x10000x128xf32, #tpu.memory_space<vmem>>, %arg1: memref<2x10000x1xf32, #tpu.memory_space<vmem>>, %arg2: memref<1x128xf32, #tpu.memory_space<vmem>>, %arg3: memref<10000x128xf32, #tpu.memory_space<vmem>>) attributes {dimension_semantics = [], scalar_prefetch = 0 : i64, scratch_operands = 0 : i64, tpu.core_type = #tpu.core_type<tc>} {
    %get3A = arith.constant 0 : index
    %get3A_0 = arith.constant 0 : index
    %get3A_1 = arith.constant 0 : index
    %get3A_2 = vector.load %arg0[%get3A, %get3A_0, %get3A_1] : memref<2x10000x128xf32, #tpu.memory_space<vmem>>, vector<1x10000x128xf32>
    %get3A_3 = vector.shape_cast %get3A_2 : vector<1x10000x128xf32> to vector<10000x128xf32>
    %get3A_4 = arith.constant 1 : index
    %get3A_5 = arith.constant 0 : index
    %get3A_6 = arith.constant 0 : index
    %get3A_7 = vector.load %arg0[%get3A_4, %get3A_5, %get3A_6] : memref<2x10000x128xf32, #tpu.memory_space<vmem>>, vector<1x10000x128xf32>
    %get3A_8 = vector.shape_cast %get3A_7 : vector<1x10000x128xf32> to vector<10000x128xf32>
    %add3A = arith.addf %get3A_3, %get3A_8 : vector<10000x128xf32>
    %get3A_9 = arith.constant 0 : index
    %get3A_10 = arith.constant 0 : index
    %get3A_11 = arith.constant 0 : index
    %get3A_12 = vector.load %arg1[%get3A_9, %get3A_10, %get3A_11] : memref<2x10000x1xf32, #tpu.memory_space<vmem>>, vector<1x10000x1xf32>
    %get3A_13 = vector.shape_cast %get3A_12 : vector<1x10000x1xf32> to vector<10000x1xf32>
    %get3A_14 = arith.constant 1 : index
    %get3A_15 = arith.constant 0 : index
    %get3A_16 = arith.constant 0 : index
    %get3A_17 = vector.load %arg1[%get3A_14, %get3A_15, %get3A_16] : memref<2x10000x1xf32, #tpu.memory_space<vmem>>, vector<1x10000x1xf32>
    %get3A_18 = vector.shape_cast %get3A_17 : vector<1x10000x1xf32> to vector<10000x1xf32>
    %add3A_19 = arith.addf %get3A_13, %get3A_18 : vector<10000x1xf32>
    %add3A_20 = arith.constant 1.000000e-16 : f32
    %add3A_21 = vector.broadcast %add3A_20 : f32 to vector<10000x1xf32>
    %add3A_22 = arith.addf %add3A_19, %add3A_21 : vector<10000x1xf32>
    %div3A = vector.broadcast %add3A_22 : vector<10000x1xf32> to vector<10000x128xf32>
    %div3A_23 = arith.divf %add3A, %div3A : vector<10000x128xf32>
    %get3A_24 = arith.constant 0 : index
    %get3A_25 = arith.constant 0 : index
    %get3A_26 = vector.load %arg2[%get3A_24, %get3A_25] : memref<1x128xf32, #tpu.memory_space<vmem>>, vector<1x128xf32>
    %add3A_27 = vector.broadcast %get3A_26 : vector<1x128xf32> to vector<10000x128xf32>
    %add3A_28 = arith.addf %div3A_23, %add3A_27 : vector<10000x128xf32>
    %swap3A = arith.constant 0 : index
    %swap3A_29 = arith.constant 0 : index
    %swap3A_30 = vector.load %arg3[%swap3A, %swap3A_29] : memref<10000x128xf32, #tpu.memory_space<vmem>>, vector<10000x128xf32>
    tpu.vector_store %arg3[%swap3A, %swap3A_29], %add3A_28 {strides = array<i32>} : memref<10000x128xf32, #tpu.memory_space<vmem>>, vector<10000x128xf32>,
    return
  }
}

</mosaic_0001>

<sc_bundles>
// kernel: kernel.5.cloned.1.call-start
scs
__scs_entry_jumppad:
0x0: {  	(pc) =	sbr.rel $0x88, $3  }
0x1: {  	(tag) =	ssettag $0x0;
	lr =	simm.s32 $0x1  }
0x2: {  	[smem:$0x3F9C] =	sst lr;
	_ =	strace $0xD0000000  }
0x3: {  	_ = 	snop  }
0x4: {  	_ = 	snop  }
0x5: {  	_ = 	snop  }
0x6: {  	_ = 	snop  }
0x7: {  	_ = 	snop  }
__scs_overlays_trampoline_lowered:
0x8: {  	[smem:$0x3FAB] =	sst s0  }
0x9: {  	[smem:$0x3FAC] =	sst s1  }
0xa: {  	[smem:$0x3FAD] =	sst s2  }
0xb: {  	[smem:$0x3FAE] =	sst s3  }
0xc: {  	[smem:$0x3FAF] =	sst s4  }
0xd: {  	[smem:$0x3FB0] =	sst s5  }
0xe: {  	[smem:$0x3FB1] =	sst s6  }
0xf: {  	[smem:$0x3FB2] =	sst s7  }
0x10: {  	[smem:$0x3FB3] =	sst s8  }
0x11: {  	[smem:$0x3FB4] =	sst s9;
	s0 =	simm.s32 @!p0 $0x0  }
0x12: {  	s1 =	sld [smem:$0x3F9A];
	s0 =	simm.s32 @p0 $0x1  }
0x13: {  	[smem:$0x3FB5] =	sst s0;
	s0 =	simm.s32 @!p1 $0x0  }
0x14: {  	s2 =	sld [smem:$0x3F99];
	s0 =	simm.s32 @p1 $0x1  }
0x15: {  	[smem:$0x3FB6] =	sst s0;
	s0 =	simm.s32 @!p2 $0x0  }
0x16: {  	s3 =	sld [smem:$0x3FDB];
	s0 =	simm.s32 @p2 $0x1  }
0x17: {  	s4 =	simm.s32 $0x1BF5;
	[smem:$0x3FB8] =	sst s0  }
0x18: {  	s0 =	sld [smem:$0x3F9B];
	_ =	swait.ge [sflag:s4], $0x0  }
0x19: {  	s7 =	sld [smem:$0x3F9C]  }
0x1a: {  	s8 =	sadd.s32 $0xFFFFE003, lr  }
0x1b: {  	s9 =	sadd.s32 $0xFFFFFEF7, lr;
	s5 =	simm.s32 $0xFFFFFFFF;
	p2 =	slt.u32 s8, $0xFFFFF086  }
0x1c: {  	p1 =	slt.u32 s9, $0xF7A;
	s5 =	simm.s32 @!p2 $0x0  }
0x1d: {  	s5 =	simm.s32 @p1 $0x1;
	p0 =	seq.s32 s7, s2  }
0x1e: {  	s7 =	smul.u32 @!p0 $0xF7A, s2;
	p2 =	seq.s32 @!p0 s5, $0x0  }
0x1f: {  	s9 =	smul.u32 $0xF7A, s1;
	s8 =	simm.s32 @!p0 $0x1BF5;
	p2 =	por !p2, p0  }
0x20: {  	[sflag:s8] =	ssyncset.s32 @!p0 $0xFFFFF086;
	s6 =	sadd.s32 @!p0 s3, s7;
	s7 =	simm.s32 @!p0 $0x108  }
0x21: {  	s3 =	sadd.s32 s3, s9;
	s6 =	sadd.s32 @!p0 $0x88, s6;
	s7 =	simm.s32 @p2 $0x1082  }
0x22: {  	[simem:s7], [sflag:s8] =	dma.local @!p0 [hbm:s6], $0xF7A  }
0x23: {  	s9 =	sor.u32 $0xD0000000, s2;
	s6 =	simm.s32 $0x108;
	_ =	swait.ge @!p0 [sflag:s8], $0x0  }
0x24: {  	s3 =	sadd.s32 $0x88, s3;
	s6 =	simm.s32 @!p1 $0x1082;
	[sflag:s4] =	ssyncset.s32 $0xFFFFF086  }
0x25: {  	[simem:s6], [sflag:s4] =	dma.local [hbm:s3], $0xF7A  }
0x26: {  	[smem:$0x3F9C] =	sst s1;
	(tag) =	ssettag s2;
	_ =	strace s9  }
0x27: {  	s1 =	sld [smem:$0x3FAC]  }
0x28: {  	s2 =	sld [smem:$0x3FAD]  }
0x29: {  	s4 =	sld [smem:$0x3FAF]  }
0x2a: {  	p0 =	seq.s32 s5, $0x0;
	s5 =	sld [smem:$0x3FB0]  }
0x2b: {  	s6 =	sld [smem:$0x3FB1]  }
0x2c: {  	s7 =	sld [smem:$0x3FB2]  }
0x2d: {  	s3 =	simm.s32 $0x108;
	s8 =	sld [smem:$0x3FB3]  }
0x2e: {  	s3 =	simm.s32 @!p0 $0x1082;
	s9 =	sld [smem:$0x3FB4]  }
0x2f: {  	lr =	sadd.s32 s0, s3;
	s0 =	sld [smem:$0x3FAB]  }
0x30: {  	s3 =	sld [smem:$0x3FAE]  }
0x31: {  	[smem:$0x3FB7] =	sst s10  }
0x32: {  	s10 =	sld [smem:$0x3FB5];
	_ =	sdelay $0x3  }
0x33: {  	p0 =	seq.s32 s10, $0x1;
	s10 =	sld [smem:$0x3FB7];
	_ =	sdelay $0x3  }
0x34: {  	[smem:$0x3FB7] =	sst s10  }
0x35: {  	s10 =	sld [smem:$0x3FB6];
	_ =	sdelay $0x3  }
0x36: {  	p1 =	seq.s32 s10, $0x1;
	s10 =	sld [smem:$0x3FB7];
	_ =	sdelay $0x3  }
0x37: {  	[smem:$0x3FB7] =	sst s10  }
0x38: {  	s10 =	sld [smem:$0x3FB8]  }
0x39: {  	_ = 	snop;
	(pc) =	sbr.ind lr, $3  }
0x3a: {  	_ = 	snop  }
0x3b: {  	_ = 	snop  }
0x3c: {  	p2 =	seq.s32 s10, $0x1;
	s10 =	sld [smem:$0x3FB7]  }
0x3d: {  	_ =	shalt  }
0x3e: {  	_ =	shalt  }
0x3f: {  	_ =	shalt  }
0x40: {  	_ =	shalt  }
0x41: {  	_ =	shalt  }
0x42: {  	_ =	shalt  }
0x43: {  	_ =	shalt  }
0x44: {  	_ =	shalt  }
0x45: {  	_ =	shalt  }
0x46: {  	_ =	shalt  }
0x47: {  	_ =	shalt  }
0x48: {  	_ =	shalt  }
0x49: {  	_ =	shalt  }
0x4a: {  	_ =	shalt  }
0x4b: {  	_ =	shalt  }
0x4c: {  	_ =	shalt  }
0x4d: {  	_ =	shalt  }
0x4e: {  	_ =	shalt  }
0x4f: {  	_ =	shalt  }
0x50: {  	_ =	shalt  }
0x51: {  	_ =	shalt  }
0x52: {  	_ =	shalt  }
0x53: {  	_ =	shalt  }
0x54: {  	_ =	shalt  }
0x55: {  	_ =	shalt  }
0x56: {  	_ =	shalt  }
0x57: {  	_ =	shalt  }
0x58: {  	_ =	shalt  }
0x59: {  	_ =	shalt  }
0x5a: {  	_ =	shalt  }
0x5b: {  	_ =	shalt  }
0x5c: {  	_ =	shalt  }
0x5d: {  	_ =	shalt  }
0x5e: {  	_ =	shalt  }
0x5f: {  	_ =	shalt  }
0x60: {  	_ =	shalt  }
0x61: {  	_ =	shalt  }
0x62: {  	_ =	shalt  }
0x63: {  	_ =	shalt  }
0x64: {  	_ =	shalt  }
0x65: {  	_ =	shalt  }
0x66: {  	_ =	shalt  }
0x67: {  	_ =	shalt  }
0x68: {  	_ =	shalt  }
0x69: {  	_ =	shalt  }
0x6a: {  	_ =	shalt  }
0x6b: {  	_ =	shalt  }
0x6c: {  	_ =	shalt  }
0x6d: {  	_ =	shalt  }
0x6e: {  	_ =	shalt  }
0x6f: {  	_ =	shalt  }
0x70: {  	_ =	shalt  }
0x71: {  	_ =	shalt  }
0x72: {  	_ =	shalt  }
0x73: {  	_ =	shalt  }
0x74: {  	_ =	shalt  }
0x75: {  	_ =	shalt  }
0x76: {  	_ =	shalt  }
0x77: {  	_ =	shalt  }
0x78: {  	_ =	shalt  }
0x79: {  	_ =	shalt  }
0x7a: {  	_ =	shalt  }
0x7b: {  	_ =	shalt  }
0x7c: {  	_ =	shalt  }
0x7d: {  	_ =	shalt  }
0x7e: {  	_ =	shalt  }
0x7f: {  	_ =	shalt  }
0x80: {  	_ =	shalt  }
0x81: {  	_ =	shalt  }
0x82: {  	_ =	shalt  }
0x83: {  	_ =	shalt  }
0x84: {  	_ =	shalt  }
0x85: {  	_ =	shalt  }
0x86: {  	_ =	shalt  }
0x87: {  	_ =	shalt  }
.Lfunc_end0:
.L_simem_size_0:
called_computation_lowered:
.L_overlay_start_0:
0x88: {  	s2 =	sld [smem:$0x3FD9]  }
0x89: {  	s3 =	sld [smem:$0x3FFE];
	_ =	sdelay $0x1  }
0x8a: {  	s1 =	srdreg.scid  }
0x8b: {  	s0 =	sand.u32 $0x1, s1  }
0x8c: {  	s17 =	sshll.u32 s0, $0xA;
	s2 =	sadd.s32 s3, s2  }
0x8d: {  	s2 =	sadd.s32 s2, s17  }
0x8e: {  	[smem:$0x3FC3] =	sst s2  }
0x8f: {  	_ = 	snop  }
0x90: {  	s2 =	sld [smem:$0x3FD0];
	(tm) =	ssettm $0x1  }
0x91: {  	s18 =	sld [smem:$0x3FFB];
	_ =	sdelay $0x3  }
0x92: {  	_ =	strace s18  }
0x93: {  	s3 =	sld [smem:$0x3FFC];
	_ =	sdelay $0x3  }
0x94: {  	_ =	strace s3  }
0x95: {  	s3 =	sld [smem:$0x3FFD];
	_ =	sdelay $0x3  }
0x96: {  	_ =	strace s3  }
0x97: {  	_ =	strace $0x8FFFFFFF  }
0x98: {  	s19 =	sld [smem:$0x3FDB];
	_ =	sdelay $0x1  }
0x99: {  	s4 =	simm.s32 $_scs_section_size  }
0x9a: {  	s5 =	simm.s32 $_size__tile_overlayer_lowered;
	s6 =	simm.s32 $_tile_overlayer_lowered  }
0x9b: {  	s22 =	simm.s32 $0x1BFF;
	s21 =	sshll.u32 s6, $0x1;
	s3 =	sadd.s32 s4, s19  }
0x9c: {  	s7 =	simm.s32 $0x0;
	s20 =	sshll.u32 s5, $0x1;
	s5 =	sadd.s32 s21, s3  }
0x9d: {  	[timem:s7], [sflag:s22] =	dma.local [hbm:s5], s20  }
0x9e: {  	_ =	swait.ge [sflag:s22], s20  }
0x9f: {  	s4 =	ssub.s32 $0x0, s20;
	[sflag:s22] =	ssyncset.done $0x0  }
0xa0: {  	[sflag:s22] =	ssyncadd.s32 s4;
	_ =	sdelay $0x1  }
0xa1: {  	s23 =	simm.s32 $0x1B8B  }
0xa2: {  	_ =	swait.ge [sflag:s23], $0x1  }
0xa3: {  	[sflag:s23] =	ssyncset.done $0x0  }
0xa4: {  	s25 =	simm.s32 $0x1B8E;
	s24 =	sld [smem:$0x3FFE];
	[sflag:s23] =	ssyncadd.s32 $0xFFFFFFFF  }
0xa5: {  	s26 =	simm.s32 $execute0_lowered;
	[smem:$0x3FD2] =	sst s25  }
0xa6: {  	s5 =	sshll.u32 s26, $0x1;
	_ =	strace $0x80000046;
	[dreg:$0x1] =	wrdreg $0xFFFFFFFF  }
0xa7: {  	s28 =	simm.s32 $_size_execute0_lowered;
	s3 =	sadd.s32 s3, s5;
	[dreg:$0x0] =	wrdreg $0x0  }
0xa8: {  	s5 =	sshll.u32 s28, $0x1;
	[dreg:$0x2] =	wrdreg s3  }
0xa9: {  	[dreg:$0x3] =	wrdreg s5  }
0xaa: {  	[dreg:$0x4] =	wrdreg $0xC0  }
0xab: {  	_ =	task [dreg:s7], $0x5FFFF  }
0xac: {  	[dreg:$0x1] =	wrdreg $0xFFFFFFFF  }
0xad: {  	[dreg:$0x0] =	wrdreg $0x60  }
0xae: {  	[dreg:$0x2] =	wrdreg s24  }
0xaf: {  	[dreg:$0x3] =	wrdreg s2  }
0xb0: {  	[dreg:$0x4] =	wrdreg $0xBA800  }
0xb1: {  	[dreg:$0x5] =	wrdreg $0x1F3000  }
0xb2: {  	[dreg:$0x6] =	wrdreg $0x9  }
0xb3: {  	_ =	task.clear_ibuf [dreg:s7], $0x7FFFF;
	_ =	strace $0x90000046  }
0xb4: {  	s29 =	simm.s32 $0x9;
	_ =	strace $0x80000048  }
0xb5: {  	_ =	swait.ge [sflag:s29], $0x1  }
0xb6: {  	[sflag:s29] =	ssyncadd.s32 $0xFFFFFFFF  }
0xb7: {  	_ =	strace $0x90000048  }
0xb8: {  	_ =	sfence  }
0xb9: {  	s30 =	sld [smem:$0x0];
	_ =	sdelay $0x2  }
0xba: {  	s31 =	sshll.u32 s1, $0xD;
	s1 =	sshrl.u32 s1, $0x2  }
0xbb: {  	s3 =	sand.u32 $0x4000, s31;
	s1 =	sadd.s32 s1, s30  }
0xbc: {  	s0 =	sor.u32 s3, s0;
	s1 =	sshll.u32 s1, $0x11  }
0xbd: {  	s0 =	sor.u32 s1, s0  }
0xbe: {  	s0 =	sadd.s32 $0x8F2B, s0  }
0xbf: {  	[sflag:s0] =	ssyncadd.remote.s32 $0x1  }
0xc0: {  	_ =	sfence.sel $0xFFFF  }
0xc1: {  	[dreg:$0x0] =	wrdreg $0xFFFFFFFF;
	(pc) =	sbr.abs _section_cstart, $3  }
0xc2: {  	[dreg:$0x1] =	wrdreg $0xFFFFFFFF  }
0xc3: {  	_ =	task.clear_ibuf [dreg:s7], $0x2FFFF;
	_ =	strace $0x9FFFFFFF  }
0xc4: {  	(tm) =	ssettm $0x7FFFFFFF  }
0xc5: {  	_ =	shalt  }
tec
execute0_lowered:
.L_overlay_start_1:
0x0: {  	(tag) =	ssettag $0x1  }
0x1: {  	s1 =	rddreg [dreg:$0x0]  }
0x2: {  	s2 =	rddreg [dreg:$0x2]  }
0x3: {  	s0 =	rddreg [dreg:$0x3];
	s4 =	srdreg.scid;
	s3 =	simm.s32 $0x0  }
0x4: {  	s15 =	simm.s32 $0x0;
	s30 =	simm.s32 $0x9;
	s28 =	simm.s32 $0x1  }
0x5: {  	s29 =	simm.s32 $0xE00;
	s4 =	sand.u32 $0x1, s4;
	[smem:$0x7FF] =	sst s3  }
0x6: {  	s31 =	simm.s32 $0x3;
	s3 =	stileid.u32;
	s5 =	smul.u32 $0x27100, s4  }
0x7: {  	s6 =	sadd.s32 $0xA400, s1;
	s7 =	sadd.s32 $0x14800, s1;
	s10 =	smul.u32 $0x278, s3  }
0x8: {  	s8 =	sadd.s32 $0x14E00, s1;
	_ =	strace $0x80000047;
	s13 =	smul.u32 $0x4F000, s3  }
0x9: {  	s9 =	sshll.u32 s4, $0x4;
	s4 =	ssub.s32 $0x2, s4;
	s14 =	smul.u32 $0xA00, s3  }
0xa: {  	s11 =	sshrl.u32 s4, $0x1;
	s12 =	sor.u32 s3, s9;
	s9 =	sadd.s32 s9, s1  }
0xb: {  	s5 =	sadd.s32 s5, s1;
	s4 =	ssub.s32 s4, s11;
	s16 =	smul.u32 $0x28B0, s12  }
0xc: {  	s24 =	sshrl.u32 s13, $0x2;
	s25 =	smin.u32 s10, $0x24E0;
	s19 =	sshrl.u32 s14, $0x2  }
0xd: {  	s26 =	smin.u32 s10, $0x2470;
	s9 =	sadd.s32 $0x15600, s9;
	s0 =	sadd.s32 s19, s0  }
0xe: {  	s12 =	sshll.u32 s25, $0x7;
	s19 =	smax.u32 s4, $0x1;
	[dreg:$0x9] =	wrdreg s0  }
0xf: {  	s13 =	sshll.u32 s26, $0x7;
	s17 =	sadd.s32 s24, s2;
	[dreg:$0x14] =	wrdreg s19  }
0x10: {  	s24 =	smin.u32 s10, $0x2498;
	s5 =	sadd.s32 $0x16000, s5;
	[dreg:$0x6] =	wrdreg s17  }
0x11: {  	s25 =	smul.u32 $0xA0, s3;
	s21 =	sadd.s32 $0x70, s16;
	[dreg:$0x5] =	wrdreg s16  }
0x12: {  	s12 =	sadd.s32 s12, s2;
	s26 =	sadd.s32 $0xE0, s16;
	[dreg:$0xa] =	wrdreg s21  }
0x13: {  	s13 =	sadd.s32 s13, s2;
	s11 =	sadd.s32 $0xE000, s12;
	[dreg:$0xf] =	wrdreg s26  }
0x14: {  	s20 =	sshrl.u32 s16, $0x3;
	s18 =	sadd.s32 $0x11800, s13;
	[dreg:$0x7] =	wrdreg s11  }
0x15: {  	s4 =	simm.s32 $0x2;
	s22 =	sadd.s32 s6, s20;
	[dreg:$0x8] =	wrdreg s18  }
0x16: {  	s10 =	sshll.u32 s24, $0x4;
	s0 =	sadd.s32 s1, s20;
	[dreg:$0xb] =	wrdreg s22  }
0x17: {  	s3 =	simm.s32 $0x0;
	s5 =	sadd.s32 s10, s5;
	[dreg:$0xc] =	wrdreg s0  }
0x18: {  	s19 =	simm.s32 $0x5;
	s13 =	sadd.s32 s25, s9;
	[dreg:$0x10] =	wrdreg s5  }
0x19: {  	s23 =	sshrl.u32 s21, $0x3;
	s20 =	sadd.s32 $0x15400, s1;
	[dreg:$0x11] =	wrdreg s13  }
0x1a: {  	s12 =	sshrl.u32 s26, $0x3;
	s21 =	sadd.s32 $0x3800, s17;
	[dreg:$0x16] =	wrdreg s20  }
0x1b: {  	s25 =	sadd.s32 $0x1C0, s16;
	s26 =	sadd.s32 $0x230, s16;
	[dreg:$0x17] =	wrdreg s21  }
0x1c: {  	s10 =	simm.s32 $0xB;
	s9 =	simm.s32 $0xE80;
	[dreg:$0x1b] =	wrdreg s25  }
0x1d: {  	s11 =	sadd.s32 s6, s23;
	s0 =	sadd.s32 s1, s23;
	[dreg:$0x1c] =	wrdreg s26  }
0x1e: {  	s14 =	sadd.s32 s6, s12;
	s18 =	sadd.s32 s1, s12;
	[dreg:$0xd] =	wrdreg s11  }
0x1f: {  	s22 =	sadd.s32 $0x7000, s17;
	s23 =	sadd.s32 $0xA800, s17;
	[dreg:$0xe] =	wrdreg s0  }
0x20: {  	s17 =	simm.s32 $0xD;
	s21 =	simm.s32 $0x700;
	[dreg:$0x12] =	wrdreg s14  }
0x21: {  	s26 =	simm.s32 $0x8;
	s20 =	simm.s32 $0x4800;
	[dreg:$0x13] =	wrdreg s18  }
0x22: {  	s25 =	simm.s32 $0x8000;
	s13 =	simm.s32 $0x4;
	[dreg:$0x18] =	wrdreg s22  }
0x23: {  	s0 =	sshll.u32 s24, $0x7;
	[dreg:$0x19] =	wrdreg s23;
	s24 =	sadd.s32 $0x150, s16  }
0x24: {  	s16 =	simm.s32 $0x600;
	s18 =	simm.s32 $0x680;
	s22 =	simm.s32 $0x7  }
0x25: {  	s23 =	simm.s32 $0x70;
	s14 =	simm.s32 $0xC;
	s0 =	sadd.s32 s0, s2  }
0x26: {  	s2 =	smov.u32 s1;
	[dreg:$0x1a] =	wrdreg s24;
	s0 =	sshrl.u32 s0, $0x3  }
0x27: {  	v0 =	vimm.f32 $0.0e+00;
	s24 =	simm.s32 $0xA;
	[dreg:$0x15] =	wrdreg s0;
	s0 =	simm.s32 $0xF00  }
.LBB2_1:
0x28: {  	[dreg:$0x1d] =	wrdreg s3  }
0x29: {  	s1 =	rddreg [dreg:$0x16]  }
0x2a: {  	[tilespmem:s15], [sflag:$0xD] =	stream.linear.gather [hbm4b:s1+s15], $0x400, $0x38;
	[tilespmem:$0x1F580] =	vst v63  }
0x2b: {  	_ =	swait.ge [sflag:s17], $0x400  }
0x2c: {  	[sflag:s17] =	ssyncset.done $0x0  }
0x2d: {  	[sflag:s17] =	ssyncadd.s32 $0xFFFFFC00  }
0x2e: {  	s5 =	simm.s32 $0x0;
	s11 =	simm.s32 $0x200;
	v1 =	vld [tilespmem:$0x0]  }
.LBB2_2:
0x2f: {  	p0 =	sne.s32 s11, $0xDE00;
	[tilespmem:s5+$0x1070] =	vst v0  }
0x30: {  	[tilespmem:s5+$0x1000] =	vst v0  }
0x31: {  	[tilespmem:s5+$0x1010] =	vst v0  }
.Ltmp0:
0x32: {  	[tilespmem:s5+$0x1020] =	vst v0;
	(pc) =	sbr.rel @p0 .LBB2_2-.Ltmp0, $4  }
0x33: {  	[tilespmem:s5+$0x1030] =	vst v0  }
0x34: {  	[tilespmem:s5+$0x1040] =	vst v0  }
0x35: {  	[tilespmem:s5+$0x1050] =	vst v0  }
0x36: {  	[tilespmem:s5+$0x1060] =	vst v0;
	s5 =	sshra.s32 s11, $0x2;
	s11 =	sadd.s32 $0x200, s11  }
0x37: {  	[tilespmem:s5+$0x1070] =	vst v0  }
0x38: {  	[tilespmem:s5+$0x1000] =	vst v0  }
0x39: {  	[tilespmem:s5+$0x1010] =	vst v0  }
0x3a: {  	[tilespmem:s5+$0x1020] =	vst v0  }
0x3b: {  	[tilespmem:s5+$0x1030] =	vst v0  }
0x3c: {  	[tilespmem:s5+$0x1040] =	vst v0  }
0x3d: {  	[tilespmem:s5+$0x1050] =	vst v0  }
0x3e: {  	[tilespmem:s5+$0x1060] =	vst v0  }
0x3f: {  	[tilespmem:$0xB800] =	vst v0  }
0x40: {  	[tilespmem:$0xB810] =	vst v0  }
0x41: {  	[tilespmem:$0xB820] =	vst v0  }
0x42: {  	[tilespmem:$0xB830] =	vst v0  }
0x43: {  	[tilespmem:$0xB840] =	vst v0  }
0x44: {  	[tilespmem:$0xB850] =	vst v0  }
0x45: {  	[tilespmem:$0xB860] =	vst v0  }
0x46: {  	[tilespmem:$0xB870] =	vst v0  }
0x47: {  	[tilespmem:$0xB880] =	vst v0  }
0x48: {  	[tilespmem:$0xB890] =	vst v0  }
0x49: {  	[tilespmem:$0xB8A0] =	vst v0  }
0x4a: {  	[tilespmem:$0xB8B0] =	vst v0  }
0x4b: {  	[tilespmem:$0xB8C0] =	vst v0  }
0x4c: {  	[tilespmem:$0xB8D0] =	vst v0  }
0x4d: {  	[tilespmem:$0xB8E0] =	vst v0  }
0x4e: {  	[tilespmem:$0xB8F0] =	vst v0  }
0x4f: {  	[tilespmem:$0xB900] =	vst v0  }
0x50: {  	[tilespmem:$0xB910] =	vst v0  }
0x51: {  	[tilespmem:$0xB920] =	vst v0  }
0x52: {  	[tilespmem:$0xB930] =	vst v0  }
0x53: {  	[tilespmem:$0xB940] =	vst v0  }
0x54: {  	[tilespmem:$0xB950] =	vst v0  }
0x55: {  	[tilespmem:$0xB960] =	vst v0  }
0x56: {  	[tilespmem:$0xB970] =	vst v0  }
0x57: {  	[tilespmem:$0xB980] =	vst v0  }
0x58: {  	[tilespmem:$0xB990] =	vst v0  }
0x59: {  	[tilespmem:$0xB9A0] =	vst v0  }
0x5a: {  	[tilespmem:$0xB9B0] =	vst v0  }
0x5b: {  	[tilespmem:$0xB9C0] =	vst v0  }
0x5c: {  	[tilespmem:$0xB9D0] =	vst v0  }
0x5d: {  	[tilespmem:$0xB9E0] =	vst v0  }
0x5e: {  	[tilespmem:$0xB9F0] =	vst v0  }
0x5f: {  	[tilespmem:$0xBA00] =	vst v0  }
0x60: {  	[tilespmem:$0xBA10] =	vst v0  }
0x61: {  	[tilespmem:$0xBA20] =	vst v0  }
0x62: {  	[tilespmem:$0xBA30] =	vst v0  }
0x63: {  	[tilespmem:$0xBA40] =	vst v0  }
0x64: {  	[tilespmem:$0xBA50] =	vst v0  }
0x65: {  	[tilespmem:$0xBA60] =	vst v0  }
0x66: {  	s1 =	rddreg [dreg:$0x6];
	s3 =	simm.s32 $0x1000;
	[tilespmem:$0xBA70] =	vst v0  }
0x67: {  	[spmem:s1] =	stream.linear.scatter [tilespmem:s3], [sflag:$0xD], $0x3800, $0x38;
	[tilespmem:$0x1F580] =	vst v63  }
0x68: {  	_ =	swait.ge [sflag:s17], $0x3800  }
0x69: {  	[sflag:s17] =	ssyncset.done $0x0  }
0x6a: {  	s11 =	rddreg [dreg:$0x17];
	[sflag:s17] =	ssyncadd.s32 $0xFFFFC800  }
0x6b: {  	[spmem:s11] =	stream.linear.scatter [tilespmem:s3], [sflag:$0xD], $0x3800, $0x38;
	[tilespmem:$0x1F580] =	vst v63  }
0x6c: {  	_ =	swait.ge [sflag:s17], $0x3800  }
0x6d: {  	[sflag:s17] =	ssyncset.done $0x0  }
0x6e: {  	s12 =	rddreg [dreg:$0x18];
	[sflag:s17] =	ssyncadd.s32 $0xFFFFC800  }
0x6f: {  	[spmem:s12] =	stream.linear.scatter [tilespmem:s3], [sflag:$0xD], $0x3800, $0x38;
	[tilespmem:$0x1F580] =	vst v63  }
0x70: {  	_ =	swait.ge [sflag:s17], $0x3800  }
0x71: {  	[sflag:s17] =	ssyncset.done $0x0  }
0x72: {  	s15 =	rddreg [dreg:$0x19];
	[sflag:s17] =	ssyncadd.s32 $0xFFFFC800  }
0x73: {  	[spmem:s15] =	stream.linear.scatter [tilespmem:s3], [sflag:$0xD], $0x3800, $0x38;
	[tilespmem:$0x1F580] =	vst v63  }
0x74: {  	_ =	swait.ge [sflag:s17], $0x3800  }
0x75: {  	[sflag:s17] =	ssyncset.done $0x0  }
0x76: {  	s5 =	rddreg [dreg:$0x7];
	[sflag:s17] =	ssyncadd.s32 $0xFFFFC800  }
0x77: {  	[spmem:s5] =	stream.linear.scatter [tilespmem:s3], [sflag:$0xD], $0x3800, $0x38;
	[tilespmem:$0x1F580] =	vst v63  }
0x78: {  	_ =	swait.ge [sflag:s17], $0x3800  }
0x79: {  	[sflag:s17] =	ssyncset.done $0x0  }
0x7a: {  	s11 =	rddreg [dreg:$0x8];
	[sflag:s17] =	ssyncadd.s32 $0xFFFFC800  }
0x7b: {  	[spmem:s11] =	stream.linear.scatter [tilespmem:s3], [sflag:$0xD], $0x3800, $0x38;
	[tilespmem:$0x1F580] =	vst v63  }
0x7c: {  	_ =	swait.ge [sflag:s17], $0x3800  }
0x7d: {  	[sflag:s17] =	ssyncset.done $0x0  }
0x7e: {  	s15 =	simm.s32 $0xB800;
	s12 =	rddreg [dreg:$0x9];
	[sflag:s17] =	ssyncadd.s32 $0xFFFFC800  }
0x7f: {  	[spmem:s12] =	stream.linear.scatter [tilespmem:s15], [sflag:$0xD], $0x280, $0x38;
	[tilespmem:$0x1F580] =	vst v63  }
0x80: {  	_ =	swait.ge [sflag:s17], $0x280  }
0x81: {  	[sflag:s17] =	ssyncset.done $0x0  }
0x82: {  	[sflag:s17] =	ssyncadd.s32 $0xFFFFFD80  }
0x83: {  	[bflag:$0x0] =	sbarrier.arrive $0xFFFF  }
0x84: {  	s5 =	simm.s32 $0x400;
	s15 =	simm.s32 $0x0;
	s11 =	rddreg [dreg:$0xb]  }
0x85: {  	[tilespmem:s5], [sflag:$0x7] =	stream.linear.gather [hbm4b:s11+s15], $0x70, $0x38;
	[tilespmem:$0x1F580] =	vst v63  }
0x86: {  	s12 =	rddreg [dreg:$0xc]  }
0x87: {  	[tilespmem:s16], [sflag:$0x7] =	stream.linear.gather [hbm4b:s12+s15], $0x70, $0x38;
	[tilespmem:$0x1F580] =	vst v63  }
0x88: {  	s17 =	rddreg [dreg:$0xd];
	s11 =	simm.s32 $0x480  }
0x89: {  	[tilespmem:s11], [sflag:$0x8] =	stream.linear.gather [hbm4b:s17+s15], $0x70, $0x38;
	[tilespmem:$0x1F580] =	vst v63  }
0x8a: {  	s12 =	rddreg [dreg:$0xe]  }
0x8b: {  	[tilespmem:s18], [sflag:$0x8] =	stream.linear.gather [hbm4b:s12+s15], $0x70, $0x38;
	[tilespmem:$0x1F580] =	vst v63  }
0x8c: {  	s17 =	rddreg [dreg:$0x12];
	s12 =	simm.s32 $0x500  }
0x8d: {  	[tilespmem:s12], [sflag:$0x9] =	stream.linear.gather [hbm4b:s17+s15], $0x70, $0x38;
	[tilespmem:$0x1F580] =	vst v63  }
0x8e: {  	s17 =	rddreg [dreg:$0x13]  }
0x8f: {  	[tilespmem:s21], [sflag:$0x9] =	stream.linear.gather [hbm4b:s17+s15], $0x70, $0x38;
	[tilespmem:$0x1F580] =	vst v63  }
0x90: {  	_ =	swait.ge [sflag:s22], $0x70  }
0x91: {  	[sflag:s22] =	ssyncset.done $0x0  }
0x92: {  	[sflag:s22] =	ssyncadd.s32 $0xFFFFFF90  }
0x93: {  	_ =	swait.ge [sflag:s22], $0x70  }
0x94: {  	[sflag:s22] =	ssyncset.done $0x0  }
0x95: {  	s17 =	simm.s32 $0xA00;
	[sflag:s22] =	ssyncadd.s32 $0xFFFFFF90  }
0x96: {  	[tilespmem:s17], [sflag:$0xA] =	stream.indirect.gather [hbm4b:s7+s23], $0x1, s5, s23, $0xb8;
	[tilespmem:$0x1F580] =	vst v63  }
0x97: {  	s15 =	simm.s32 $0xC00  }
0x98: {  	[tilespmem:s15], [sflag:$0xA] =	stream.indirect.gather [hbm4b:s8+s23], $0x1, s16, s23, $0xb8;
	[tilespmem:$0x1F580] =	vst v63  }
0x99: {  	_ =	swait.ge [sflag:s26], $0x70  }
0x9a: {  	[sflag:s26] =	ssyncset.done $0x0  }
0x9b: {  	[sflag:s26] =	ssyncadd.s32 $0xFFFFFF90  }
0x9c: {  	_ =	swait.ge [sflag:s26], $0x70  }
0x9d: {  	[sflag:s26] =	ssyncset.done $0x0  }
0x9e: {  	s17 =	simm.s32 $0xA80;
	[sflag:s26] =	ssyncadd.s32 $0xFFFFFF90  }
0x9f: {  	[tilespmem:s17], [sflag:$0xB] =	stream.indirect.gather [hbm4b:s7+s23], $0x1, s11, s23, $0xb8;
	[tilespmem:$0x1F580] =	vst v63  }
0xa0: {  	s5 =	simm.s32 $0xC80  }
0xa1: {  	[tilespmem:s5], [sflag:$0xB] =	stream.indirect.gather [hbm4b:s8+s23], $0x1, s18, s23, $0xb8;
	[tilespmem:$0x1F580] =	vst v63  }
0xa2: {  	_ =	swait.ge [sflag:s30], $0x70  }
0xa3: {  	[sflag:s30] =	ssyncset.done $0x0  }
0xa4: {  	[sflag:s30] =	ssyncadd.s32 $0xFFFFFF90  }
0xa5: {  	_ =	swait.ge [sflag:s30], $0x70  }
0xa6: {  	[sflag:s30] =	ssyncset.done $0x0  }
0xa7: {  	s11 =	simm.s32 $0xB00;
	[sflag:s30] =	ssyncadd.s32 $0xFFFFFF90  }
0xa8: {  	[tilespmem:s11], [sflag:$0xC] =	stream.indirect.gather [hbm4b:s7+s23], $0x1, s12, s23, $0xb8;
	[tilespmem:$0x1F580] =	vst v63  }
0xa9: {  	s15 =	simm.s32 $0xD00  }
0xaa: {  	[tilespmem:s15], [sflag:$0xC] =	stream.indirect.gather [hbm4b:s8+s23], $0x1, s21, s23, $0xb8;
	[tilespmem:$0x1F580] =	vst v63  }
0xab: {  	s17 =	rddreg [dreg:$0x1]  }
0xac: {  	[tilespmem:s3], [sflag:$0x1] =	stream.indirect.gather [hbm4b:s17+s23], $0x80, s16, s23, $0xb8;
	[tilespmem:$0x1F580] =	vst v63  }
0xad: {  	s5 =	simm.s32 $0x0  }
0xae: {  	[tilespmem:s20], [sflag:$0x2] =	stream.indirect.gather [hbm4b:s17+s23], $0x80, s18, s23, $0xb8;
	[tilespmem:$0x1F580] =	vst v63  }
.LBB2_4:
0xaf: {  	_ =	swait.ge [sflag:s24], $0x70  }
0xb0: {  	[sflag:s24] =	ssyncset.done $0x0  }
0xb1: {  	[sflag:s24] =	ssyncadd.s32 $0xFFFFFF90  }
0xb2: {  	_ =	swait.ge [sflag:s24], $0x70  }
0xb3: {  	[sflag:s24] =	ssyncset.done $0x0  }
0xb4: {  	[sflag:s24] =	ssyncadd.s32 $0xFFFFFF90  }
0xb5: {  	v2 =	vld [tilespmem:$0xA00]  }
0xb6: {  	v3 =	vld [tilespmem:$0xC00]  }
0xb7: {  	v4 =	vld [tilespmem:$0xA10]  }
0xb8: {  	v5 =	vld [tilespmem:$0xC10]  }
0xb9: {  	v6 =	vld [tilespmem:$0xA20]  }
0xba: {  	v7 =	vld [tilespmem:$0xC20]  }
0xbb: {  	v8 =	vld [tilespmem:$0xA30]  }
0xbc: {  	v9 =	vld [tilespmem:$0xC30]  }
0xbd: {  	v2 =	vadd.f32 v3, v2  }
0xbe: {  	v3 =	vadd.f32 v5, v4  }
0xbf: {  	v5 =	vld [tilespmem:$0xA40];
	v4 =	vmul.f32 $2.000000030e-01, v2  }
0xc0: {  	v6 =	vadd.f32 v7, v6;
	v7 =	vld [tilespmem:$0xC40];
	vm0 =	vge.f32 v2, $0.0e+00;
	v10 =	vmul.f32 $2.000000030e-01, v3  }
0xc1: {  	vm10 =	vge.f32 v3, $0.0e+00;
	v2 =	vsel vm0, v2, v4;
	v4 =	vadd.f32 v9, v8;
	v8 =	vld [tilespmem:$0xA50]  }
0xc2: {  	v3 =	vsel vm10, v3, v10;
	v9 =	vmul.f32 $2.000000030e-01, v6;
	v10 =	vld [tilespmem:$0xC50];
	v2 =	vsub.f32 v2, v1  }
0xc3: {  	v12 =	vld [tilespmem:$0xA60];
	vm11 =	vge.f32 v6, $0.0e+00;
	v3 =	vsub.f32 v3, v1;
	v11 =	vmul.f32 $2.000000030e-01, v4  }
0xc4: {  	v6 =	vsel vm11, v6, v9;
	vm12 =	vge.f32 v4, $0.0e+00;
	v9 =	vld [tilespmem:$0xC60];
	v2 =	vmul.f32 $1.442695020e+00, v2  }
0xc5: {  	v5 =	vadd.f32 v7, v5;
	v3 =	vmul.f32 $1.442695020e+00, v3;
	v4 =	vsel vm12, v4, v11  }
0xc6: {  	(erf) = vpow2.f32 v2;
	v2 =	vsub.f32 v6, v1;
	v4 =	vsub.f32 v4, v1  }
0xc7: {  	v6 =	vadd.f32 v10, v8;
	(erf) = vpow2.f32 v3;
	v3 =	vmul.f32 $2.000000030e-01, v5  }
0xc8: {  	vm13 =	vge.f32 v5, $0.0e+00;
	v2 =	vmul.f32 $1.442695020e+00, v2;
	v4 =	vmul.f32 $1.442695020e+00, v4  }
0xc9: {  	v7 =	vadd.f32 v9, v12;
	v3 =	vsel vm13, v5, v3;
	v5 =	vmul.f32 $2.000000030e-01, v6  }
0xca: {  	vm14 =	vge.f32 v6, $0.0e+00;
	(erf) = vpow2.f32 v2;
	v2 =	vsub.f32 v3, v1  }
0xcb: {  	(erf) = vpow2.f32 v4;
	v3 =	vsel vm14, v6, v5;
	v4 =	vmul.f32 $2.000000030e-01, v7  }
0xcc: {  	vm15 =	vge.f32 v7, $0.0e+00;
	v2 =	vmul.f32 $1.442695020e+00, v2;
	v3 =	vsub.f32 v3, v1  }
0xcd: {  	s11 =	smul.u32 $0x150, s5;
	v4 =	vsel vm15, v7, v4  }
0xce: {  	s1 =	rddreg [dreg:$0x5];
	(erf) = vpow2.f32 v2;
	v2 =	vmul.f32 $1.442695020e+00, v3;
	v3 =	vsub.f32 v4, v1  }
0xcf: {  	s12 =	sadd.s32 s1, s11  }
0xd0: {  	p0 =	slt.u32 s12, $0x50910;
	v5 =	vld [tilespmem:$0x400];
	v4 =	vpop (erf);
	(erf) = vpow2.f32 v2;
	v2 =	vmul.f32 $1.442695020e+00, v3  }
0xd1: {  	s15 =	sadd.s32 $0x10, s12;
	v4 =	vpsel !p0, $0x0, v4  }
0xd2: {  	p1 =	slt.u32 s15, $0x50910;
	[tilespmem:$0xE00] =	vst v4;
	v3 =	vpop (erf);
	v4 =	vld [tilespmem:$0x420]  }
0xd3: {  	s17 =	sadd.s32 $0x20, s12;
	v3 =	vpsel !p1, $0x0, v3  }
0xd4: {  	p2 =	slt.u32 s17, $0x50910;
	(erf) = vpow2.f32 v2;
	v2 =	vpop (erf);
	[tilespmem:$0xE10] =	vst v3;
	v3 =	vld [tilespmem:$0x430]  }
0xd5: {  	s20 =	sadd.s32 $0x30, s12;
	[tilespmem:$0x800] =	vst v5;
	v2 =	vpsel !p2, $0x0, v2  }
0xd6: {  	p3 =	slt.u32 s20, $0x50910;
	v5 =	vpop (erf);
	[tilespmem:$0xE20] =	vst v2;
	v2 =	vld [tilespmem:$0x440]  }
0xd7: {  	s1 =	sadd.s32 $0x40, s12;
	v6 =	vld [tilespmem:$0x410];
	[tilespmem:$0x820] =	vst v4;
	v4 =	vpsel !p3, $0x0, v5  }
0xd8: {  	p4 =	slt.u32 s1, $0x50910;
	v5 =	vpop (erf);
	[tilespmem:$0xE30] =	vst v4  }
0xd9: {  	s3 =	sadd.s32 $0x50, s12;
	v4 =	vld [tilespmem:$0x450];
	[tilespmem:$0x830] =	vst v3;
	v3 =	vpsel !p4, $0x0, v5  }
0xda: {  	p5 =	slt.u32 s3, $0x50910;
	v5 =	vpop (erf);
	[tilespmem:$0xE40] =	vst v3;
	v3 =	vld [tilespmem:$0x460]  }
0xdb: {  	[tilespmem:$0x840] =	vst v2;
	v2 =	vpsel !p5, $0x0, v5  }
0xdc: {  	[tilespmem:$0x810] =	vst v6  }
0xdd: {  	s12 =	sadd.s32 $0x60, s12;
	[tilespmem:$0xE50] =	vst v2  }
0xde: {  	p6 =	slt.u32 s12, $0x50910;
	[tilespmem:$0x850] =	vst v4;
	v2 =	vpop (erf)  }
0xdf: {  	p0 =	seq.s32 s5, $0x0;
	v2 =	vpsel !p6, $0x0, v2;
	[tilespmem:$0x860] =	vst v3  }
0xe0: {  	s12 =	simm.s32 @!p0 $0x6;
	[tilespmem:$0xE60] =	vst v2  }
0xe1: {  	s15 =	simm.s32 $0x0;
	_ =	swait.ge @!p0 [sflag:s12], $0x3800  }
0xe2: {  	v2 =	vmov s15;
	[sflag:s12] =	ssyncset.done @!p0 $0x0  }
0xe3: {  	v2 =	vand.u32 $0xFFFFFFFC, v2;
	[sflag:s12] =	ssyncadd.s32 @!p0 $0xFFFFC800  }
0xe4: {  	v2 =	vbroadcast v2, $0x0;
	s17 =	rddreg [dreg:$0x1]  }
0xe5: {  	[tilespmem:s25], [sflag:$0x3] =	stream.indirect.gather [hbm4b:s17+s23], $0x80, s21, s23, $0xb8;
	[tilespmem:$0x1F580] =	vst v63  }
0xe6: {  	_ =	swait.ge [sflag:s28], $0x3800  }
0xe7: {  	[sflag:s28] =	ssyncset.done $0x0  }
0xe8: {  	s15 =	simm.s32 $0x1100;
	[sflag:s28] =	ssyncadd.s32 $0xFFFFC800  }
0xe9: {  	v3 =	vld [tilespmem:s15+$0xFFFFFF70]  }
0xea: {  	v2 =	vld.idx.msk [tilespmem:v2+s29+$0x0], $0xffff  }
0xeb: {  	v4 =	vld [tilespmem:s15+$0xFFFFFF00]  }
0xec: {  	v5 =	vld [tilespmem:s15+$0xFFFFFF20]  }
0xed: {  	v6 =	vld [tilespmem:s15+$0xFFFFFF50]  }
0xee: {  	v7 =	vld [tilespmem:s15+$0xFFFFFF40]  }
0xef: {  	v8 =	vld [tilespmem:s15+$0xFFFFFF60];
	v3 =	vmul.f32 v3, v2  }
0xf0: {  	s20 =	simm.s32 $0x1;
	v9 =	vld [tilespmem:s15+$0xFFFFFF30];
	v4 =	vmul.f32 v4, v2  }
0xf1: {  	v10 =	vld [tilespmem:s15+$0xFFFFFF10];
	v5 =	vmul.f32 v5, v2;
	[tilespmem:s15+$0xFFFFFF70] =	vst v3;
	v3 =	vmov s20  }
0xf2: {  	v6 =	vmul.f32 v6, v2;
	[tilespmem:s15+$0xFFFFFF00] =	vst v4;
	v3 =	vand.u32 $0xFFFFFFFD, v3  }
0xf3: {  	v4 =	vmul.f32 v7, v2;
	[tilespmem:s15+$0xFFFFFF20] =	vst v5;
	v3 =	vbroadcast v3, $0x0  }
0xf4: {  	v5 =	vmul.f32 v8, v2;
	[tilespmem:s15+$0xFFFFFF50] =	vst v6  }
0xf5: {  	v6 =	vmul.f32 v9, v2;
	[tilespmem:s15+$0xFFFFFF40] =	vst v4  }
0xf6: {  	v2 =	vmul.f32 v10, v2;
	[tilespmem:s15+$0xFFFFFF60] =	vst v5  }
0xf7: {  	[tilespmem:s15+$0xFFFFFF30] =	vst v6  }
0xf8: {  	[tilespmem:s15+$0xFFFFFF10] =	vst v2;
	v2 =	vld [tilespmem:s15+$0xFFFFFF90]  }
0xf9: {  	v4 =	vld.idx.msk [tilespmem:v3+s29+$0x0], $0xffff  }
0xfa: {  	v3 =	vld [tilespmem:s15+$0xFFFFFFA0]  }
0xfb: {  	v5 =	vld [tilespmem:s15+$0xFFFFFF80]  }
0xfc: {  	v6 =	vld [tilespmem:s15+$0xFFFFFFB0]  }
0xfd: {  	v7 =	vld [tilespmem:s15+$0xFFFFFFC0]  }
0xfe: {  	v8 =	vld [tilespmem:s15+$0xFFFFFFD0];
	v2 =	vmul.f32 v2, v4  }
0xff: {  	s25 =	simm.s32 $0x2;
	v9 =	vld [tilespmem:s15+$0xFFFFFFF0];
	v3 =	vmul.f32 v3, v4  }
0x100: {  	v10 =	vld [tilespmem:s15+$0xFFFFFFE0];
	v5 =	vmul.f32 v5, v4;
	[tilespmem:s15+$0xFFFFFF90] =	vst v2;
	v2 =	vmov s25  }
0x101: {  	v6 =	vmul.f32 v6, v4;
	[tilespmem:s15+$0xFFFFFFA0] =	vst v3;
	v2 =	vand.u32 $0xFFFFFFFE, v2  }
0x102: {  	v3 =	vmul.f32 v7, v4;
	[tilespmem:s15+$0xFFFFFF80] =	vst v5;
	v7 =	vld [tilespmem:s15+$0x60];
	v11 =	vbroadcast v2, $0x0  }
0x103: {  	v5 =	vmul.f32 v8, v4;
	[tilespmem:s15+$0xFFFFFFB0] =	vst v6;
	v8 =	vld [tilespmem:s15+$0x0]  }
0x104: {  	v6 =	vmul.f32 v9, v4;
	v2 =	vld [tilespmem:s15+$0x20];
	[tilespmem:s15+$0xFFFFFFC0] =	vst v3  }
0x105: {  	v4 =	vmul.f32 v10, v4;
	v3 =	vld [tilespmem:s15+$0x30];
	[tilespmem:s15+$0xFFFFFFD0] =	vst v5  }
0x106: {  	[tilespmem:s15+$0xFFFFFFF0] =	vst v6;
	v5 =	vld [tilespmem:s15+$0x40]  }
0x107: {  	s12 =	simm.s32 $0x1100;
	[tilespmem:s15+$0xFFFFFFE0] =	vst v4;
	v6 =	vld [tilespmem:s15+$0x10]  }
0x108: {  	s17 =	simm.s32 $0x0;
	s20 =	simm.s32 $0x4;
	s25 =	smul.u32 $0x3, s5;
	v4 =	vld.idx.msk [tilespmem:v11+s29+$0x0], $0xffff  }
.LBB2_5:
0x109: {  	p0 =	slt.u32 s20, $0x6C  }
0x10a: {  	v9 =	vld [tilespmem:s15+$0x50];
	s12 =	sadd.s32 $0x200, s12;
	s3 =	smov.u32 s20;
	s20 =	sadd.s32 $0x4, s20  }
0x10b: {  	v10 =	vld [tilespmem:s15+$0x70];
	_ =	sdelay $0x1  }
0x10c: {  	v7 =	vmul.f32 v7, v4;
	v8 =	vmul.f32 v8, v4  }
0x10d: {  	v5 =	vmul.f32 v5, v4;
	v6 =	vmul.f32 v6, v4  }
0x10e: {  	v2 =	vmul.f32 v2, v4;
	v3 =	vmul.f32 v3, v4;
	[tilespmem:s15+$0x60] =	vst v7  }
0x10f: {  	[tilespmem:s15+$0x40] =	vst v5;
	v5 =	vmul.f32 v9, v4;
	v4 =	vmul.f32 v10, v4  }
0x110: {  	s1 =	sadd.s32 $0x3, s17;
	s17 =	smov.u32 s3;
	[tilespmem:s15+$0x20] =	vst v2;
	v7 =	vld [tilespmem:s15+$0x80]  }
0x111: {  	v2 =	vld [tilespmem:s12+$0x20];
	[tilespmem:s15+$0x0] =	vst v8;
	v8 =	vmov s1  }
0x112: {  	[tilespmem:s15+$0x50] =	vst v5;
	v5 =	vld [tilespmem:s15+$0xE0]  }
0x113: {  	[tilespmem:s15+$0x30] =	vst v3;
	v9 =	vld [tilespmem:s15+$0xC0]  }
0x114: {  	v3 =	vld [tilespmem:s12+$0x30];
	[tilespmem:s15+$0x10] =	vst v6  }
0x115: {  	[tilespmem:s15+$0x70] =	vst v4;
	v4 =	vld [tilespmem:s15+$0xA0]  }
0x116: {  	v6 =	vld.idx.msk [tilespmem:v8+s29+$0x0], $0xffff  }
0x117: {  	v8 =	vld [tilespmem:s15+$0x90]  }
0x118: {  	v10 =	vld [tilespmem:s15+$0xB0]  }
0x119: {  	v11 =	vld [tilespmem:s15+$0xD0]  }
0x11a: {  	v12 =	vld [tilespmem:s15+$0xF0];
	_ =	sdelay $0x1  }
0x11b: {  	v7 =	vmul.f32 v7, v6;
	v8 =	vmul.f32 v8, v6  }
0x11c: {  	v4 =	vmul.f32 v4, v6;
	v10 =	vmul.f32 v10, v6  }
0x11d: {  	v13 =	vmov s17;
	[tilespmem:s15+$0x80] =	vst v7;
	v7 =	vmul.f32 v9, v6;
	v9 =	vmul.f32 v11, v6  }
0x11e: {  	v11 =	vand.u32 $0xFFFFFFFC, v13;
	[tilespmem:s15+$0xA0] =	vst v4;
	v4 =	vmul.f32 v5, v6;
	v5 =	vmul.f32 v12, v6  }
0x11f: {  	v6 =	vbroadcast v11, $0x0;
	[tilespmem:s15+$0xC0] =	vst v7  }
0x120: {  	[tilespmem:s15+$0xF0] =	vst v5  }
0x121: {  	v5 =	vld [tilespmem:s12+$0xFFFFFF40];
	[tilespmem:s15+$0xE0] =	vst v4  }
0x122: {  	v4 =	vld [tilespmem:s12+$0xFFFFFF50];
	[tilespmem:s15+$0x90] =	vst v8  }
0x123: {  	v7 =	vld [tilespmem:s12+$0xFFFFFF60];
	[tilespmem:s15+$0xB0] =	vst v10  }
0x124: {  	v8 =	vld [tilespmem:s12+$0xFFFFFF70];
	[tilespmem:s15+$0xD0] =	vst v9;
	s15 =	smov.u32 s12  }
0x125: {  	v6 =	vld.idx.msk [tilespmem:v6+s29+$0x0], $0xffff  }
0x126: {  	v9 =	vld [tilespmem:s12+$0xFFFFFF00]  }
0x127: {  	v10 =	vld [tilespmem:s12+$0xFFFFFF20]  }
0x128: {  	v11 =	vld [tilespmem:s12+$0xFFFFFF10]  }
0x129: {  	v12 =	vld [tilespmem:s12+$0xFFFFFF30];
	_ =	sdelay $0x1  }
0x12a: {  	v8 =	vmul.f32 v8, v6;
	v9 =	vmul.f32 v9, v6  }
0x12b: {  	s1 =	sadd.s32 $0x1, s17;
	v7 =	vmul.f32 v7, v6;
	v10 =	vmul.f32 v10, v6  }
0x12c: {  	v4 =	vmul.f32 v4, v6;
	v11 =	vmul.f32 v11, v6;
	[tilespmem:s12+$0xFFFFFF70] =	vst v8;
	v8 =	vmov s1  }
0x12d: {  	v5 =	vmul.f32 v5, v6;
	[tilespmem:s12+$0xFFFFFF00] =	vst v9;
	v9 =	vmul.f32 v12, v6;
	v6 =	vand.u32 $0xFFFFFFFD, v8  }
0x12e: {  	[tilespmem:s12+$0xFFFFFF20] =	vst v10;
	v6 =	vbroadcast v6, $0x0  }
0x12f: {  	[tilespmem:s12+$0xFFFFFF50] =	vst v4  }
0x130: {  	[tilespmem:s12+$0xFFFFFF40] =	vst v5;
	v4 =	vld [tilespmem:s12+$0xFFFFFFF0]  }
0x131: {  	[tilespmem:s12+$0xFFFFFF60] =	vst v7;
	v5 =	vld [tilespmem:s12+$0xFFFFFFC0]  }
0x132: {  	[tilespmem:s12+$0xFFFFFF30] =	vst v9;
	v7 =	vld [tilespmem:s12+$0xFFFFFFD0]  }
0x133: {  	[tilespmem:s12+$0xFFFFFF10] =	vst v11;
	v8 =	vld [tilespmem:s12+$0xFFFFFF90]  }
0x134: {  	v6 =	vld.idx.msk [tilespmem:v6+s29+$0x0], $0xffff  }
0x135: {  	v9 =	vld [tilespmem:s12+$0xFFFFFF80]  }
0x136: {  	v10 =	vld [tilespmem:s12+$0xFFFFFFA0]  }
0x137: {  	v11 =	vld [tilespmem:s12+$0xFFFFFFB0]  }
0x138: {  	v12 =	vld [tilespmem:s12+$0xFFFFFFE0];
	_ =	sdelay $0x1  }
0x139: {  	v8 =	vmul.f32 v8, v6;
	v9 =	vmul.f32 v9, v6  }
0x13a: {  	s1 =	sadd.s32 $0x2, s17;
	v7 =	vmul.f32 v7, v6;
	v10 =	vmul.f32 v10, v6  }
0x13b: {  	v5 =	vmul.f32 v5, v6;
	[tilespmem:s12+$0xFFFFFF90] =	vst v8;
	v8 =	vmul.f32 v11, v6;
	v11 =	vmov s1  }
0x13c: {  	v4 =	vmul.f32 v4, v6;
	[tilespmem:s12+$0xFFFFFFA0] =	vst v10;
	v10 =	vmul.f32 v12, v6;
	v6 =	vand.u32 $0xFFFFFFFE, v11  }
0x13d: {  	[tilespmem:s12+$0xFFFFFF80] =	vst v9;
	v6 =	vbroadcast v6, $0x0  }
0x13e: {  	[tilespmem:s12+$0xFFFFFFB0] =	vst v8  }
0x13f: {  	[tilespmem:s12+$0xFFFFFFC0] =	vst v5  }
0x140: {  	[tilespmem:s12+$0xFFFFFFD0] =	vst v7  }
.Ltmp1:
0x141: {  	[tilespmem:s12+$0xFFFFFFF0] =	vst v4;
	v5 =	vld [tilespmem:s12+$0x40];
	(pc) =	sbr.rel @p0 .LBB2_5-.Ltmp1, $4  }
0x142: {  	[tilespmem:s12+$0xFFFFFFE0] =	vst v10;
	v7 =	vld [tilespmem:s12+$0x60]  }
0x143: {  	v4 =	vld.idx.msk [tilespmem:v6+s29+$0x0], $0xffff  }
0x144: {  	v8 =	vld [tilespmem:s12+$0x0]  }
0x145: {  	v6 =	vld [tilespmem:s12+$0x10]  }
0x146: {  	_ =	sdelay $0x1  }
0x147: {  	v7 =	vmul.f32 v7, v4  }
0x148: {  	v9 =	vld [tilespmem:s15+$0x50];
	v5 =	vmul.f32 v5, v4  }
0x149: {  	v10 =	vld [tilespmem:s15+$0x70];
	v2 =	vmul.f32 v2, v4;
	[tilespmem:s15+$0x60] =	vst v7  }
0x14a: {  	v7 =	vmul.f32 v8, v4;
	[tilespmem:s15+$0x40] =	vst v5  }
0x14b: {  	s1 =	sadd.s32 $0x3, s17;
	[tilespmem:s15+$0x20] =	vst v2;
	v2 =	vmul.f32 v3, v4  }
0x14c: {  	v6 =	vmul.f32 v6, v4;
	[tilespmem:s15+$0x0] =	vst v7;
	v7 =	vmov s1  }
0x14d: {  	v5 =	vmul.f32 v9, v4;
	[tilespmem:s15+$0x30] =	vst v2  }
0x14e: {  	v4 =	vmul.f32 v10, v4;
	[tilespmem:s15+$0x10] =	vst v6  }
0x14f: {  	[tilespmem:s15+$0x50] =	vst v5  }
0x150: {  	v3 =	vld [tilespmem:s15+$0x80];
	[tilespmem:s15+$0x70] =	vst v4  }
0x151: {  	v2 =	vld.idx.msk [tilespmem:v7+s29+$0x0], $0xffff  }
0x152: {  	v4 =	vld [tilespmem:s15+$0xA0]  }
0x153: {  	v5 =	vld [tilespmem:s15+$0xC0]  }
0x154: {  	v6 =	vld [tilespmem:s15+$0xF0]  }
0x155: {  	v7 =	vld [tilespmem:s15+$0xE0]  }
0x156: {  	v8 =	vld [tilespmem:s15+$0x90];
	v3 =	vmul.f32 v3, v2  }
0x157: {  	v9 =	vld [tilespmem:s15+$0xB0];
	v4 =	vmul.f32 v4, v2  }
0x158: {  	v10 =	vld [tilespmem:s15+$0xD0];
	[tilespmem:s15+$0x80] =	vst v3;
	v3 =	vmul.f32 v5, v2  }
0x159: {  	[tilespmem:s15+$0xA0] =	vst v4;
	v4 =	vmul.f32 v6, v2  }
0x15a: {  	v5 =	vmul.f32 v7, v2;
	[tilespmem:s15+$0xC0] =	vst v3  }
0x15b: {  	s17 =	smin.u32 s25, $0x59;
	v3 =	vmul.f32 v8, v2;
	[tilespmem:s15+$0xF0] =	vst v4  }
0x15c: {  	s1 =	smul.u32 $0x70, s17;
	v4 =	vmul.f32 v9, v2;
	[tilespmem:s15+$0xE0] =	vst v5  }
0x15d: {  	s17 =	rddreg [dreg:$0x1a];
	v2 =	vmul.f32 v10, v2;
	[tilespmem:s15+$0x90] =	vst v3  }
0x15e: {  	s3 =	rddreg [dreg:$0x2];
	s1 =	sadd.s32 s1, s17;
	[tilespmem:s15+$0xB0] =	vst v4  }
0x15f: {  	s12 =	simm.s32 $0x1000;
	s20 =	simm.s32 $0x800;
	s1 =	sshrl.u32 s1, $0x3;
	[tilespmem:s15+$0xD0] =	vst v2  }
0x160: {  	[spmem:s3] =	stream.indirect.scatter.add.f32 [tilespmem:s12], [sflag:$0x4], $0x80, s20, s23, $0xb8;
	[tilespmem:$0x1F580] =	vst v63  }
0x161: {  	s17 =	simm.s32 $0x400;
	s15 =	simm.s32 $0x0;
	s20 =	sadd.s32 s6, s1  }
0x162: {  	[tilespmem:s17], [sflag:$0x7] =	stream.linear.gather [hbm4b:s20+s15], $0x70, $0x38;
	[tilespmem:$0x1F580] =	vst v63  }
0x163: {  	s1 =	sadd.s32 s2, s1  }
0x164: {  	[tilespmem:s16], [sflag:$0x7] =	stream.linear.gather [hbm4b:s1+s15], $0x70, $0x38;
	[tilespmem:$0x1F580] =	vst v63  }
0x165: {  	_ =	swait.ge [sflag:s22], $0x70  }
0x166: {  	[sflag:s22] =	ssyncset.done $0x0  }
0x167: {  	[sflag:s22] =	ssyncadd.s32 $0xFFFFFF90  }
0x168: {  	_ =	swait.ge [sflag:s22], $0x70  }
0x169: {  	[sflag:s22] =	ssyncset.done $0x0  }
0x16a: {  	s20 =	simm.s32 $0xA00;
	[sflag:s22] =	ssyncadd.s32 $0xFFFFFF90  }
0x16b: {  	[tilespmem:s20], [sflag:$0xA] =	stream.indirect.gather [hbm4b:s7+s23], $0x1, s17, s23, $0xb8;
	[tilespmem:$0x1F580] =	vst v63  }
0x16c: {  	s3 =	simm.s32 $0xC00  }
0x16d: {  	[tilespmem:s3], [sflag:$0xA] =	stream.indirect.gather [hbm4b:s8+s23], $0x1, s16, s23, $0xb8;
	[tilespmem:$0x1F580] =	vst v63  }
0x16e: {  	_ =	swait.ge [sflag:s10], $0x70  }
0x16f: {  	[sflag:s10] =	ssyncset.done $0x0  }
0x170: {  	[sflag:s10] =	ssyncadd.s32 $0xFFFFFF90  }
0x171: {  	_ =	swait.ge [sflag:s10], $0x70  }
0x172: {  	[sflag:s10] =	ssyncset.done $0x0  }
0x173: {  	[sflag:s10] =	ssyncadd.s32 $0xFFFFFF90  }
0x174: {  	v2 =	vld [tilespmem:$0xA80]  }
0x175: {  	v3 =	vld [tilespmem:$0xC80]  }
0x176: {  	v4 =	vld [tilespmem:$0xA90]  }
0x177: {  	v5 =	vld [tilespmem:$0xC90]  }
0x178: {  	v6 =	vld [tilespmem:$0xAA0]  }
0x179: {  	v7 =	vld [tilespmem:$0xCA0]  }
0x17a: {  	v8 =	vld [tilespmem:$0xAB0]  }
0x17b: {  	v9 =	vld [tilespmem:$0xCB0]  }
0x17c: {  	v2 =	vadd.f32 v3, v2  }
0x17d: {  	v3 =	vadd.f32 v5, v4  }
0x17e: {  	v5 =	vld [tilespmem:$0xAC0];
	v4 =	vmul.f32 $2.000000030e-01, v2  }
0x17f: {  	v6 =	vadd.f32 v7, v6;
	v7 =	vld [tilespmem:$0xCC0];
	vm0 =	vge.f32 v2, $0.0e+00;
	v10 =	vmul.f32 $2.000000030e-01, v3  }
0x180: {  	vm10 =	vge.f32 v3, $0.0e+00;
	v2 =	vsel vm0, v2, v4;
	v4 =	vadd.f32 v9, v8;
	v8 =	vld [tilespmem:$0xAD0]  }
0x181: {  	v3 =	vsel vm10, v3, v10;
	v9 =	vmul.f32 $2.000000030e-01, v6;
	v10 =	vld [tilespmem:$0xCD0];
	v2 =	vsub.f32 v2, v1  }
0x182: {  	v12 =	vld [tilespmem:$0xAE0];
	vm11 =	vge.f32 v6, $0.0e+00;
	v3 =	vsub.f32 v3, v1;
	v11 =	vmul.f32 $2.000000030e-01, v4  }
0x183: {  	v6 =	vsel vm11, v6, v9;
	vm12 =	vge.f32 v4, $0.0e+00;
	v9 =	vld [tilespmem:$0xCE0];
	v2 =	vmul.f32 $1.442695020e+00, v2  }
0x184: {  	v5 =	vadd.f32 v7, v5;
	v3 =	vmul.f32 $1.442695020e+00, v3;
	v4 =	vsel vm12, v4, v11  }
0x185: {  	(erf) = vpow2.f32 v2;
	v2 =	vsub.f32 v6, v1;
	v4 =	vsub.f32 v4, v1  }
0x186: {  	v6 =	vadd.f32 v10, v8;
	(erf) = vpow2.f32 v3;
	v3 =	vmul.f32 $2.000000030e-01, v5  }
0x187: {  	vm13 =	vge.f32 v5, $0.0e+00;
	v2 =	vmul.f32 $1.442695020e+00, v2;
	v4 =	vmul.f32 $1.442695020e+00, v4  }
0x188: {  	v7 =	vadd.f32 v9, v12;
	v3 =	vsel vm13, v5, v3;
	v5 =	vmul.f32 $2.000000030e-01, v6  }
0x189: {  	vm14 =	vge.f32 v6, $0.0e+00;
	(erf) = vpow2.f32 v2;
	v2 =	vsub.f32 v3, v1  }
0x18a: {  	(erf) = vpow2.f32 v4;
	v3 =	vsel vm14, v6, v5;
	v4 =	vmul.f32 $2.000000030e-01, v7  }
0x18b: {  	vm15 =	vge.f32 v7, $0.0e+00;
	v2 =	vmul.f32 $1.442695020e+00, v2;
	v3 =	vsub.f32 v3, v1  }
0x18c: {  	v4 =	vsel vm15, v7, v4  }
0x18d: {  	s17 =	rddreg [dreg:$0xa];
	(erf) = vpow2.f32 v2;
	v2 =	vmul.f32 $1.442695020e+00, v3;
	v3 =	vsub.f32 v4, v1  }
0x18e: {  	s1 =	sadd.s32 s11, s17  }
0x18f: {  	p0 =	slt.u32 s1, $0x50910;
	v5 =	vld [tilespmem:$0x480];
	v4 =	vpop (erf);
	(erf) = vpow2.f32 v2;
	v2 =	vmul.f32 $1.442695020e+00, v3  }
0x190: {  	s20 =	sadd.s32 $0x10, s1;
	v4 =	vpsel !p0, $0x0, v4  }
0x191: {  	p1 =	slt.u32 s20, $0x50910;
	[tilespmem:$0xE80] =	vst v4;
	v3 =	vpop (erf);
	v4 =	vld [tilespmem:$0x4A0]  }
0x192: {  	s17 =	sadd.s32 $0x20, s1;
	v3 =	vpsel !p1, $0x0, v3  }
0x193: {  	p2 =	slt.u32 s17, $0x50910;
	(erf) = vpow2.f32 v2;
	v2 =	vpop (erf);
	[tilespmem:$0xE90] =	vst v3;
	v3 =	vld [tilespmem:$0x4B0]  }
0x194: {  	s20 =	sadd.s32 $0x30, s1;
	[tilespmem:$0x880] =	vst v5;
	v2 =	vpsel !p2, $0x0, v2  }
0x195: {  	p3 =	slt.u32 s20, $0x50910;
	v5 =	vpop (erf);
	[tilespmem:$0xEA0] =	vst v2;
	v2 =	vld [tilespmem:$0x4C0]  }
0x196: {  	s17 =	sadd.s32 $0x40, s1;
	v6 =	vld [tilespmem:$0x490];
	[tilespmem:$0x8A0] =	vst v4;
	v4 =	vpsel !p3, $0x0, v5  }
0x197: {  	p4 =	slt.u32 s17, $0x50910;
	v5 =	vpop (erf);
	[tilespmem:$0xEB0] =	vst v4  }
0x198: {  	s20 =	sadd.s32 $0x50, s1;
	v4 =	vld [tilespmem:$0x4D0];
	[tilespmem:$0x8B0] =	vst v3;
	v3 =	vpsel !p4, $0x0, v5  }
0x199: {  	p5 =	slt.u32 s20, $0x50910;
	v5 =	vpop (erf);
	[tilespmem:$0xEC0] =	vst v3;
	v3 =	vld [tilespmem:$0x4E0]  }
0x19a: {  	[tilespmem:$0x8C0] =	vst v2;
	v2 =	vpsel !p5, $0x0, v5  }
0x19b: {  	[tilespmem:$0x890] =	vst v6  }
0x19c: {  	s1 =	sadd.s32 $0x60, s1;
	[tilespmem:$0xED0] =	vst v2  }
0x19d: {  	p6 =	slt.u32 s1, $0x50910;
	[tilespmem:$0x8D0] =	vst v4;
	v2 =	vpop (erf)  }
0x19e: {  	v2 =	vpsel !p6, $0x0, v2;
	[tilespmem:$0x8E0] =	vst v3  }
0x19f: {  	[tilespmem:$0xEE0] =	vst v2  }
0x1a0: {  	_ =	swait.ge [sflag:s13], $0x3800  }
0x1a1: {  	v2 =	vmov s15;
	[sflag:s13] =	ssyncset.done $0x0  }
0x1a2: {  	v2 =	vand.u32 $0xFFFFFFFC, v2;
	[sflag:s13] =	ssyncadd.s32 $0xFFFFC800  }
0x1a3: {  	v2 =	vbroadcast v2, $0x0;
	s3 =	rddreg [dreg:$0x1]  }
0x1a4: {  	[tilespmem:s12], [sflag:$0x1] =	stream.indirect.gather [hbm4b:s3+s23], $0x80, s16, s23, $0xb8;
	[tilespmem:$0x1F580] =	vst v63  }
0x1a5: {  	_ =	swait.ge [sflag:s4], $0x3800  }
0x1a6: {  	[sflag:s4] =	ssyncset.done $0x0  }
0x1a7: {  	s17 =	simm.s32 $0x49F0;
	[sflag:s4] =	ssyncadd.s32 $0xFFFFC800  }
0x1a8: {  	v3 =	vld [tilespmem:s17+$0xFFFFFE80]  }
0x1a9: {  	v2 =	vld.idx.msk [tilespmem:v2+s9+$0x0], $0xffff  }
0x1aa: {  	v4 =	vld [tilespmem:s17+$0xFFFFFE10]  }
0x1ab: {  	v5 =	vld [tilespmem:s17+$0xFFFFFE30]  }
0x1ac: {  	v6 =	vld [tilespmem:s17+$0xFFFFFE60]  }
0x1ad: {  	v7 =	vld [tilespmem:s17+$0xFFFFFE50]  }
0x1ae: {  	v8 =	vld [tilespmem:s17+$0xFFFFFE70];
	v3 =	vmul.f32 v3, v2  }
0x1af: {  	s12 =	simm.s32 $0x1;
	v9 =	vld [tilespmem:s17+$0xFFFFFE40];
	v4 =	vmul.f32 v4, v2  }
0x1b0: {  	v10 =	vld [tilespmem:s17+$0xFFFFFE20];
	v5 =	vmul.f32 v5, v2;
	[tilespmem:s17+$0xFFFFFE80] =	vst v3;
	v3 =	vmov s12  }
0x1b1: {  	v6 =	vmul.f32 v6, v2;
	[tilespmem:s17+$0xFFFFFE10] =	vst v4;
	v3 =	vand.u32 $0xFFFFFFFD, v3  }
0x1b2: {  	v4 =	vmul.f32 v7, v2;
	[tilespmem:s17+$0xFFFFFE30] =	vst v5;
	v3 =	vbroadcast v3, $0x0  }
0x1b3: {  	v5 =	vmul.f32 v8, v2;
	[tilespmem:s17+$0xFFFFFE60] =	vst v6  }
0x1b4: {  	v6 =	vmul.f32 v9, v2;
	[tilespmem:s17+$0xFFFFFE50] =	vst v4  }
0x1b5: {  	v2 =	vmul.f32 v10, v2;
	[tilespmem:s17+$0xFFFFFE70] =	vst v5  }
0x1b6: {  	[tilespmem:s17+$0xFFFFFE40] =	vst v6  }
0x1b7: {  	[tilespmem:s17+$0xFFFFFE20] =	vst v2;
	v2 =	vld [tilespmem:s17+$0xFFFFFEA0]  }
0x1b8: {  	v4 =	vld.idx.msk [tilespmem:v3+s9+$0x0], $0xffff  }
0x1b9: {  	v3 =	vld [tilespmem:s17+$0xFFFFFEB0]  }
0x1ba: {  	v5 =	vld [tilespmem:s17+$0xFFFFFE90]  }
0x1bb: {  	v6 =	vld [tilespmem:s17+$0xFFFFFEC0]  }
0x1bc: {  	v7 =	vld [tilespmem:s17+$0xFFFFFED0]  }
0x1bd: {  	v8 =	vld [tilespmem:s17+$0xFFFFFEE0];
	v2 =	vmul.f32 v2, v4  }
0x1be: {  	s20 =	simm.s32 $0x2;
	v9 =	vld [tilespmem:s17+$0xFFFFFF00];
	v3 =	vmul.f32 v3, v4  }
0x1bf: {  	v10 =	vld [tilespmem:s17+$0xFFFFFEF0];
	v5 =	vmul.f32 v5, v4;
	[tilespmem:s17+$0xFFFFFEA0] =	vst v2;
	v2 =	vmov s20  }
0x1c0: {  	v6 =	vmul.f32 v6, v4;
	[tilespmem:s17+$0xFFFFFEB0] =	vst v3;
	v2 =	vand.u32 $0xFFFFFFFE, v2  }
0x1c1: {  	v3 =	vmul.f32 v7, v4;
	[tilespmem:s17+$0xFFFFFE90] =	vst v5;
	v7 =	vld [tilespmem:s17+$0xFFFFFF70];
	v11 =	vbroadcast v2, $0x0  }
0x1c2: {  	v5 =	vmul.f32 v8, v4;
	[tilespmem:s17+$0xFFFFFEC0] =	vst v6;
	v8 =	vld [tilespmem:s17+$0xFFFFFF10]  }
0x1c3: {  	v6 =	vmul.f32 v9, v4;
	v2 =	vld [tilespmem:s17+$0xFFFFFF30];
	[tilespmem:s17+$0xFFFFFED0] =	vst v3  }
0x1c4: {  	v4 =	vmul.f32 v10, v4;
	v3 =	vld [tilespmem:s17+$0xFFFFFF40];
	[tilespmem:s17+$0xFFFFFEE0] =	vst v5  }
0x1c5: {  	[tilespmem:s17+$0xFFFFFF00] =	vst v6;
	v5 =	vld [tilespmem:s17+$0xFFFFFF50]  }
0x1c6: {  	[tilespmem:s17+$0xFFFFFEF0] =	vst v4;
	v6 =	vld [tilespmem:s17+$0xFFFFFF20]  }
0x1c7: {  	s12 =	simm.s32 $0x49F0;
	s20 =	simm.s32 $0x4;
	v4 =	vld.idx.msk [tilespmem:v11+s9+$0x0], $0xffff  }
.LBB2_7:
0x1c8: {  	p0 =	slt.u32 s20, $0x6C  }
0x1c9: {  	v9 =	vld [tilespmem:s17+$0xFFFFFF60];
	s12 =	sadd.s32 $0x200, s12;
	s1 =	smov.u32 s20;
	s20 =	sadd.s32 $0x4, s20  }
0x1ca: {  	v10 =	vld [tilespmem:s17+$0xFFFFFF80];
	_ =	sdelay $0x1  }
0x1cb: {  	v7 =	vmul.f32 v7, v4;
	v8 =	vmul.f32 v8, v4  }
0x1cc: {  	v5 =	vmul.f32 v5, v4;
	v6 =	vmul.f32 v6, v4  }
0x1cd: {  	v2 =	vmul.f32 v2, v4;
	v3 =	vmul.f32 v3, v4;
	[tilespmem:s17+$0xFFFFFF70] =	vst v7  }
0x1ce: {  	[tilespmem:s17+$0xFFFFFF50] =	vst v5;
	v5 =	vmul.f32 v9, v4;
	v4 =	vmul.f32 v10, v4  }
0x1cf: {  	s3 =	sadd.s32 $0x3, s15;
	s15 =	smov.u32 s1;
	[tilespmem:s17+$0xFFFFFF30] =	vst v2;
	v7 =	vld [tilespmem:s17+$0xFFFFFFF0]  }
0x1d0: {  	v2 =	vld [tilespmem:s12+$0xFFFFFF30];
	[tilespmem:s17+$0xFFFFFF10] =	vst v8;
	v8 =	vmov s3  }
0x1d1: {  	[tilespmem:s17+$0xFFFFFF60] =	vst v5;
	v5 =	vld [tilespmem:s17+$0xFFFFFF90]  }
0x1d2: {  	[tilespmem:s17+$0xFFFFFF40] =	vst v3;
	v9 =	vld [tilespmem:s17+$0xFFFFFFD0]  }
0x1d3: {  	v3 =	vld [tilespmem:s12+$0xFFFFFF40];
	[tilespmem:s17+$0xFFFFFF20] =	vst v6  }
0x1d4: {  	[tilespmem:s17+$0xFFFFFF80] =	vst v4;
	v4 =	vld [tilespmem:s17+$0xFFFFFFB0]  }
0x1d5: {  	v6 =	vld.idx.msk [tilespmem:v8+s9+$0x0], $0xffff  }
0x1d6: {  	v8 =	vld [tilespmem:s17+$0xFFFFFFA0]  }
0x1d7: {  	v10 =	vld [tilespmem:s17+$0xFFFFFFC0]  }
0x1d8: {  	v11 =	vld [tilespmem:s17+$0xFFFFFFE0]  }
0x1d9: {  	v12 =	vld [tilespmem:s17+$0x0];
	_ =	sdelay $0x1  }
0x1da: {  	v5 =	vmul.f32 v5, v6;
	v8 =	vmul.f32 v8, v6  }
0x1db: {  	v4 =	vmul.f32 v4, v6;
	v10 =	vmul.f32 v10, v6  }
0x1dc: {  	v13 =	vmov s15;
	[tilespmem:s17+$0xFFFFFF90] =	vst v5;
	v5 =	vmul.f32 v9, v6;
	v9 =	vmul.f32 v11, v6  }
0x1dd: {  	v11 =	vand.u32 $0xFFFFFFFC, v13;
	[tilespmem:s17+$0xFFFFFFB0] =	vst v4;
	v4 =	vmul.f32 v7, v6;
	v6 =	vmul.f32 v12, v6  }
0x1de: {  	v7 =	vbroadcast v11, $0x0;
	[tilespmem:s17+$0xFFFFFFD0] =	vst v5  }
0x1df: {  	[tilespmem:s17+$0x0] =	vst v6  }
0x1e0: {  	v5 =	vld [tilespmem:s12+$0xFFFFFE50];
	[tilespmem:s17+$0xFFFFFFF0] =	vst v4  }
0x1e1: {  	v4 =	vld [tilespmem:s12+$0xFFFFFE60];
	[tilespmem:s17+$0xFFFFFFA0] =	vst v8  }
0x1e2: {  	v6 =	vld [tilespmem:s12+$0xFFFFFE70];
	[tilespmem:s17+$0xFFFFFFC0] =	vst v10  }
0x1e3: {  	v8 =	vld [tilespmem:s12+$0xFFFFFE80];
	[tilespmem:s17+$0xFFFFFFE0] =	vst v9;
	s17 =	smov.u32 s12  }
0x1e4: {  	v7 =	vld.idx.msk [tilespmem:v7+s9+$0x0], $0xffff  }
0x1e5: {  	v9 =	vld [tilespmem:s12+$0xFFFFFE10]  }
0x1e6: {  	v10 =	vld [tilespmem:s12+$0xFFFFFE30]  }
0x1e7: {  	v11 =	vld [tilespmem:s12+$0xFFFFFE20]  }
0x1e8: {  	v12 =	vld [tilespmem:s12+$0xFFFFFE40];
	_ =	sdelay $0x1  }
0x1e9: {  	v8 =	vmul.f32 v8, v7;
	v9 =	vmul.f32 v9, v7  }
0x1ea: {  	s1 =	sadd.s32 $0x1, s15;
	v6 =	vmul.f32 v6, v7;
	v10 =	vmul.f32 v10, v7  }
0x1eb: {  	v4 =	vmul.f32 v4, v7;
	v11 =	vmul.f32 v11, v7;
	[tilespmem:s12+$0xFFFFFE80] =	vst v8;
	v8 =	vmov s1  }
0x1ec: {  	v5 =	vmul.f32 v5, v7;
	[tilespmem:s12+$0xFFFFFE10] =	vst v9;
	v9 =	vmul.f32 v12, v7;
	v7 =	vand.u32 $0xFFFFFFFD, v8  }
0x1ed: {  	[tilespmem:s12+$0xFFFFFE30] =	vst v10;
	v7 =	vbroadcast v7, $0x0  }
0x1ee: {  	[tilespmem:s12+$0xFFFFFE60] =	vst v4  }
0x1ef: {  	[tilespmem:s12+$0xFFFFFE50] =	vst v5;
	v4 =	vld [tilespmem:s12+$0xFFFFFF00]  }
0x1f0: {  	[tilespmem:s12+$0xFFFFFE70] =	vst v6;
	v5 =	vld [tilespmem:s12+$0xFFFFFED0]  }
0x1f1: {  	[tilespmem:s12+$0xFFFFFE40] =	vst v9;
	v6 =	vld [tilespmem:s12+$0xFFFFFEE0]  }
0x1f2: {  	[tilespmem:s12+$0xFFFFFE20] =	vst v11;
	v8 =	vld [tilespmem:s12+$0xFFFFFEA0]  }
0x1f3: {  	v7 =	vld.idx.msk [tilespmem:v7+s9+$0x0], $0xffff  }
0x1f4: {  	v9 =	vld [tilespmem:s12+$0xFFFFFE90]  }
0x1f5: {  	v10 =	vld [tilespmem:s12+$0xFFFFFEB0]  }
0x1f6: {  	v11 =	vld [tilespmem:s12+$0xFFFFFEC0]  }
0x1f7: {  	v12 =	vld [tilespmem:s12+$0xFFFFFEF0];
	_ =	sdelay $0x1  }
0x1f8: {  	v8 =	vmul.f32 v8, v7;
	v9 =	vmul.f32 v9, v7  }
0x1f9: {  	s1 =	sadd.s32 $0x2, s15;
	v6 =	vmul.f32 v6, v7;
	v10 =	vmul.f32 v10, v7  }
0x1fa: {  	v5 =	vmul.f32 v5, v7;
	[tilespmem:s12+$0xFFFFFEA0] =	vst v8;
	v8 =	vmul.f32 v11, v7;
	v11 =	vmov s1  }
0x1fb: {  	v4 =	vmul.f32 v4, v7;
	[tilespmem:s12+$0xFFFFFEB0] =	vst v10;
	v10 =	vmul.f32 v12, v7;
	v7 =	vand.u32 $0xFFFFFFFE, v11  }
0x1fc: {  	[tilespmem:s12+$0xFFFFFE90] =	vst v9;
	v9 =	vbroadcast v7, $0x0  }
0x1fd: {  	[tilespmem:s12+$0xFFFFFEC0] =	vst v8  }
0x1fe: {  	[tilespmem:s12+$0xFFFFFED0] =	vst v5  }
0x1ff: {  	[tilespmem:s12+$0xFFFFFEE0] =	vst v6  }
.Ltmp2:
0x200: {  	[tilespmem:s12+$0xFFFFFF00] =	vst v4;
	v5 =	vld [tilespmem:s12+$0xFFFFFF50];
	(pc) =	sbr.rel @p0 .LBB2_7-.Ltmp2, $4  }
0x201: {  	[tilespmem:s12+$0xFFFFFEF0] =	vst v10;
	v7 =	vld [tilespmem:s12+$0xFFFFFF70]  }
0x202: {  	v4 =	vld.idx.msk [tilespmem:v9+s9+$0x0], $0xffff  }
0x203: {  	v8 =	vld [tilespmem:s12+$0xFFFFFF10]  }
0x204: {  	v6 =	vld [tilespmem:s12+$0xFFFFFF20]  }
0x205: {  	_ =	sdelay $0x1  }
0x206: {  	v7 =	vmul.f32 v7, v4  }
0x207: {  	v9 =	vld [tilespmem:s17+$0xFFFFFF60];
	v5 =	vmul.f32 v5, v4  }
0x208: {  	v10 =	vld [tilespmem:s17+$0xFFFFFF80];
	v2 =	vmul.f32 v2, v4;
	[tilespmem:s17+$0xFFFFFF70] =	vst v7  }
0x209: {  	v7 =	vmul.f32 v8, v4;
	[tilespmem:s17+$0xFFFFFF50] =	vst v5  }
0x20a: {  	s1 =	sadd.s32 $0x3, s15;
	[tilespmem:s17+$0xFFFFFF30] =	vst v2;
	v2 =	vmul.f32 v3, v4  }
0x20b: {  	v3 =	vmov s1;
	v6 =	vmul.f32 v6, v4;
	[tilespmem:s17+$0xFFFFFF10] =	vst v7  }
0x20c: {  	v5 =	vmul.f32 v9, v4;
	[tilespmem:s17+$0xFFFFFF40] =	vst v2  }
0x20d: {  	v4 =	vmul.f32 v10, v4;
	[tilespmem:s17+$0xFFFFFF20] =	vst v6  }
0x20e: {  	[tilespmem:s17+$0xFFFFFF60] =	vst v5  }
0x20f: {  	v2 =	vld [tilespmem:s17+$0xFFFFFF90];
	[tilespmem:s17+$0xFFFFFF80] =	vst v4  }
0x210: {  	v3 =	vld.idx.msk [tilespmem:v3+s9+$0x0], $0xffff  }
0x211: {  	v4 =	vld [tilespmem:s17+$0xFFFFFFB0]  }
0x212: {  	v5 =	vld [tilespmem:s17+$0xFFFFFFD0]  }
0x213: {  	v6 =	vld [tilespmem:s17+$0x0]  }
0x214: {  	v7 =	vld [tilespmem:s17+$0xFFFFFFF0]  }
0x215: {  	v8 =	vld [tilespmem:s17+$0xFFFFFFA0];
	v2 =	vmul.f32 v2, v3  }
0x216: {  	v9 =	vld [tilespmem:s17+$0xFFFFFFC0];
	v4 =	vmul.f32 v4, v3  }
0x217: {  	v10 =	vld [tilespmem:s17+$0xFFFFFFE0];
	[tilespmem:s17+$0xFFFFFF90] =	vst v2;
	v2 =	vmul.f32 v5, v3  }
0x218: {  	[tilespmem:s17+$0xFFFFFFB0] =	vst v4;
	v4 =	vmul.f32 v6, v3  }
0x219: {  	v5 =	vmul.f32 v7, v3;
	[tilespmem:s17+$0xFFFFFFD0] =	vst v2  }
0x21a: {  	s15 =	smin.u32 s25, $0x58;
	v2 =	vmul.f32 v8, v3;
	[tilespmem:s17+$0x0] =	vst v4  }
0x21b: {  	s1 =	smul.u32 $0x70, s15;
	v4 =	vmul.f32 v9, v3;
	[tilespmem:s17+$0xFFFFFFF0] =	vst v5  }
0x21c: {  	s20 =	rddreg [dreg:$0x1b];
	v3 =	vmul.f32 v10, v3;
	[tilespmem:s17+$0xFFFFFFA0] =	vst v2  }
0x21d: {  	s3 =	rddreg [dreg:$0x2];
	s1 =	sadd.s32 s1, s20;
	[tilespmem:s17+$0xFFFFFFC0] =	vst v4  }
0x21e: {  	s12 =	simm.s32 $0x880;
	s1 =	sshrl.u32 s1, $0x3;
	[tilespmem:s17+$0xFFFFFFE0] =	vst v3;
	s17 =	simm.s32 $0x4800  }
0x21f: {  	[spmem:s3] =	stream.indirect.scatter.add.f32 [tilespmem:s17], [sflag:$0x5], $0x80, s12, s23, $0xb8;
	[tilespmem:$0x1F580] =	vst v63  }
0x220: {  	s15 =	simm.s32 $0x0;
	s20 =	simm.s32 $0x480;
	s12 =	sadd.s32 s6, s1  }
0x221: {  	[tilespmem:s20], [sflag:$0x8] =	stream.linear.gather [hbm4b:s12+s15], $0x70, $0x38;
	[tilespmem:$0x1F580] =	vst v63  }
0x222: {  	s1 =	sadd.s32 s2, s1  }
0x223: {  	[tilespmem:s18], [sflag:$0x8] =	stream.linear.gather [hbm4b:s1+s15], $0x70, $0x38;
	[tilespmem:$0x1F580] =	vst v63  }
0x224: {  	_ =	swait.ge [sflag:s26], $0x70  }
0x225: {  	[sflag:s26] =	ssyncset.done $0x0  }
0x226: {  	[sflag:s26] =	ssyncadd.s32 $0xFFFFFF90  }
0x227: {  	_ =	swait.ge [sflag:s26], $0x70  }
0x228: {  	[sflag:s26] =	ssyncset.done $0x0  }
0x229: {  	s3 =	simm.s32 $0xA80;
	[sflag:s26] =	ssyncadd.s32 $0xFFFFFF90  }
0x22a: {  	[tilespmem:s3], [sflag:$0xB] =	stream.indirect.gather [hbm4b:s7+s23], $0x1, s20, s23, $0xb8;
	[tilespmem:$0x1F580] =	vst v63  }
0x22b: {  	s20 =	simm.s32 $0xC80  }
0x22c: {  	[tilespmem:s20], [sflag:$0xB] =	stream.indirect.gather [hbm4b:s8+s23], $0x1, s18, s23, $0xb8;
	[tilespmem:$0x1F580] =	vst v63  }
0x22d: {  	_ =	swait.ge [sflag:s14], $0x70  }
0x22e: {  	[sflag:s14] =	ssyncset.done $0x0  }
0x22f: {  	[sflag:s14] =	ssyncadd.s32 $0xFFFFFF90  }
0x230: {  	_ =	swait.ge [sflag:s14], $0x70  }
0x231: {  	[sflag:s14] =	ssyncset.done $0x0  }
0x232: {  	[sflag:s14] =	ssyncadd.s32 $0xFFFFFF90  }
0x233: {  	v2 =	vld [tilespmem:$0xB00]  }
0x234: {  	v3 =	vld [tilespmem:$0xD00]  }
0x235: {  	v4 =	vld [tilespmem:$0xB10]  }
0x236: {  	v5 =	vld [tilespmem:$0xD10]  }
0x237: {  	v6 =	vld [tilespmem:$0xB20]  }
0x238: {  	v7 =	vld [tilespmem:$0xD20]  }
0x239: {  	v8 =	vld [tilespmem:$0xB30]  }
0x23a: {  	v9 =	vld [tilespmem:$0xD30]  }
0x23b: {  	v2 =	vadd.f32 v3, v2  }
0x23c: {  	v3 =	vadd.f32 v5, v4  }
0x23d: {  	v5 =	vld [tilespmem:$0xB40];
	v4 =	vmul.f32 $2.000000030e-01, v2  }
0x23e: {  	v6 =	vadd.f32 v7, v6;
	v7 =	vld [tilespmem:$0xD40];
	vm0 =	vge.f32 v2, $0.0e+00;
	v10 =	vmul.f32 $2.000000030e-01, v3  }
0x23f: {  	vm10 =	vge.f32 v3, $0.0e+00;
	v2 =	vsel vm0, v2, v4;
	v4 =	vadd.f32 v9, v8;
	v8 =	vld [tilespmem:$0xB50]  }
0x240: {  	v3 =	vsel vm10, v3, v10;
	v9 =	vmul.f32 $2.000000030e-01, v6;
	v10 =	vld [tilespmem:$0xD50];
	v2 =	vsub.f32 v2, v1  }
0x241: {  	v12 =	vld [tilespmem:$0xB60];
	vm11 =	vge.f32 v6, $0.0e+00;
	v3 =	vsub.f32 v3, v1;
	v11 =	vmul.f32 $2.000000030e-01, v4  }
0x242: {  	v6 =	vsel vm11, v6, v9;
	vm12 =	vge.f32 v4, $0.0e+00;
	v9 =	vld [tilespmem:$0xD60];
	v2 =	vmul.f32 $1.442695020e+00, v2  }
0x243: {  	v5 =	vadd.f32 v7, v5;
	v3 =	vmul.f32 $1.442695020e+00, v3;
	v4 =	vsel vm12, v4, v11  }
0x244: {  	(erf) = vpow2.f32 v2;
	v2 =	vsub.f32 v6, v1;
	v4 =	vsub.f32 v4, v1  }
0x245: {  	v6 =	vadd.f32 v10, v8;
	(erf) = vpow2.f32 v3;
	v3 =	vmul.f32 $2.000000030e-01, v5  }
0x246: {  	vm13 =	vge.f32 v5, $0.0e+00;
	v2 =	vmul.f32 $1.442695020e+00, v2;
	v4 =	vmul.f32 $1.442695020e+00, v4  }
0x247: {  	v7 =	vadd.f32 v9, v12;
	v3 =	vsel vm13, v5, v3;
	v5 =	vmul.f32 $2.000000030e-01, v6  }
0x248: {  	vm14 =	vge.f32 v6, $0.0e+00;
	(erf) = vpow2.f32 v2;
	v2 =	vsub.f32 v3, v1  }
0x249: {  	(erf) = vpow2.f32 v4;
	v3 =	vsel vm14, v6, v5;
	v4 =	vmul.f32 $2.000000030e-01, v7  }
0x24a: {  	vm15 =	vge.f32 v7, $0.0e+00;
	v2 =	vmul.f32 $1.442695020e+00, v2;
	v3 =	vsub.f32 v3, v1  }
0x24b: {  	v4 =	vsel vm15, v7, v4  }
0x24c: {  	s3 =	rddreg [dreg:$0xf];
	(erf) = vpow2.f32 v2;
	v2 =	vmul.f32 $1.442695020e+00, v3;
	v3 =	vsub.f32 v4, v1  }
0x24d: {  	s1 =	sadd.s32 s11, s3  }
0x24e: {  	p0 =	slt.u32 s1, $0x50910;
	v5 =	vld [tilespmem:$0x500];
	v4 =	vpop (erf);
	(erf) = vpow2.f32 v2;
	v2 =	vmul.f32 $1.442695020e+00, v3  }
0x24f: {  	s12 =	sadd.s32 $0x10, s1;
	v4 =	vpsel !p0, $0x0, v4  }
0x250: {  	p1 =	slt.u32 s12, $0x50910;
	[tilespmem:$0xF00] =	vst v4;
	v3 =	vpop (erf);
	v4 =	vld [tilespmem:$0x520]  }
0x251: {  	s20 =	sadd.s32 $0x20, s1;
	v3 =	vpsel !p1, $0x0, v3  }
0x252: {  	p2 =	slt.u32 s20, $0x50910;
	(erf) = vpow2.f32 v2;
	v2 =	vpop (erf);
	[tilespmem:$0xF10] =	vst v3;
	v3 =	vld [tilespmem:$0x530]  }
0x253: {  	s11 =	sadd.s32 $0x30, s1;
	[tilespmem:$0x900] =	vst v5;
	v2 =	vpsel !p2, $0x0, v2  }
0x254: {  	p3 =	slt.u32 s11, $0x50910;
	v5 =	vpop (erf);
	[tilespmem:$0xF20] =	vst v2;
	v2 =	vld [tilespmem:$0x540]  }
0x255: {  	s12 =	sadd.s32 $0x40, s1;
	v6 =	vld [tilespmem:$0x510];
	[tilespmem:$0x920] =	vst v4;
	v4 =	vpsel !p3, $0x0, v5  }
0x256: {  	p4 =	slt.u32 s12, $0x50910;
	v5 =	vpop (erf);
	[tilespmem:$0xF30] =	vst v4  }
0x257: {  	s20 =	sadd.s32 $0x50, s1;
	v4 =	vld [tilespmem:$0x550];
	[tilespmem:$0x930] =	vst v3;
	v3 =	vpsel !p4, $0x0, v5  }
0x258: {  	p5 =	slt.u32 s20, $0x50910;
	v5 =	vpop (erf);
	[tilespmem:$0xF40] =	vst v3;
	v3 =	vld [tilespmem:$0x560]  }
0x259: {  	[tilespmem:$0x940] =	vst v2;
	v2 =	vpsel !p5, $0x0, v5  }
0x25a: {  	[tilespmem:$0x910] =	vst v6  }
0x25b: {  	s1 =	sadd.s32 $0x60, s1;
	[tilespmem:$0xF50] =	vst v2  }
0x25c: {  	p6 =	slt.u32 s1, $0x50910;
	[tilespmem:$0x950] =	vst v4;
	v2 =	vpop (erf)  }
0x25d: {  	v2 =	vpsel !p6, $0x0, v2;
	[tilespmem:$0x960] =	vst v3  }
0x25e: {  	[tilespmem:$0xF60] =	vst v2  }
0x25f: {  	_ =	swait.ge [sflag:s19], $0x3800  }
0x260: {  	v2 =	vmov s15;
	[sflag:s19] =	ssyncset.done $0x0  }
0x261: {  	v2 =	vand.u32 $0xFFFFFFFC, v2;
	[sflag:s19] =	ssyncadd.s32 $0xFFFFC800  }
0x262: {  	v2 =	vbroadcast v2, $0x0;
	s11 =	rddreg [dreg:$0x1]  }
0x263: {  	[tilespmem:s17], [sflag:$0x2] =	stream.indirect.gather [hbm4b:s11+s23], $0x80, s18, s23, $0xb8;
	[tilespmem:$0x1F580] =	vst v63  }
0x264: {  	_ =	swait.ge [sflag:s31], $0x3800  }
0x265: {  	[sflag:s31] =	ssyncset.done $0x0  }
0x266: {  	s11 =	simm.s32 $0x81F0;
	[sflag:s31] =	ssyncadd.s32 $0xFFFFC800  }
0x267: {  	v3 =	vld [tilespmem:s11+$0xFFFFFE80]  }
0x268: {  	v2 =	vld.idx.msk [tilespmem:v2+s0+$0x0], $0xffff  }
0x269: {  	v4 =	vld [tilespmem:s11+$0xFFFFFE10]  }
0x26a: {  	v5 =	vld [tilespmem:s11+$0xFFFFFE30]  }
0x26b: {  	v6 =	vld [tilespmem:s11+$0xFFFFFE60]  }
0x26c: {  	v7 =	vld [tilespmem:s11+$0xFFFFFE50]  }
0x26d: {  	v8 =	vld [tilespmem:s11+$0xFFFFFE70];
	v3 =	vmul.f32 v3, v2  }
0x26e: {  	s12 =	simm.s32 $0x1;
	v9 =	vld [tilespmem:s11+$0xFFFFFE40];
	v4 =	vmul.f32 v4, v2  }
0x26f: {  	v10 =	vld [tilespmem:s11+$0xFFFFFE20];
	v5 =	vmul.f32 v5, v2;
	[tilespmem:s11+$0xFFFFFE80] =	vst v3;
	v3 =	vmov s12  }
0x270: {  	v6 =	vmul.f32 v6, v2;
	[tilespmem:s11+$0xFFFFFE10] =	vst v4;
	v3 =	vand.u32 $0xFFFFFFFD, v3  }
0x271: {  	v4 =	vmul.f32 v7, v2;
	[tilespmem:s11+$0xFFFFFE30] =	vst v5;
	v3 =	vbroadcast v3, $0x0  }
0x272: {  	v5 =	vmul.f32 v8, v2;
	[tilespmem:s11+$0xFFFFFE60] =	vst v6  }
0x273: {  	v6 =	vmul.f32 v9, v2;
	[tilespmem:s11+$0xFFFFFE50] =	vst v4  }
0x274: {  	v2 =	vmul.f32 v10, v2;
	[tilespmem:s11+$0xFFFFFE70] =	vst v5  }
0x275: {  	[tilespmem:s11+$0xFFFFFE40] =	vst v6  }
0x276: {  	[tilespmem:s11+$0xFFFFFE20] =	vst v2;
	v2 =	vld [tilespmem:s11+$0xFFFFFEA0]  }
0x277: {  	v4 =	vld.idx.msk [tilespmem:v3+s0+$0x0], $0xffff  }
0x278: {  	v3 =	vld [tilespmem:s11+$0xFFFFFEB0]  }
0x279: {  	v5 =	vld [tilespmem:s11+$0xFFFFFE90]  }
0x27a: {  	v6 =	vld [tilespmem:s11+$0xFFFFFEC0]  }
0x27b: {  	v7 =	vld [tilespmem:s11+$0xFFFFFED0]  }
0x27c: {  	v8 =	vld [tilespmem:s11+$0xFFFFFEE0];
	v2 =	vmul.f32 v2, v4  }
0x27d: {  	s17 =	simm.s32 $0x2;
	v9 =	vld [tilespmem:s11+$0xFFFFFF00];
	v3 =	vmul.f32 v3, v4  }
0x27e: {  	v10 =	vld [tilespmem:s11+$0xFFFFFEF0];
	v5 =	vmul.f32 v5, v4;
	[tilespmem:s11+$0xFFFFFEA0] =	vst v2;
	v2 =	vmov s17  }
0x27f: {  	v6 =	vmul.f32 v6, v4;
	[tilespmem:s11+$0xFFFFFEB0] =	vst v3;
	v2 =	vand.u32 $0xFFFFFFFE, v2  }
0x280: {  	v3 =	vmul.f32 v7, v4;
	[tilespmem:s11+$0xFFFFFE90] =	vst v5;
	v7 =	vld [tilespmem:s11+$0xFFFFFF70];
	v11 =	vbroadcast v2, $0x0  }
0x281: {  	v5 =	vmul.f32 v8, v4;
	[tilespmem:s11+$0xFFFFFEC0] =	vst v6;
	v8 =	vld [tilespmem:s11+$0xFFFFFF10]  }
0x282: {  	v6 =	vmul.f32 v9, v4;
	v2 =	vld [tilespmem:s11+$0xFFFFFF30];
	[tilespmem:s11+$0xFFFFFED0] =	vst v3  }
0x283: {  	v4 =	vmul.f32 v10, v4;
	v3 =	vld [tilespmem:s11+$0xFFFFFF40];
	[tilespmem:s11+$0xFFFFFEE0] =	vst v5  }
0x284: {  	[tilespmem:s11+$0xFFFFFF00] =	vst v6;
	v5 =	vld [tilespmem:s11+$0xFFFFFF50]  }
0x285: {  	[tilespmem:s11+$0xFFFFFEF0] =	vst v4;
	v6 =	vld [tilespmem:s11+$0xFFFFFF20]  }
0x286: {  	s20 =	simm.s32 $0x4800;
	s12 =	simm.s32 $0x81F0;
	s17 =	simm.s32 $0x4;
	v4 =	vld.idx.msk [tilespmem:v11+s0+$0x0], $0xffff  }
.LBB2_9:
0x287: {  	p0 =	slt.u32 s17, $0x6C  }
0x288: {  	v9 =	vld [tilespmem:s11+$0xFFFFFF60];
	s12 =	sadd.s32 $0x200, s12;
	s1 =	smov.u32 s17;
	s17 =	sadd.s32 $0x4, s17  }
0x289: {  	v10 =	vld [tilespmem:s11+$0xFFFFFF80];
	_ =	sdelay $0x1  }
0x28a: {  	v7 =	vmul.f32 v7, v4;
	v8 =	vmul.f32 v8, v4  }
0x28b: {  	v5 =	vmul.f32 v5, v4;
	v6 =	vmul.f32 v6, v4  }
0x28c: {  	v2 =	vmul.f32 v2, v4;
	v3 =	vmul.f32 v3, v4;
	[tilespmem:s11+$0xFFFFFF70] =	vst v7  }
0x28d: {  	[tilespmem:s11+$0xFFFFFF50] =	vst v5;
	v5 =	vmul.f32 v9, v4;
	v4 =	vmul.f32 v10, v4  }
0x28e: {  	s3 =	sadd.s32 $0x3, s15;
	s15 =	smov.u32 s1;
	[tilespmem:s11+$0xFFFFFF30] =	vst v2;
	v7 =	vld [tilespmem:s11+$0xFFFFFFF0]  }
0x28f: {  	v2 =	vld [tilespmem:s12+$0xFFFFFF30];
	[tilespmem:s11+$0xFFFFFF10] =	vst v8;
	v8 =	vmov s3  }
0x290: {  	[tilespmem:s11+$0xFFFFFF60] =	vst v5;
	v5 =	vld [tilespmem:s11+$0xFFFFFF90]  }
0x291: {  	[tilespmem:s11+$0xFFFFFF40] =	vst v3;
	v9 =	vld [tilespmem:s11+$0xFFFFFFD0]  }
0x292: {  	v3 =	vld [tilespmem:s12+$0xFFFFFF40];
	[tilespmem:s11+$0xFFFFFF20] =	vst v6  }
0x293: {  	[tilespmem:s11+$0xFFFFFF80] =	vst v4;
	v4 =	vld [tilespmem:s11+$0xFFFFFFB0]  }
0x294: {  	v6 =	vld.idx.msk [tilespmem:v8+s0+$0x0], $0xffff  }
0x295: {  	v8 =	vld [tilespmem:s11+$0xFFFFFFA0]  }
0x296: {  	v10 =	vld [tilespmem:s11+$0xFFFFFFC0]  }
0x297: {  	v11 =	vld [tilespmem:s11+$0xFFFFFFE0]  }
0x298: {  	v12 =	vld [tilespmem:s11+$0x0];
	_ =	sdelay $0x1  }
0x299: {  	v5 =	vmul.f32 v5, v6;
	v8 =	vmul.f32 v8, v6  }
0x29a: {  	v4 =	vmul.f32 v4, v6;
	v10 =	vmul.f32 v10, v6  }
0x29b: {  	v13 =	vmov s15;
	[tilespmem:s11+$0xFFFFFF90] =	vst v5;
	v5 =	vmul.f32 v9, v6;
	v9 =	vmul.f32 v11, v6  }
0x29c: {  	v11 =	vand.u32 $0xFFFFFFFC, v13;
	[tilespmem:s11+$0xFFFFFFB0] =	vst v4;
	v4 =	vmul.f32 v7, v6;
	v6 =	vmul.f32 v12, v6  }
0x29d: {  	v7 =	vbroadcast v11, $0x0;
	[tilespmem:s11+$0xFFFFFFD0] =	vst v5  }
0x29e: {  	[tilespmem:s11+$0x0] =	vst v6  }
0x29f: {  	v5 =	vld [tilespmem:s12+$0xFFFFFE50];
	[tilespmem:s11+$0xFFFFFFF0] =	vst v4  }
0x2a0: {  	v4 =	vld [tilespmem:s12+$0xFFFFFE60];
	[tilespmem:s11+$0xFFFFFFA0] =	vst v8  }
0x2a1: {  	v6 =	vld [tilespmem:s12+$0xFFFFFE70];
	[tilespmem:s11+$0xFFFFFFC0] =	vst v10  }
0x2a2: {  	v8 =	vld [tilespmem:s12+$0xFFFFFE80];
	[tilespmem:s11+$0xFFFFFFE0] =	vst v9;
	s11 =	smov.u32 s12  }
0x2a3: {  	v7 =	vld.idx.msk [tilespmem:v7+s0+$0x0], $0xffff  }
0x2a4: {  	v9 =	vld [tilespmem:s12+$0xFFFFFE10]  }
0x2a5: {  	v10 =	vld [tilespmem:s12+$0xFFFFFE30]  }
0x2a6: {  	v11 =	vld [tilespmem:s12+$0xFFFFFE20]  }
0x2a7: {  	v12 =	vld [tilespmem:s12+$0xFFFFFE40];
	_ =	sdelay $0x1  }
0x2a8: {  	v8 =	vmul.f32 v8, v7;
	v9 =	vmul.f32 v9, v7  }
0x2a9: {  	s1 =	sadd.s32 $0x1, s15;
	v6 =	vmul.f32 v6, v7;
	v10 =	vmul.f32 v10, v7  }
0x2aa: {  	v4 =	vmul.f32 v4, v7;
	v11 =	vmul.f32 v11, v7;
	[tilespmem:s12+$0xFFFFFE80] =	vst v8;
	v8 =	vmov s1  }
0x2ab: {  	v5 =	vmul.f32 v5, v7;
	[tilespmem:s12+$0xFFFFFE10] =	vst v9;
	v9 =	vmul.f32 v12, v7;
	v7 =	vand.u32 $0xFFFFFFFD, v8  }
0x2ac: {  	[tilespmem:s12+$0xFFFFFE30] =	vst v10;
	v7 =	vbroadcast v7, $0x0  }
0x2ad: {  	[tilespmem:s12+$0xFFFFFE60] =	vst v4  }
0x2ae: {  	[tilespmem:s12+$0xFFFFFE50] =	vst v5;
	v4 =	vld [tilespmem:s12+$0xFFFFFF00]  }
0x2af: {  	[tilespmem:s12+$0xFFFFFE70] =	vst v6;
	v5 =	vld [tilespmem:s12+$0xFFFFFED0]  }
0x2b0: {  	[tilespmem:s12+$0xFFFFFE40] =	vst v9;
	v6 =	vld [tilespmem:s12+$0xFFFFFEE0]  }
0x2b1: {  	[tilespmem:s12+$0xFFFFFE20] =	vst v11;
	v8 =	vld [tilespmem:s12+$0xFFFFFEA0]  }
0x2b2: {  	v7 =	vld.idx.msk [tilespmem:v7+s0+$0x0], $0xffff  }
0x2b3: {  	v9 =	vld [tilespmem:s12+$0xFFFFFE90]  }
0x2b4: {  	v10 =	vld [tilespmem:s12+$0xFFFFFEB0]  }
0x2b5: {  	v11 =	vld [tilespmem:s12+$0xFFFFFEC0]  }
0x2b6: {  	v12 =	vld [tilespmem:s12+$0xFFFFFEF0];
	_ =	sdelay $0x1  }
0x2b7: {  	v8 =	vmul.f32 v8, v7;
	v9 =	vmul.f32 v9, v7  }
0x2b8: {  	s1 =	sadd.s32 $0x2, s15;
	v6 =	vmul.f32 v6, v7;
	v10 =	vmul.f32 v10, v7  }
0x2b9: {  	v5 =	vmul.f32 v5, v7;
	[tilespmem:s12+$0xFFFFFEA0] =	vst v8;
	v8 =	vmul.f32 v11, v7;
	v11 =	vmov s1  }
0x2ba: {  	v4 =	vmul.f32 v4, v7;
	[tilespmem:s12+$0xFFFFFEB0] =	vst v10;
	v10 =	vmul.f32 v12, v7;
	v7 =	vand.u32 $0xFFFFFFFE, v11  }
0x2bb: {  	[tilespmem:s12+$0xFFFFFE90] =	vst v9;
	v9 =	vbroadcast v7, $0x0  }
0x2bc: {  	[tilespmem:s12+$0xFFFFFEC0] =	vst v8  }
0x2bd: {  	[tilespmem:s12+$0xFFFFFED0] =	vst v5  }
0x2be: {  	[tilespmem:s12+$0xFFFFFEE0] =	vst v6  }
.Ltmp3:
0x2bf: {  	[tilespmem:s12+$0xFFFFFF00] =	vst v4;
	v5 =	vld [tilespmem:s12+$0xFFFFFF50];
	(pc) =	sbr.rel @p0 .LBB2_9-.Ltmp3, $4  }
0x2c0: {  	[tilespmem:s12+$0xFFFFFEF0] =	vst v10;
	v7 =	vld [tilespmem:s12+$0xFFFFFF70]  }
0x2c1: {  	v4 =	vld.idx.msk [tilespmem:v9+s0+$0x0], $0xffff  }
0x2c2: {  	v8 =	vld [tilespmem:s12+$0xFFFFFF10]  }
0x2c3: {  	v6 =	vld [tilespmem:s12+$0xFFFFFF20]  }
0x2c4: {  	_ =	sdelay $0x1  }
0x2c5: {  	v7 =	vmul.f32 v7, v4  }
0x2c6: {  	v9 =	vld [tilespmem:s11+$0xFFFFFF60];
	v5 =	vmul.f32 v5, v4  }
0x2c7: {  	v10 =	vld [tilespmem:s11+$0xFFFFFF80];
	v2 =	vmul.f32 v2, v4;
	[tilespmem:s11+$0xFFFFFF70] =	vst v7  }
0x2c8: {  	v51 =	vmul.f32 v8, v4;
	[tilespmem:s11+$0xFFFFFF50] =	vst v5  }
0x2c9: {  	s1 =	sadd.s32 $0x3, s15;
	[tilespmem:s11+$0xFFFFFF30] =	vst v2;
	v2 =	vmul.f32 v3, v4  }
0x2ca: {  	v3 =	vmov s1;
	v6 =	vmul.f32 v6, v4;
	[tilespmem:s11+$0xFFFFFF10] =	vst v51  }
0x2cb: {  	v52 =	vmul.f32 v9, v4;
	[tilespmem:s11+$0xFFFFFF40] =	vst v2  }
0x2cc: {  	v53 =	vmul.f32 v10, v4;
	[tilespmem:s11+$0xFFFFFF20] =	vst v6  }
0x2cd: {  	[tilespmem:s11+$0xFFFFFF60] =	vst v52  }
0x2ce: {  	v2 =	vld [tilespmem:s11+$0xFFFFFF90];
	[tilespmem:s11+$0xFFFFFF80] =	vst v53  }
0x2cf: {  	v3 =	vld.idx.msk [tilespmem:v3+s0+$0x0], $0xffff  }
0x2d0: {  	v54 =	vld [tilespmem:s11+$0xFFFFFFB0]  }
0x2d1: {  	v56 =	vld [tilespmem:s11+$0x0]  }
0x2d2: {  	v57 =	vld [tilespmem:s11+$0xFFFFFFF0]  }
0x2d3: {  	v55 =	vld [tilespmem:s11+$0xFFFFFFD0]  }
0x2d4: {  	v59 =	vld [tilespmem:s11+$0xFFFFFFC0];
	v2 =	vmul.f32 v2, v3  }
0x2d5: {  	v58 =	vld [tilespmem:s11+$0xFFFFFFA0];
	v4 =	vmul.f32 v54, v3  }
0x2d6: {  	v60 =	vld [tilespmem:s11+$0xFFFFFFE0];
	v61 =	vmul.f32 v56, v3;
	[tilespmem:s11+$0xFFFFFF90] =	vst v2  }
0x2d7: {  	v62 =	vmul.f32 v57, v3;
	[tilespmem:s11+$0xFFFFFFB0] =	vst v4  }
0x2d8: {  	v2 =	vmul.f32 v55, v3;
	[tilespmem:s11+$0x0] =	vst v61  }
0x2d9: {  	s15 =	smin.u32 s25, $0x57;
	v63 =	vmul.f32 v59, v3;
	[tilespmem:s11+$0xFFFFFFF0] =	vst v62  }
0x2da: {  	s1 =	smul.u32 $0x70, s15;
	[tilespmem:s11+$0xFFFFFFD0] =	vst v2;
	v2 =	vmul.f32 v58, v3  }
0x2db: {  	s12 =	rddreg [dreg:$0x1c];
	[tilespmem:s11+$0xFFFFFFC0] =	vst v63;
	v3 =	vmul.f32 v60, v3  }
0x2dc: {  	s3 =	rddreg [dreg:$0x2];
	s1 =	sadd.s32 s1, s12;
	[tilespmem:s11+$0xFFFFFFA0] =	vst v2  }
0x2dd: {  	s25 =	simm.s32 $0x8000;
	s17 =	simm.s32 $0x900;
	s1 =	sshrl.u32 s1, $0x3;
	[tilespmem:s11+$0xFFFFFFE0] =	vst v3  }
0x2de: {  	[spmem:s3] =	stream.indirect.scatter.add.f32 [tilespmem:s25], [sflag:$0x6], $0x80, s17, s23, $0xb8;
	[tilespmem:$0x1F580] =	vst v63  }
0x2df: {  	s12 =	simm.s32 $0x500;
	s15 =	sadd.s32 s6, s1;
	s17 =	simm.s32 $0x0  }
0x2e0: {  	[tilespmem:s12], [sflag:$0x9] =	stream.linear.gather [hbm4b:s15+s17], $0x70, $0x38;
	[tilespmem:$0x1F580] =	vst v63  }
0x2e1: {  	s1 =	sadd.s32 s2, s1  }
0x2e2: {  	[tilespmem:s21], [sflag:$0x9] =	stream.linear.gather [hbm4b:s1+s17], $0x70, $0x38;
	[tilespmem:$0x1F580] =	vst v63  }
0x2e3: {  	_ =	swait.ge [sflag:s30], $0x70  }
0x2e4: {  	[sflag:s30] =	ssyncset.done $0x0  }
0x2e5: {  	s5 =	sadd.s32 $0x1, s5;
	[sflag:s30] =	ssyncadd.s32 $0xFFFFFF90  }
0x2e6: {  	p0 =	sne.s32 s5, $0x1F;
	_ =	swait.ge [sflag:s30], $0x70  }
.Ltmp4:
0x2e7: {  	[sflag:s30] =	ssyncset.done $0x0;
	(pc) =	sbr.rel @p0 .LBB2_4-.Ltmp4, $4  }
0x2e8: {  	s11 =	simm.s32 $0xB00;
	[sflag:s30] =	ssyncadd.s32 $0xFFFFFF90  }
0x2e9: {  	[tilespmem:s11], [sflag:$0xC] =	stream.indirect.gather [hbm4b:s7+s23], $0x1, s12, s23, $0xb8;
	[tilespmem:$0x1F580] =	vst v63  }
0x2ea: {  	s15 =	simm.s32 $0x0;
	s17 =	simm.s32 $0xD00  }
0x2eb: {  	[tilespmem:s17], [sflag:$0xC] =	stream.indirect.gather [hbm4b:s8+s23], $0x1, s21, s23, $0xb8;
	[tilespmem:$0x1F580] =	vst v63  }
0x2ec: {  	_ =	swait.ge [sflag:s24], $0x70  }
0x2ed: {  	[sflag:s24] =	ssyncset.done $0x0  }
0x2ee: {  	[sflag:s24] =	ssyncadd.s32 $0xFFFFFF90  }
0x2ef: {  	_ =	swait.ge [sflag:s24], $0x70  }
0x2f0: {  	[sflag:s24] =	ssyncset.done $0x0  }
0x2f1: {  	[sflag:s24] =	ssyncadd.s32 $0xFFFFFF90  }
0x2f2: {  	_ =	swait.ge [sflag:s10], $0x70  }
0x2f3: {  	[sflag:s10] =	ssyncset.done $0x0  }
0x2f4: {  	[sflag:s10] =	ssyncadd.s32 $0xFFFFFF90  }
0x2f5: {  	_ =	swait.ge [sflag:s10], $0x70  }
0x2f6: {  	[sflag:s10] =	ssyncset.done $0x0  }
0x2f7: {  	[sflag:s10] =	ssyncadd.s32 $0xFFFFFF90  }
0x2f8: {  	_ =	swait.ge [sflag:s14], $0x70  }
0x2f9: {  	[sflag:s14] =	ssyncset.done $0x0  }
0x2fa: {  	[sflag:s14] =	ssyncadd.s32 $0xFFFFFF90  }
0x2fb: {  	_ =	swait.ge [sflag:s14], $0x70  }
0x2fc: {  	[sflag:s14] =	ssyncset.done $0x0  }
0x2fd: {  	[sflag:s14] =	ssyncadd.s32 $0xFFFFFF90  }
0x2fe: {  	_ =	swait.ge [sflag:s28], $0x3800  }
0x2ff: {  	[sflag:s28] =	ssyncset.done $0x0  }
0x300: {  	[sflag:s28] =	ssyncadd.s32 $0xFFFFC800  }
0x301: {  	_ =	swait.ge [sflag:s4], $0x3800  }
0x302: {  	[sflag:s4] =	ssyncset.done $0x0  }
0x303: {  	s1 =	simm.s32 $0x6;
	[sflag:s4] =	ssyncadd.s32 $0xFFFFC800  }
0x304: {  	_ =	swait.ge [sflag:s1], $0x3800  }
0x305: {  	[sflag:s1] =	ssyncset.done $0x0  }
0x306: {  	[sflag:s1] =	ssyncadd.s32 $0xFFFFC800  }
0x307: {  	s3 =	stileid.u32;
	[bflag:$0x0] =	sbarrier.arrive $0xFFFF  }
0x308: {  	s1 =	sshll.u32 s3, $0x6;
	s3 =	rddreg [dreg:$0x10]  }
0x309: {  	s17 =	simm.s32 $0xD;
	s1 =	sor.u32 $0x1C0D, s1;
	s5 =	rddreg [dreg:$0x15]  }
0x30a: {  	[hbm:s3], [sflag:s1] =	dma.local [spmem:s5], $0x2780  }
0x30b: {  	s11 =	simm.s32 $0x20;
	_ =	swait.ge [sflag:s17], $0x2780  }
0x30c: {  	s12 =	simm.s32 $0x10;
	[sflag:s17] =	ssyncset.done $0x0;
	s5 =	rddreg [dreg:$0x9]  }
0x30d: {  	[sflag:s17] =	ssyncadd.s32 $0xFFFFD880;
	s3 =	sshrl.u32 s5, $0x3;
	s5 =	rddreg [dreg:$0x11]  }
0x30e: {  	[hbm:s5@s11], [sflag:s1] =	dma.strided [spmem:s3@s12], $0x50, s28, $0x10   }
0x30f: {  	_ =	swait.ge [sflag:s17], $0x50  }
0x310: {  	s11 =	rddreg [dreg:$0x1d]  }
0x311: {  	s12 =	rddreg [dreg:$0x14];
	s3 =	sadd.s32 $0x1, s11  }
0x312: {  	p0 =	sne.s32 s3, s12  }
.Ltmp5:
0x313: {  	_ = 	snop;
	(pc) =	sbr.rel @p0 .LBB2_1-.Ltmp5, $3  }
0x314: {  	_ =	sdelay $0x1  }
0x315: {  	[sflag:s17] =	ssyncset.done $0x0  }
0x316: {  	[sflag:s17] =	ssyncadd.s32 $0xFFFFFFB0  }
0x317: {  	_ =	sfence.sel $0x180000  }
0x318: {  	[bflag:$0x0] =	sbarrier.arrive $0xFFFF  }
0x319: {  	_ =	strace $0x90000047  }
0x31a: {  	s0 =	stileid.u32;
	[bflag:$0x2] =	sbarrier.arrive $0xFFFF  }
0x31b: {  	p0 =	sne.s32 s0, $0x0;
	s0 =	rddreg [dreg:$0x4]  }
0x31c: {  	s0 =	sadd.s32 @!p0 $0x100000, s0  }
0x31d: {  	[sflag:s0] =	ssyncadd.tile.s32 @!p0 $0x1;
	_ =	shalt  }
.Lfunc_end2:
_tile_overlayer_lowered:
.L_overlay_start_2:
0x31e: {  	(tag) =	ssettag $0x2  }
0x31f: {  	s0 =	rddreg [dreg:$0x0];
	s2 =	stileid.u32  }
0x320: {  	s1 =	rddreg [dreg:$0x1];
	p0 =	sne.s32 s2, $0x0  }
0x321: {  	s3 =	rddreg [dreg:$0x2];
	[bflag:$0x3] =	sbarrier.arrive $0xFFFF;
	s2 =	simm.s32 @!p0 $0x1C0D  }
0x322: {  	[timem:s3], [sflag:s2] =	dma.local @!p0 [hbm:s0], s1  }
0x323: {  	s0 =	simm.s32 @!p0 $0xD  }
0x324: {  	_ =	swait.ge @!p0 [sflag:s0], s1  }
0x325: {  	s1 =	ssub.s32 @!p0 $0x0, s1;
	[sflag:s0] =	ssyncset.done @!p0 $0x0  }
0x326: {  	[sflag:s0] =	ssyncadd.s32 @!p0 s1  }
0x327: {  	[bflag:$0x3] =	sbarrier.arrive $0xFFFF  }
0x328: {  	_ =	shalt  }

</sc_bundles>
